<compile_context>
chip_gen: v7x
topology: tpu7x:2x2x1
jax: 0.10.2.dev20260603
libtpu: 0.0.44.dev20260713+nightly
codegen_flags: <defaults>
</compile_context>

<pallas_src>
import functools

import jax
import jax.numpy as jnp
from jax import lax
from jax.experimental import pallas as pl
from jax.experimental.pallas import tpu as pltpu
from jax.experimental.pallas import tpu_sc as plsc

_NC = 2
_NS = 16
_NW = _NC * _NS
_L = 16
_K = 128
_D = 128
_DW = _D // 2
_GP = _DW // _L
_CPP = 160
_F = 120
_S = _CPP - _F
_FAST_CORE = 0


def _sc_link_predict(zp, zc, src2d, tgt2d, w_flat, b_vec):
    n_chunks = src2d.shape[0]

    mesh = plsc.VectorSubcoreMesh(core_axis_name="c", subcore_axis_name="s")

    @functools.partial(
        pl.kernel,
        mesh=mesh,
        out_type=jax.ShapeDtypeStruct((n_chunks, _K), jnp.float32),
        compiler_params=pltpu.CompilerParams(needs_layout_passes=False,
                                             use_tc_tiling_on_sc=False),
        scratch_types=[
            pltpu.VMEM((_F, _K), jnp.int32),
            pltpu.VMEM((_F, _K), jnp.int32),
            pltpu.VMEM((_K, _DW), jnp.int32),
            pltpu.VMEM((_K, _DW), jnp.int32),
            pltpu.VMEM((_K, _DW), jnp.int32),
            pltpu.VMEM((_K, _DW), jnp.int32),
            pltpu.VMEM((_K, _DW), jnp.int32),
            pltpu.VMEM((_K, _DW), jnp.int32),
            pltpu.VMEM((_K, _DW), jnp.int32),
            pltpu.VMEM((_K, _DW), jnp.int32),
            pltpu.VMEM((_F, _K), jnp.float32),
            pltpu.VMEM((_D,), jnp.float32),
            pltpu.VMEM((_L,), jnp.float32),
            pltpu.SemaphoreType.DMA,
            pltpu.SemaphoreType.DMA,
            pltpu.SemaphoreType.DMA,
            pltpu.SemaphoreType.DMA,
        ],
    )
    def body(zp_r, zc_r, src_r, tgt_r, w_r, b_r, out_r,
             idx_s_sl, idx_t_sl, rs0, rs1, rs2, rs3, rt0, rt1, rt2, rt3,
             out_sl, w_v, b_v, sem0, sem1, sem2, sem3):
        cid = lax.axis_index("c")
        sid = lax.axis_index("s")
        on_fast = cid == _FAST_CORE
        my_n = jnp.where(on_fast, _F, _S)
        start = pl.multiple_of(sid * _CPP + jnp.where(on_fast, 0, _F), 8)

        pltpu.sync_copy(w_r, w_v)
        pltpu.sync_copy(b_r, b_v)
        bvec = b_v[...]
        lane = lax.iota(jnp.int32, _L)
        wev = [w_v[pl.ds(g * _L, _L)] for g in range(_GP)]
        wov = [w_v[pl.ds(_DW + g * _L, _L)] for g in range(_GP)]

        @pl.when(on_fast)
        def _():
            pltpu.sync_copy(src_r.at[pl.ds(start, _F)], idx_s_sl)
            pltpu.sync_copy(tgt_r.at[pl.ds(start, _F)], idx_t_sl)

        @pl.when(jnp.logical_not(on_fast))
        def _():
            pltpu.sync_copy(src_r.at[pl.ds(start, _S)],
                            idx_s_sl.at[pl.ds(0, _S)])
            pltpu.sync_copy(tgt_r.at[pl.ds(start, _S)],
                            idx_t_sl.at[pl.ds(0, _S)])

        bufs = ((rs0, rt0, sem0), (rs1, rt1, sem1),
                (rs2, rt2, sem2), (rs3, rt3, sem3))

        def issue(c, b):
            rs, rt, sem = bufs[b]
            pltpu.async_copy(zp_r.at[idx_s_sl.at[c]], rs, sem)
            pltpu.async_copy(zc_r.at[idx_t_sl.at[c]], rt, sem)

        def wait(c, b):
            rs, rt, sem = bufs[b]
            pltpu.make_async_copy(zp_r.at[idx_s_sl.at[c]], rs, sem).wait()
            pltpu.make_async_copy(zc_r.at[idx_t_sl.at[c]], rt, sem).wait()

        def compute(c, b):
            rs, rt, _ = bufs[b]

            def egroup_step(eg, ecarry):
                def sub(jj, tot):
                    for k in range(4):
                        j = jj * 4 + k
                        e = eg * _L + j
                        acc_e = None
                        acc_o = None
                        for g in range(_GP):
                            sl = pl.ds(g * _L, _L)
                            sb = plsc.bitcast(rs[e, sl], jnp.bfloat16)
                            tb = plsc.bitcast(rt[e, sl], jnp.bfloat16)
                            pe, po = plsc.unpack(
                                sb * tb, format=plsc.PackFormat.INTERLEAVED)
                            if acc_e is None:
                                acc_e = pe * wev[g]
                                acc_o = po * wov[g]
                            else:
                                acc_e = acc_e + pe * wev[g]
                                acc_o = acc_o + po * wov[g]
                        s = jnp.sum(acc_e + acc_o)
                        tot = jnp.where(lane == j, s, tot)
                    return tot

                tot = lax.fori_loop(0, _L // 4, sub,
                                    jnp.zeros((_L,), jnp.float32))
                x = tot + bvec
                out_sl[c, pl.ds(eg * _L, _L)] = 1.0 / (1.0 + jnp.exp(-x))
                return ecarry

            lax.fori_loop(0, _K // _L, egroup_step, 0)

        issue(0, 0)
        issue(1, 1)
        issue(2, 2)

        def outer(i, carry):
            for b in range(4):
                c = i * 4 + b

                @pl.when(c + 3 < my_n)
                def _():
                    issue(c + 3, (b + 3) % 4)

                wait(c, b)
                compute(c, b)
            return carry

        lax.fori_loop(0, my_n // 4, outer, 0)

        @pl.when(on_fast)
        def _():
            pltpu.sync_copy(out_sl, out_r.at[pl.ds(start, _F)])

        @pl.when(jnp.logical_not(on_fast))
        def _():
            pltpu.sync_copy(out_sl.at[pl.ds(0, _S)],
                            out_r.at[pl.ds(start, _S)])

    return body(zp, zc, src2d, tgt2d, w_flat, b_vec)


def _pack_table(z):
    z16 = z.astype(jnp.bfloat16)
    return lax.bitcast_convert_type(
        z16.reshape(z.shape[0], _DW, 2), jnp.int32)


def kernel(z_protein, z_class, edge_label_index, W, b):
    n_edges = edge_label_index.shape[1]
    n_pad = _NS * _CPP * _K
    src = edge_label_index[0].astype(jnp.int32)
    tgt = edge_label_index[1].astype(jnp.int32)
    pad = jnp.zeros((n_pad - n_edges,), jnp.int32)
    src2d = jnp.concatenate([src, pad]).reshape(n_pad // _K, _K)
    tgt2d = jnp.concatenate([tgt, pad]).reshape(n_pad // _K, _K)
    zp_packed = _pack_table(z_protein)
    zc_packed = _pack_table(z_class)
    w128 = W.reshape(_D).astype(jnp.float32)
    w_flat = jnp.concatenate([w128[0::2], w128[1::2]])
    b_vec = jnp.broadcast_to(b.reshape(()), (_L,)).astype(jnp.float32)
    out2d = _sc_link_predict(zp_packed, zc_packed, src2d, tgt2d, w_flat, b_vec)
    return out2d.reshape(n_pad)[:n_edges]

# --- scband reference (transcript-rebuilt; emitter-appended) ---
"""Pipeline reference for scband-link-predictor-45715631898885 (READ-ONLY COPY).

The authoritative reference and input builder live on the scoring server;
editing this copy changes nothing except your own understanding.
"""

import jax, jax.numpy as jnp
import numpy as np

N_NODES = 10000
D = 128
N_EDGES = 320000

def setup_inputs(seed: int = 0) -> dict:
    key = jax.random.key(seed)
    k1, k2, k3, k4, k5 = jax.random.split(key, 5)
    z_protein = jax.random.normal(k1, (N_NODES, D), dtype=jnp.float32)
    z_class = jax.random.normal(k2, (N_NODES, D), dtype=jnp.float32)
    edge_label_index = jax.random.randint(k3, (2, N_EDGES), 0, N_NODES, dtype=jnp.int64 if jax.config.jax_enable_x64 else jnp.int32)
    # Linear(in_channels=128, out=1) params, torch default init
    bound = 1.0 / np.sqrt(D)
    W = jax.random.uniform(k4, (1, D), minval=-bound, maxval=bound, dtype=jnp.float32)
    b = jax.random.uniform(k5, (1,), minval=-bound, maxval=bound, dtype=jnp.float32)
    return {"z_protein": z_protein, "z_class": z_class, "edge_label_index": edge_label_index, "W": W, "b": b}

def reference(z_protein, z_class, edge_label_index, W, b):
    src_emb = jnp.take(z_protein, edge_label_index[0], axis=0)
    tgt_emb = jnp.take(z_class, edge_label_index[1], axis=0)
    edge_features = src_emb * tgt_emb
    logits = edge_features @ W.T + b
    return jax.nn.sigmoid(logits).squeeze()

if __name__ == "__main__":
    import jax
    _d = setup_inputs()
    print(jax.jit(kernel)(*tuple(_d.values())))

</pallas_src>

<mosaic_0001>
#map = affine_map<(d0, d1) -> (0, 0)>
#map1 = affine_map<(d0, d1) -> (0)>
module attributes {stable_mosaic.version = 14 : i64} {
  func.func @body(%arg0: i32, %arg1: i32, %arg2: memref<10000x64xi32, #tpu.memory_space<hbm>>, %arg3: memref<10000x64xi32, #tpu.memory_space<hbm>>, %arg4: memref<2560x128xi32, #tpu.memory_space<hbm>>, %arg5: memref<2560x128xi32, #tpu.memory_space<hbm>>, %arg6: memref<128xf32, #tpu.memory_space<hbm>>, %arg7: memref<16xf32, #tpu.memory_space<hbm>>, %arg8: memref<2560x128xf32, #tpu.memory_space<hbm>>, %arg9: memref<120x128xi32, #tpu.memory_space<vmem>>, %arg10: memref<120x128xi32, #tpu.memory_space<vmem>>, %arg11: memref<128x64xi32, #tpu.memory_space<vmem>>, %arg12: memref<128x64xi32, #tpu.memory_space<vmem>>, %arg13: memref<128x64xi32, #tpu.memory_space<vmem>>, %arg14: memref<128x64xi32, #tpu.memory_space<vmem>>, %arg15: memref<128x64xi32, #tpu.memory_space<vmem>>, %arg16: memref<128x64xi32, #tpu.memory_space<vmem>>, %arg17: memref<128x64xi32, #tpu.memory_space<vmem>>, %arg18: memref<128x64xi32, #tpu.memory_space<vmem>>, %arg19: memref<120x128xf32, #tpu.memory_space<vmem>>, %arg20: memref<128xf32, #tpu.memory_space<vmem>>, %arg21: memref<16xf32, #tpu.memory_space<vmem>>, %arg22: memref<!tpu.dma_semaphore, #tpu.memory_space<semaphore_mem>>, %arg23: memref<!tpu.dma_semaphore, #tpu.memory_space<semaphore_mem>>, %arg24: memref<!tpu.dma_semaphore, #tpu.memory_space<semaphore_mem>>, %arg25: memref<!tpu.dma_semaphore, #tpu.memory_space<semaphore_mem>>) attributes {dimension_semantics = [#tpu.dimension_semantics<core_parallel>, #tpu.dimension_semantics<subcore_parallel>], iteration_bounds = array<i64: 2, 16>, scalar_prefetch = 0 : i64, scratch_operands = 17 : i64, tpu.core_type = #tpu.core_type<sc_vector_subcore>, window_params = [{transform_indices = #map}, {transform_indices = #map}, {transform_indices = #map}, {transform_indices = #map}, {transform_indices = #map1}, {transform_indices = #map1}, {transform_indices = #map}]} {
    %eq3A = arith.constant 0 : i32
    %eq3A_0 = arith.cmpi eq, %arg0, %eq3A : i32
    %jit3A = arith.constant 120 : i32
    %jit3A_1 = arith.constant 40 : i32
    %select_n3A = arith.select %eq3A_0, %jit3A, %jit3A_1 : i32
    %mul3A = arith.constant 160 : i32
    %mul3A_2 = arith.muli %arg1, %mul3A : i32
    %jit3A_3 = arith.constant 0 : i32
    %jit3A_4 = arith.constant 120 : i32
    %select_n3A_5 = arith.select %eq3A_0, %jit3A_3, %jit3A_4 : i32
    %add3A = arith.addi %mul3A_2, %select_n3A_5 : i32
    %multiple_of3A = tpu.assume_multiple %add3A, 8 : i32
    "tpu.region"() ({
      %run_scoped3A = tpu.sem_alloc : memref<!tpu.dma_semaphore, #tpu.memory_space<semaphore_mem>>
      tpu.enqueue_dma source(%arg6 : memref<128xf32, #tpu.memory_space<hbm>>) target(%arg20 : memref<128xf32, #tpu.memory_space<vmem>>) target_semaphore(%run_scoped3A : memref<!tpu.dma_semaphore, #tpu.memory_space<semaphore_mem>>)
      tpu.wait_dma2 semaphore(%run_scoped3A : memref<!tpu.dma_semaphore, #tpu.memory_space<semaphore_mem>>) src(%arg6 : memref<128xf32, #tpu.memory_space<hbm>>) dst(%arg20 : memref<128xf32, #tpu.memory_space<vmem>>)
      tpu.yield
    }) : () -> ()
    "tpu.region"() ({
      %run_scoped3A = tpu.sem_alloc : memref<!tpu.dma_semaphore, #tpu.memory_space<semaphore_mem>>
      tpu.enqueue_dma source(%arg7 : memref<16xf32, #tpu.memory_space<hbm>>) target(%arg21 : memref<16xf32, #tpu.memory_space<vmem>>) target_semaphore(%run_scoped3A : memref<!tpu.dma_semaphore, #tpu.memory_space<semaphore_mem>>)
      tpu.wait_dma2 semaphore(%run_scoped3A : memref<!tpu.dma_semaphore, #tpu.memory_space<semaphore_mem>>) src(%arg7 : memref<16xf32, #tpu.memory_space<hbm>>) dst(%arg21 : memref<16xf32, #tpu.memory_space<vmem>>)
      tpu.yield
    }) : () -> ()
    %get3A = arith.constant 0 : index
    %get3A_6 = tpu.vector_load %arg21[%get3A] {strides = array<i32>} : memref<16xf32, #tpu.memory_space<vmem>>, vector<16xf32>,
    %iota3A = tpu.iota {dimensions = array<i32: 0>} : vector<16xi32>
    %get3A_7 = arith.constant 0 : index
    %get3A_8 = tpu.vector_load %arg20[%get3A_7] {strides = array<i32>} : memref<128xf32, #tpu.memory_space<vmem>>, vector<16xf32>,
    %get3A_9 = arith.constant 16 : index
    %get3A_10 = tpu.vector_load %arg20[%get3A_9] {strides = array<i32>} : memref<128xf32, #tpu.memory_space<vmem>>, vector<16xf32>,
    %get3A_11 = arith.constant 32 : index
    %get3A_12 = tpu.vector_load %arg20[%get3A_11] {strides = array<i32>} : memref<128xf32, #tpu.memory_space<vmem>>, vector<16xf32>,
    %get3A_13 = arith.constant 48 : index
    %get3A_14 = tpu.vector_load %arg20[%get3A_13] {strides = array<i32>} : memref<128xf32, #tpu.memory_space<vmem>>, vector<16xf32>,
    %get3A_15 = arith.constant 64 : index
    %get3A_16 = tpu.vector_load %arg20[%get3A_15] {strides = array<i32>} : memref<128xf32, #tpu.memory_space<vmem>>, vector<16xf32>,
    %get3A_17 = arith.constant 80 : index
    %get3A_18 = tpu.vector_load %arg20[%get3A_17] {strides = array<i32>} : memref<128xf32, #tpu.memory_space<vmem>>, vector<16xf32>,
    %get3A_19 = arith.constant 96 : index
    %get3A_20 = tpu.vector_load %arg20[%get3A_19] {strides = array<i32>} : memref<128xf32, #tpu.memory_space<vmem>>, vector<16xf32>,
    %get3A_21 = arith.constant 112 : index
    %get3A_22 = tpu.vector_load %arg20[%get3A_21] {strides = array<i32>} : memref<128xf32, #tpu.memory_space<vmem>>, vector<16xf32>,
    %convert_element_type3A = arith.extui %eq3A_0 : i1 to i32
    %cond3A = arith.constant 0 : i32
    %cond3A_23 = arith.cmpi ne, %convert_element_type3A, %cond3A : i32
    scf.if %cond3A_23 {
      "tpu.region"() ({
        %run_scoped3A = tpu.sem_alloc : memref<!tpu.dma_semaphore, #tpu.memory_space<semaphore_mem>>
        %dma_start3A_104 = arith.constant 0 : i32
        %dma_start3A_105 = tpu.memref_slice %arg4[%multiple_of3A, %dma_start3A_104] : memref<2560x128xi32, #tpu.memory_space<hbm>> -> memref<120x128xi32, #tpu.memory_space<hbm>>
        %dma_start3A_106 = arith.constant 0 : i32
        %dma_start3A_107 = tpu.memref_slice %arg4[%multiple_of3A, %dma_start3A_106] : memref<2560x128xi32, #tpu.memory_space<hbm>> -> memref<120x128xi32, #tpu.memory_space<hbm>>
        tpu.enqueue_dma source(%dma_start3A_107 : memref<120x128xi32, #tpu.memory_space<hbm>>) target(%arg9 : memref<120x128xi32, #tpu.memory_space<vmem>>) target_semaphore(%run_scoped3A : memref<!tpu.dma_semaphore, #tpu.memory_space<semaphore_mem>>)
        %dma_wait3A = arith.constant 0 : i32
        %dma_wait3A_108 = tpu.memref_slice %arg4[%multiple_of3A, %dma_wait3A] : memref<2560x128xi32, #tpu.memory_space<hbm>> -> memref<120x128xi32, #tpu.memory_space<hbm>>
        %dma_wait3A_109 = arith.constant 0 : i32
        %dma_wait3A_110 = tpu.memref_slice %arg4[%multiple_of3A, %dma_wait3A_109] : memref<2560x128xi32, #tpu.memory_space<hbm>> -> memref<120x128xi32, #tpu.memory_space<hbm>>
        tpu.wait_dma2 semaphore(%run_scoped3A : memref<!tpu.dma_semaphore, #tpu.memory_space<semaphore_mem>>) src(%dma_wait3A_110 : memref<120x128xi32, #tpu.memory_space<hbm>>) dst(%arg9 : memref<120x128xi32, #tpu.memory_space<vmem>>)
        tpu.yield
      }) : () -> ()
      "tpu.region"() ({
        %run_scoped3A = tpu.sem_alloc : memref<!tpu.dma_semaphore, #tpu.memory_space<semaphore_mem>>
        %dma_start3A_104 = arith.constant 0 : i32
        %dma_start3A_105 = tpu.memref_slice %arg5[%multiple_of3A, %dma_start3A_104] : memref<2560x128xi32, #tpu.memory_space<hbm>> -> memref<120x128xi32, #tpu.memory_space<hbm>>
        %dma_start3A_106 = arith.constant 0 : i32
        %dma_start3A_107 = tpu.memref_slice %arg5[%multiple_of3A, %dma_start3A_106] : memref<2560x128xi32, #tpu.memory_space<hbm>> -> memref<120x128xi32, #tpu.memory_space<hbm>>
        tpu.enqueue_dma source(%dma_start3A_107 : memref<120x128xi32, #tpu.memory_space<hbm>>) target(%arg10 : memref<120x128xi32, #tpu.memory_space<vmem>>) target_semaphore(%run_scoped3A : memref<!tpu.dma_semaphore, #tpu.memory_space<semaphore_mem>>)
        %dma_wait3A = arith.constant 0 : i32
        %dma_wait3A_108 = tpu.memref_slice %arg5[%multiple_of3A, %dma_wait3A] : memref<2560x128xi32, #tpu.memory_space<hbm>> -> memref<120x128xi32, #tpu.memory_space<hbm>>
        %dma_wait3A_109 = arith.constant 0 : i32
        %dma_wait3A_110 = tpu.memref_slice %arg5[%multiple_of3A, %dma_wait3A_109] : memref<2560x128xi32, #tpu.memory_space<hbm>> -> memref<120x128xi32, #tpu.memory_space<hbm>>
        tpu.wait_dma2 semaphore(%run_scoped3A : memref<!tpu.dma_semaphore, #tpu.memory_space<semaphore_mem>>) src(%dma_wait3A_110 : memref<120x128xi32, #tpu.memory_space<hbm>>) dst(%arg10 : memref<120x128xi32, #tpu.memory_space<vmem>>)
        tpu.yield
      }) : () -> ()
    } else {
    }
    %not3A = arith.constant true
    %not3A_24 = arith.xori %eq3A_0, %not3A : i1
    %convert_element_type3A_25 = arith.extui %not3A_24 : i1 to i32
    %cond3A_26 = arith.constant 0 : i32
    %cond3A_27 = arith.cmpi ne, %convert_element_type3A_25, %cond3A_26 : i32
    scf.if %cond3A_27 {
      "tpu.region"() ({
        %run_scoped3A = tpu.sem_alloc : memref<!tpu.dma_semaphore, #tpu.memory_space<semaphore_mem>>
        %dma_start3A_104 = arith.constant 0 : i32
        %dma_start3A_105 = arith.constant 0 : i32
        %dma_start3A_106 = tpu.memref_slice %arg9[%dma_start3A_104, %dma_start3A_105] : memref<120x128xi32, #tpu.memory_space<vmem>> -> memref<40x128xi32, #tpu.memory_space<vmem>>
        %dma_start3A_107 = arith.constant 0 : i32
        %dma_start3A_108 = tpu.memref_slice %arg4[%multiple_of3A, %dma_start3A_107] : memref<2560x128xi32, #tpu.memory_space<hbm>> -> memref<40x128xi32, #tpu.memory_space<hbm>>
        %dma_start3A_109 = arith.constant 0 : i32
        %dma_start3A_110 = arith.constant 0 : i32
        %dma_start3A_111 = tpu.memref_slice %arg9[%dma_start3A_109, %dma_start3A_110] : memref<120x128xi32, #tpu.memory_space<vmem>> -> memref<40x128xi32, #tpu.memory_space<vmem>>
        %dma_start3A_112 = arith.constant 0 : i32
        %dma_start3A_113 = tpu.memref_slice %arg4[%multiple_of3A, %dma_start3A_112] : memref<2560x128xi32, #tpu.memory_space<hbm>> -> memref<40x128xi32, #tpu.memory_space<hbm>>
        tpu.enqueue_dma source(%dma_start3A_113 : memref<40x128xi32, #tpu.memory_space<hbm>>) target(%dma_start3A_111 : memref<40x128xi32, #tpu.memory_space<vmem>>) target_semaphore(%run_scoped3A : memref<!tpu.dma_semaphore, #tpu.memory_space<semaphore_mem>>)
        %dma_wait3A = arith.constant 0 : i32
        %dma_wait3A_114 = arith.constant 0 : i32
        %dma_wait3A_115 = tpu.memref_slice %arg9[%dma_wait3A, %dma_wait3A_114] : memref<120x128xi32, #tpu.memory_space<vmem>> -> memref<40x128xi32, #tpu.memory_space<vmem>>
        %dma_wait3A_116 = arith.constant 0 : i32
        %dma_wait3A_117 = tpu.memref_slice %arg4[%multiple_of3A, %dma_wait3A_116] : memref<2560x128xi32, #tpu.memory_space<hbm>> -> memref<40x128xi32, #tpu.memory_space<hbm>>
        %dma_wait3A_118 = arith.constant 0 : i32
        %dma_wait3A_119 = arith.constant 0 : i32
        %dma_wait3A_120 = tpu.memref_slice %arg9[%dma_wait3A_118, %dma_wait3A_119] : memref<120x128xi32, #tpu.memory_space<vmem>> -> memref<40x128xi32, #tpu.memory_space<vmem>>
        %dma_wait3A_121 = arith.constant 0 : i32
        %dma_wait3A_122 = tpu.memref_slice %arg4[%multiple_of3A, %dma_wait3A_121] : memref<2560x128xi32, #tpu.memory_space<hbm>> -> memref<40x128xi32, #tpu.memory_space<hbm>>
        tpu.wait_dma2 semaphore(%run_scoped3A : memref<!tpu.dma_semaphore, #tpu.memory_space<semaphore_mem>>) src(%dma_wait3A_122 : memref<40x128xi32, #tpu.memory_space<hbm>>) dst(%dma_wait3A_120 : memref<40x128xi32, #tpu.memory_space<vmem>>)
        tpu.yield
      }) : () -> ()
      "tpu.region"() ({
        %run_scoped3A = tpu.sem_alloc : memref<!tpu.dma_semaphore, #tpu.memory_space<semaphore_mem>>
        %dma_start3A_104 = arith.constant 0 : i32
        %dma_start3A_105 = arith.constant 0 : i32
        %dma_start3A_106 = tpu.memref_slice %arg10[%dma_start3A_104, %dma_start3A_105] : memref<120x128xi32, #tpu.memory_space<vmem>> -> memref<40x128xi32, #tpu.memory_space<vmem>>
        %dma_start3A_107 = arith.constant 0 : i32
        %dma_start3A_108 = tpu.memref_slice %arg5[%multiple_of3A, %dma_start3A_107] : memref<2560x128xi32, #tpu.memory_space<hbm>> -> memref<40x128xi32, #tpu.memory_space<hbm>>
        %dma_start3A_109 = arith.constant 0 : i32
        %dma_start3A_110 = arith.constant 0 : i32
        %dma_start3A_111 = tpu.memref_slice %arg10[%dma_start3A_109, %dma_start3A_110] : memref<120x128xi32, #tpu.memory_space<vmem>> -> memref<40x128xi32, #tpu.memory_space<vmem>>
        %dma_start3A_112 = arith.constant 0 : i32
        %dma_start3A_113 = tpu.memref_slice %arg5[%multiple_of3A, %dma_start3A_112] : memref<2560x128xi32, #tpu.memory_space<hbm>> -> memref<40x128xi32, #tpu.memory_space<hbm>>
        tpu.enqueue_dma source(%dma_start3A_113 : memref<40x128xi32, #tpu.memory_space<hbm>>) target(%dma_start3A_111 : memref<40x128xi32, #tpu.memory_space<vmem>>) target_semaphore(%run_scoped3A : memref<!tpu.dma_semaphore, #tpu.memory_space<semaphore_mem>>)
        %dma_wait3A = arith.constant 0 : i32
        %dma_wait3A_114 = arith.constant 0 : i32
        %dma_wait3A_115 = tpu.memref_slice %arg10[%dma_wait3A, %dma_wait3A_114] : memref<120x128xi32, #tpu.memory_space<vmem>> -> memref<40x128xi32, #tpu.memory_space<vmem>>
        %dma_wait3A_116 = arith.constant 0 : i32
        %dma_wait3A_117 = tpu.memref_slice %arg5[%multiple_of3A, %dma_wait3A_116] : memref<2560x128xi32, #tpu.memory_space<hbm>> -> memref<40x128xi32, #tpu.memory_space<hbm>>
        %dma_wait3A_118 = arith.constant 0 : i32
        %dma_wait3A_119 = arith.constant 0 : i32
        %dma_wait3A_120 = tpu.memref_slice %arg10[%dma_wait3A_118, %dma_wait3A_119] : memref<120x128xi32, #tpu.memory_space<vmem>> -> memref<40x128xi32, #tpu.memory_space<vmem>>
        %dma_wait3A_121 = arith.constant 0 : i32
        %dma_wait3A_122 = tpu.memref_slice %arg5[%multiple_of3A, %dma_wait3A_121] : memref<2560x128xi32, #tpu.memory_space<hbm>> -> memref<40x128xi32, #tpu.memory_space<hbm>>
        tpu.wait_dma2 semaphore(%run_scoped3A : memref<!tpu.dma_semaphore, #tpu.memory_space<semaphore_mem>>) src(%dma_wait3A_122 : memref<40x128xi32, #tpu.memory_space<hbm>>) dst(%dma_wait3A_120 : memref<40x128xi32, #tpu.memory_space<vmem>>)
        tpu.yield
      }) : () -> ()
    } else {
    }
    %dma_start3A = arith.constant 0 : i32
    %dma_start3A_28 = arith.constant 0 : i32
    %dma_start3A_29 = tpu.memref_slice %arg9[%dma_start3A, %dma_start3A_28] : memref<120x128xi32, #tpu.memory_space<vmem>> -> memref<1x128xi32, #tpu.memory_space<vmem>>
    %dma_start3A_30 = tpu.memref_squeeze %dma_start3A_29 : memref<1x128xi32, #tpu.memory_space<vmem>> -> memref<128xi32, #tpu.memory_space<vmem>>
    %dma_start3A_31 = arith.constant 0 : i32
    %dma_start3A_32 = arith.constant 0 : i32
    %dma_start3A_33 = tpu.memref_slice %arg2[%dma_start3A_31, %dma_start3A_32] : memref<10000x64xi32, #tpu.memory_space<hbm>> -> memref<10000x64xi32, #tpu.memory_space<hbm>>
    tpu.enqueue_indirect_dma source(%dma_start3A_33 : memref<10000x64xi32, #tpu.memory_space<hbm>>) target(%arg11 : memref<128x64xi32, #tpu.memory_space<vmem>>) offsets(%dma_start3A_30 : memref<128xi32, #tpu.memory_space<vmem>>) semaphore(%arg22 : memref<!tpu.dma_semaphore, #tpu.memory_space<semaphore_mem>>)
    %dma_start3A_34 = arith.constant 0 : i32
    %dma_start3A_35 = arith.constant 0 : i32
    %dma_start3A_36 = tpu.memref_slice %arg10[%dma_start3A_34, %dma_start3A_35] : memref<120x128xi32, #tpu.memory_space<vmem>> -> memref<1x128xi32, #tpu.memory_space<vmem>>
    %dma_start3A_37 = tpu.memref_squeeze %dma_start3A_36 : memref<1x128xi32, #tpu.memory_space<vmem>> -> memref<128xi32, #tpu.memory_space<vmem>>
    %dma_start3A_38 = arith.constant 0 : i32
    %dma_start3A_39 = arith.constant 0 : i32
    %dma_start3A_40 = tpu.memref_slice %arg3[%dma_start3A_38, %dma_start3A_39] : memref<10000x64xi32, #tpu.memory_space<hbm>> -> memref<10000x64xi32, #tpu.memory_space<hbm>>
    tpu.enqueue_indirect_dma source(%dma_start3A_40 : memref<10000x64xi32, #tpu.memory_space<hbm>>) target(%arg15 : memref<128x64xi32, #tpu.memory_space<vmem>>) offsets(%dma_start3A_37 : memref<128xi32, #tpu.memory_space<vmem>>) semaphore(%arg22 : memref<!tpu.dma_semaphore, #tpu.memory_space<semaphore_mem>>)
    %dma_start3A_41 = arith.constant 1 : i32
    %dma_start3A_42 = arith.constant 0 : i32
    %dma_start3A_43 = tpu.memref_slice %arg9[%dma_start3A_41, %dma_start3A_42] : memref<120x128xi32, #tpu.memory_space<vmem>> -> memref<1x128xi32, #tpu.memory_space<vmem>>
    %dma_start3A_44 = tpu.memref_squeeze %dma_start3A_43 : memref<1x128xi32, #tpu.memory_space<vmem>> -> memref<128xi32, #tpu.memory_space<vmem>>
    %dma_start3A_45 = arith.constant 0 : i32
    %dma_start3A_46 = arith.constant 0 : i32
    %dma_start3A_47 = tpu.memref_slice %arg2[%dma_start3A_45, %dma_start3A_46] : memref<10000x64xi32, #tpu.memory_space<hbm>> -> memref<10000x64xi32, #tpu.memory_space<hbm>>
    tpu.enqueue_indirect_dma source(%dma_start3A_47 : memref<10000x64xi32, #tpu.memory_space<hbm>>) target(%arg12 : memref<128x64xi32, #tpu.memory_space<vmem>>) offsets(%dma_start3A_44 : memref<128xi32, #tpu.memory_space<vmem>>) semaphore(%arg23 : memref<!tpu.dma_semaphore, #tpu.memory_space<semaphore_mem>>)
    %dma_start3A_48 = arith.constant 1 : i32
    %dma_start3A_49 = arith.constant 0 : i32
    %dma_start3A_50 = tpu.memref_slice %arg10[%dma_start3A_48, %dma_start3A_49] : memref<120x128xi32, #tpu.memory_space<vmem>> -> memref<1x128xi32, #tpu.memory_space<vmem>>
    %dma_start3A_51 = tpu.memref_squeeze %dma_start3A_50 : memref<1x128xi32, #tpu.memory_space<vmem>> -> memref<128xi32, #tpu.memory_space<vmem>>
    %dma_start3A_52 = arith.constant 0 : i32
    %dma_start3A_53 = arith.constant 0 : i32
    %dma_start3A_54 = tpu.memref_slice %arg3[%dma_start3A_52, %dma_start3A_53] : memref<10000x64xi32, #tpu.memory_space<hbm>> -> memref<10000x64xi32, #tpu.memory_space<hbm>>
    tpu.enqueue_indirect_dma source(%dma_start3A_54 : memref<10000x64xi32, #tpu.memory_space<hbm>>) target(%arg16 : memref<128x64xi32, #tpu.memory_space<vmem>>) offsets(%dma_start3A_51 : memref<128xi32, #tpu.memory_space<vmem>>) semaphore(%arg23 : memref<!tpu.dma_semaphore, #tpu.memory_space<semaphore_mem>>)
    %dma_start3A_55 = arith.constant 2 : i32
    %dma_start3A_56 = arith.constant 0 : i32
    %dma_start3A_57 = tpu.memref_slice %arg9[%dma_start3A_55, %dma_start3A_56] : memref<120x128xi32, #tpu.memory_space<vmem>> -> memref<1x128xi32, #tpu.memory_space<vmem>>
    %dma_start3A_58 = tpu.memref_squeeze %dma_start3A_57 : memref<1x128xi32, #tpu.memory_space<vmem>> -> memref<128xi32, #tpu.memory_space<vmem>>
    %dma_start3A_59 = arith.constant 0 : i32
    %dma_start3A_60 = arith.constant 0 : i32
    %dma_start3A_61 = tpu.memref_slice %arg2[%dma_start3A_59, %dma_start3A_60] : memref<10000x64xi32, #tpu.memory_space<hbm>> -> memref<10000x64xi32, #tpu.memory_space<hbm>>
    tpu.enqueue_indirect_dma source(%dma_start3A_61 : memref<10000x64xi32, #tpu.memory_space<hbm>>) target(%arg13 : memref<128x64xi32, #tpu.memory_space<vmem>>) offsets(%dma_start3A_58 : memref<128xi32, #tpu.memory_space<vmem>>) semaphore(%arg24 : memref<!tpu.dma_semaphore, #tpu.memory_space<semaphore_mem>>)
    %dma_start3A_62 = arith.constant 2 : i32
    %dma_start3A_63 = arith.constant 0 : i32
    %dma_start3A_64 = tpu.memref_slice %arg10[%dma_start3A_62, %dma_start3A_63] : memref<120x128xi32, #tpu.memory_space<vmem>> -> memref<1x128xi32, #tpu.memory_space<vmem>>
    %dma_start3A_65 = tpu.memref_squeeze %dma_start3A_64 : memref<1x128xi32, #tpu.memory_space<vmem>> -> memref<128xi32, #tpu.memory_space<vmem>>
    %dma_start3A_66 = arith.constant 0 : i32
    %dma_start3A_67 = arith.constant 0 : i32
    %dma_start3A_68 = tpu.memref_slice %arg3[%dma_start3A_66, %dma_start3A_67] : memref<10000x64xi32, #tpu.memory_space<hbm>> -> memref<10000x64xi32, #tpu.memory_space<hbm>>
    tpu.enqueue_indirect_dma source(%dma_start3A_68 : memref<10000x64xi32, #tpu.memory_space<hbm>>) target(%arg17 : memref<128x64xi32, #tpu.memory_space<vmem>>) offsets(%dma_start3A_65 : memref<128xi32, #tpu.memory_space<vmem>>) semaphore(%arg24 : memref<!tpu.dma_semaphore, #tpu.memory_space<semaphore_mem>>)
    %jit3A_69 = arith.constant 4 : i32
    %div3A = arith.divsi %select_n3A, %jit3A_69 : i32
    %sign3A = arith.constant 0 : i32
    %sign3A_70 = arith.cmpi sgt, %select_n3A, %sign3A : i32
    %sign3A_71 = arith.extui %sign3A_70 : i1 to i32
    %sign3A_72 = arith.constant 0 : i32
    %sign3A_73 = arith.cmpi slt, %select_n3A, %sign3A_72 : i32
    %sign3A_74 = arith.extui %sign3A_73 : i1 to i32
    %sign3A_75 = arith.subi %sign3A_71, %sign3A_74 : i32
    %sign3A_76 = arith.constant 0 : i32
    %sign3A_77 = arith.cmpi sgt, %jit3A_69, %sign3A_76 : i32
    %sign3A_78 = arith.extui %sign3A_77 : i1 to i32
    %sign3A_79 = arith.constant 0 : i32
    %sign3A_80 = arith.cmpi slt, %jit3A_69, %sign3A_79 : i32
    %sign3A_81 = arith.extui %sign3A_80 : i1 to i32
    %sign3A_82 = arith.subi %sign3A_78, %sign3A_81 : i32
    %ne3A = arith.cmpi ne, %sign3A_75, %sign3A_82 : i32
    %rem3A = arith.remsi %select_n3A, %jit3A_69 : i32
    %ne3A_83 = arith.constant 0 : i32
    %ne3A_84 = arith.cmpi ne, %rem3A, %ne3A_83 : i32
    %and3A = arith.andi %ne3A, %ne3A_84 : i1
    %sub3A = arith.constant 1 : i32
    %sub3A_85 = arith.subi %div3A, %sub3A : i32
    %select_n3A_86 = arith.select %and3A, %sub3A_85, %div3A : i32
    %while3A = arith.constant 0 : i32
    %while3A_87 = arith.constant 0 : i32
    %while3A_88 = arith.subi %select_n3A_86, %while3A_87 : i32
    %while3A_89 = arith.addi %while3A_87, %while3A_88 : i32
    %while3A_90 = arith.constant 1 : i32
    %while3A_91 = arith.divsi %while3A_88, %while3A_90 : i32
    %while3A_92 = arith.muli %while3A_91, %while3A_90 : i32
    %while3A_93 = arith.addi %while3A_87, %while3A_92 : i32
    %while3A_94 = arith.constant 1 : i32
    scf.for %while3A_104 = %while3A_87 to %while3A_93 step %while3A_94  : i32 {
      %mul3A_105 = arith.constant 4 : i32
      %mul3A_106 = arith.muli %while3A_104, %mul3A_105 : i32
      %add3A_107 = arith.constant 0 : i32
      %add3A_108 = arith.addi %mul3A_106, %add3A_107 : i32
      %add3A_109 = arith.constant 3 : i32
      %add3A_110 = arith.addi %add3A_108, %add3A_109 : i32
      %lt3A = arith.cmpi slt, %add3A_110, %select_n3A : i32
      %convert_element_type3A_111 = arith.extui %lt3A : i1 to i32
      %cond3A_112 = arith.constant 0 : i32
      %cond3A_113 = arith.cmpi ne, %convert_element_type3A_111, %cond3A_112 : i32
      scf.if %cond3A_113 {
        %add3A_214 = arith.constant 3 : i32
        %add3A_215 = arith.addi %add3A_108, %add3A_214 : i32
        %dma_start3A_216 = arith.constant 0 : i32
        %dma_start3A_217 = tpu.memref_slice %arg9[%add3A_215, %dma_start3A_216] : memref<120x128xi32, #tpu.memory_space<vmem>> -> memref<1x128xi32, #tpu.memory_space<vmem>>
        %dma_start3A_218 = tpu.memref_squeeze %dma_start3A_217 : memref<1x128xi32, #tpu.memory_space<vmem>> -> memref<128xi32, #tpu.memory_space<vmem>>
        %dma_start3A_219 = arith.constant 0 : i32
        %dma_start3A_220 = arith.constant 0 : i32
        %dma_start3A_221 = tpu.memref_slice %arg2[%dma_start3A_219, %dma_start3A_220] : memref<10000x64xi32, #tpu.memory_space<hbm>> -> memref<10000x64xi32, #tpu.memory_space<hbm>>
        tpu.enqueue_indirect_dma source(%dma_start3A_221 : memref<10000x64xi32, #tpu.memory_space<hbm>>) target(%arg14 : memref<128x64xi32, #tpu.memory_space<vmem>>) offsets(%dma_start3A_218 : memref<128xi32, #tpu.memory_space<vmem>>) semaphore(%arg25 : memref<!tpu.dma_semaphore, #tpu.memory_space<semaphore_mem>>)
        %dma_start3A_222 = arith.constant 0 : i32
        %dma_start3A_223 = tpu.memref_slice %arg10[%add3A_215, %dma_start3A_222] : memref<120x128xi32, #tpu.memory_space<vmem>> -> memref<1x128xi32, #tpu.memory_space<vmem>>
        %dma_start3A_224 = tpu.memref_squeeze %dma_start3A_223 : memref<1x128xi32, #tpu.memory_space<vmem>> -> memref<128xi32, #tpu.memory_space<vmem>>
        %dma_start3A_225 = arith.constant 0 : i32
        %dma_start3A_226 = arith.constant 0 : i32
        %dma_start3A_227 = tpu.memref_slice %arg3[%dma_start3A_225, %dma_start3A_226] : memref<10000x64xi32, #tpu.memory_space<hbm>> -> memref<10000x64xi32, #tpu.memory_space<hbm>>
        tpu.enqueue_indirect_dma source(%dma_start3A_227 : memref<10000x64xi32, #tpu.memory_space<hbm>>) target(%arg18 : memref<128x64xi32, #tpu.memory_space<vmem>>) offsets(%dma_start3A_224 : memref<128xi32, #tpu.memory_space<vmem>>) semaphore(%arg25 : memref<!tpu.dma_semaphore, #tpu.memory_space<semaphore_mem>>)
      } else {
      }
      %dma_wait3A = arith.constant 0 : i32
      %dma_wait3A_114 = tpu.memref_slice %arg9[%add3A_108, %dma_wait3A] : memref<120x128xi32, #tpu.memory_space<vmem>> -> memref<1x128xi32, #tpu.memory_space<vmem>>
      %dma_wait3A_115 = tpu.memref_squeeze %dma_wait3A_114 : memref<1x128xi32, #tpu.memory_space<vmem>> -> memref<128xi32, #tpu.memory_space<vmem>>
      %dma_wait3A_116 = arith.constant 0 : i32
      %dma_wait3A_117 = arith.constant 0 : i32
      %dma_wait3A_118 = tpu.memref_slice %arg2[%dma_wait3A_116, %dma_wait3A_117] : memref<10000x64xi32, #tpu.memory_space<hbm>> -> memref<10000x64xi32, #tpu.memory_space<hbm>>
      tpu.wait_indirect_dma semaphore(%arg22 : memref<!tpu.dma_semaphore, #tpu.memory_space<semaphore_mem>>) src(%dma_wait3A_118 : memref<10000x64xi32, #tpu.memory_space<hbm>>) dst(%arg11 : memref<128x64xi32, #tpu.memory_space<vmem>>)
      %dma_wait3A_119 = arith.constant 0 : i32
      %dma_wait3A_120 = tpu.memref_slice %arg10[%add3A_108, %dma_wait3A_119] : memref<120x128xi32, #tpu.memory_space<vmem>> -> memref<1x128xi32, #tpu.memory_space<vmem>>
      %dma_wait3A_121 = tpu.memref_squeeze %dma_wait3A_120 : memref<1x128xi32, #tpu.memory_space<vmem>> -> memref<128xi32, #tpu.memory_space<vmem>>
      %dma_wait3A_122 = arith.constant 0 : i32
      %dma_wait3A_123 = arith.constant 0 : i32
      %dma_wait3A_124 = tpu.memref_slice %arg3[%dma_wait3A_122, %dma_wait3A_123] : memref<10000x64xi32, #tpu.memory_space<hbm>> -> memref<10000x64xi32, #tpu.memory_space<hbm>>
      tpu.wait_indirect_dma semaphore(%arg22 : memref<!tpu.dma_semaphore, #tpu.memory_space<semaphore_mem>>) src(%dma_wait3A_124 : memref<10000x64xi32, #tpu.memory_space<hbm>>) dst(%arg15 : memref<128x64xi32, #tpu.memory_space<vmem>>)
      %scan3A = arith.constant 0 : i32
      %scan3A_125 = arith.constant 0 : i32
      %scan3A_126 = arith.constant 8 : i32
      %scan3A_127 = arith.addi %scan3A_125, %scan3A_126 : i32
      %scan3A_128 = arith.constant 1 : i32
      scf.for %scan3A_214 = %scan3A_125 to %scan3A_127 step %scan3A_128  : i32 {
        %broadcast_in_dim3A = arith.constant 0.000000e+00 : f32
        %broadcast_in_dim3A_215 = vector.broadcast %broadcast_in_dim3A : f32 to vector<16xf32>
        %scan3A_216 = arith.constant 0 : i32
        %scan3A_217 = arith.constant 4 : i32
        %scan3A_218 = arith.addi %scan3A_216, %scan3A_217 : i32
        %scan3A_219 = arith.constant 1 : i32
        %scan3A_220 = scf.for %scan3A_235 = %scan3A_216 to %scan3A_218 step %scan3A_219 iter_args(%scan3A_236 = %broadcast_in_dim3A_215) -> (vector<16xf32>)  : i32 {
          %mul3A_237 = arith.constant 4 : i32
          %mul3A_238 = arith.muli %scan3A_235, %mul3A_237 : i32
          %add3A_239 = arith.constant 0 : i32
          %add3A_240 = arith.addi %mul3A_238, %add3A_239 : i32
          %mul3A_241 = arith.constant 16 : i32
          %mul3A_242 = arith.muli %scan3A_214, %mul3A_241 : i32
          %add3A_243 = arith.addi %mul3A_242, %add3A_240 : i32
          %get3A_244 = arith.index_cast %add3A_243 : i32 to index
          %get3A_245 = arith.constant 0 : index
          %get3A_246 = tpu.vector_load %arg11[%get3A_244, %get3A_245] {strides = array<i32>} : memref<128x64xi32, #tpu.memory_space<vmem>>, vector<16xi32>,
          %bitcast3A = vector.bitcast %get3A_246 : vector<16xi32> to vector<32xbf16>
          %get3A_247 = arith.index_cast %add3A_243 : i32 to index
          %get3A_248 = arith.constant 0 : index
          %get3A_249 = tpu.vector_load %arg15[%get3A_247, %get3A_248] {strides = array<i32>} : memref<128x64xi32, #tpu.memory_space<vmem>>, vector<16xi32>,
          %bitcast3A_250 = vector.bitcast %get3A_249 : vector<16xi32> to vector<32xbf16>
          %mul3A_251 = arith.mulf %bitcast3A, %bitcast3A_250 : vector<32xbf16>
          %unpack3A = tpu.unpack_subelements %mul3A_251, 0 {pack_format = #tpu.pack_format<interleaved>} : vector<32xbf16> -> vector<16xf32>
          %unpack3A_252 = tpu.unpack_subelements %mul3A_251, 1 {pack_format = #tpu.pack_format<interleaved>} : vector<32xbf16> -> vector<16xf32>
          %mul3A_253 = arith.mulf %unpack3A, %get3A_8 : vector<16xf32>
          %mul3A_254 = arith.mulf %unpack3A_252, %get3A_16 : vector<16xf32>
          %get3A_255 = arith.index_cast %add3A_243 : i32 to index
          %get3A_256 = arith.constant 16 : index
          %get3A_257 = tpu.vector_load %arg11[%get3A_255, %get3A_256] {strides = array<i32>} : memref<128x64xi32, #tpu.memory_space<vmem>>, vector<16xi32>,
          %bitcast3A_258 = vector.bitcast %get3A_257 : vector<16xi32> to vector<32xbf16>
          %get3A_259 = arith.index_cast %add3A_243 : i32 to index
          %get3A_260 = arith.constant 16 : index
          %get3A_261 = tpu.vector_load %arg15[%get3A_259, %get3A_260] {strides = array<i32>} : memref<128x64xi32, #tpu.memory_space<vmem>>, vector<16xi32>,
          %bitcast3A_262 = vector.bitcast %get3A_261 : vector<16xi32> to vector<32xbf16>
          %mul3A_263 = arith.mulf %bitcast3A_258, %bitcast3A_262 : vector<32xbf16>
          %unpack3A_264 = tpu.unpack_subelements %mul3A_263, 0 {pack_format = #tpu.pack_format<interleaved>} : vector<32xbf16> -> vector<16xf32>
          %unpack3A_265 = tpu.unpack_subelements %mul3A_263, 1 {pack_format = #tpu.pack_format<interleaved>} : vector<32xbf16> -> vector<16xf32>
          %mul3A_266 = arith.mulf %unpack3A_264, %get3A_10 : vector<16xf32>
          %add3A_267 = arith.addf %mul3A_253, %mul3A_266 : vector<16xf32>
          %mul3A_268 = arith.mulf %unpack3A_265, %get3A_18 : vector<16xf32>
          %add3A_269 = arith.addf %mul3A_254, %mul3A_268 : vector<16xf32>
          %get3A_270 = arith.index_cast %add3A_243 : i32 to index
          %get3A_271 = arith.constant 32 : index
          %get3A_272 = tpu.vector_load %arg11[%get3A_270, %get3A_271] {strides = array<i32>} : memref<128x64xi32, #tpu.memory_space<vmem>>, vector<16xi32>,
          %bitcast3A_273 = vector.bitcast %get3A_272 : vector<16xi32> to vector<32xbf16>
          %get3A_274 = arith.index_cast %add3A_243 : i32 to index
          %get3A_275 = arith.constant 32 : index
          %get3A_276 = tpu.vector_load %arg15[%get3A_274, %get3A_275] {strides = array<i32>} : memref<128x64xi32, #tpu.memory_space<vmem>>, vector<16xi32>,
          %bitcast3A_277 = vector.bitcast %get3A_276 : vector<16xi32> to vector<32xbf16>
          %mul3A_278 = arith.mulf %bitcast3A_273, %bitcast3A_277 : vector<32xbf16>
          %unpack3A_279 = tpu.unpack_subelements %mul3A_278, 0 {pack_format = #tpu.pack_format<interleaved>} : vector<32xbf16> -> vector<16xf32>
          %unpack3A_280 = tpu.unpack_subelements %mul3A_278, 1 {pack_format = #tpu.pack_format<interleaved>} : vector<32xbf16> -> vector<16xf32>
          %mul3A_281 = arith.mulf %unpack3A_279, %get3A_12 : vector<16xf32>
          %add3A_282 = arith.addf %add3A_267, %mul3A_281 : vector<16xf32>
          %mul3A_283 = arith.mulf %unpack3A_280, %get3A_20 : vector<16xf32>
          %add3A_284 = arith.addf %add3A_269, %mul3A_283 : vector<16xf32>
          %get3A_285 = arith.index_cast %add3A_243 : i32 to index
          %get3A_286 = arith.constant 48 : index
          %get3A_287 = tpu.vector_load %arg11[%get3A_285, %get3A_286] {strides = array<i32>} : memref<128x64xi32, #tpu.memory_space<vmem>>, vector<16xi32>,
          %bitcast3A_288 = vector.bitcast %get3A_287 : vector<16xi32> to vector<32xbf16>
          %get3A_289 = arith.index_cast %add3A_243 : i32 to index
          %get3A_290 = arith.constant 48 : index
          %get3A_291 = tpu.vector_load %arg15[%get3A_289, %get3A_290] {strides = array<i32>} : memref<128x64xi32, #tpu.memory_space<vmem>>, vector<16xi32>,
          %bitcast3A_292 = vector.bitcast %get3A_291 : vector<16xi32> to vector<32xbf16>
          %mul3A_293 = arith.mulf %bitcast3A_288, %bitcast3A_292 : vector<32xbf16>
          %unpack3A_294 = tpu.unpack_subelements %mul3A_293, 0 {pack_format = #tpu.pack_format<interleaved>} : vector<32xbf16> -> vector<16xf32>
          %unpack3A_295 = tpu.unpack_subelements %mul3A_293, 1 {pack_format = #tpu.pack_format<interleaved>} : vector<32xbf16> -> vector<16xf32>
          %mul3A_296 = arith.mulf %unpack3A_294, %get3A_14 : vector<16xf32>
          %add3A_297 = arith.addf %add3A_282, %mul3A_296 : vector<16xf32>
          %mul3A_298 = arith.mulf %unpack3A_295, %get3A_22 : vector<16xf32>
          %add3A_299 = arith.addf %add3A_284, %mul3A_298 : vector<16xf32>
          %add3A_300 = arith.addf %add3A_297, %add3A_299 : vector<16xf32>
          %reduce_sum3A = arith.constant true
          %reduce_sum3A_301 = vector.broadcast %reduce_sum3A : i1 to vector<16xi1>
          %reduce_sum3A_302 = tpu.scan <sum>, %add3A_300 masked %reduce_sum3A_301 : vector<16xf32>, vector<16xi1> -> vector<16xf32>
          %reduce_sum3A_303 = vector.extract %reduce_sum3A_302[15] : f32 from vector<16xf32>
          %eq3A_304 = vector.broadcast %add3A_240 : i32 to vector<16xi32>
          %eq3A_305 = arith.cmpi eq, %iota3A, %eq3A_304 : vector<16xi32>
          %broadcast_in_dim3A_306 = vector.broadcast %reduce_sum3A_303 : f32 to vector<16xf32>
          %select_n3A_307 = arith.select %eq3A_305, %broadcast_in_dim3A_306, %scan3A_236 : vector<16xi1>, vector<16xf32>
          %mul3A_308 = arith.constant 4 : i32
          %mul3A_309 = arith.muli %scan3A_235, %mul3A_308 : i32
          %add3A_310 = arith.constant 1 : i32
          %add3A_311 = arith.addi %mul3A_309, %add3A_310 : i32
          %mul3A_312 = arith.constant 16 : i32
          %mul3A_313 = arith.muli %scan3A_214, %mul3A_312 : i32
          %add3A_314 = arith.addi %mul3A_313, %add3A_311 : i32
          %get3A_315 = arith.index_cast %add3A_314 : i32 to index
          %get3A_316 = arith.constant 0 : index
          %get3A_317 = tpu.vector_load %arg11[%get3A_315, %get3A_316] {strides = array<i32>} : memref<128x64xi32, #tpu.memory_space<vmem>>, vector<16xi32>,
          %bitcast3A_318 = vector.bitcast %get3A_317 : vector<16xi32> to vector<32xbf16>
          %get3A_319 = arith.index_cast %add3A_314 : i32 to index
          %get3A_320 = arith.constant 0 : index
          %get3A_321 = tpu.vector_load %arg15[%get3A_319, %get3A_320] {strides = array<i32>} : memref<128x64xi32, #tpu.memory_space<vmem>>, vector<16xi32>,
          %bitcast3A_322 = vector.bitcast %get3A_321 : vector<16xi32> to vector<32xbf16>
          %mul3A_323 = arith.mulf %bitcast3A_318, %bitcast3A_322 : vector<32xbf16>
          %unpack3A_324 = tpu.unpack_subelements %mul3A_323, 0 {pack_format = #tpu.pack_format<interleaved>} : vector<32xbf16> -> vector<16xf32>
          %unpack3A_325 = tpu.unpack_subelements %mul3A_323, 1 {pack_format = #tpu.pack_format<interleaved>} : vector<32xbf16> -> vector<16xf32>
          %mul3A_326 = arith.mulf %unpack3A_324, %get3A_8 : vector<16xf32>
          %mul3A_327 = arith.mulf %unpack3A_325, %get3A_16 : vector<16xf32>
          %get3A_328 = arith.index_cast %add3A_314 : i32 to index
          %get3A_329 = arith.constant 16 : index
          %get3A_330 = tpu.vector_load %arg11[%get3A_328, %get3A_329] {strides = array<i32>} : memref<128x64xi32, #tpu.memory_space<vmem>>, vector<16xi32>,
          %bitcast3A_331 = vector.bitcast %get3A_330 : vector<16xi32> to vector<32xbf16>
          %get3A_332 = arith.index_cast %add3A_314 : i32 to index
          %get3A_333 = arith.constant 16 : index
          %get3A_334 = tpu.vector_load %arg15[%get3A_332, %get3A_333] {strides = array<i32>} : memref<128x64xi32, #tpu.memory_space<vmem>>, vector<16xi32>,
          %bitcast3A_335 = vector.bitcast %get3A_334 : vector<16xi32> to vector<32xbf16>
          %mul3A_336 = arith.mulf %bitcast3A_331, %bitcast3A_335 : vector<32xbf16>
          %unpack3A_337 = tpu.unpack_subelements %mul3A_336, 0 {pack_format = #tpu.pack_format<interleaved>} : vector<32xbf16> -> vector<16xf32>
          %unpack3A_338 = tpu.unpack_subelements %mul3A_336, 1 {pack_format = #tpu.pack_format<interleaved>} : vector<32xbf16> -> vector<16xf32>
          %mul3A_339 = arith.mulf %unpack3A_337, %get3A_10 : vector<16xf32>
          %add3A_340 = arith.addf %mul3A_326, %mul3A_339 : vector<16xf32>
          %mul3A_341 = arith.mulf %unpack3A_338, %get3A_18 : vector<16xf32>
          %add3A_342 = arith.addf %mul3A_327, %mul3A_341 : vector<16xf32>
          %get3A_343 = arith.index_cast %add3A_314 : i32 to index
          %get3A_344 = arith.constant 32 : index
          %get3A_345 = tpu.vector_load %arg11[%get3A_343, %get3A_344] {strides = array<i32>} : memref<128x64xi32, #tpu.memory_space<vmem>>, vector<16xi32>,
          %bitcast3A_346 = vector.bitcast %get3A_345 : vector<16xi32> to vector<32xbf16>
          %get3A_347 = arith.index_cast %add3A_314 : i32 to index
          %get3A_348 = arith.constant 32 : index
          %get3A_349 = tpu.vector_load %arg15[%get3A_347, %get3A_348] {strides = array<i32>} : memref<128x64xi32, #tpu.memory_space<vmem>>, vector<16xi32>,
          %bitcast3A_350 = vector.bitcast %get3A_349 : vector<16xi32> to vector<32xbf16>
          %mul3A_351 = arith.mulf %bitcast3A_346, %bitcast3A_350 : vector<32xbf16>
          %unpack3A_352 = tpu.unpack_subelements %mul3A_351, 0 {pack_format = #tpu.pack_format<interleaved>} : vector<32xbf16> -> vector<16xf32>
          %unpack3A_353 = tpu.unpack_subelements %mul3A_351, 1 {pack_format = #tpu.pack_format<interleaved>} : vector<32xbf16> -> vector<16xf32>
          %mul3A_354 = arith.mulf %unpack3A_352, %get3A_12 : vector<16xf32>
          %add3A_355 = arith.addf %add3A_340, %mul3A_354 : vector<16xf32>
          %mul3A_356 = arith.mulf %unpack3A_353, %get3A_20 : vector<16xf32>
          %add3A_357 = arith.addf %add3A_342, %mul3A_356 : vector<16xf32>
          %get3A_358 = arith.index_cast %add3A_314 : i32 to index
          %get3A_359 = arith.constant 48 : index
          %get3A_360 = tpu.vector_load %arg11[%get3A_358, %get3A_359] {strides = array<i32>} : memref<128x64xi32, #tpu.memory_space<vmem>>, vector<16xi32>,
          %bitcast3A_361 = vector.bitcast %get3A_360 : vector<16xi32> to vector<32xbf16>
          %get3A_362 = arith.index_cast %add3A_314 : i32 to index
          %get3A_363 = arith.constant 48 : index
          %get3A_364 = tpu.vector_load %arg15[%get3A_362, %get3A_363] {strides = array<i32>} : memref<128x64xi32, #tpu.memory_space<vmem>>, vector<16xi32>,
          %bitcast3A_365 = vector.bitcast %get3A_364 : vector<16xi32> to vector<32xbf16>
          %mul3A_366 = arith.mulf %bitcast3A_361, %bitcast3A_365 : vector<32xbf16>
          %unpack3A_367 = tpu.unpack_subelements %mul3A_366, 0 {pack_format = #tpu.pack_format<interleaved>} : vector<32xbf16> -> vector<16xf32>
          %unpack3A_368 = tpu.unpack_subelements %mul3A_366, 1 {pack_format = #tpu.pack_format<interleaved>} : vector<32xbf16> -> vector<16xf32>
          %mul3A_369 = arith.mulf %unpack3A_367, %get3A_14 : vector<16xf32>
          %add3A_370 = arith.addf %add3A_355, %mul3A_369 : vector<16xf32>
          %mul3A_371 = arith.mulf %unpack3A_368, %get3A_22 : vector<16xf32>
          %add3A_372 = arith.addf %add3A_357, %mul3A_371 : vector<16xf32>
          %add3A_373 = arith.addf %add3A_370, %add3A_372 : vector<16xf32>
          %reduce_sum3A_374 = arith.constant true
          %reduce_sum3A_375 = vector.broadcast %reduce_sum3A_374 : i1 to vector<16xi1>
          %reduce_sum3A_376 = tpu.scan <sum>, %add3A_373 masked %reduce_sum3A_375 : vector<16xf32>, vector<16xi1> -> vector<16xf32>
          %reduce_sum3A_377 = vector.extract %reduce_sum3A_376[15] : f32 from vector<16xf32>
          %eq3A_378 = vector.broadcast %add3A_311 : i32 to vector<16xi32>
          %eq3A_379 = arith.cmpi eq, %iota3A, %eq3A_378 : vector<16xi32>
          %broadcast_in_dim3A_380 = vector.broadcast %reduce_sum3A_377 : f32 to vector<16xf32>
          %select_n3A_381 = arith.select %eq3A_379, %broadcast_in_dim3A_380, %select_n3A_307 : vector<16xi1>, vector<16xf32>
          %mul3A_382 = arith.constant 4 : i32
          %mul3A_383 = arith.muli %scan3A_235, %mul3A_382 : i32
          %add3A_384 = arith.constant 2 : i32
          %add3A_385 = arith.addi %mul3A_383, %add3A_384 : i32
          %mul3A_386 = arith.constant 16 : i32
          %mul3A_387 = arith.muli %scan3A_214, %mul3A_386 : i32
          %add3A_388 = arith.addi %mul3A_387, %add3A_385 : i32
          %get3A_389 = arith.index_cast %add3A_388 : i32 to index
          %get3A_390 = arith.constant 0 : index
          %get3A_391 = tpu.vector_load %arg11[%get3A_389, %get3A_390] {strides = array<i32>} : memref<128x64xi32, #tpu.memory_space<vmem>>, vector<16xi32>,
          %bitcast3A_392 = vector.bitcast %get3A_391 : vector<16xi32> to vector<32xbf16>
          %get3A_393 = arith.index_cast %add3A_388 : i32 to index
          %get3A_394 = arith.constant 0 : index
          %get3A_395 = tpu.vector_load %arg15[%get3A_393, %get3A_394] {strides = array<i32>} : memref<128x64xi32, #tpu.memory_space<vmem>>, vector<16xi32>,
          %bitcast3A_396 = vector.bitcast %get3A_395 : vector<16xi32> to vector<32xbf16>
          %mul3A_397 = arith.mulf %bitcast3A_392, %bitcast3A_396 : vector<32xbf16>
          %unpack3A_398 = tpu.unpack_subelements %mul3A_397, 0 {pack_format = #tpu.pack_format<interleaved>} : vector<32xbf16> -> vector<16xf32>
          %unpack3A_399 = tpu.unpack_subelements %mul3A_397, 1 {pack_format = #tpu.pack_format<interleaved>} : vector<32xbf16> -> vector<16xf32>
          %mul3A_400 = arith.mulf %unpack3A_398, %get3A_8 : vector<16xf32>
          %mul3A_401 = arith.mulf %unpack3A_399, %get3A_16 : vector<16xf32>
          %get3A_402 = arith.index_cast %add3A_388 : i32 to index
          %get3A_403 = arith.constant 16 : index
          %get3A_404 = tpu.vector_load %arg11[%get3A_402, %get3A_403] {strides = array<i32>} : memref<128x64xi32, #tpu.memory_space<vmem>>, vector<16xi32>,
          %bitcast3A_405 = vector.bitcast %get3A_404 : vector<16xi32> to vector<32xbf16>
          %get3A_406 = arith.index_cast %add3A_388 : i32 to index
          %get3A_407 = arith.constant 16 : index
          %get3A_408 = tpu.vector_load %arg15[%get3A_406, %get3A_407] {strides = array<i32>} : memref<128x64xi32, #tpu.memory_space<vmem>>, vector<16xi32>,
          %bitcast3A_409 = vector.bitcast %get3A_408 : vector<16xi32> to vector<32xbf16>
          %mul3A_410 = arith.mulf %bitcast3A_405, %bitcast3A_409 : vector<32xbf16>
          %unpack3A_411 = tpu.unpack_subelements %mul3A_410, 0 {pack_format = #tpu.pack_format<interleaved>} : vector<32xbf16> -> vector<16xf32>
          %unpack3A_412 = tpu.unpack_subelements %mul3A_410, 1 {pack_format = #tpu.pack_format<interleaved>} : vector<32xbf16> -> vector<16xf32>
          %mul3A_413 = arith.mulf %unpack3A_411, %get3A_10 : vector<16xf32>
          %add3A_414 = arith.addf %mul3A_400, %mul3A_413 : vector<16xf32>
          %mul3A_415 = arith.mulf %unpack3A_412, %get3A_18 : vector<16xf32>
          %add3A_416 = arith.addf %mul3A_401, %mul3A_415 : vector<16xf32>
          %get3A_417 = arith.index_cast %add3A_388 : i32 to index
          %get3A_418 = arith.constant 32 : index
          %get3A_419 = tpu.vector_load %arg11[%get3A_417, %get3A_418] {strides = array<i32>} : memref<128x64xi32, #tpu.memory_space<vmem>>, vector<16xi32>,
          %bitcast3A_420 = vector.bitcast %get3A_419 : vector<16xi32> to vector<32xbf16>
          %get3A_421 = arith.index_cast %add3A_388 : i32 to index
          %get3A_422 = arith.constant 32 : index
          %get3A_423 = tpu.vector_load %arg15[%get3A_421, %get3A_422] {strides = array<i32>} : memref<128x64xi32, #tpu.memory_space<vmem>>, vector<16xi32>,
          %bitcast3A_424 = vector.bitcast %get3A_423 : vector<16xi32> to vector<32xbf16>
          %mul3A_425 = arith.mulf %bitcast3A_420, %bitcast3A_424 : vector<32xbf16>
          %unpack3A_426 = tpu.unpack_subelements %mul3A_425, 0 {pack_format = #tpu.pack_format<interleaved>} : vector<32xbf16> -> vector<16xf32>
          %unpack3A_427 = tpu.unpack_subelements %mul3A_425, 1 {pack_format = #tpu.pack_format<interleaved>} : vector<32xbf16> -> vector<16xf32>
          %mul3A_428 = arith.mulf %unpack3A_426, %get3A_12 : vector<16xf32>
          %add3A_429 = arith.addf %add3A_414, %mul3A_428 : vector<16xf32>
          %mul3A_430 = arith.mulf %unpack3A_427, %get3A_20 : vector<16xf32>
          %add3A_431 = arith.addf %add3A_416, %mul3A_430 : vector<16xf32>
          %get3A_432 = arith.index_cast %add3A_388 : i32 to index
          %get3A_433 = arith.constant 48 : index
          %get3A_434 = tpu.vector_load %arg11[%get3A_432, %get3A_433] {strides = array<i32>} : memref<128x64xi32, #tpu.memory_space<vmem>>, vector<16xi32>,
          %bitcast3A_435 = vector.bitcast %get3A_434 : vector<16xi32> to vector<32xbf16>
          %get3A_436 = arith.index_cast %add3A_388 : i32 to index
          %get3A_437 = arith.constant 48 : index
          %get3A_438 = tpu.vector_load %arg15[%get3A_436, %get3A_437] {strides = array<i32>} : memref<128x64xi32, #tpu.memory_space<vmem>>, vector<16xi32>,
          %bitcast3A_439 = vector.bitcast %get3A_438 : vector<16xi32> to vector<32xbf16>
          %mul3A_440 = arith.mulf %bitcast3A_435, %bitcast3A_439 : vector<32xbf16>
          %unpack3A_441 = tpu.unpack_subelements %mul3A_440, 0 {pack_format = #tpu.pack_format<interleaved>} : vector<32xbf16> -> vector<16xf32>
          %unpack3A_442 = tpu.unpack_subelements %mul3A_440, 1 {pack_format = #tpu.pack_format<interleaved>} : vector<32xbf16> -> vector<16xf32>
          %mul3A_443 = arith.mulf %unpack3A_441, %get3A_14 : vector<16xf32>
          %add3A_444 = arith.addf %add3A_429, %mul3A_443 : vector<16xf32>
          %mul3A_445 = arith.mulf %unpack3A_442, %get3A_22 : vector<16xf32>
          %add3A_446 = arith.addf %add3A_431, %mul3A_445 : vector<16xf32>
          %add3A_447 = arith.addf %add3A_444, %add3A_446 : vector<16xf32>
          %reduce_sum3A_448 = arith.constant true
          %reduce_sum3A_449 = vector.broadcast %reduce_sum3A_448 : i1 to vector<16xi1>
          %reduce_sum3A_450 = tpu.scan <sum>, %add3A_447 masked %reduce_sum3A_449 : vector<16xf32>, vector<16xi1> -> vector<16xf32>
          %reduce_sum3A_451 = vector.extract %reduce_sum3A_450[15] : f32 from vector<16xf32>
          %eq3A_452 = vector.broadcast %add3A_385 : i32 to vector<16xi32>
          %eq3A_453 = arith.cmpi eq, %iota3A, %eq3A_452 : vector<16xi32>
          %broadcast_in_dim3A_454 = vector.broadcast %reduce_sum3A_451 : f32 to vector<16xf32>
          %select_n3A_455 = arith.select %eq3A_453, %broadcast_in_dim3A_454, %select_n3A_381 : vector<16xi1>, vector<16xf32>
          %mul3A_456 = arith.constant 4 : i32
          %mul3A_457 = arith.muli %scan3A_235, %mul3A_456 : i32
          %add3A_458 = arith.constant 3 : i32
          %add3A_459 = arith.addi %mul3A_457, %add3A_458 : i32
          %mul3A_460 = arith.constant 16 : i32
          %mul3A_461 = arith.muli %scan3A_214, %mul3A_460 : i32
          %add3A_462 = arith.addi %mul3A_461, %add3A_459 : i32
          %get3A_463 = arith.index_cast %add3A_462 : i32 to index
          %get3A_464 = arith.constant 0 : index
          %get3A_465 = tpu.vector_load %arg11[%get3A_463, %get3A_464] {strides = array<i32>} : memref<128x64xi32, #tpu.memory_space<vmem>>, vector<16xi32>,
          %bitcast3A_466 = vector.bitcast %get3A_465 : vector<16xi32> to vector<32xbf16>
          %get3A_467 = arith.index_cast %add3A_462 : i32 to index
          %get3A_468 = arith.constant 0 : index
          %get3A_469 = tpu.vector_load %arg15[%get3A_467, %get3A_468] {strides = array<i32>} : memref<128x64xi32, #tpu.memory_space<vmem>>, vector<16xi32>,
          %bitcast3A_470 = vector.bitcast %get3A_469 : vector<16xi32> to vector<32xbf16>
          %mul3A_471 = arith.mulf %bitcast3A_466, %bitcast3A_470 : vector<32xbf16>
          %unpack3A_472 = tpu.unpack_subelements %mul3A_471, 0 {pack_format = #tpu.pack_format<interleaved>} : vector<32xbf16> -> vector<16xf32>
          %unpack3A_473 = tpu.unpack_subelements %mul3A_471, 1 {pack_format = #tpu.pack_format<interleaved>} : vector<32xbf16> -> vector<16xf32>
          %mul3A_474 = arith.mulf %unpack3A_472, %get3A_8 : vector<16xf32>
          %mul3A_475 = arith.mulf %unpack3A_473, %get3A_16 : vector<16xf32>
          %get3A_476 = arith.index_cast %add3A_462 : i32 to index
          %get3A_477 = arith.constant 16 : index
          %get3A_478 = tpu.vector_load %arg11[%get3A_476, %get3A_477] {strides = array<i32>} : memref<128x64xi32, #tpu.memory_space<vmem>>, vector<16xi32>,
          %bitcast3A_479 = vector.bitcast %get3A_478 : vector<16xi32> to vector<32xbf16>
          %get3A_480 = arith.index_cast %add3A_462 : i32 to index
          %get3A_481 = arith.constant 16 : index
          %get3A_482 = tpu.vector_load %arg15[%get3A_480, %get3A_481] {strides = array<i32>} : memref<128x64xi32, #tpu.memory_space<vmem>>, vector<16xi32>,
          %bitcast3A_483 = vector.bitcast %get3A_482 : vector<16xi32> to vector<32xbf16>
          %mul3A_484 = arith.mulf %bitcast3A_479, %bitcast3A_483 : vector<32xbf16>
          %unpack3A_485 = tpu.unpack_subelements %mul3A_484, 0 {pack_format = #tpu.pack_format<interleaved>} : vector<32xbf16> -> vector<16xf32>
          %unpack3A_486 = tpu.unpack_subelements %mul3A_484, 1 {pack_format = #tpu.pack_format<interleaved>} : vector<32xbf16> -> vector<16xf32>
          %mul3A_487 = arith.mulf %unpack3A_485, %get3A_10 : vector<16xf32>
          %add3A_488 = arith.addf %mul3A_474, %mul3A_487 : vector<16xf32>
          %mul3A_489 = arith.mulf %unpack3A_486, %get3A_18 : vector<16xf32>
          %add3A_490 = arith.addf %mul3A_475, %mul3A_489 : vector<16xf32>
          %get3A_491 = arith.index_cast %add3A_462 : i32 to index
          %get3A_492 = arith.constant 32 : index
          %get3A_493 = tpu.vector_load %arg11[%get3A_491, %get3A_492] {strides = array<i32>} : memref<128x64xi32, #tpu.memory_space<vmem>>, vector<16xi32>,
          %bitcast3A_494 = vector.bitcast %get3A_493 : vector<16xi32> to vector<32xbf16>
          %get3A_495 = arith.index_cast %add3A_462 : i32 to index
          %get3A_496 = arith.constant 32 : index
          %get3A_497 = tpu.vector_load %arg15[%get3A_495, %get3A_496] {strides = array<i32>} : memref<128x64xi32, #tpu.memory_space<vmem>>, vector<16xi32>,
          %bitcast3A_498 = vector.bitcast %get3A_497 : vector<16xi32> to vector<32xbf16>
          %mul3A_499 = arith.mulf %bitcast3A_494, %bitcast3A_498 : vector<32xbf16>
          %unpack3A_500 = tpu.unpack_subelements %mul3A_499, 0 {pack_format = #tpu.pack_format<interleaved>} : vector<32xbf16> -> vector<16xf32>
          %unpack3A_501 = tpu.unpack_subelements %mul3A_499, 1 {pack_format = #tpu.pack_format<interleaved>} : vector<32xbf16> -> vector<16xf32>
          %mul3A_502 = arith.mulf %unpack3A_500, %get3A_12 : vector<16xf32>
          %add3A_503 = arith.addf %add3A_488, %mul3A_502 : vector<16xf32>
          %mul3A_504 = arith.mulf %unpack3A_501, %get3A_20 : vector<16xf32>
          %add3A_505 = arith.addf %add3A_490, %mul3A_504 : vector<16xf32>
          %get3A_506 = arith.index_cast %add3A_462 : i32 to index
          %get3A_507 = arith.constant 48 : index
          %get3A_508 = tpu.vector_load %arg11[%get3A_506, %get3A_507] {strides = array<i32>} : memref<128x64xi32, #tpu.memory_space<vmem>>, vector<16xi32>,
          %bitcast3A_509 = vector.bitcast %get3A_508 : vector<16xi32> to vector<32xbf16>
          %get3A_510 = arith.index_cast %add3A_462 : i32 to index
          %get3A_511 = arith.constant 48 : index
          %get3A_512 = tpu.vector_load %arg15[%get3A_510, %get3A_511] {strides = array<i32>} : memref<128x64xi32, #tpu.memory_space<vmem>>, vector<16xi32>,
          %bitcast3A_513 = vector.bitcast %get3A_512 : vector<16xi32> to vector<32xbf16>
          %mul3A_514 = arith.mulf %bitcast3A_509, %bitcast3A_513 : vector<32xbf16>
          %unpack3A_515 = tpu.unpack_subelements %mul3A_514, 0 {pack_format = #tpu.pack_format<interleaved>} : vector<32xbf16> -> vector<16xf32>
          %unpack3A_516 = tpu.unpack_subelements %mul3A_514, 1 {pack_format = #tpu.pack_format<interleaved>} : vector<32xbf16> -> vector<16xf32>
          %mul3A_517 = arith.mulf %unpack3A_515, %get3A_14 : vector<16xf32>
          %add3A_518 = arith.addf %add3A_503, %mul3A_517 : vector<16xf32>
          %mul3A_519 = arith.mulf %unpack3A_516, %get3A_22 : vector<16xf32>
          %add3A_520 = arith.addf %add3A_505, %mul3A_519 : vector<16xf32>
          %add3A_521 = arith.addf %add3A_518, %add3A_520 : vector<16xf32>
          %reduce_sum3A_522 = arith.constant true
          %reduce_sum3A_523 = vector.broadcast %reduce_sum3A_522 : i1 to vector<16xi1>
          %reduce_sum3A_524 = tpu.scan <sum>, %add3A_521 masked %reduce_sum3A_523 : vector<16xf32>, vector<16xi1> -> vector<16xf32>
          %reduce_sum3A_525 = vector.extract %reduce_sum3A_524[15] : f32 from vector<16xf32>
          %eq3A_526 = vector.broadcast %add3A_459 : i32 to vector<16xi32>
          %eq3A_527 = arith.cmpi eq, %iota3A, %eq3A_526 : vector<16xi32>
          %broadcast_in_dim3A_528 = vector.broadcast %reduce_sum3A_525 : f32 to vector<16xf32>
          %select_n3A_529 = arith.select %eq3A_527, %broadcast_in_dim3A_528, %select_n3A_455 : vector<16xi1>, vector<16xf32>
          scf.yield %select_n3A_529 : vector<16xf32>
        }
        %scan3A_221 = arith.constant 4 : i32
        %add3A_222 = arith.addf %scan3A_220, %get3A_6 : vector<16xf32>
        %neg3A = arith.constant 0.000000e+00 : f32
        %neg3A_223 = vector.broadcast %neg3A : f32 to vector<16xf32>
        %neg3A_224 = arith.subf %neg3A_223, %add3A_222 : vector<16xf32>
        %exp3A = math.exp %neg3A_224 : vector<16xf32>
        %add3A_225 = arith.constant 1.000000e+00 : f32
        %add3A_226 = vector.broadcast %add3A_225 : f32 to vector<16xf32>
        %add3A_227 = arith.addf %add3A_226, %exp3A : vector<16xf32>
        %div3A_228 = arith.constant 1.000000e+00 : f32
        %div3A_229 = vector.broadcast %div3A_228 : f32 to vector<16xf32>
        %div3A_230 = arith.divf %div3A_229, %add3A_227 : vector<16xf32>
        %mul3A_231 = arith.constant 16 : i32
        %mul3A_232 = arith.muli %scan3A_214, %mul3A_231 : i32
        %swap3A = arith.index_cast %add3A_108 : i32 to index
        %swap3A_233 = arith.index_cast %mul3A_232 : i32 to index
        %swap3A_234 = tpu.vector_load %arg19[%swap3A, %swap3A_233] {strides = array<i32>} : memref<120x128xf32, #tpu.memory_space<vmem>>, vector<16xf32>,
        tpu.vector_store %arg19[%swap3A, %swap3A_233], %div3A_230 {strides = array<i32>} : memref<120x128xf32, #tpu.memory_space<vmem>>, vector<16xf32>,
      }
      %scan3A_129 = arith.constant 8 : i32
      %mul3A_130 = arith.constant 4 : i32
      %mul3A_131 = arith.muli %while3A_104, %mul3A_130 : i32
      %add3A_132 = arith.constant 1 : i32
      %add3A_133 = arith.addi %mul3A_131, %add3A_132 : i32
      %add3A_134 = arith.constant 3 : i32
      %add3A_135 = arith.addi %add3A_133, %add3A_134 : i32
      %lt3A_136 = arith.cmpi slt, %add3A_135, %select_n3A : i32
      %convert_element_type3A_137 = arith.extui %lt3A_136 : i1 to i32
      %cond3A_138 = arith.constant 0 : i32
      %cond3A_139 = arith.cmpi ne, %convert_element_type3A_137, %cond3A_138 : i32
      scf.if %cond3A_139 {
        %add3A_214 = arith.constant 3 : i32
        %add3A_215 = arith.addi %add3A_133, %add3A_214 : i32
        %dma_start3A_216 = arith.constant 0 : i32
        %dma_start3A_217 = tpu.memref_slice %arg9[%add3A_215, %dma_start3A_216] : memref<120x128xi32, #tpu.memory_space<vmem>> -> memref<1x128xi32, #tpu.memory_space<vmem>>
        %dma_start3A_218 = tpu.memref_squeeze %dma_start3A_217 : memref<1x128xi32, #tpu.memory_space<vmem>> -> memref<128xi32, #tpu.memory_space<vmem>>
        %dma_start3A_219 = arith.constant 0 : i32
        %dma_start3A_220 = arith.constant 0 : i32
        %dma_start3A_221 = tpu.memref_slice %arg2[%dma_start3A_219, %dma_start3A_220] : memref<10000x64xi32, #tpu.memory_space<hbm>> -> memref<10000x64xi32, #tpu.memory_space<hbm>>
        tpu.enqueue_indirect_dma source(%dma_start3A_221 : memref<10000x64xi32, #tpu.memory_space<hbm>>) target(%arg11 : memref<128x64xi32, #tpu.memory_space<vmem>>) offsets(%dma_start3A_218 : memref<128xi32, #tpu.memory_space<vmem>>) semaphore(%arg22 : memref<!tpu.dma_semaphore, #tpu.memory_space<semaphore_mem>>)
        %dma_start3A_222 = arith.constant 0 : i32
        %dma_start3A_223 = tpu.memref_slice %arg10[%add3A_215, %dma_start3A_222] : memref<120x128xi32, #tpu.memory_space<vmem>> -> memref<1x128xi32, #tpu.memory_space<vmem>>
        %dma_start3A_224 = tpu.memref_squeeze %dma_start3A_223 : memref<1x128xi32, #tpu.memory_space<vmem>> -> memref<128xi32, #tpu.memory_space<vmem>>
        %dma_start3A_225 = arith.constant 0 : i32
        %dma_start3A_226 = arith.constant 0 : i32
        %dma_start3A_227 = tpu.memref_slice %arg3[%dma_start3A_225, %dma_start3A_226] : memref<10000x64xi32, #tpu.memory_space<hbm>> -> memref<10000x64xi32, #tpu.memory_space<hbm>>
        tpu.enqueue_indirect_dma source(%dma_start3A_227 : memref<10000x64xi32, #tpu.memory_space<hbm>>) target(%arg15 : memref<128x64xi32, #tpu.memory_space<vmem>>) offsets(%dma_start3A_224 : memref<128xi32, #tpu.memory_space<vmem>>) semaphore(%arg22 : memref<!tpu.dma_semaphore, #tpu.memory_space<semaphore_mem>>)
      } else {
      }
      %dma_wait3A_140 = arith.constant 0 : i32
      %dma_wait3A_141 = tpu.memref_slice %arg9[%add3A_133, %dma_wait3A_140] : memref<120x128xi32, #tpu.memory_space<vmem>> -> memref<1x128xi32, #tpu.memory_space<vmem>>
      %dma_wait3A_142 = tpu.memref_squeeze %dma_wait3A_141 : memref<1x128xi32, #tpu.memory_space<vmem>> -> memref<128xi32, #tpu.memory_space<vmem>>
      %dma_wait3A_143 = arith.constant 0 : i32
      %dma_wait3A_144 = arith.constant 0 : i32
      %dma_wait3A_145 = tpu.memref_slice %arg2[%dma_wait3A_143, %dma_wait3A_144] : memref<10000x64xi32, #tpu.memory_space<hbm>> -> memref<10000x64xi32, #tpu.memory_space<hbm>>
      tpu.wait_indirect_dma semaphore(%arg23 : memref<!tpu.dma_semaphore, #tpu.memory_space<semaphore_mem>>) src(%dma_wait3A_145 : memref<10000x64xi32, #tpu.memory_space<hbm>>) dst(%arg12 : memref<128x64xi32, #tpu.memory_space<vmem>>)
      %dma_wait3A_146 = arith.constant 0 : i32
      %dma_wait3A_147 = tpu.memref_slice %arg10[%add3A_133, %dma_wait3A_146] : memref<120x128xi32, #tpu.memory_space<vmem>> -> memref<1x128xi32, #tpu.memory_space<vmem>>
      %dma_wait3A_148 = tpu.memref_squeeze %dma_wait3A_147 : memref<1x128xi32, #tpu.memory_space<vmem>> -> memref<128xi32, #tpu.memory_space<vmem>>
      %dma_wait3A_149 = arith.constant 0 : i32
      %dma_wait3A_150 = arith.constant 0 : i32
      %dma_wait3A_151 = tpu.memref_slice %arg3[%dma_wait3A_149, %dma_wait3A_150] : memref<10000x64xi32, #tpu.memory_space<hbm>> -> memref<10000x64xi32, #tpu.memory_space<hbm>>
      tpu.wait_indirect_dma semaphore(%arg23 : memref<!tpu.dma_semaphore, #tpu.memory_space<semaphore_mem>>) src(%dma_wait3A_151 : memref<10000x64xi32, #tpu.memory_space<hbm>>) dst(%arg16 : memref<128x64xi32, #tpu.memory_space<vmem>>)
      %scan3A_152 = arith.constant 0 : i32
      %scan3A_153 = arith.constant 0 : i32
      %scan3A_154 = arith.constant 8 : i32
      %scan3A_155 = arith.addi %scan3A_153, %scan3A_154 : i32
      %scan3A_156 = arith.constant 1 : i32
      scf.for %scan3A_214 = %scan3A_153 to %scan3A_155 step %scan3A_156  : i32 {
        %broadcast_in_dim3A = arith.constant 0.000000e+00 : f32
        %broadcast_in_dim3A_215 = vector.broadcast %broadcast_in_dim3A : f32 to vector<16xf32>
        %scan3A_216 = arith.constant 0 : i32
        %scan3A_217 = arith.constant 4 : i32
        %scan3A_218 = arith.addi %scan3A_216, %scan3A_217 : i32
        %scan3A_219 = arith.constant 1 : i32
        %scan3A_220 = scf.for %scan3A_235 = %scan3A_216 to %scan3A_218 step %scan3A_219 iter_args(%scan3A_236 = %broadcast_in_dim3A_215) -> (vector<16xf32>)  : i32 {
          %mul3A_237 = arith.constant 4 : i32
          %mul3A_238 = arith.muli %scan3A_235, %mul3A_237 : i32
          %add3A_239 = arith.constant 0 : i32
          %add3A_240 = arith.addi %mul3A_238, %add3A_239 : i32
          %mul3A_241 = arith.constant 16 : i32
          %mul3A_242 = arith.muli %scan3A_214, %mul3A_241 : i32
          %add3A_243 = arith.addi %mul3A_242, %add3A_240 : i32
          %get3A_244 = arith.index_cast %add3A_243 : i32 to index
          %get3A_245 = arith.constant 0 : index
          %get3A_246 = tpu.vector_load %arg12[%get3A_244, %get3A_245] {strides = array<i32>} : memref<128x64xi32, #tpu.memory_space<vmem>>, vector<16xi32>,
          %bitcast3A = vector.bitcast %get3A_246 : vector<16xi32> to vector<32xbf16>
          %get3A_247 = arith.index_cast %add3A_243 : i32 to index
          %get3A_248 = arith.constant 0 : index
          %get3A_249 = tpu.vector_load %arg16[%get3A_247, %get3A_248] {strides = array<i32>} : memref<128x64xi32, #tpu.memory_space<vmem>>, vector<16xi32>,
          %bitcast3A_250 = vector.bitcast %get3A_249 : vector<16xi32> to vector<32xbf16>
          %mul3A_251 = arith.mulf %bitcast3A, %bitcast3A_250 : vector<32xbf16>
          %unpack3A = tpu.unpack_subelements %mul3A_251, 0 {pack_format = #tpu.pack_format<interleaved>} : vector<32xbf16> -> vector<16xf32>
          %unpack3A_252 = tpu.unpack_subelements %mul3A_251, 1 {pack_format = #tpu.pack_format<interleaved>} : vector<32xbf16> -> vector<16xf32>
          %mul3A_253 = arith.mulf %unpack3A, %get3A_8 : vector<16xf32>
          %mul3A_254 = arith.mulf %unpack3A_252, %get3A_16 : vector<16xf32>
          %get3A_255 = arith.index_cast %add3A_243 : i32 to index
          %get3A_256 = arith.constant 16 : index
          %get3A_257 = tpu.vector_load %arg12[%get3A_255, %get3A_256] {strides = array<i32>} : memref<128x64xi32, #tpu.memory_space<vmem>>, vector<16xi32>,
          %bitcast3A_258 = vector.bitcast %get3A_257 : vector<16xi32> to vector<32xbf16>
          %get3A_259 = arith.index_cast %add3A_243 : i32 to index
          %get3A_260 = arith.constant 16 : index
          %get3A_261 = tpu.vector_load %arg16[%get3A_259, %get3A_260] {strides = array<i32>} : memref<128x64xi32, #tpu.memory_space<vmem>>, vector<16xi32>,
          %bitcast3A_262 = vector.bitcast %get3A_261 : vector<16xi32> to vector<32xbf16>
          %mul3A_263 = arith.mulf %bitcast3A_258, %bitcast3A_262 : vector<32xbf16>
          %unpack3A_264 = tpu.unpack_subelements %mul3A_263, 0 {pack_format = #tpu.pack_format<interleaved>} : vector<32xbf16> -> vector<16xf32>
          %unpack3A_265 = tpu.unpack_subelements %mul3A_263, 1 {pack_format = #tpu.pack_format<interleaved>} : vector<32xbf16> -> vector<16xf32>
          %mul3A_266 = arith.mulf %unpack3A_264, %get3A_10 : vector<16xf32>
          %add3A_267 = arith.addf %mul3A_253, %mul3A_266 : vector<16xf32>
          %mul3A_268 = arith.mulf %unpack3A_265, %get3A_18 : vector<16xf32>
          %add3A_269 = arith.addf %mul3A_254, %mul3A_268 : vector<16xf32>
          %get3A_270 = arith.index_cast %add3A_243 : i32 to index
          %get3A_271 = arith.constant 32 : index
          %get3A_272 = tpu.vector_load %arg12[%get3A_270, %get3A_271] {strides = array<i32>} : memref<128x64xi32, #tpu.memory_space<vmem>>, vector<16xi32>,
          %bitcast3A_273 = vector.bitcast %get3A_272 : vector<16xi32> to vector<32xbf16>
          %get3A_274 = arith.index_cast %add3A_243 : i32 to index
          %get3A_275 = arith.constant 32 : index
          %get3A_276 = tpu.vector_load %arg16[%get3A_274, %get3A_275] {strides = array<i32>} : memref<128x64xi32, #tpu.memory_space<vmem>>, vector<16xi32>,
          %bitcast3A_277 = vector.bitcast %get3A_276 : vector<16xi32> to vector<32xbf16>
          %mul3A_278 = arith.mulf %bitcast3A_273, %bitcast3A_277 : vector<32xbf16>
          %unpack3A_279 = tpu.unpack_subelements %mul3A_278, 0 {pack_format = #tpu.pack_format<interleaved>} : vector<32xbf16> -> vector<16xf32>
          %unpack3A_280 = tpu.unpack_subelements %mul3A_278, 1 {pack_format = #tpu.pack_format<interleaved>} : vector<32xbf16> -> vector<16xf32>
          %mul3A_281 = arith.mulf %unpack3A_279, %get3A_12 : vector<16xf32>
          %add3A_282 = arith.addf %add3A_267, %mul3A_281 : vector<16xf32>
          %mul3A_283 = arith.mulf %unpack3A_280, %get3A_20 : vector<16xf32>
          %add3A_284 = arith.addf %add3A_269, %mul3A_283 : vector<16xf32>
          %get3A_285 = arith.index_cast %add3A_243 : i32 to index
          %get3A_286 = arith.constant 48 : index
          %get3A_287 = tpu.vector_load %arg12[%get3A_285, %get3A_286] {strides = array<i32>} : memref<128x64xi32, #tpu.memory_space<vmem>>, vector<16xi32>,
          %bitcast3A_288 = vector.bitcast %get3A_287 : vector<16xi32> to vector<32xbf16>
          %get3A_289 = arith.index_cast %add3A_243 : i32 to index
          %get3A_290 = arith.constant 48 : index
          %get3A_291 = tpu.vector_load %arg16[%get3A_289, %get3A_290] {strides = array<i32>} : memref<128x64xi32, #tpu.memory_space<vmem>>, vector<16xi32>,
          %bitcast3A_292 = vector.bitcast %get3A_291 : vector<16xi32> to vector<32xbf16>
          %mul3A_293 = arith.mulf %bitcast3A_288, %bitcast3A_292 : vector<32xbf16>
          %unpack3A_294 = tpu.unpack_subelements %mul3A_293, 0 {pack_format = #tpu.pack_format<interleaved>} : vector<32xbf16> -> vector<16xf32>
          %unpack3A_295 = tpu.unpack_subelements %mul3A_293, 1 {pack_format = #tpu.pack_format<interleaved>} : vector<32xbf16> -> vector<16xf32>
          %mul3A_296 = arith.mulf %unpack3A_294, %get3A_14 : vector<16xf32>
          %add3A_297 = arith.addf %add3A_282, %mul3A_296 : vector<16xf32>
          %mul3A_298 = arith.mulf %unpack3A_295, %get3A_22 : vector<16xf32>
          %add3A_299 = arith.addf %add3A_284, %mul3A_298 : vector<16xf32>
          %add3A_300 = arith.addf %add3A_297, %add3A_299 : vector<16xf32>
          %reduce_sum3A = arith.constant true
          %reduce_sum3A_301 = vector.broadcast %reduce_sum3A : i1 to vector<16xi1>
          %reduce_sum3A_302 = tpu.scan <sum>, %add3A_300 masked %reduce_sum3A_301 : vector<16xf32>, vector<16xi1> -> vector<16xf32>
          %reduce_sum3A_303 = vector.extract %reduce_sum3A_302[15] : f32 from vector<16xf32>
          %eq3A_304 = vector.broadcast %add3A_240 : i32 to vector<16xi32>
          %eq3A_305 = arith.cmpi eq, %iota3A, %eq3A_304 : vector<16xi32>
          %broadcast_in_dim3A_306 = vector.broadcast %reduce_sum3A_303 : f32 to vector<16xf32>
          %select_n3A_307 = arith.select %eq3A_305, %broadcast_in_dim3A_306, %scan3A_236 : vector<16xi1>, vector<16xf32>
          %mul3A_308 = arith.constant 4 : i32
          %mul3A_309 = arith.muli %scan3A_235, %mul3A_308 : i32
          %add3A_310 = arith.constant 1 : i32
          %add3A_311 = arith.addi %mul3A_309, %add3A_310 : i32
          %mul3A_312 = arith.constant 16 : i32
          %mul3A_313 = arith.muli %scan3A_214, %mul3A_312 : i32
          %add3A_314 = arith.addi %mul3A_313, %add3A_311 : i32
          %get3A_315 = arith.index_cast %add3A_314 : i32 to index
          %get3A_316 = arith.constant 0 : index
          %get3A_317 = tpu.vector_load %arg12[%get3A_315, %get3A_316] {strides = array<i32>} : memref<128x64xi32, #tpu.memory_space<vmem>>, vector<16xi32>,
          %bitcast3A_318 = vector.bitcast %get3A_317 : vector<16xi32> to vector<32xbf16>
          %get3A_319 = arith.index_cast %add3A_314 : i32 to index
          %get3A_320 = arith.constant 0 : index
          %get3A_321 = tpu.vector_load %arg16[%get3A_319, %get3A_320] {strides = array<i32>} : memref<128x64xi32, #tpu.memory_space<vmem>>, vector<16xi32>,
          %bitcast3A_322 = vector.bitcast %get3A_321 : vector<16xi32> to vector<32xbf16>
          %mul3A_323 = arith.mulf %bitcast3A_318, %bitcast3A_322 : vector<32xbf16>
          %unpack3A_324 = tpu.unpack_subelements %mul3A_323, 0 {pack_format = #tpu.pack_format<interleaved>} : vector<32xbf16> -> vector<16xf32>
          %unpack3A_325 = tpu.unpack_subelements %mul3A_323, 1 {pack_format = #tpu.pack_format<interleaved>} : vector<32xbf16> -> vector<16xf32>
          %mul3A_326 = arith.mulf %unpack3A_324, %get3A_8 : vector<16xf32>
          %mul3A_327 = arith.mulf %unpack3A_325, %get3A_16 : vector<16xf32>
          %get3A_328 = arith.index_cast %add3A_314 : i32 to index
          %get3A_329 = arith.constant 16 : index
          %get3A_330 = tpu.vector_load %arg12[%get3A_328, %get3A_329] {strides = array<i32>} : memref<128x64xi32, #tpu.memory_space<vmem>>, vector<16xi32>,
          %bitcast3A_331 = vector.bitcast %get3A_330 : vector<16xi32> to vector<32xbf16>
          %get3A_332 = arith.index_cast %add3A_314 : i32 to index
          %get3A_333 = arith.constant 16 : index
          %get3A_334 = tpu.vector_load %arg16[%get3A_332, %get3A_333] {strides = array<i32>} : memref<128x64xi32, #tpu.memory_space<vmem>>, vector<16xi32>,
          %bitcast3A_335 = vector.bitcast %get3A_334 : vector<16xi32> to vector<32xbf16>
          %mul3A_336 = arith.mulf %bitcast3A_331, %bitcast3A_335 : vector<32xbf16>
          %unpack3A_337 = tpu.unpack_subelements %mul3A_336, 0 {pack_format = #tpu.pack_format<interleaved>} : vector<32xbf16> -> vector<16xf32>
          %unpack3A_338 = tpu.unpack_subelements %mul3A_336, 1 {pack_format = #tpu.pack_format<interleaved>} : vector<32xbf16> -> vector<16xf32>
          %mul3A_339 = arith.mulf %unpack3A_337, %get3A_10 : vector<16xf32>
          %add3A_340 = arith.addf %mul3A_326, %mul3A_339 : vector<16xf32>
          %mul3A_341 = arith.mulf %unpack3A_338, %get3A_18 : vector<16xf32>
          %add3A_342 = arith.addf %mul3A_327, %mul3A_341 : vector<16xf32>
          %get3A_343 = arith.index_cast %add3A_314 : i32 to index
          %get3A_344 = arith.constant 32 : index
          %get3A_345 = tpu.vector_load %arg12[%get3A_343, %get3A_344] {strides = array<i32>} : memref<128x64xi32, #tpu.memory_space<vmem>>, vector<16xi32>,
          %bitcast3A_346 = vector.bitcast %get3A_345 : vector<16xi32> to vector<32xbf16>
          %get3A_347 = arith.index_cast %add3A_314 : i32 to index
          %get3A_348 = arith.constant 32 : index
          %get3A_349 = tpu.vector_load %arg16[%get3A_347, %get3A_348] {strides = array<i32>} : memref<128x64xi32, #tpu.memory_space<vmem>>, vector<16xi32>,
          %bitcast3A_350 = vector.bitcast %get3A_349 : vector<16xi32> to vector<32xbf16>
          %mul3A_351 = arith.mulf %bitcast3A_346, %bitcast3A_350 : vector<32xbf16>
          %unpack3A_352 = tpu.unpack_subelements %mul3A_351, 0 {pack_format = #tpu.pack_format<interleaved>} : vector<32xbf16> -> vector<16xf32>
          %unpack3A_353 = tpu.unpack_subelements %mul3A_351, 1 {pack_format = #tpu.pack_format<interleaved>} : vector<32xbf16> -> vector<16xf32>
          %mul3A_354 = arith.mulf %unpack3A_352, %get3A_12 : vector<16xf32>
          %add3A_355 = arith.addf %add3A_340, %mul3A_354 : vector<16xf32>
          %mul3A_356 = arith.mulf %unpack3A_353, %get3A_20 : vector<16xf32>
          %add3A_357 = arith.addf %add3A_342, %mul3A_356 : vector<16xf32>
          %get3A_358 = arith.index_cast %add3A_314 : i32 to index
          %get3A_359 = arith.constant 48 : index
          %get3A_360 = tpu.vector_load %arg12[%get3A_358, %get3A_359] {strides = array<i32>} : memref<128x64xi32, #tpu.memory_space<vmem>>, vector<16xi32>,
          %bitcast3A_361 = vector.bitcast %get3A_360 : vector<16xi32> to vector<32xbf16>
          %get3A_362 = arith.index_cast %add3A_314 : i32 to index
          %get3A_363 = arith.constant 48 : index
          %get3A_364 = tpu.vector_load %arg16[%get3A_362, %get3A_363] {strides = array<i32>} : memref<128x64xi32, #tpu.memory_space<vmem>>, vector<16xi32>,
          %bitcast3A_365 = vector.bitcast %get3A_364 : vector<16xi32> to vector<32xbf16>
          %mul3A_366 = arith.mulf %bitcast3A_361, %bitcast3A_365 : vector<32xbf16>
          %unpack3A_367 = tpu.unpack_subelements %mul3A_366, 0 {pack_format = #tpu.pack_format<interleaved>} : vector<32xbf16> -> vector<16xf32>
          %unpack3A_368 = tpu.unpack_subelements %mul3A_366, 1 {pack_format = #tpu.pack_format<interleaved>} : vector<32xbf16> -> vector<16xf32>
          %mul3A_369 = arith.mulf %unpack3A_367, %get3A_14 : vector<16xf32>
          %add3A_370 = arith.addf %add3A_355, %mul3A_369 : vector<16xf32>
          %mul3A_371 = arith.mulf %unpack3A_368, %get3A_22 : vector<16xf32>
          %add3A_372 = arith.addf %add3A_357, %mul3A_371 : vector<16xf32>
          %add3A_373 = arith.addf %add3A_370, %add3A_372 : vector<16xf32>
          %reduce_sum3A_374 = arith.constant true
          %reduce_sum3A_375 = vector.broadcast %reduce_sum3A_374 : i1 to vector<16xi1>
          %reduce_sum3A_376 = tpu.scan <sum>, %add3A_373 masked %reduce_sum3A_375 : vector<16xf32>, vector<16xi1> -> vector<16xf32>
          %reduce_sum3A_377 = vector.extract %reduce_sum3A_376[15] : f32 from vector<16xf32>
          %eq3A_378 = vector.broadcast %add3A_311 : i32 to vector<16xi32>
          %eq3A_379 = arith.cmpi eq, %iota3A, %eq3A_378 : vector<16xi32>
          %broadcast_in_dim3A_380 = vector.broadcast %reduce_sum3A_377 : f32 to vector<16xf32>
          %select_n3A_381 = arith.select %eq3A_379, %broadcast_in_dim3A_380, %select_n3A_307 : vector<16xi1>, vector<16xf32>
          %mul3A_382 = arith.constant 4 : i32
          %mul3A_383 = arith.muli %scan3A_235, %mul3A_382 : i32
          %add3A_384 = arith.constant 2 : i32
          %add3A_385 = arith.addi %mul3A_383, %add3A_384 : i32
          %mul3A_386 = arith.constant 16 : i32
          %mul3A_387 = arith.muli %scan3A_214, %mul3A_386 : i32
          %add3A_388 = arith.addi %mul3A_387, %add3A_385 : i32
          %get3A_389 = arith.index_cast %add3A_388 : i32 to index
          %get3A_390 = arith.constant 0 : index
          %get3A_391 = tpu.vector_load %arg12[%get3A_389, %get3A_390] {strides = array<i32>} : memref<128x64xi32, #tpu.memory_space<vmem>>, vector<16xi32>,
          %bitcast3A_392 = vector.bitcast %get3A_391 : vector<16xi32> to vector<32xbf16>
          %get3A_393 = arith.index_cast %add3A_388 : i32 to index
          %get3A_394 = arith.constant 0 : index
          %get3A_395 = tpu.vector_load %arg16[%get3A_393, %get3A_394] {strides = array<i32>} : memref<128x64xi32, #tpu.memory_space<vmem>>, vector<16xi32>,
          %bitcast3A_396 = vector.bitcast %get3A_395 : vector<16xi32> to vector<32xbf16>
          %mul3A_397 = arith.mulf %bitcast3A_392, %bitcast3A_396 : vector<32xbf16>
          %unpack3A_398 = tpu.unpack_subelements %mul3A_397, 0 {pack_format = #tpu.pack_format<interleaved>} : vector<32xbf16> -> vector<16xf32>
          %unpack3A_399 = tpu.unpack_subelements %mul3A_397, 1 {pack_format = #tpu.pack_format<interleaved>} : vector<32xbf16> -> vector<16xf32>
          %mul3A_400 = arith.mulf %unpack3A_398, %get3A_8 : vector<16xf32>
          %mul3A_401 = arith.mulf %unpack3A_399, %get3A_16 : vector<16xf32>
          %get3A_402 = arith.index_cast %add3A_388 : i32 to index
          %get3A_403 = arith.constant 16 : index
          %get3A_404 = tpu.vector_load %arg12[%get3A_402, %get3A_403] {strides = array<i32>} : memref<128x64xi32, #tpu.memory_space<vmem>>, vector<16xi32>,
          %bitcast3A_405 = vector.bitcast %get3A_404 : vector<16xi32> to vector<32xbf16>
          %get3A_406 = arith.index_cast %add3A_388 : i32 to index
          %get3A_407 = arith.constant 16 : index
          %get3A_408 = tpu.vector_load %arg16[%get3A_406, %get3A_407] {strides = array<i32>} : memref<128x64xi32, #tpu.memory_space<vmem>>, vector<16xi32>,
          %bitcast3A_409 = vector.bitcast %get3A_408 : vector<16xi32> to vector<32xbf16>
          %mul3A_410 = arith.mulf %bitcast3A_405, %bitcast3A_409 : vector<32xbf16>
          %unpack3A_411 = tpu.unpack_subelements %mul3A_410, 0 {pack_format = #tpu.pack_format<interleaved>} : vector<32xbf16> -> vector<16xf32>
          %unpack3A_412 = tpu.unpack_subelements %mul3A_410, 1 {pack_format = #tpu.pack_format<interleaved>} : vector<32xbf16> -> vector<16xf32>
          %mul3A_413 = arith.mulf %unpack3A_411, %get3A_10 : vector<16xf32>
          %add3A_414 = arith.addf %mul3A_400, %mul3A_413 : vector<16xf32>
          %mul3A_415 = arith.mulf %unpack3A_412, %get3A_18 : vector<16xf32>
          %add3A_416 = arith.addf %mul3A_401, %mul3A_415 : vector<16xf32>
          %get3A_417 = arith.index_cast %add3A_388 : i32 to index
          %get3A_418 = arith.constant 32 : index
          %get3A_419 = tpu.vector_load %arg12[%get3A_417, %get3A_418] {strides = array<i32>} : memref<128x64xi32, #tpu.memory_space<vmem>>, vector<16xi32>,
          %bitcast3A_420 = vector.bitcast %get3A_419 : vector<16xi32> to vector<32xbf16>
          %get3A_421 = arith.index_cast %add3A_388 : i32 to index
          %get3A_422 = arith.constant 32 : index
          %get3A_423 = tpu.vector_load %arg16[%get3A_421, %get3A_422] {strides = array<i32>} : memref<128x64xi32, #tpu.memory_space<vmem>>, vector<16xi32>,
          %bitcast3A_424 = vector.bitcast %get3A_423 : vector<16xi32> to vector<32xbf16>
          %mul3A_425 = arith.mulf %bitcast3A_420, %bitcast3A_424 : vector<32xbf16>
          %unpack3A_426 = tpu.unpack_subelements %mul3A_425, 0 {pack_format = #tpu.pack_format<interleaved>} : vector<32xbf16> -> vector<16xf32>
          %unpack3A_427 = tpu.unpack_subelements %mul3A_425, 1 {pack_format = #tpu.pack_format<interleaved>} : vector<32xbf16> -> vector<16xf32>
          %mul3A_428 = arith.mulf %unpack3A_426, %get3A_12 : vector<16xf32>
          %add3A_429 = arith.addf %add3A_414, %mul3A_428 : vector<16xf32>
          %mul3A_430 = arith.mulf %unpack3A_427, %get3A_20 : vector<16xf32>
          %add3A_431 = arith.addf %add3A_416, %mul3A_430 : vector<16xf32>
          %get3A_432 = arith.index_cast %add3A_388 : i32 to index
          %get3A_433 = arith.constant 48 : index
          %get3A_434 = tpu.vector_load %arg12[%get3A_432, %get3A_433] {strides = array<i32>} : memref<128x64xi32, #tpu.memory_space<vmem>>, vector<16xi32>,
          %bitcast3A_435 = vector.bitcast %get3A_434 : vector<16xi32> to vector<32xbf16>
          %get3A_436 = arith.index_cast %add3A_388 : i32 to index
          %get3A_437 = arith.constant 48 : index
          %get3A_438 = tpu.vector_load %arg16[%get3A_436, %get3A_437] {strides = array<i32>} : memref<128x64xi32, #tpu.memory_space<vmem>>, vector<16xi32>,
          %bitcast3A_439 = vector.bitcast %get3A_438 : vector<16xi32> to vector<32xbf16>
          %mul3A_440 = arith.mulf %bitcast3A_435, %bitcast3A_439 : vector<32xbf16>
          %unpack3A_441 = tpu.unpack_subelements %mul3A_440, 0 {pack_format = #tpu.pack_format<interleaved>} : vector<32xbf16> -> vector<16xf32>
          %unpack3A_442 = tpu.unpack_subelements %mul3A_440, 1 {pack_format = #tpu.pack_format<interleaved>} : vector<32xbf16> -> vector<16xf32>
          %mul3A_443 = arith.mulf %unpack3A_441, %get3A_14 : vector<16xf32>
          %add3A_444 = arith.addf %add3A_429, %mul3A_443 : vector<16xf32>
          %mul3A_445 = arith.mulf %unpack3A_442, %get3A_22 : vector<16xf32>
          %add3A_446 = arith.addf %add3A_431, %mul3A_445 : vector<16xf32>
          %add3A_447 = arith.addf %add3A_444, %add3A_446 : vector<16xf32>
          %reduce_sum3A_448 = arith.constant true
          %reduce_sum3A_449 = vector.broadcast %reduce_sum3A_448 : i1 to vector<16xi1>
          %reduce_sum3A_450 = tpu.scan <sum>, %add3A_447 masked %reduce_sum3A_449 : vector<16xf32>, vector<16xi1> -> vector<16xf32>
          %reduce_sum3A_451 = vector.extract %reduce_sum3A_450[15] : f32 from vector<16xf32>
          %eq3A_452 = vector.broadcast %add3A_385 : i32 to vector<16xi32>
          %eq3A_453 = arith.cmpi eq, %iota3A, %eq3A_452 : vector<16xi32>
          %broadcast_in_dim3A_454 = vector.broadcast %reduce_sum3A_451 : f32 to vector<16xf32>
          %select_n3A_455 = arith.select %eq3A_453, %broadcast_in_dim3A_454, %select_n3A_381 : vector<16xi1>, vector<16xf32>
          %mul3A_456 = arith.constant 4 : i32
          %mul3A_457 = arith.muli %scan3A_235, %mul3A_456 : i32
          %add3A_458 = arith.constant 3 : i32
          %add3A_459 = arith.addi %mul3A_457, %add3A_458 : i32
          %mul3A_460 = arith.constant 16 : i32
          %mul3A_461 = arith.muli %scan3A_214, %mul3A_460 : i32
          %add3A_462 = arith.addi %mul3A_461, %add3A_459 : i32
          %get3A_463 = arith.index_cast %add3A_462 : i32 to index
          %get3A_464 = arith.constant 0 : index
          %get3A_465 = tpu.vector_load %arg12[%get3A_463, %get3A_464] {strides = array<i32>} : memref<128x64xi32, #tpu.memory_space<vmem>>, vector<16xi32>,
          %bitcast3A_466 = vector.bitcast %get3A_465 : vector<16xi32> to vector<32xbf16>
          %get3A_467 = arith.index_cast %add3A_462 : i32 to index
          %get3A_468 = arith.constant 0 : index
          %get3A_469 = tpu.vector_load %arg16[%get3A_467, %get3A_468] {strides = array<i32>} : memref<128x64xi32, #tpu.memory_space<vmem>>, vector<16xi32>,
          %bitcast3A_470 = vector.bitcast %get3A_469 : vector<16xi32> to vector<32xbf16>
          %mul3A_471 = arith.mulf %bitcast3A_466, %bitcast3A_470 : vector<32xbf16>
          %unpack3A_472 = tpu.unpack_subelements %mul3A_471, 0 {pack_format = #tpu.pack_format<interleaved>} : vector<32xbf16> -> vector<16xf32>
          %unpack3A_473 = tpu.unpack_subelements %mul3A_471, 1 {pack_format = #tpu.pack_format<interleaved>} : vector<32xbf16> -> vector<16xf32>
          %mul3A_474 = arith.mulf %unpack3A_472, %get3A_8 : vector<16xf32>
          %mul3A_475 = arith.mulf %unpack3A_473, %get3A_16 : vector<16xf32>
          %get3A_476 = arith.index_cast %add3A_462 : i32 to index
          %get3A_477 = arith.constant 16 : index
          %get3A_478 = tpu.vector_load %arg12[%get3A_476, %get3A_477] {strides = array<i32>} : memref<128x64xi32, #tpu.memory_space<vmem>>, vector<16xi32>,
          %bitcast3A_479 = vector.bitcast %get3A_478 : vector<16xi32> to vector<32xbf16>
          %get3A_480 = arith.index_cast %add3A_462 : i32 to index
          %get3A_481 = arith.constant 16 : index
          %get3A_482 = tpu.vector_load %arg16[%get3A_480, %get3A_481] {strides = array<i32>} : memref<128x64xi32, #tpu.memory_space<vmem>>, vector<16xi32>,
          %bitcast3A_483 = vector.bitcast %get3A_482 : vector<16xi32> to vector<32xbf16>
          %mul3A_484 = arith.mulf %bitcast3A_479, %bitcast3A_483 : vector<32xbf16>
          %unpack3A_485 = tpu.unpack_subelements %mul3A_484, 0 {pack_format = #tpu.pack_format<interleaved>} : vector<32xbf16> -> vector<16xf32>
          %unpack3A_486 = tpu.unpack_subelements %mul3A_484, 1 {pack_format = #tpu.pack_format<interleaved>} : vector<32xbf16> -> vector<16xf32>
          %mul3A_487 = arith.mulf %unpack3A_485, %get3A_10 : vector<16xf32>
          %add3A_488 = arith.addf %mul3A_474, %mul3A_487 : vector<16xf32>
          %mul3A_489 = arith.mulf %unpack3A_486, %get3A_18 : vector<16xf32>
          %add3A_490 = arith.addf %mul3A_475, %mul3A_489 : vector<16xf32>
          %get3A_491 = arith.index_cast %add3A_462 : i32 to index
          %get3A_492 = arith.constant 32 : index
          %get3A_493 = tpu.vector_load %arg12[%get3A_491, %get3A_492] {strides = array<i32>} : memref<128x64xi32, #tpu.memory_space<vmem>>, vector<16xi32>,
          %bitcast3A_494 = vector.bitcast %get3A_493 : vector<16xi32> to vector<32xbf16>
          %get3A_495 = arith.index_cast %add3A_462 : i32 to index
          %get3A_496 = arith.constant 32 : index
          %get3A_497 = tpu.vector_load %arg16[%get3A_495, %get3A_496] {strides = array<i32>} : memref<128x64xi32, #tpu.memory_space<vmem>>, vector<16xi32>,
          %bitcast3A_498 = vector.bitcast %get3A_497 : vector<16xi32> to vector<32xbf16>
          %mul3A_499 = arith.mulf %bitcast3A_494, %bitcast3A_498 : vector<32xbf16>
          %unpack3A_500 = tpu.unpack_subelements %mul3A_499, 0 {pack_format = #tpu.pack_format<interleaved>} : vector<32xbf16> -> vector<16xf32>
          %unpack3A_501 = tpu.unpack_subelements %mul3A_499, 1 {pack_format = #tpu.pack_format<interleaved>} : vector<32xbf16> -> vector<16xf32>
          %mul3A_502 = arith.mulf %unpack3A_500, %get3A_12 : vector<16xf32>
          %add3A_503 = arith.addf %add3A_488, %mul3A_502 : vector<16xf32>
          %mul3A_504 = arith.mulf %unpack3A_501, %get3A_20 : vector<16xf32>
          %add3A_505 = arith.addf %add3A_490, %mul3A_504 : vector<16xf32>
          %get3A_506 = arith.index_cast %add3A_462 : i32 to index
          %get3A_507 = arith.constant 48 : index
          %get3A_508 = tpu.vector_load %arg12[%get3A_506, %get3A_507] {strides = array<i32>} : memref<128x64xi32, #tpu.memory_space<vmem>>, vector<16xi32>,
          %bitcast3A_509 = vector.bitcast %get3A_508 : vector<16xi32> to vector<32xbf16>
          %get3A_510 = arith.index_cast %add3A_462 : i32 to index
          %get3A_511 = arith.constant 48 : index
          %get3A_512 = tpu.vector_load %arg16[%get3A_510, %get3A_511] {strides = array<i32>} : memref<128x64xi32, #tpu.memory_space<vmem>>, vector<16xi32>,
          %bitcast3A_513 = vector.bitcast %get3A_512 : vector<16xi32> to vector<32xbf16>
          %mul3A_514 = arith.mulf %bitcast3A_509, %bitcast3A_513 : vector<32xbf16>
          %unpack3A_515 = tpu.unpack_subelements %mul3A_514, 0 {pack_format = #tpu.pack_format<interleaved>} : vector<32xbf16> -> vector<16xf32>
          %unpack3A_516 = tpu.unpack_subelements %mul3A_514, 1 {pack_format = #tpu.pack_format<interleaved>} : vector<32xbf16> -> vector<16xf32>
          %mul3A_517 = arith.mulf %unpack3A_515, %get3A_14 : vector<16xf32>
          %add3A_518 = arith.addf %add3A_503, %mul3A_517 : vector<16xf32>
          %mul3A_519 = arith.mulf %unpack3A_516, %get3A_22 : vector<16xf32>
          %add3A_520 = arith.addf %add3A_505, %mul3A_519 : vector<16xf32>
          %add3A_521 = arith.addf %add3A_518, %add3A_520 : vector<16xf32>
          %reduce_sum3A_522 = arith.constant true
          %reduce_sum3A_523 = vector.broadcast %reduce_sum3A_522 : i1 to vector<16xi1>
          %reduce_sum3A_524 = tpu.scan <sum>, %add3A_521 masked %reduce_sum3A_523 : vector<16xf32>, vector<16xi1> -> vector<16xf32>
          %reduce_sum3A_525 = vector.extract %reduce_sum3A_524[15] : f32 from vector<16xf32>
          %eq3A_526 = vector.broadcast %add3A_459 : i32 to vector<16xi32>
          %eq3A_527 = arith.cmpi eq, %iota3A, %eq3A_526 : vector<16xi32>
          %broadcast_in_dim3A_528 = vector.broadcast %reduce_sum3A_525 : f32 to vector<16xf32>
          %select_n3A_529 = arith.select %eq3A_527, %broadcast_in_dim3A_528, %select_n3A_455 : vector<16xi1>, vector<16xf32>
          scf.yield %select_n3A_529 : vector<16xf32>
        }
        %scan3A_221 = arith.constant 4 : i32
        %add3A_222 = arith.addf %scan3A_220, %get3A_6 : vector<16xf32>
        %neg3A = arith.constant 0.000000e+00 : f32
        %neg3A_223 = vector.broadcast %neg3A : f32 to vector<16xf32>
        %neg3A_224 = arith.subf %neg3A_223, %add3A_222 : vector<16xf32>
        %exp3A = math.exp %neg3A_224 : vector<16xf32>
        %add3A_225 = arith.constant 1.000000e+00 : f32
        %add3A_226 = vector.broadcast %add3A_225 : f32 to vector<16xf32>
        %add3A_227 = arith.addf %add3A_226, %exp3A : vector<16xf32>
        %div3A_228 = arith.constant 1.000000e+00 : f32
        %div3A_229 = vector.broadcast %div3A_228 : f32 to vector<16xf32>
        %div3A_230 = arith.divf %div3A_229, %add3A_227 : vector<16xf32>
        %mul3A_231 = arith.constant 16 : i32
        %mul3A_232 = arith.muli %scan3A_214, %mul3A_231 : i32
        %swap3A = arith.index_cast %add3A_133 : i32 to index
        %swap3A_233 = arith.index_cast %mul3A_232 : i32 to index
        %swap3A_234 = tpu.vector_load %arg19[%swap3A, %swap3A_233] {strides = array<i32>} : memref<120x128xf32, #tpu.memory_space<vmem>>, vector<16xf32>,
        tpu.vector_store %arg19[%swap3A, %swap3A_233], %div3A_230 {strides = array<i32>} : memref<120x128xf32, #tpu.memory_space<vmem>>, vector<16xf32>,
      }
      %scan3A_157 = arith.constant 8 : i32
      %mul3A_158 = arith.constant 4 : i32
      %mul3A_159 = arith.muli %while3A_104, %mul3A_158 : i32
      %add3A_160 = arith.constant 2 : i32
      %add3A_161 = arith.addi %mul3A_159, %add3A_160 : i32
      %add3A_162 = arith.constant 3 : i32
      %add3A_163 = arith.addi %add3A_161, %add3A_162 : i32
      %lt3A_164 = arith.cmpi slt, %add3A_163, %select_n3A : i32
      %convert_element_type3A_165 = arith.extui %lt3A_164 : i1 to i32
      %cond3A_166 = arith.constant 0 : i32
      %cond3A_167 = arith.cmpi ne, %convert_element_type3A_165, %cond3A_166 : i32
      scf.if %cond3A_167 {
        %add3A_214 = arith.constant 3 : i32
        %add3A_215 = arith.addi %add3A_161, %add3A_214 : i32
        %dma_start3A_216 = arith.constant 0 : i32
        %dma_start3A_217 = tpu.memref_slice %arg9[%add3A_215, %dma_start3A_216] : memref<120x128xi32, #tpu.memory_space<vmem>> -> memref<1x128xi32, #tpu.memory_space<vmem>>
        %dma_start3A_218 = tpu.memref_squeeze %dma_start3A_217 : memref<1x128xi32, #tpu.memory_space<vmem>> -> memref<128xi32, #tpu.memory_space<vmem>>
        %dma_start3A_219 = arith.constant 0 : i32
        %dma_start3A_220 = arith.constant 0 : i32
        %dma_start3A_221 = tpu.memref_slice %arg2[%dma_start3A_219, %dma_start3A_220] : memref<10000x64xi32, #tpu.memory_space<hbm>> -> memref<10000x64xi32, #tpu.memory_space<hbm>>
        tpu.enqueue_indirect_dma source(%dma_start3A_221 : memref<10000x64xi32, #tpu.memory_space<hbm>>) target(%arg12 : memref<128x64xi32, #tpu.memory_space<vmem>>) offsets(%dma_start3A_218 : memref<128xi32, #tpu.memory_space<vmem>>) semaphore(%arg23 : memref<!tpu.dma_semaphore, #tpu.memory_space<semaphore_mem>>)
        %dma_start3A_222 = arith.constant 0 : i32
        %dma_start3A_223 = tpu.memref_slice %arg10[%add3A_215, %dma_start3A_222] : memref<120x128xi32, #tpu.memory_space<vmem>> -> memref<1x128xi32, #tpu.memory_space<vmem>>
        %dma_start3A_224 = tpu.memref_squeeze %dma_start3A_223 : memref<1x128xi32, #tpu.memory_space<vmem>> -> memref<128xi32, #tpu.memory_space<vmem>>
        %dma_start3A_225 = arith.constant 0 : i32
        %dma_start3A_226 = arith.constant 0 : i32
        %dma_start3A_227 = tpu.memref_slice %arg3[%dma_start3A_225, %dma_start3A_226] : memref<10000x64xi32, #tpu.memory_space<hbm>> -> memref<10000x64xi32, #tpu.memory_space<hbm>>
        tpu.enqueue_indirect_dma source(%dma_start3A_227 : memref<10000x64xi32, #tpu.memory_space<hbm>>) target(%arg16 : memref<128x64xi32, #tpu.memory_space<vmem>>) offsets(%dma_start3A_224 : memref<128xi32, #tpu.memory_space<vmem>>) semaphore(%arg23 : memref<!tpu.dma_semaphore, #tpu.memory_space<semaphore_mem>>)
      } else {
      }
      %dma_wait3A_168 = arith.constant 0 : i32
      %dma_wait3A_169 = tpu.memref_slice %arg9[%add3A_161, %dma_wait3A_168] : memref<120x128xi32, #tpu.memory_space<vmem>> -> memref<1x128xi32, #tpu.memory_space<vmem>>
      %dma_wait3A_170 = tpu.memref_squeeze %dma_wait3A_169 : memref<1x128xi32, #tpu.memory_space<vmem>> -> memref<128xi32, #tpu.memory_space<vmem>>
      %dma_wait3A_171 = arith.constant 0 : i32
      %dma_wait3A_172 = arith.constant 0 : i32
      %dma_wait3A_173 = tpu.memref_slice %arg2[%dma_wait3A_171, %dma_wait3A_172] : memref<10000x64xi32, #tpu.memory_space<hbm>> -> memref<10000x64xi32, #tpu.memory_space<hbm>>
      tpu.wait_indirect_dma semaphore(%arg24 : memref<!tpu.dma_semaphore, #tpu.memory_space<semaphore_mem>>) src(%dma_wait3A_173 : memref<10000x64xi32, #tpu.memory_space<hbm>>) dst(%arg13 : memref<128x64xi32, #tpu.memory_space<vmem>>)
      %dma_wait3A_174 = arith.constant 0 : i32
      %dma_wait3A_175 = tpu.memref_slice %arg10[%add3A_161, %dma_wait3A_174] : memref<120x128xi32, #tpu.memory_space<vmem>> -> memref<1x128xi32, #tpu.memory_space<vmem>>
      %dma_wait3A_176 = tpu.memref_squeeze %dma_wait3A_175 : memref<1x128xi32, #tpu.memory_space<vmem>> -> memref<128xi32, #tpu.memory_space<vmem>>
      %dma_wait3A_177 = arith.constant 0 : i32
      %dma_wait3A_178 = arith.constant 0 : i32
      %dma_wait3A_179 = tpu.memref_slice %arg3[%dma_wait3A_177, %dma_wait3A_178] : memref<10000x64xi32, #tpu.memory_space<hbm>> -> memref<10000x64xi32, #tpu.memory_space<hbm>>
      tpu.wait_indirect_dma semaphore(%arg24 : memref<!tpu.dma_semaphore, #tpu.memory_space<semaphore_mem>>) src(%dma_wait3A_179 : memref<10000x64xi32, #tpu.memory_space<hbm>>) dst(%arg17 : memref<128x64xi32, #tpu.memory_space<vmem>>)
      %scan3A_180 = arith.constant 0 : i32
      %scan3A_181 = arith.constant 0 : i32
      %scan3A_182 = arith.constant 8 : i32
      %scan3A_183 = arith.addi %scan3A_181, %scan3A_182 : i32
      %scan3A_184 = arith.constant 1 : i32
      scf.for %scan3A_214 = %scan3A_181 to %scan3A_183 step %scan3A_184  : i32 {
        %broadcast_in_dim3A = arith.constant 0.000000e+00 : f32
        %broadcast_in_dim3A_215 = vector.broadcast %broadcast_in_dim3A : f32 to vector<16xf32>
        %scan3A_216 = arith.constant 0 : i32
        %scan3A_217 = arith.constant 4 : i32
        %scan3A_218 = arith.addi %scan3A_216, %scan3A_217 : i32
        %scan3A_219 = arith.constant 1 : i32
        %scan3A_220 = scf.for %scan3A_235 = %scan3A_216 to %scan3A_218 step %scan3A_219 iter_args(%scan3A_236 = %broadcast_in_dim3A_215) -> (vector<16xf32>)  : i32 {
          %mul3A_237 = arith.constant 4 : i32
          %mul3A_238 = arith.muli %scan3A_235, %mul3A_237 : i32
          %add3A_239 = arith.constant 0 : i32
          %add3A_240 = arith.addi %mul3A_238, %add3A_239 : i32
          %mul3A_241 = arith.constant 16 : i32
          %mul3A_242 = arith.muli %scan3A_214, %mul3A_241 : i32
          %add3A_243 = arith.addi %mul3A_242, %add3A_240 : i32
          %get3A_244 = arith.index_cast %add3A_243 : i32 to index
          %get3A_245 = arith.constant 0 : index
          %get3A_246 = tpu.vector_load %arg13[%get3A_244, %get3A_245] {strides = array<i32>} : memref<128x64xi32, #tpu.memory_space<vmem>>, vector<16xi32>,
          %bitcast3A = vector.bitcast %get3A_246 : vector<16xi32> to vector<32xbf16>
          %get3A_247 = arith.index_cast %add3A_243 : i32 to index
          %get3A_248 = arith.constant 0 : index
          %get3A_249 = tpu.vector_load %arg17[%get3A_247, %get3A_248] {strides = array<i32>} : memref<128x64xi32, #tpu.memory_space<vmem>>, vector<16xi32>,
          %bitcast3A_250 = vector.bitcast %get3A_249 : vector<16xi32> to vector<32xbf16>
          %mul3A_251 = arith.mulf %bitcast3A, %bitcast3A_250 : vector<32xbf16>
          %unpack3A = tpu.unpack_subelements %mul3A_251, 0 {pack_format = #tpu.pack_format<interleaved>} : vector<32xbf16> -> vector<16xf32>
          %unpack3A_252 = tpu.unpack_subelements %mul3A_251, 1 {pack_format = #tpu.pack_format<interleaved>} : vector<32xbf16> -> vector<16xf32>
          %mul3A_253 = arith.mulf %unpack3A, %get3A_8 : vector<16xf32>
          %mul3A_254 = arith.mulf %unpack3A_252, %get3A_16 : vector<16xf32>
          %get3A_255 = arith.index_cast %add3A_243 : i32 to index
          %get3A_256 = arith.constant 16 : index
          %get3A_257 = tpu.vector_load %arg13[%get3A_255, %get3A_256] {strides = array<i32>} : memref<128x64xi32, #tpu.memory_space<vmem>>, vector<16xi32>,
          %bitcast3A_258 = vector.bitcast %get3A_257 : vector<16xi32> to vector<32xbf16>
          %get3A_259 = arith.index_cast %add3A_243 : i32 to index
          %get3A_260 = arith.constant 16 : index
          %get3A_261 = tpu.vector_load %arg17[%get3A_259, %get3A_260] {strides = array<i32>} : memref<128x64xi32, #tpu.memory_space<vmem>>, vector<16xi32>,
          %bitcast3A_262 = vector.bitcast %get3A_261 : vector<16xi32> to vector<32xbf16>
          %mul3A_263 = arith.mulf %bitcast3A_258, %bitcast3A_262 : vector<32xbf16>
          %unpack3A_264 = tpu.unpack_subelements %mul3A_263, 0 {pack_format = #tpu.pack_format<interleaved>} : vector<32xbf16> -> vector<16xf32>
          %unpack3A_265 = tpu.unpack_subelements %mul3A_263, 1 {pack_format = #tpu.pack_format<interleaved>} : vector<32xbf16> -> vector<16xf32>
          %mul3A_266 = arith.mulf %unpack3A_264, %get3A_10 : vector<16xf32>
          %add3A_267 = arith.addf %mul3A_253, %mul3A_266 : vector<16xf32>
          %mul3A_268 = arith.mulf %unpack3A_265, %get3A_18 : vector<16xf32>
          %add3A_269 = arith.addf %mul3A_254, %mul3A_268 : vector<16xf32>
          %get3A_270 = arith.index_cast %add3A_243 : i32 to index
          %get3A_271 = arith.constant 32 : index
          %get3A_272 = tpu.vector_load %arg13[%get3A_270, %get3A_271] {strides = array<i32>} : memref<128x64xi32, #tpu.memory_space<vmem>>, vector<16xi32>,
          %bitcast3A_273 = vector.bitcast %get3A_272 : vector<16xi32> to vector<32xbf16>
          %get3A_274 = arith.index_cast %add3A_243 : i32 to index
          %get3A_275 = arith.constant 32 : index
          %get3A_276 = tpu.vector_load %arg17[%get3A_274, %get3A_275] {strides = array<i32>} : memref<128x64xi32, #tpu.memory_space<vmem>>, vector<16xi32>,
          %bitcast3A_277 = vector.bitcast %get3A_276 : vector<16xi32> to vector<32xbf16>
          %mul3A_278 = arith.mulf %bitcast3A_273, %bitcast3A_277 : vector<32xbf16>
          %unpack3A_279 = tpu.unpack_subelements %mul3A_278, 0 {pack_format = #tpu.pack_format<interleaved>} : vector<32xbf16> -> vector<16xf32>
          %unpack3A_280 = tpu.unpack_subelements %mul3A_278, 1 {pack_format = #tpu.pack_format<interleaved>} : vector<32xbf16> -> vector<16xf32>
          %mul3A_281 = arith.mulf %unpack3A_279, %get3A_12 : vector<16xf32>
          %add3A_282 = arith.addf %add3A_267, %mul3A_281 : vector<16xf32>
          %mul3A_283 = arith.mulf %unpack3A_280, %get3A_20 : vector<16xf32>
          %add3A_284 = arith.addf %add3A_269, %mul3A_283 : vector<16xf32>
          %get3A_285 = arith.index_cast %add3A_243 : i32 to index
          %get3A_286 = arith.constant 48 : index
          %get3A_287 = tpu.vector_load %arg13[%get3A_285, %get3A_286] {strides = array<i32>} : memref<128x64xi32, #tpu.memory_space<vmem>>, vector<16xi32>,
          %bitcast3A_288 = vector.bitcast %get3A_287 : vector<16xi32> to vector<32xbf16>
          %get3A_289 = arith.index_cast %add3A_243 : i32 to index
          %get3A_290 = arith.constant 48 : index
          %get3A_291 = tpu.vector_load %arg17[%get3A_289, %get3A_290] {strides = array<i32>} : memref<128x64xi32, #tpu.memory_space<vmem>>, vector<16xi32>,
          %bitcast3A_292 = vector.bitcast %get3A_291 : vector<16xi32> to vector<32xbf16>
          %mul3A_293 = arith.mulf %bitcast3A_288, %bitcast3A_292 : vector<32xbf16>
          %unpack3A_294 = tpu.unpack_subelements %mul3A_293, 0 {pack_format = #tpu.pack_format<interleaved>} : vector<32xbf16> -> vector<16xf32>
          %unpack3A_295 = tpu.unpack_subelements %mul3A_293, 1 {pack_format = #tpu.pack_format<interleaved>} : vector<32xbf16> -> vector<16xf32>
          %mul3A_296 = arith.mulf %unpack3A_294, %get3A_14 : vector<16xf32>
          %add3A_297 = arith.addf %add3A_282, %mul3A_296 : vector<16xf32>
          %mul3A_298 = arith.mulf %unpack3A_295, %get3A_22 : vector<16xf32>
          %add3A_299 = arith.addf %add3A_284, %mul3A_298 : vector<16xf32>
          %add3A_300 = arith.addf %add3A_297, %add3A_299 : vector<16xf32>
          %reduce_sum3A = arith.constant true
          %reduce_sum3A_301 = vector.broadcast %reduce_sum3A : i1 to vector<16xi1>
          %reduce_sum3A_302 = tpu.scan <sum>, %add3A_300 masked %reduce_sum3A_301 : vector<16xf32>, vector<16xi1> -> vector<16xf32>
          %reduce_sum3A_303 = vector.extract %reduce_sum3A_302[15] : f32 from vector<16xf32>
          %eq3A_304 = vector.broadcast %add3A_240 : i32 to vector<16xi32>
          %eq3A_305 = arith.cmpi eq, %iota3A, %eq3A_304 : vector<16xi32>
          %broadcast_in_dim3A_306 = vector.broadcast %reduce_sum3A_303 : f32 to vector<16xf32>
          %select_n3A_307 = arith.select %eq3A_305, %broadcast_in_dim3A_306, %scan3A_236 : vector<16xi1>, vector<16xf32>
          %mul3A_308 = arith.constant 4 : i32
          %mul3A_309 = arith.muli %scan3A_235, %mul3A_308 : i32
          %add3A_310 = arith.constant 1 : i32
          %add3A_311 = arith.addi %mul3A_309, %add3A_310 : i32
          %mul3A_312 = arith.constant 16 : i32
          %mul3A_313 = arith.muli %scan3A_214, %mul3A_312 : i32
          %add3A_314 = arith.addi %mul3A_313, %add3A_311 : i32
          %get3A_315 = arith.index_cast %add3A_314 : i32 to index
          %get3A_316 = arith.constant 0 : index
          %get3A_317 = tpu.vector_load %arg13[%get3A_315, %get3A_316] {strides = array<i32>} : memref<128x64xi32, #tpu.memory_space<vmem>>, vector<16xi32>,
          %bitcast3A_318 = vector.bitcast %get3A_317 : vector<16xi32> to vector<32xbf16>
          %get3A_319 = arith.index_cast %add3A_314 : i32 to index
          %get3A_320 = arith.constant 0 : index
          %get3A_321 = tpu.vector_load %arg17[%get3A_319, %get3A_320] {strides = array<i32>} : memref<128x64xi32, #tpu.memory_space<vmem>>, vector<16xi32>,
          %bitcast3A_322 = vector.bitcast %get3A_321 : vector<16xi32> to vector<32xbf16>
          %mul3A_323 = arith.mulf %bitcast3A_318, %bitcast3A_322 : vector<32xbf16>
          %unpack3A_324 = tpu.unpack_subelements %mul3A_323, 0 {pack_format = #tpu.pack_format<interleaved>} : vector<32xbf16> -> vector<16xf32>
          %unpack3A_325 = tpu.unpack_subelements %mul3A_323, 1 {pack_format = #tpu.pack_format<interleaved>} : vector<32xbf16> -> vector<16xf32>
          %mul3A_326 = arith.mulf %unpack3A_324, %get3A_8 : vector<16xf32>
          %mul3A_327 = arith.mulf %unpack3A_325, %get3A_16 : vector<16xf32>
          %get3A_328 = arith.index_cast %add3A_314 : i32 to index
          %get3A_329 = arith.constant 16 : index
          %get3A_330 = tpu.vector_load %arg13[%get3A_328, %get3A_329] {strides = array<i32>} : memref<128x64xi32, #tpu.memory_space<vmem>>, vector<16xi32>,
          %bitcast3A_331 = vector.bitcast %get3A_330 : vector<16xi32> to vector<32xbf16>
          %get3A_332 = arith.index_cast %add3A_314 : i32 to index
          %get3A_333 = arith.constant 16 : index
          %get3A_334 = tpu.vector_load %arg17[%get3A_332, %get3A_333] {strides = array<i32>} : memref<128x64xi32, #tpu.memory_space<vmem>>, vector<16xi32>,
          %bitcast3A_335 = vector.bitcast %get3A_334 : vector<16xi32> to vector<32xbf16>
          %mul3A_336 = arith.mulf %bitcast3A_331, %bitcast3A_335 : vector<32xbf16>
          %unpack3A_337 = tpu.unpack_subelements %mul3A_336, 0 {pack_format = #tpu.pack_format<interleaved>} : vector<32xbf16> -> vector<16xf32>
          %unpack3A_338 = tpu.unpack_subelements %mul3A_336, 1 {pack_format = #tpu.pack_format<interleaved>} : vector<32xbf16> -> vector<16xf32>
          %mul3A_339 = arith.mulf %unpack3A_337, %get3A_10 : vector<16xf32>
          %add3A_340 = arith.addf %mul3A_326, %mul3A_339 : vector<16xf32>
          %mul3A_341 = arith.mulf %unpack3A_338, %get3A_18 : vector<16xf32>
          %add3A_342 = arith.addf %mul3A_327, %mul3A_341 : vector<16xf32>
          %get3A_343 = arith.index_cast %add3A_314 : i32 to index
          %get3A_344 = arith.constant 32 : index
          %get3A_345 = tpu.vector_load %arg13[%get3A_343, %get3A_344] {strides = array<i32>} : memref<128x64xi32, #tpu.memory_space<vmem>>, vector<16xi32>,
          %bitcast3A_346 = vector.bitcast %get3A_345 : vector<16xi32> to vector<32xbf16>
          %get3A_347 = arith.index_cast %add3A_314 : i32 to index
          %get3A_348 = arith.constant 32 : index
          %get3A_349 = tpu.vector_load %arg17[%get3A_347, %get3A_348] {strides = array<i32>} : memref<128x64xi32, #tpu.memory_space<vmem>>, vector<16xi32>,
          %bitcast3A_350 = vector.bitcast %get3A_349 : vector<16xi32> to vector<32xbf16>
          %mul3A_351 = arith.mulf %bitcast3A_346, %bitcast3A_350 : vector<32xbf16>
          %unpack3A_352 = tpu.unpack_subelements %mul3A_351, 0 {pack_format = #tpu.pack_format<interleaved>} : vector<32xbf16> -> vector<16xf32>
          %unpack3A_353 = tpu.unpack_subelements %mul3A_351, 1 {pack_format = #tpu.pack_format<interleaved>} : vector<32xbf16> -> vector<16xf32>
          %mul3A_354 = arith.mulf %unpack3A_352, %get3A_12 : vector<16xf32>
          %add3A_355 = arith.addf %add3A_340, %mul3A_354 : vector<16xf32>
          %mul3A_356 = arith.mulf %unpack3A_353, %get3A_20 : vector<16xf32>
          %add3A_357 = arith.addf %add3A_342, %mul3A_356 : vector<16xf32>
          %get3A_358 = arith.index_cast %add3A_314 : i32 to index
          %get3A_359 = arith.constant 48 : index
          %get3A_360 = tpu.vector_load %arg13[%get3A_358, %get3A_359] {strides = array<i32>} : memref<128x64xi32, #tpu.memory_space<vmem>>, vector<16xi32>,
          %bitcast3A_361 = vector.bitcast %get3A_360 : vector<16xi32> to vector<32xbf16>
          %get3A_362 = arith.index_cast %add3A_314 : i32 to index
          %get3A_363 = arith.constant 48 : index
          %get3A_364 = tpu.vector_load %arg17[%get3A_362, %get3A_363] {strides = array<i32>} : memref<128x64xi32, #tpu.memory_space<vmem>>, vector<16xi32>,
          %bitcast3A_365 = vector.bitcast %get3A_364 : vector<16xi32> to vector<32xbf16>
          %mul3A_366 = arith.mulf %bitcast3A_361, %bitcast3A_365 : vector<32xbf16>
          %unpack3A_367 = tpu.unpack_subelements %mul3A_366, 0 {pack_format = #tpu.pack_format<interleaved>} : vector<32xbf16> -> vector<16xf32>
          %unpack3A_368 = tpu.unpack_subelements %mul3A_366, 1 {pack_format = #tpu.pack_format<interleaved>} : vector<32xbf16> -> vector<16xf32>
          %mul3A_369 = arith.mulf %unpack3A_367, %get3A_14 : vector<16xf32>
          %add3A_370 = arith.addf %add3A_355, %mul3A_369 : vector<16xf32>
          %mul3A_371 = arith.mulf %unpack3A_368, %get3A_22 : vector<16xf32>
          %add3A_372 = arith.addf %add3A_357, %mul3A_371 : vector<16xf32>
          %add3A_373 = arith.addf %add3A_370, %add3A_372 : vector<16xf32>
          %reduce_sum3A_374 = arith.constant true
          %reduce_sum3A_375 = vector.broadcast %reduce_sum3A_374 : i1 to vector<16xi1>
          %reduce_sum3A_376 = tpu.scan <sum>, %add3A_373 masked %reduce_sum3A_375 : vector<16xf32>, vector<16xi1> -> vector<16xf32>
          %reduce_sum3A_377 = vector.extract %reduce_sum3A_376[15] : f32 from vector<16xf32>
          %eq3A_378 = vector.broadcast %add3A_311 : i32 to vector<16xi32>
          %eq3A_379 = arith.cmpi eq, %iota3A, %eq3A_378 : vector<16xi32>
          %broadcast_in_dim3A_380 = vector.broadcast %reduce_sum3A_377 : f32 to vector<16xf32>
          %select_n3A_381 = arith.select %eq3A_379, %broadcast_in_dim3A_380, %select_n3A_307 : vector<16xi1>, vector<16xf32>
          %mul3A_382 = arith.constant 4 : i32
          %mul3A_383 = arith.muli %scan3A_235, %mul3A_382 : i32
          %add3A_384 = arith.constant 2 : i32
          %add3A_385 = arith.addi %mul3A_383, %add3A_384 : i32
          %mul3A_386 = arith.constant 16 : i32
          %mul3A_387 = arith.muli %scan3A_214, %mul3A_386 : i32
          %add3A_388 = arith.addi %mul3A_387, %add3A_385 : i32
          %get3A_389 = arith.index_cast %add3A_388 : i32 to index
          %get3A_390 = arith.constant 0 : index
          %get3A_391 = tpu.vector_load %arg13[%get3A_389, %get3A_390] {strides = array<i32>} : memref<128x64xi32, #tpu.memory_space<vmem>>, vector<16xi32>,
          %bitcast3A_392 = vector.bitcast %get3A_391 : vector<16xi32> to vector<32xbf16>
          %get3A_393 = arith.index_cast %add3A_388 : i32 to index
          %get3A_394 = arith.constant 0 : index
          %get3A_395 = tpu.vector_load %arg17[%get3A_393, %get3A_394] {strides = array<i32>} : memref<128x64xi32, #tpu.memory_space<vmem>>, vector<16xi32>,
          %bitcast3A_396 = vector.bitcast %get3A_395 : vector<16xi32> to vector<32xbf16>
          %mul3A_397 = arith.mulf %bitcast3A_392, %bitcast3A_396 : vector<32xbf16>
          %unpack3A_398 = tpu.unpack_subelements %mul3A_397, 0 {pack_format = #tpu.pack_format<interleaved>} : vector<32xbf16> -> vector<16xf32>
          %unpack3A_399 = tpu.unpack_subelements %mul3A_397, 1 {pack_format = #tpu.pack_format<interleaved>} : vector<32xbf16> -> vector<16xf32>
          %mul3A_400 = arith.mulf %unpack3A_398, %get3A_8 : vector<16xf32>
          %mul3A_401 = arith.mulf %unpack3A_399, %get3A_16 : vector<16xf32>
          %get3A_402 = arith.index_cast %add3A_388 : i32 to index
          %get3A_403 = arith.constant 16 : index
          %get3A_404 = tpu.vector_load %arg13[%get3A_402, %get3A_403] {strides = array<i32>} : memref<128x64xi32, #tpu.memory_space<vmem>>, vector<16xi32>,
          %bitcast3A_405 = vector.bitcast %get3A_404 : vector<16xi32> to vector<32xbf16>
          %get3A_406 = arith.index_cast %add3A_388 : i32 to index
          %get3A_407 = arith.constant 16 : index
          %get3A_408 = tpu.vector_load %arg17[%get3A_406, %get3A_407] {strides = array<i32>} : memref<128x64xi32, #tpu.memory_space<vmem>>, vector<16xi32>,
          %bitcast3A_409 = vector.bitcast %get3A_408 : vector<16xi32> to vector<32xbf16>
          %mul3A_410 = arith.mulf %bitcast3A_405, %bitcast3A_409 : vector<32xbf16>
          %unpack3A_411 = tpu.unpack_subelements %mul3A_410, 0 {pack_format = #tpu.pack_format<interleaved>} : vector<32xbf16> -> vector<16xf32>
          %unpack3A_412 = tpu.unpack_subelements %mul3A_410, 1 {pack_format = #tpu.pack_format<interleaved>} : vector<32xbf16> -> vector<16xf32>
          %mul3A_413 = arith.mulf %unpack3A_411, %get3A_10 : vector<16xf32>
          %add3A_414 = arith.addf %mul3A_400, %mul3A_413 : vector<16xf32>
          %mul3A_415 = arith.mulf %unpack3A_412, %get3A_18 : vector<16xf32>
          %add3A_416 = arith.addf %mul3A_401, %mul3A_415 : vector<16xf32>
          %get3A_417 = arith.index_cast %add3A_388 : i32 to index
          %get3A_418 = arith.constant 32 : index
          %get3A_419 = tpu.vector_load %arg13[%get3A_417, %get3A_418] {strides = array<i32>} : memref<128x64xi32, #tpu.memory_space<vmem>>, vector<16xi32>,
          %bitcast3A_420 = vector.bitcast %get3A_419 : vector<16xi32> to vector<32xbf16>
          %get3A_421 = arith.index_cast %add3A_388 : i32 to index
          %get3A_422 = arith.constant 32 : index
          %get3A_423 = tpu.vector_load %arg17[%get3A_421, %get3A_422] {strides = array<i32>} : memref<128x64xi32, #tpu.memory_space<vmem>>, vector<16xi32>,
          %bitcast3A_424 = vector.bitcast %get3A_423 : vector<16xi32> to vector<32xbf16>
          %mul3A_425 = arith.mulf %bitcast3A_420, %bitcast3A_424 : vector<32xbf16>
          %unpack3A_426 = tpu.unpack_subelements %mul3A_425, 0 {pack_format = #tpu.pack_format<interleaved>} : vector<32xbf16> -> vector<16xf32>
          %unpack3A_427 = tpu.unpack_subelements %mul3A_425, 1 {pack_format = #tpu.pack_format<interleaved>} : vector<32xbf16> -> vector<16xf32>
          %mul3A_428 = arith.mulf %unpack3A_426, %get3A_12 : vector<16xf32>
          %add3A_429 = arith.addf %add3A_414, %mul3A_428 : vector<16xf32>
          %mul3A_430 = arith.mulf %unpack3A_427, %get3A_20 : vector<16xf32>
          %add3A_431 = arith.addf %add3A_416, %mul3A_430 : vector<16xf32>
          %get3A_432 = arith.index_cast %add3A_388 : i32 to index
          %get3A_433 = arith.constant 48 : index
          %get3A_434 = tpu.vector_load %arg13[%get3A_432, %get3A_433] {strides = array<i32>} : memref<128x64xi32, #tpu.memory_space<vmem>>, vector<16xi32>,
          %bitcast3A_435 = vector.bitcast %get3A_434 : vector<16xi32> to vector<32xbf16>
          %get3A_436 = arith.index_cast %add3A_388 : i32 to index
          %get3A_437 = arith.constant 48 : index
          %get3A_438 = tpu.vector_load %arg17[%get3A_436, %get3A_437] {strides = array<i32>} : memref<128x64xi32, #tpu.memory_space<vmem>>, vector<16xi32>,
          %bitcast3A_439 = vector.bitcast %get3A_438 : vector<16xi32> to vector<32xbf16>
          %mul3A_440 = arith.mulf %bitcast3A_435, %bitcast3A_439 : vector<32xbf16>
          %unpack3A_441 = tpu.unpack_subelements %mul3A_440, 0 {pack_format = #tpu.pack_format<interleaved>} : vector<32xbf16> -> vector<16xf32>
          %unpack3A_442 = tpu.unpack_subelements %mul3A_440, 1 {pack_format = #tpu.pack_format<interleaved>} : vector<32xbf16> -> vector<16xf32>
          %mul3A_443 = arith.mulf %unpack3A_441, %get3A_14 : vector<16xf32>
          %add3A_444 = arith.addf %add3A_429, %mul3A_443 : vector<16xf32>
          %mul3A_445 = arith.mulf %unpack3A_442, %get3A_22 : vector<16xf32>
          %add3A_446 = arith.addf %add3A_431, %mul3A_445 : vector<16xf32>
          %add3A_447 = arith.addf %add3A_444, %add3A_446 : vector<16xf32>
          %reduce_sum3A_448 = arith.constant true
          %reduce_sum3A_449 = vector.broadcast %reduce_sum3A_448 : i1 to vector<16xi1>
          %reduce_sum3A_450 = tpu.scan <sum>, %add3A_447 masked %reduce_sum3A_449 : vector<16xf32>, vector<16xi1> -> vector<16xf32>
          %reduce_sum3A_451 = vector.extract %reduce_sum3A_450[15] : f32 from vector<16xf32>
          %eq3A_452 = vector.broadcast %add3A_385 : i32 to vector<16xi32>
          %eq3A_453 = arith.cmpi eq, %iota3A, %eq3A_452 : vector<16xi32>
          %broadcast_in_dim3A_454 = vector.broadcast %reduce_sum3A_451 : f32 to vector<16xf32>
          %select_n3A_455 = arith.select %eq3A_453, %broadcast_in_dim3A_454, %select_n3A_381 : vector<16xi1>, vector<16xf32>
          %mul3A_456 = arith.constant 4 : i32
          %mul3A_457 = arith.muli %scan3A_235, %mul3A_456 : i32
          %add3A_458 = arith.constant 3 : i32
          %add3A_459 = arith.addi %mul3A_457, %add3A_458 : i32
          %mul3A_460 = arith.constant 16 : i32
          %mul3A_461 = arith.muli %scan3A_214, %mul3A_460 : i32
          %add3A_462 = arith.addi %mul3A_461, %add3A_459 : i32
          %get3A_463 = arith.index_cast %add3A_462 : i32 to index
          %get3A_464 = arith.constant 0 : index
          %get3A_465 = tpu.vector_load %arg13[%get3A_463, %get3A_464] {strides = array<i32>} : memref<128x64xi32, #tpu.memory_space<vmem>>, vector<16xi32>,
          %bitcast3A_466 = vector.bitcast %get3A_465 : vector<16xi32> to vector<32xbf16>
          %get3A_467 = arith.index_cast %add3A_462 : i32 to index
          %get3A_468 = arith.constant 0 : index
          %get3A_469 = tpu.vector_load %arg17[%get3A_467, %get3A_468] {strides = array<i32>} : memref<128x64xi32, #tpu.memory_space<vmem>>, vector<16xi32>,
          %bitcast3A_470 = vector.bitcast %get3A_469 : vector<16xi32> to vector<32xbf16>
          %mul3A_471 = arith.mulf %bitcast3A_466, %bitcast3A_470 : vector<32xbf16>
          %unpack3A_472 = tpu.unpack_subelements %mul3A_471, 0 {pack_format = #tpu.pack_format<interleaved>} : vector<32xbf16> -> vector<16xf32>
          %unpack3A_473 = tpu.unpack_subelements %mul3A_471, 1 {pack_format = #tpu.pack_format<interleaved>} : vector<32xbf16> -> vector<16xf32>
          %mul3A_474 = arith.mulf %unpack3A_472, %get3A_8 : vector<16xf32>
          %mul3A_475 = arith.mulf %unpack3A_473, %get3A_16 : vector<16xf32>
          %get3A_476 = arith.index_cast %add3A_462 : i32 to index
          %get3A_477 = arith.constant 16 : index
          %get3A_478 = tpu.vector_load %arg13[%get3A_476, %get3A_477] {strides = array<i32>} : memref<128x64xi32, #tpu.memory_space<vmem>>, vector<16xi32>,
          %bitcast3A_479 = vector.bitcast %get3A_478 : vector<16xi32> to vector<32xbf16>
          %get3A_480 = arith.index_cast %add3A_462 : i32 to index
          %get3A_481 = arith.constant 16 : index
          %get3A_482 = tpu.vector_load %arg17[%get3A_480, %get3A_481] {strides = array<i32>} : memref<128x64xi32, #tpu.memory_space<vmem>>, vector<16xi32>,
          %bitcast3A_483 = vector.bitcast %get3A_482 : vector<16xi32> to vector<32xbf16>
          %mul3A_484 = arith.mulf %bitcast3A_479, %bitcast3A_483 : vector<32xbf16>
          %unpack3A_485 = tpu.unpack_subelements %mul3A_484, 0 {pack_format = #tpu.pack_format<interleaved>} : vector<32xbf16> -> vector<16xf32>
          %unpack3A_486 = tpu.unpack_subelements %mul3A_484, 1 {pack_format = #tpu.pack_format<interleaved>} : vector<32xbf16> -> vector<16xf32>
          %mul3A_487 = arith.mulf %unpack3A_485, %get3A_10 : vector<16xf32>
          %add3A_488 = arith.addf %mul3A_474, %mul3A_487 : vector<16xf32>
          %mul3A_489 = arith.mulf %unpack3A_486, %get3A_18 : vector<16xf32>
          %add3A_490 = arith.addf %mul3A_475, %mul3A_489 : vector<16xf32>
          %get3A_491 = arith.index_cast %add3A_462 : i32 to index
          %get3A_492 = arith.constant 32 : index
          %get3A_493 = tpu.vector_load %arg13[%get3A_491, %get3A_492] {strides = array<i32>} : memref<128x64xi32, #tpu.memory_space<vmem>>, vector<16xi32>,
          %bitcast3A_494 = vector.bitcast %get3A_493 : vector<16xi32> to vector<32xbf16>
          %get3A_495 = arith.index_cast %add3A_462 : i32 to index
          %get3A_496 = arith.constant 32 : index
          %get3A_497 = tpu.vector_load %arg17[%get3A_495, %get3A_496] {strides = array<i32>} : memref<128x64xi32, #tpu.memory_space<vmem>>, vector<16xi32>,
          %bitcast3A_498 = vector.bitcast %get3A_497 : vector<16xi32> to vector<32xbf16>
          %mul3A_499 = arith.mulf %bitcast3A_494, %bitcast3A_498 : vector<32xbf16>
          %unpack3A_500 = tpu.unpack_subelements %mul3A_499, 0 {pack_format = #tpu.pack_format<interleaved>} : vector<32xbf16> -> vector<16xf32>
          %unpack3A_501 = tpu.unpack_subelements %mul3A_499, 1 {pack_format = #tpu.pack_format<interleaved>} : vector<32xbf16> -> vector<16xf32>
          %mul3A_502 = arith.mulf %unpack3A_500, %get3A_12 : vector<16xf32>
          %add3A_503 = arith.addf %add3A_488, %mul3A_502 : vector<16xf32>
          %mul3A_504 = arith.mulf %unpack3A_501, %get3A_20 : vector<16xf32>
          %add3A_505 = arith.addf %add3A_490, %mul3A_504 : vector<16xf32>
          %get3A_506 = arith.index_cast %add3A_462 : i32 to index
          %get3A_507 = arith.constant 48 : index
          %get3A_508 = tpu.vector_load %arg13[%get3A_506, %get3A_507] {strides = array<i32>} : memref<128x64xi32, #tpu.memory_space<vmem>>, vector<16xi32>,
          %bitcast3A_509 = vector.bitcast %get3A_508 : vector<16xi32> to vector<32xbf16>
          %get3A_510 = arith.index_cast %add3A_462 : i32 to index
          %get3A_511 = arith.constant 48 : index
          %get3A_512 = tpu.vector_load %arg17[%get3A_510, %get3A_511] {strides = array<i32>} : memref<128x64xi32, #tpu.memory_space<vmem>>, vector<16xi32>,
          %bitcast3A_513 = vector.bitcast %get3A_512 : vector<16xi32> to vector<32xbf16>
          %mul3A_514 = arith.mulf %bitcast3A_509, %bitcast3A_513 : vector<32xbf16>
          %unpack3A_515 = tpu.unpack_subelements %mul3A_514, 0 {pack_format = #tpu.pack_format<interleaved>} : vector<32xbf16> -> vector<16xf32>
          %unpack3A_516 = tpu.unpack_subelements %mul3A_514, 1 {pack_format = #tpu.pack_format<interleaved>} : vector<32xbf16> -> vector<16xf32>
          %mul3A_517 = arith.mulf %unpack3A_515, %get3A_14 : vector<16xf32>
          %add3A_518 = arith.addf %add3A_503, %mul3A_517 : vector<16xf32>
          %mul3A_519 = arith.mulf %unpack3A_516, %get3A_22 : vector<16xf32>
          %add3A_520 = arith.addf %add3A_505, %mul3A_519 : vector<16xf32>
          %add3A_521 = arith.addf %add3A_518, %add3A_520 : vector<16xf32>
          %reduce_sum3A_522 = arith.constant true
          %reduce_sum3A_523 = vector.broadcast %reduce_sum3A_522 : i1 to vector<16xi1>
          %reduce_sum3A_524 = tpu.scan <sum>, %add3A_521 masked %reduce_sum3A_523 : vector<16xf32>, vector<16xi1> -> vector<16xf32>
          %reduce_sum3A_525 = vector.extract %reduce_sum3A_524[15] : f32 from vector<16xf32>
          %eq3A_526 = vector.broadcast %add3A_459 : i32 to vector<16xi32>
          %eq3A_527 = arith.cmpi eq, %iota3A, %eq3A_526 : vector<16xi32>
          %broadcast_in_dim3A_528 = vector.broadcast %reduce_sum3A_525 : f32 to vector<16xf32>
          %select_n3A_529 = arith.select %eq3A_527, %broadcast_in_dim3A_528, %select_n3A_455 : vector<16xi1>, vector<16xf32>
          scf.yield %select_n3A_529 : vector<16xf32>
        }
        %scan3A_221 = arith.constant 4 : i32
        %add3A_222 = arith.addf %scan3A_220, %get3A_6 : vector<16xf32>
        %neg3A = arith.constant 0.000000e+00 : f32
        %neg3A_223 = vector.broadcast %neg3A : f32 to vector<16xf32>
        %neg3A_224 = arith.subf %neg3A_223, %add3A_222 : vector<16xf32>
        %exp3A = math.exp %neg3A_224 : vector<16xf32>
        %add3A_225 = arith.constant 1.000000e+00 : f32
        %add3A_226 = vector.broadcast %add3A_225 : f32 to vector<16xf32>
        %add3A_227 = arith.addf %add3A_226, %exp3A : vector<16xf32>
        %div3A_228 = arith.constant 1.000000e+00 : f32
        %div3A_229 = vector.broadcast %div3A_228 : f32 to vector<16xf32>
        %div3A_230 = arith.divf %div3A_229, %add3A_227 : vector<16xf32>
        %mul3A_231 = arith.constant 16 : i32
        %mul3A_232 = arith.muli %scan3A_214, %mul3A_231 : i32
        %swap3A = arith.index_cast %add3A_161 : i32 to index
        %swap3A_233 = arith.index_cast %mul3A_232 : i32 to index
        %swap3A_234 = tpu.vector_load %arg19[%swap3A, %swap3A_233] {strides = array<i32>} : memref<120x128xf32, #tpu.memory_space<vmem>>, vector<16xf32>,
        tpu.vector_store %arg19[%swap3A, %swap3A_233], %div3A_230 {strides = array<i32>} : memref<120x128xf32, #tpu.memory_space<vmem>>, vector<16xf32>,
      }
      %scan3A_185 = arith.constant 8 : i32
      %mul3A_186 = arith.constant 4 : i32
      %mul3A_187 = arith.muli %while3A_104, %mul3A_186 : i32
      %add3A_188 = arith.constant 3 : i32
      %add3A_189 = arith.addi %mul3A_187, %add3A_188 : i32
      %add3A_190 = arith.constant 3 : i32
      %add3A_191 = arith.addi %add3A_189, %add3A_190 : i32
      %lt3A_192 = arith.cmpi slt, %add3A_191, %select_n3A : i32
      %convert_element_type3A_193 = arith.extui %lt3A_192 : i1 to i32
      %cond3A_194 = arith.constant 0 : i32
      %cond3A_195 = arith.cmpi ne, %convert_element_type3A_193, %cond3A_194 : i32
      scf.if %cond3A_195 {
        %add3A_214 = arith.constant 3 : i32
        %add3A_215 = arith.addi %add3A_189, %add3A_214 : i32
        %dma_start3A_216 = arith.constant 0 : i32
        %dma_start3A_217 = tpu.memref_slice %arg9[%add3A_215, %dma_start3A_216] : memref<120x128xi32, #tpu.memory_space<vmem>> -> memref<1x128xi32, #tpu.memory_space<vmem>>
        %dma_start3A_218 = tpu.memref_squeeze %dma_start3A_217 : memref<1x128xi32, #tpu.memory_space<vmem>> -> memref<128xi32, #tpu.memory_space<vmem>>
        %dma_start3A_219 = arith.constant 0 : i32
        %dma_start3A_220 = arith.constant 0 : i32
        %dma_start3A_221 = tpu.memref_slice %arg2[%dma_start3A_219, %dma_start3A_220] : memref<10000x64xi32, #tpu.memory_space<hbm>> -> memref<10000x64xi32, #tpu.memory_space<hbm>>
        tpu.enqueue_indirect_dma source(%dma_start3A_221 : memref<10000x64xi32, #tpu.memory_space<hbm>>) target(%arg13 : memref<128x64xi32, #tpu.memory_space<vmem>>) offsets(%dma_start3A_218 : memref<128xi32, #tpu.memory_space<vmem>>) semaphore(%arg24 : memref<!tpu.dma_semaphore, #tpu.memory_space<semaphore_mem>>)
        %dma_start3A_222 = arith.constant 0 : i32
        %dma_start3A_223 = tpu.memref_slice %arg10[%add3A_215, %dma_start3A_222] : memref<120x128xi32, #tpu.memory_space<vmem>> -> memref<1x128xi32, #tpu.memory_space<vmem>>
        %dma_start3A_224 = tpu.memref_squeeze %dma_start3A_223 : memref<1x128xi32, #tpu.memory_space<vmem>> -> memref<128xi32, #tpu.memory_space<vmem>>
        %dma_start3A_225 = arith.constant 0 : i32
        %dma_start3A_226 = arith.constant 0 : i32
        %dma_start3A_227 = tpu.memref_slice %arg3[%dma_start3A_225, %dma_start3A_226] : memref<10000x64xi32, #tpu.memory_space<hbm>> -> memref<10000x64xi32, #tpu.memory_space<hbm>>
        tpu.enqueue_indirect_dma source(%dma_start3A_227 : memref<10000x64xi32, #tpu.memory_space<hbm>>) target(%arg17 : memref<128x64xi32, #tpu.memory_space<vmem>>) offsets(%dma_start3A_224 : memref<128xi32, #tpu.memory_space<vmem>>) semaphore(%arg24 : memref<!tpu.dma_semaphore, #tpu.memory_space<semaphore_mem>>)
      } else {
      }
      %dma_wait3A_196 = arith.constant 0 : i32
      %dma_wait3A_197 = tpu.memref_slice %arg9[%add3A_189, %dma_wait3A_196] : memref<120x128xi32, #tpu.memory_space<vmem>> -> memref<1x128xi32, #tpu.memory_space<vmem>>
      %dma_wait3A_198 = tpu.memref_squeeze %dma_wait3A_197 : memref<1x128xi32, #tpu.memory_space<vmem>> -> memref<128xi32, #tpu.memory_space<vmem>>
      %dma_wait3A_199 = arith.constant 0 : i32
      %dma_wait3A_200 = arith.constant 0 : i32
      %dma_wait3A_201 = tpu.memref_slice %arg2[%dma_wait3A_199, %dma_wait3A_200] : memref<10000x64xi32, #tpu.memory_space<hbm>> -> memref<10000x64xi32, #tpu.memory_space<hbm>>
      tpu.wait_indirect_dma semaphore(%arg25 : memref<!tpu.dma_semaphore, #tpu.memory_space<semaphore_mem>>) src(%dma_wait3A_201 : memref<10000x64xi32, #tpu.memory_space<hbm>>) dst(%arg14 : memref<128x64xi32, #tpu.memory_space<vmem>>)
      %dma_wait3A_202 = arith.constant 0 : i32
      %dma_wait3A_203 = tpu.memref_slice %arg10[%add3A_189, %dma_wait3A_202] : memref<120x128xi32, #tpu.memory_space<vmem>> -> memref<1x128xi32, #tpu.memory_space<vmem>>
      %dma_wait3A_204 = tpu.memref_squeeze %dma_wait3A_203 : memref<1x128xi32, #tpu.memory_space<vmem>> -> memref<128xi32, #tpu.memory_space<vmem>>
      %dma_wait3A_205 = arith.constant 0 : i32
      %dma_wait3A_206 = arith.constant 0 : i32
      %dma_wait3A_207 = tpu.memref_slice %arg3[%dma_wait3A_205, %dma_wait3A_206] : memref<10000x64xi32, #tpu.memory_space<hbm>> -> memref<10000x64xi32, #tpu.memory_space<hbm>>
      tpu.wait_indirect_dma semaphore(%arg25 : memref<!tpu.dma_semaphore, #tpu.memory_space<semaphore_mem>>) src(%dma_wait3A_207 : memref<10000x64xi32, #tpu.memory_space<hbm>>) dst(%arg18 : memref<128x64xi32, #tpu.memory_space<vmem>>)
      %scan3A_208 = arith.constant 0 : i32
      %scan3A_209 = arith.constant 0 : i32
      %scan3A_210 = arith.constant 8 : i32
      %scan3A_211 = arith.addi %scan3A_209, %scan3A_210 : i32
      %scan3A_212 = arith.constant 1 : i32
      scf.for %scan3A_214 = %scan3A_209 to %scan3A_211 step %scan3A_212  : i32 {
        %broadcast_in_dim3A = arith.constant 0.000000e+00 : f32
        %broadcast_in_dim3A_215 = vector.broadcast %broadcast_in_dim3A : f32 to vector<16xf32>
        %scan3A_216 = arith.constant 0 : i32
        %scan3A_217 = arith.constant 4 : i32
        %scan3A_218 = arith.addi %scan3A_216, %scan3A_217 : i32
        %scan3A_219 = arith.constant 1 : i32
        %scan3A_220 = scf.for %scan3A_235 = %scan3A_216 to %scan3A_218 step %scan3A_219 iter_args(%scan3A_236 = %broadcast_in_dim3A_215) -> (vector<16xf32>)  : i32 {
          %mul3A_237 = arith.constant 4 : i32
          %mul3A_238 = arith.muli %scan3A_235, %mul3A_237 : i32
          %add3A_239 = arith.constant 0 : i32
          %add3A_240 = arith.addi %mul3A_238, %add3A_239 : i32
          %mul3A_241 = arith.constant 16 : i32
          %mul3A_242 = arith.muli %scan3A_214, %mul3A_241 : i32
          %add3A_243 = arith.addi %mul3A_242, %add3A_240 : i32
          %get3A_244 = arith.index_cast %add3A_243 : i32 to index
          %get3A_245 = arith.constant 0 : index
          %get3A_246 = tpu.vector_load %arg14[%get3A_244, %get3A_245] {strides = array<i32>} : memref<128x64xi32, #tpu.memory_space<vmem>>, vector<16xi32>,
          %bitcast3A = vector.bitcast %get3A_246 : vector<16xi32> to vector<32xbf16>
          %get3A_247 = arith.index_cast %add3A_243 : i32 to index
          %get3A_248 = arith.constant 0 : index
          %get3A_249 = tpu.vector_load %arg18[%get3A_247, %get3A_248] {strides = array<i32>} : memref<128x64xi32, #tpu.memory_space<vmem>>, vector<16xi32>,
          %bitcast3A_250 = vector.bitcast %get3A_249 : vector<16xi32> to vector<32xbf16>
          %mul3A_251 = arith.mulf %bitcast3A, %bitcast3A_250 : vector<32xbf16>
          %unpack3A = tpu.unpack_subelements %mul3A_251, 0 {pack_format = #tpu.pack_format<interleaved>} : vector<32xbf16> -> vector<16xf32>
          %unpack3A_252 = tpu.unpack_subelements %mul3A_251, 1 {pack_format = #tpu.pack_format<interleaved>} : vector<32xbf16> -> vector<16xf32>
          %mul3A_253 = arith.mulf %unpack3A, %get3A_8 : vector<16xf32>
          %mul3A_254 = arith.mulf %unpack3A_252, %get3A_16 : vector<16xf32>
          %get3A_255 = arith.index_cast %add3A_243 : i32 to index
          %get3A_256 = arith.constant 16 : index
          %get3A_257 = tpu.vector_load %arg14[%get3A_255, %get3A_256] {strides = array<i32>} : memref<128x64xi32, #tpu.memory_space<vmem>>, vector<16xi32>,
          %bitcast3A_258 = vector.bitcast %get3A_257 : vector<16xi32> to vector<32xbf16>
          %get3A_259 = arith.index_cast %add3A_243 : i32 to index
          %get3A_260 = arith.constant 16 : index
          %get3A_261 = tpu.vector_load %arg18[%get3A_259, %get3A_260] {strides = array<i32>} : memref<128x64xi32, #tpu.memory_space<vmem>>, vector<16xi32>,
          %bitcast3A_262 = vector.bitcast %get3A_261 : vector<16xi32> to vector<32xbf16>
          %mul3A_263 = arith.mulf %bitcast3A_258, %bitcast3A_262 : vector<32xbf16>
          %unpack3A_264 = tpu.unpack_subelements %mul3A_263, 0 {pack_format = #tpu.pack_format<interleaved>} : vector<32xbf16> -> vector<16xf32>
          %unpack3A_265 = tpu.unpack_subelements %mul3A_263, 1 {pack_format = #tpu.pack_format<interleaved>} : vector<32xbf16> -> vector<16xf32>
          %mul3A_266 = arith.mulf %unpack3A_264, %get3A_10 : vector<16xf32>
          %add3A_267 = arith.addf %mul3A_253, %mul3A_266 : vector<16xf32>
          %mul3A_268 = arith.mulf %unpack3A_265, %get3A_18 : vector<16xf32>
          %add3A_269 = arith.addf %mul3A_254, %mul3A_268 : vector<16xf32>
          %get3A_270 = arith.index_cast %add3A_243 : i32 to index
          %get3A_271 = arith.constant 32 : index
          %get3A_272 = tpu.vector_load %arg14[%get3A_270, %get3A_271] {strides = array<i32>} : memref<128x64xi32, #tpu.memory_space<vmem>>, vector<16xi32>,
          %bitcast3A_273 = vector.bitcast %get3A_272 : vector<16xi32> to vector<32xbf16>
          %get3A_274 = arith.index_cast %add3A_243 : i32 to index
          %get3A_275 = arith.constant 32 : index
          %get3A_276 = tpu.vector_load %arg18[%get3A_274, %get3A_275] {strides = array<i32>} : memref<128x64xi32, #tpu.memory_space<vmem>>, vector<16xi32>,
          %bitcast3A_277 = vector.bitcast %get3A_276 : vector<16xi32> to vector<32xbf16>
          %mul3A_278 = arith.mulf %bitcast3A_273, %bitcast3A_277 : vector<32xbf16>
          %unpack3A_279 = tpu.unpack_subelements %mul3A_278, 0 {pack_format = #tpu.pack_format<interleaved>} : vector<32xbf16> -> vector<16xf32>
          %unpack3A_280 = tpu.unpack_subelements %mul3A_278, 1 {pack_format = #tpu.pack_format<interleaved>} : vector<32xbf16> -> vector<16xf32>
          %mul3A_281 = arith.mulf %unpack3A_279, %get3A_12 : vector<16xf32>
          %add3A_282 = arith.addf %add3A_267, %mul3A_281 : vector<16xf32>
          %mul3A_283 = arith.mulf %unpack3A_280, %get3A_20 : vector<16xf32>
          %add3A_284 = arith.addf %add3A_269, %mul3A_283 : vector<16xf32>
          %get3A_285 = arith.index_cast %add3A_243 : i32 to index
          %get3A_286 = arith.constant 48 : index
          %get3A_287 = tpu.vector_load %arg14[%get3A_285, %get3A_286] {strides = array<i32>} : memref<128x64xi32, #tpu.memory_space<vmem>>, vector<16xi32>,
          %bitcast3A_288 = vector.bitcast %get3A_287 : vector<16xi32> to vector<32xbf16>
          %get3A_289 = arith.index_cast %add3A_243 : i32 to index
          %get3A_290 = arith.constant 48 : index
          %get3A_291 = tpu.vector_load %arg18[%get3A_289, %get3A_290] {strides = array<i32>} : memref<128x64xi32, #tpu.memory_space<vmem>>, vector<16xi32>,
          %bitcast3A_292 = vector.bitcast %get3A_291 : vector<16xi32> to vector<32xbf16>
          %mul3A_293 = arith.mulf %bitcast3A_288, %bitcast3A_292 : vector<32xbf16>
          %unpack3A_294 = tpu.unpack_subelements %mul3A_293, 0 {pack_format = #tpu.pack_format<interleaved>} : vector<32xbf16> -> vector<16xf32>
          %unpack3A_295 = tpu.unpack_subelements %mul3A_293, 1 {pack_format = #tpu.pack_format<interleaved>} : vector<32xbf16> -> vector<16xf32>
          %mul3A_296 = arith.mulf %unpack3A_294, %get3A_14 : vector<16xf32>
          %add3A_297 = arith.addf %add3A_282, %mul3A_296 : vector<16xf32>
          %mul3A_298 = arith.mulf %unpack3A_295, %get3A_22 : vector<16xf32>
          %add3A_299 = arith.addf %add3A_284, %mul3A_298 : vector<16xf32>
          %add3A_300 = arith.addf %add3A_297, %add3A_299 : vector<16xf32>
          %reduce_sum3A = arith.constant true
          %reduce_sum3A_301 = vector.broadcast %reduce_sum3A : i1 to vector<16xi1>
          %reduce_sum3A_302 = tpu.scan <sum>, %add3A_300 masked %reduce_sum3A_301 : vector<16xf32>, vector<16xi1> -> vector<16xf32>
          %reduce_sum3A_303 = vector.extract %reduce_sum3A_302[15] : f32 from vector<16xf32>
          %eq3A_304 = vector.broadcast %add3A_240 : i32 to vector<16xi32>
          %eq3A_305 = arith.cmpi eq, %iota3A, %eq3A_304 : vector<16xi32>
          %broadcast_in_dim3A_306 = vector.broadcast %reduce_sum3A_303 : f32 to vector<16xf32>
          %select_n3A_307 = arith.select %eq3A_305, %broadcast_in_dim3A_306, %scan3A_236 : vector<16xi1>, vector<16xf32>
          %mul3A_308 = arith.constant 4 : i32
          %mul3A_309 = arith.muli %scan3A_235, %mul3A_308 : i32
          %add3A_310 = arith.constant 1 : i32
          %add3A_311 = arith.addi %mul3A_309, %add3A_310 : i32
          %mul3A_312 = arith.constant 16 : i32
          %mul3A_313 = arith.muli %scan3A_214, %mul3A_312 : i32
          %add3A_314 = arith.addi %mul3A_313, %add3A_311 : i32
          %get3A_315 = arith.index_cast %add3A_314 : i32 to index
          %get3A_316 = arith.constant 0 : index
          %get3A_317 = tpu.vector_load %arg14[%get3A_315, %get3A_316] {strides = array<i32>} : memref<128x64xi32, #tpu.memory_space<vmem>>, vector<16xi32>,
          %bitcast3A_318 = vector.bitcast %get3A_317 : vector<16xi32> to vector<32xbf16>
          %get3A_319 = arith.index_cast %add3A_314 : i32 to index
          %get3A_320 = arith.constant 0 : index
          %get3A_321 = tpu.vector_load %arg18[%get3A_319, %get3A_320] {strides = array<i32>} : memref<128x64xi32, #tpu.memory_space<vmem>>, vector<16xi32>,
          %bitcast3A_322 = vector.bitcast %get3A_321 : vector<16xi32> to vector<32xbf16>
          %mul3A_323 = arith.mulf %bitcast3A_318, %bitcast3A_322 : vector<32xbf16>
          %unpack3A_324 = tpu.unpack_subelements %mul3A_323, 0 {pack_format = #tpu.pack_format<interleaved>} : vector<32xbf16> -> vector<16xf32>
          %unpack3A_325 = tpu.unpack_subelements %mul3A_323, 1 {pack_format = #tpu.pack_format<interleaved>} : vector<32xbf16> -> vector<16xf32>
          %mul3A_326 = arith.mulf %unpack3A_324, %get3A_8 : vector<16xf32>
          %mul3A_327 = arith.mulf %unpack3A_325, %get3A_16 : vector<16xf32>
          %get3A_328 = arith.index_cast %add3A_314 : i32 to index
          %get3A_329 = arith.constant 16 : index
          %get3A_330 = tpu.vector_load %arg14[%get3A_328, %get3A_329] {strides = array<i32>} : memref<128x64xi32, #tpu.memory_space<vmem>>, vector<16xi32>,
          %bitcast3A_331 = vector.bitcast %get3A_330 : vector<16xi32> to vector<32xbf16>
          %get3A_332 = arith.index_cast %add3A_314 : i32 to index
          %get3A_333 = arith.constant 16 : index
          %get3A_334 = tpu.vector_load %arg18[%get3A_332, %get3A_333] {strides = array<i32>} : memref<128x64xi32, #tpu.memory_space<vmem>>, vector<16xi32>,
          %bitcast3A_335 = vector.bitcast %get3A_334 : vector<16xi32> to vector<32xbf16>
          %mul3A_336 = arith.mulf %bitcast3A_331, %bitcast3A_335 : vector<32xbf16>
          %unpack3A_337 = tpu.unpack_subelements %mul3A_336, 0 {pack_format = #tpu.pack_format<interleaved>} : vector<32xbf16> -> vector<16xf32>
          %unpack3A_338 = tpu.unpack_subelements %mul3A_336, 1 {pack_format = #tpu.pack_format<interleaved>} : vector<32xbf16> -> vector<16xf32>
          %mul3A_339 = arith.mulf %unpack3A_337, %get3A_10 : vector<16xf32>
          %add3A_340 = arith.addf %mul3A_326, %mul3A_339 : vector<16xf32>
          %mul3A_341 = arith.mulf %unpack3A_338, %get3A_18 : vector<16xf32>
          %add3A_342 = arith.addf %mul3A_327, %mul3A_341 : vector<16xf32>
          %get3A_343 = arith.index_cast %add3A_314 : i32 to index
          %get3A_344 = arith.constant 32 : index
          %get3A_345 = tpu.vector_load %arg14[%get3A_343, %get3A_344] {strides = array<i32>} : memref<128x64xi32, #tpu.memory_space<vmem>>, vector<16xi32>,
          %bitcast3A_346 = vector.bitcast %get3A_345 : vector<16xi32> to vector<32xbf16>
          %get3A_347 = arith.index_cast %add3A_314 : i32 to index
          %get3A_348 = arith.constant 32 : index
          %get3A_349 = tpu.vector_load %arg18[%get3A_347, %get3A_348] {strides = array<i32>} : memref<128x64xi32, #tpu.memory_space<vmem>>, vector<16xi32>,
          %bitcast3A_350 = vector.bitcast %get3A_349 : vector<16xi32> to vector<32xbf16>
          %mul3A_351 = arith.mulf %bitcast3A_346, %bitcast3A_350 : vector<32xbf16>
          %unpack3A_352 = tpu.unpack_subelements %mul3A_351, 0 {pack_format = #tpu.pack_format<interleaved>} : vector<32xbf16> -> vector<16xf32>
          %unpack3A_353 = tpu.unpack_subelements %mul3A_351, 1 {pack_format = #tpu.pack_format<interleaved>} : vector<32xbf16> -> vector<16xf32>
          %mul3A_354 = arith.mulf %unpack3A_352, %get3A_12 : vector<16xf32>
          %add3A_355 = arith.addf %add3A_340, %mul3A_354 : vector<16xf32>
          %mul3A_356 = arith.mulf %unpack3A_353, %get3A_20 : vector<16xf32>
          %add3A_357 = arith.addf %add3A_342, %mul3A_356 : vector<16xf32>
          %get3A_358 = arith.index_cast %add3A_314 : i32 to index
          %get3A_359 = arith.constant 48 : index
          %get3A_360 = tpu.vector_load %arg14[%get3A_358, %get3A_359] {strides = array<i32>} : memref<128x64xi32, #tpu.memory_space<vmem>>, vector<16xi32>,
          %bitcast3A_361 = vector.bitcast %get3A_360 : vector<16xi32> to vector<32xbf16>
          %get3A_362 = arith.index_cast %add3A_314 : i32 to index
          %get3A_363 = arith.constant 48 : index
          %get3A_364 = tpu.vector_load %arg18[%get3A_362, %get3A_363] {strides = array<i32>} : memref<128x64xi32, #tpu.memory_space<vmem>>, vector<16xi32>,
          %bitcast3A_365 = vector.bitcast %get3A_364 : vector<16xi32> to vector<32xbf16>
          %mul3A_366 = arith.mulf %bitcast3A_361, %bitcast3A_365 : vector<32xbf16>
          %unpack3A_367 = tpu.unpack_subelements %mul3A_366, 0 {pack_format = #tpu.pack_format<interleaved>} : vector<32xbf16> -> vector<16xf32>
          %unpack3A_368 = tpu.unpack_subelements %mul3A_366, 1 {pack_format = #tpu.pack_format<interleaved>} : vector<32xbf16> -> vector<16xf32>
          %mul3A_369 = arith.mulf %unpack3A_367, %get3A_14 : vector<16xf32>
          %add3A_370 = arith.addf %add3A_355, %mul3A_369 : vector<16xf32>
          %mul3A_371 = arith.mulf %unpack3A_368, %get3A_22 : vector<16xf32>
          %add3A_372 = arith.addf %add3A_357, %mul3A_371 : vector<16xf32>
          %add3A_373 = arith.addf %add3A_370, %add3A_372 : vector<16xf32>
          %reduce_sum3A_374 = arith.constant true
          %reduce_sum3A_375 = vector.broadcast %reduce_sum3A_374 : i1 to vector<16xi1>
          %reduce_sum3A_376 = tpu.scan <sum>, %add3A_373 masked %reduce_sum3A_375 : vector<16xf32>, vector<16xi1> -> vector<16xf32>
          %reduce_sum3A_377 = vector.extract %reduce_sum3A_376[15] : f32 from vector<16xf32>
          %eq3A_378 = vector.broadcast %add3A_311 : i32 to vector<16xi32>
          %eq3A_379 = arith.cmpi eq, %iota3A, %eq3A_378 : vector<16xi32>
          %broadcast_in_dim3A_380 = vector.broadcast %reduce_sum3A_377 : f32 to vector<16xf32>
          %select_n3A_381 = arith.select %eq3A_379, %broadcast_in_dim3A_380, %select_n3A_307 : vector<16xi1>, vector<16xf32>
          %mul3A_382 = arith.constant 4 : i32
          %mul3A_383 = arith.muli %scan3A_235, %mul3A_382 : i32
          %add3A_384 = arith.constant 2 : i32
          %add3A_385 = arith.addi %mul3A_383, %add3A_384 : i32
          %mul3A_386 = arith.constant 16 : i32
          %mul3A_387 = arith.muli %scan3A_214, %mul3A_386 : i32
          %add3A_388 = arith.addi %mul3A_387, %add3A_385 : i32
          %get3A_389 = arith.index_cast %add3A_388 : i32 to index
          %get3A_390 = arith.constant 0 : index
          %get3A_391 = tpu.vector_load %arg14[%get3A_389, %get3A_390] {strides = array<i32>} : memref<128x64xi32, #tpu.memory_space<vmem>>, vector<16xi32>,
          %bitcast3A_392 = vector.bitcast %get3A_391 : vector<16xi32> to vector<32xbf16>
          %get3A_393 = arith.index_cast %add3A_388 : i32 to index
          %get3A_394 = arith.constant 0 : index
          %get3A_395 = tpu.vector_load %arg18[%get3A_393, %get3A_394] {strides = array<i32>} : memref<128x64xi32, #tpu.memory_space<vmem>>, vector<16xi32>,
          %bitcast3A_396 = vector.bitcast %get3A_395 : vector<16xi32> to vector<32xbf16>
          %mul3A_397 = arith.mulf %bitcast3A_392, %bitcast3A_396 : vector<32xbf16>
          %unpack3A_398 = tpu.unpack_subelements %mul3A_397, 0 {pack_format = #tpu.pack_format<interleaved>} : vector<32xbf16> -> vector<16xf32>
          %unpack3A_399 = tpu.unpack_subelements %mul3A_397, 1 {pack_format = #tpu.pack_format<interleaved>} : vector<32xbf16> -> vector<16xf32>
          %mul3A_400 = arith.mulf %unpack3A_398, %get3A_8 : vector<16xf32>
          %mul3A_401 = arith.mulf %unpack3A_399, %get3A_16 : vector<16xf32>
          %get3A_402 = arith.index_cast %add3A_388 : i32 to index
          %get3A_403 = arith.constant 16 : index
          %get3A_404 = tpu.vector_load %arg14[%get3A_402, %get3A_403] {strides = array<i32>} : memref<128x64xi32, #tpu.memory_space<vmem>>, vector<16xi32>,
          %bitcast3A_405 = vector.bitcast %get3A_404 : vector<16xi32> to vector<32xbf16>
          %get3A_406 = arith.index_cast %add3A_388 : i32 to index
          %get3A_407 = arith.constant 16 : index
          %get3A_408 = tpu.vector_load %arg18[%get3A_406, %get3A_407] {strides = array<i32>} : memref<128x64xi32, #tpu.memory_space<vmem>>, vector<16xi32>,
          %bitcast3A_409 = vector.bitcast %get3A_408 : vector<16xi32> to vector<32xbf16>
          %mul3A_410 = arith.mulf %bitcast3A_405, %bitcast3A_409 : vector<32xbf16>
          %unpack3A_411 = tpu.unpack_subelements %mul3A_410, 0 {pack_format = #tpu.pack_format<interleaved>} : vector<32xbf16> -> vector<16xf32>
          %unpack3A_412 = tpu.unpack_subelements %mul3A_410, 1 {pack_format = #tpu.pack_format<interleaved>} : vector<32xbf16> -> vector<16xf32>
          %mul3A_413 = arith.mulf %unpack3A_411, %get3A_10 : vector<16xf32>
          %add3A_414 = arith.addf %mul3A_400, %mul3A_413 : vector<16xf32>
          %mul3A_415 = arith.mulf %unpack3A_412, %get3A_18 : vector<16xf32>
          %add3A_416 = arith.addf %mul3A_401, %mul3A_415 : vector<16xf32>
          %get3A_417 = arith.index_cast %add3A_388 : i32 to index
          %get3A_418 = arith.constant 32 : index
          %get3A_419 = tpu.vector_load %arg14[%get3A_417, %get3A_418] {strides = array<i32>} : memref<128x64xi32, #tpu.memory_space<vmem>>, vector<16xi32>,
          %bitcast3A_420 = vector.bitcast %get3A_419 : vector<16xi32> to vector<32xbf16>
          %get3A_421 = arith.index_cast %add3A_388 : i32 to index
          %get3A_422 = arith.constant 32 : index
          %get3A_423 = tpu.vector_load %arg18[%get3A_421, %get3A_422] {strides = array<i32>} : memref<128x64xi32, #tpu.memory_space<vmem>>, vector<16xi32>,
          %bitcast3A_424 = vector.bitcast %get3A_423 : vector<16xi32> to vector<32xbf16>
          %mul3A_425 = arith.mulf %bitcast3A_420, %bitcast3A_424 : vector<32xbf16>
          %unpack3A_426 = tpu.unpack_subelements %mul3A_425, 0 {pack_format = #tpu.pack_format<interleaved>} : vector<32xbf16> -> vector<16xf32>
          %unpack3A_427 = tpu.unpack_subelements %mul3A_425, 1 {pack_format = #tpu.pack_format<interleaved>} : vector<32xbf16> -> vector<16xf32>
          %mul3A_428 = arith.mulf %unpack3A_426, %get3A_12 : vector<16xf32>
          %add3A_429 = arith.addf %add3A_414, %mul3A_428 : vector<16xf32>
          %mul3A_430 = arith.mulf %unpack3A_427, %get3A_20 : vector<16xf32>
          %add3A_431 = arith.addf %add3A_416, %mul3A_430 : vector<16xf32>
          %get3A_432 = arith.index_cast %add3A_388 : i32 to index
          %get3A_433 = arith.constant 48 : index
          %get3A_434 = tpu.vector_load %arg14[%get3A_432, %get3A_433] {strides = array<i32>} : memref<128x64xi32, #tpu.memory_space<vmem>>, vector<16xi32>,
          %bitcast3A_435 = vector.bitcast %get3A_434 : vector<16xi32> to vector<32xbf16>
          %get3A_436 = arith.index_cast %add3A_388 : i32 to index
          %get3A_437 = arith.constant 48 : index
          %get3A_438 = tpu.vector_load %arg18[%get3A_436, %get3A_437] {strides = array<i32>} : memref<128x64xi32, #tpu.memory_space<vmem>>, vector<16xi32>,
          %bitcast3A_439 = vector.bitcast %get3A_438 : vector<16xi32> to vector<32xbf16>
          %mul3A_440 = arith.mulf %bitcast3A_435, %bitcast3A_439 : vector<32xbf16>
          %unpack3A_441 = tpu.unpack_subelements %mul3A_440, 0 {pack_format = #tpu.pack_format<interleaved>} : vector<32xbf16> -> vector<16xf32>
          %unpack3A_442 = tpu.unpack_subelements %mul3A_440, 1 {pack_format = #tpu.pack_format<interleaved>} : vector<32xbf16> -> vector<16xf32>
          %mul3A_443 = arith.mulf %unpack3A_441, %get3A_14 : vector<16xf32>
          %add3A_444 = arith.addf %add3A_429, %mul3A_443 : vector<16xf32>
          %mul3A_445 = arith.mulf %unpack3A_442, %get3A_22 : vector<16xf32>
          %add3A_446 = arith.addf %add3A_431, %mul3A_445 : vector<16xf32>
          %add3A_447 = arith.addf %add3A_444, %add3A_446 : vector<16xf32>
          %reduce_sum3A_448 = arith.constant true
          %reduce_sum3A_449 = vector.broadcast %reduce_sum3A_448 : i1 to vector<16xi1>
          %reduce_sum3A_450 = tpu.scan <sum>, %add3A_447 masked %reduce_sum3A_449 : vector<16xf32>, vector<16xi1> -> vector<16xf32>
          %reduce_sum3A_451 = vector.extract %reduce_sum3A_450[15] : f32 from vector<16xf32>
          %eq3A_452 = vector.broadcast %add3A_385 : i32 to vector<16xi32>
          %eq3A_453 = arith.cmpi eq, %iota3A, %eq3A_452 : vector<16xi32>
          %broadcast_in_dim3A_454 = vector.broadcast %reduce_sum3A_451 : f32 to vector<16xf32>
          %select_n3A_455 = arith.select %eq3A_453, %broadcast_in_dim3A_454, %select_n3A_381 : vector<16xi1>, vector<16xf32>
          %mul3A_456 = arith.constant 4 : i32
          %mul3A_457 = arith.muli %scan3A_235, %mul3A_456 : i32
          %add3A_458 = arith.constant 3 : i32
          %add3A_459 = arith.addi %mul3A_457, %add3A_458 : i32
          %mul3A_460 = arith.constant 16 : i32
          %mul3A_461 = arith.muli %scan3A_214, %mul3A_460 : i32
          %add3A_462 = arith.addi %mul3A_461, %add3A_459 : i32
          %get3A_463 = arith.index_cast %add3A_462 : i32 to index
          %get3A_464 = arith.constant 0 : index
          %get3A_465 = tpu.vector_load %arg14[%get3A_463, %get3A_464] {strides = array<i32>} : memref<128x64xi32, #tpu.memory_space<vmem>>, vector<16xi32>,
          %bitcast3A_466 = vector.bitcast %get3A_465 : vector<16xi32> to vector<32xbf16>
          %get3A_467 = arith.index_cast %add3A_462 : i32 to index
          %get3A_468 = arith.constant 0 : index
          %get3A_469 = tpu.vector_load %arg18[%get3A_467, %get3A_468] {strides = array<i32>} : memref<128x64xi32, #tpu.memory_space<vmem>>, vector<16xi32>,
          %bitcast3A_470 = vector.bitcast %get3A_469 : vector<16xi32> to vector<32xbf16>
          %mul3A_471 = arith.mulf %bitcast3A_466, %bitcast3A_470 : vector<32xbf16>
          %unpack3A_472 = tpu.unpack_subelements %mul3A_471, 0 {pack_format = #tpu.pack_format<interleaved>} : vector<32xbf16> -> vector<16xf32>
          %unpack3A_473 = tpu.unpack_subelements %mul3A_471, 1 {pack_format = #tpu.pack_format<interleaved>} : vector<32xbf16> -> vector<16xf32>
          %mul3A_474 = arith.mulf %unpack3A_472, %get3A_8 : vector<16xf32>
          %mul3A_475 = arith.mulf %unpack3A_473, %get3A_16 : vector<16xf32>
          %get3A_476 = arith.index_cast %add3A_462 : i32 to index
          %get3A_477 = arith.constant 16 : index
          %get3A_478 = tpu.vector_load %arg14[%get3A_476, %get3A_477] {strides = array<i32>} : memref<128x64xi32, #tpu.memory_space<vmem>>, vector<16xi32>,
          %bitcast3A_479 = vector.bitcast %get3A_478 : vector<16xi32> to vector<32xbf16>
          %get3A_480 = arith.index_cast %add3A_462 : i32 to index
          %get3A_481 = arith.constant 16 : index
          %get3A_482 = tpu.vector_load %arg18[%get3A_480, %get3A_481] {strides = array<i32>} : memref<128x64xi32, #tpu.memory_space<vmem>>, vector<16xi32>,
          %bitcast3A_483 = vector.bitcast %get3A_482 : vector<16xi32> to vector<32xbf16>
          %mul3A_484 = arith.mulf %bitcast3A_479, %bitcast3A_483 : vector<32xbf16>
          %unpack3A_485 = tpu.unpack_subelements %mul3A_484, 0 {pack_format = #tpu.pack_format<interleaved>} : vector<32xbf16> -> vector<16xf32>
          %unpack3A_486 = tpu.unpack_subelements %mul3A_484, 1 {pack_format = #tpu.pack_format<interleaved>} : vector<32xbf16> -> vector<16xf32>
          %mul3A_487 = arith.mulf %unpack3A_485, %get3A_10 : vector<16xf32>
          %add3A_488 = arith.addf %mul3A_474, %mul3A_487 : vector<16xf32>
          %mul3A_489 = arith.mulf %unpack3A_486, %get3A_18 : vector<16xf32>
          %add3A_490 = arith.addf %mul3A_475, %mul3A_489 : vector<16xf32>
          %get3A_491 = arith.index_cast %add3A_462 : i32 to index
          %get3A_492 = arith.constant 32 : index
          %get3A_493 = tpu.vector_load %arg14[%get3A_491, %get3A_492] {strides = array<i32>} : memref<128x64xi32, #tpu.memory_space<vmem>>, vector<16xi32>,
          %bitcast3A_494 = vector.bitcast %get3A_493 : vector<16xi32> to vector<32xbf16>
          %get3A_495 = arith.index_cast %add3A_462 : i32 to index
          %get3A_496 = arith.constant 32 : index
          %get3A_497 = tpu.vector_load %arg18[%get3A_495, %get3A_496] {strides = array<i32>} : memref<128x64xi32, #tpu.memory_space<vmem>>, vector<16xi32>,
          %bitcast3A_498 = vector.bitcast %get3A_497 : vector<16xi32> to vector<32xbf16>
          %mul3A_499 = arith.mulf %bitcast3A_494, %bitcast3A_498 : vector<32xbf16>
          %unpack3A_500 = tpu.unpack_subelements %mul3A_499, 0 {pack_format = #tpu.pack_format<interleaved>} : vector<32xbf16> -> vector<16xf32>
          %unpack3A_501 = tpu.unpack_subelements %mul3A_499, 1 {pack_format = #tpu.pack_format<interleaved>} : vector<32xbf16> -> vector<16xf32>
          %mul3A_502 = arith.mulf %unpack3A_500, %get3A_12 : vector<16xf32>
          %add3A_503 = arith.addf %add3A_488, %mul3A_502 : vector<16xf32>
          %mul3A_504 = arith.mulf %unpack3A_501, %get3A_20 : vector<16xf32>
          %add3A_505 = arith.addf %add3A_490, %mul3A_504 : vector<16xf32>
          %get3A_506 = arith.index_cast %add3A_462 : i32 to index
          %get3A_507 = arith.constant 48 : index
          %get3A_508 = tpu.vector_load %arg14[%get3A_506, %get3A_507] {strides = array<i32>} : memref<128x64xi32, #tpu.memory_space<vmem>>, vector<16xi32>,
          %bitcast3A_509 = vector.bitcast %get3A_508 : vector<16xi32> to vector<32xbf16>
          %get3A_510 = arith.index_cast %add3A_462 : i32 to index
          %get3A_511 = arith.constant 48 : index
          %get3A_512 = tpu.vector_load %arg18[%get3A_510, %get3A_511] {strides = array<i32>} : memref<128x64xi32, #tpu.memory_space<vmem>>, vector<16xi32>,
          %bitcast3A_513 = vector.bitcast %get3A_512 : vector<16xi32> to vector<32xbf16>
          %mul3A_514 = arith.mulf %bitcast3A_509, %bitcast3A_513 : vector<32xbf16>
          %unpack3A_515 = tpu.unpack_subelements %mul3A_514, 0 {pack_format = #tpu.pack_format<interleaved>} : vector<32xbf16> -> vector<16xf32>
          %unpack3A_516 = tpu.unpack_subelements %mul3A_514, 1 {pack_format = #tpu.pack_format<interleaved>} : vector<32xbf16> -> vector<16xf32>
          %mul3A_517 = arith.mulf %unpack3A_515, %get3A_14 : vector<16xf32>
          %add3A_518 = arith.addf %add3A_503, %mul3A_517 : vector<16xf32>
          %mul3A_519 = arith.mulf %unpack3A_516, %get3A_22 : vector<16xf32>
          %add3A_520 = arith.addf %add3A_505, %mul3A_519 : vector<16xf32>
          %add3A_521 = arith.addf %add3A_518, %add3A_520 : vector<16xf32>
          %reduce_sum3A_522 = arith.constant true
          %reduce_sum3A_523 = vector.broadcast %reduce_sum3A_522 : i1 to vector<16xi1>
          %reduce_sum3A_524 = tpu.scan <sum>, %add3A_521 masked %reduce_sum3A_523 : vector<16xf32>, vector<16xi1> -> vector<16xf32>
          %reduce_sum3A_525 = vector.extract %reduce_sum3A_524[15] : f32 from vector<16xf32>
          %eq3A_526 = vector.broadcast %add3A_459 : i32 to vector<16xi32>
          %eq3A_527 = arith.cmpi eq, %iota3A, %eq3A_526 : vector<16xi32>
          %broadcast_in_dim3A_528 = vector.broadcast %reduce_sum3A_525 : f32 to vector<16xf32>
          %select_n3A_529 = arith.select %eq3A_527, %broadcast_in_dim3A_528, %select_n3A_455 : vector<16xi1>, vector<16xf32>
          scf.yield %select_n3A_529 : vector<16xf32>
        }
        %scan3A_221 = arith.constant 4 : i32
        %add3A_222 = arith.addf %scan3A_220, %get3A_6 : vector<16xf32>
        %neg3A = arith.constant 0.000000e+00 : f32
        %neg3A_223 = vector.broadcast %neg3A : f32 to vector<16xf32>
        %neg3A_224 = arith.subf %neg3A_223, %add3A_222 : vector<16xf32>
        %exp3A = math.exp %neg3A_224 : vector<16xf32>
        %add3A_225 = arith.constant 1.000000e+00 : f32
        %add3A_226 = vector.broadcast %add3A_225 : f32 to vector<16xf32>
        %add3A_227 = arith.addf %add3A_226, %exp3A : vector<16xf32>
        %div3A_228 = arith.constant 1.000000e+00 : f32
        %div3A_229 = vector.broadcast %div3A_228 : f32 to vector<16xf32>
        %div3A_230 = arith.divf %div3A_229, %add3A_227 : vector<16xf32>
        %mul3A_231 = arith.constant 16 : i32
        %mul3A_232 = arith.muli %scan3A_214, %mul3A_231 : i32
        %swap3A = arith.index_cast %add3A_189 : i32 to index
        %swap3A_233 = arith.index_cast %mul3A_232 : i32 to index
        %swap3A_234 = tpu.vector_load %arg19[%swap3A, %swap3A_233] {strides = array<i32>} : memref<120x128xf32, #tpu.memory_space<vmem>>, vector<16xf32>,
        tpu.vector_store %arg19[%swap3A, %swap3A_233], %div3A_230 {strides = array<i32>} : memref<120x128xf32, #tpu.memory_space<vmem>>, vector<16xf32>,
      }
      %scan3A_213 = arith.constant 8 : i32
    }
    %while3A_95 = arith.constant 1 : i32
    scf.for %while3A_104 = %while3A_93 to %while3A_89 step %while3A_95  : i32 {
      %mul3A_105 = arith.constant 4 : i32
      %mul3A_106 = arith.muli %while3A_104, %mul3A_105 : i32
      %add3A_107 = arith.constant 0 : i32
      %add3A_108 = arith.addi %mul3A_106, %add3A_107 : i32
      %add3A_109 = arith.constant 3 : i32
      %add3A_110 = arith.addi %add3A_108, %add3A_109 : i32
      %lt3A = arith.cmpi slt, %add3A_110, %select_n3A : i32
      %convert_element_type3A_111 = arith.extui %lt3A : i1 to i32
      %cond3A_112 = arith.constant 0 : i32
      %cond3A_113 = arith.cmpi ne, %convert_element_type3A_111, %cond3A_112 : i32
      scf.if %cond3A_113 {
        %add3A_214 = arith.constant 3 : i32
        %add3A_215 = arith.addi %add3A_108, %add3A_214 : i32
        %dma_start3A_216 = arith.constant 0 : i32
        %dma_start3A_217 = tpu.memref_slice %arg9[%add3A_215, %dma_start3A_216] : memref<120x128xi32, #tpu.memory_space<vmem>> -> memref<1x128xi32, #tpu.memory_space<vmem>>
        %dma_start3A_218 = tpu.memref_squeeze %dma_start3A_217 : memref<1x128xi32, #tpu.memory_space<vmem>> -> memref<128xi32, #tpu.memory_space<vmem>>
        %dma_start3A_219 = arith.constant 0 : i32
        %dma_start3A_220 = arith.constant 0 : i32
        %dma_start3A_221 = tpu.memref_slice %arg2[%dma_start3A_219, %dma_start3A_220] : memref<10000x64xi32, #tpu.memory_space<hbm>> -> memref<10000x64xi32, #tpu.memory_space<hbm>>
        tpu.enqueue_indirect_dma source(%dma_start3A_221 : memref<10000x64xi32, #tpu.memory_space<hbm>>) target(%arg14 : memref<128x64xi32, #tpu.memory_space<vmem>>) offsets(%dma_start3A_218 : memref<128xi32, #tpu.memory_space<vmem>>) semaphore(%arg25 : memref<!tpu.dma_semaphore, #tpu.memory_space<semaphore_mem>>)
        %dma_start3A_222 = arith.constant 0 : i32
        %dma_start3A_223 = tpu.memref_slice %arg10[%add3A_215, %dma_start3A_222] : memref<120x128xi32, #tpu.memory_space<vmem>> -> memref<1x128xi32, #tpu.memory_space<vmem>>
        %dma_start3A_224 = tpu.memref_squeeze %dma_start3A_223 : memref<1x128xi32, #tpu.memory_space<vmem>> -> memref<128xi32, #tpu.memory_space<vmem>>
        %dma_start3A_225 = arith.constant 0 : i32
        %dma_start3A_226 = arith.constant 0 : i32
        %dma_start3A_227 = tpu.memref_slice %arg3[%dma_start3A_225, %dma_start3A_226] : memref<10000x64xi32, #tpu.memory_space<hbm>> -> memref<10000x64xi32, #tpu.memory_space<hbm>>
        tpu.enqueue_indirect_dma source(%dma_start3A_227 : memref<10000x64xi32, #tpu.memory_space<hbm>>) target(%arg18 : memref<128x64xi32, #tpu.memory_space<vmem>>) offsets(%dma_start3A_224 : memref<128xi32, #tpu.memory_space<vmem>>) semaphore(%arg25 : memref<!tpu.dma_semaphore, #tpu.memory_space<semaphore_mem>>)
      } else {
      }
      %dma_wait3A = arith.constant 0 : i32
      %dma_wait3A_114 = tpu.memref_slice %arg9[%add3A_108, %dma_wait3A] : memref<120x128xi32, #tpu.memory_space<vmem>> -> memref<1x128xi32, #tpu.memory_space<vmem>>
      %dma_wait3A_115 = tpu.memref_squeeze %dma_wait3A_114 : memref<1x128xi32, #tpu.memory_space<vmem>> -> memref<128xi32, #tpu.memory_space<vmem>>
      %dma_wait3A_116 = arith.constant 0 : i32
      %dma_wait3A_117 = arith.constant 0 : i32
      %dma_wait3A_118 = tpu.memref_slice %arg2[%dma_wait3A_116, %dma_wait3A_117] : memref<10000x64xi32, #tpu.memory_space<hbm>> -> memref<10000x64xi32, #tpu.memory_space<hbm>>
      tpu.wait_indirect_dma semaphore(%arg22 : memref<!tpu.dma_semaphore, #tpu.memory_space<semaphore_mem>>) src(%dma_wait3A_118 : memref<10000x64xi32, #tpu.memory_space<hbm>>) dst(%arg11 : memref<128x64xi32, #tpu.memory_space<vmem>>)
      %dma_wait3A_119 = arith.constant 0 : i32
      %dma_wait3A_120 = tpu.memref_slice %arg10[%add3A_108, %dma_wait3A_119] : memref<120x128xi32, #tpu.memory_space<vmem>> -> memref<1x128xi32, #tpu.memory_space<vmem>>
      %dma_wait3A_121 = tpu.memref_squeeze %dma_wait3A_120 : memref<1x128xi32, #tpu.memory_space<vmem>> -> memref<128xi32, #tpu.memory_space<vmem>>
      %dma_wait3A_122 = arith.constant 0 : i32
      %dma_wait3A_123 = arith.constant 0 : i32
      %dma_wait3A_124 = tpu.memref_slice %arg3[%dma_wait3A_122, %dma_wait3A_123] : memref<10000x64xi32, #tpu.memory_space<hbm>> -> memref<10000x64xi32, #tpu.memory_space<hbm>>
      tpu.wait_indirect_dma semaphore(%arg22 : memref<!tpu.dma_semaphore, #tpu.memory_space<semaphore_mem>>) src(%dma_wait3A_124 : memref<10000x64xi32, #tpu.memory_space<hbm>>) dst(%arg15 : memref<128x64xi32, #tpu.memory_space<vmem>>)
      %scan3A = arith.constant 0 : i32
      %scan3A_125 = arith.constant 0 : i32
      %scan3A_126 = arith.constant 8 : i32
      %scan3A_127 = arith.addi %scan3A_125, %scan3A_126 : i32
      %scan3A_128 = arith.constant 1 : i32
      scf.for %scan3A_214 = %scan3A_125 to %scan3A_127 step %scan3A_128  : i32 {
        %broadcast_in_dim3A = arith.constant 0.000000e+00 : f32
        %broadcast_in_dim3A_215 = vector.broadcast %broadcast_in_dim3A : f32 to vector<16xf32>
        %scan3A_216 = arith.constant 0 : i32
        %scan3A_217 = arith.constant 4 : i32
        %scan3A_218 = arith.addi %scan3A_216, %scan3A_217 : i32
        %scan3A_219 = arith.constant 1 : i32
        %scan3A_220 = scf.for %scan3A_235 = %scan3A_216 to %scan3A_218 step %scan3A_219 iter_args(%scan3A_236 = %broadcast_in_dim3A_215) -> (vector<16xf32>)  : i32 {
          %mul3A_237 = arith.constant 4 : i32
          %mul3A_238 = arith.muli %scan3A_235, %mul3A_237 : i32
          %add3A_239 = arith.constant 0 : i32
          %add3A_240 = arith.addi %mul3A_238, %add3A_239 : i32
          %mul3A_241 = arith.constant 16 : i32
          %mul3A_242 = arith.muli %scan3A_214, %mul3A_241 : i32
          %add3A_243 = arith.addi %mul3A_242, %add3A_240 : i32
          %get3A_244 = arith.index_cast %add3A_243 : i32 to index
          %get3A_245 = arith.constant 0 : index
          %get3A_246 = tpu.vector_load %arg11[%get3A_244, %get3A_245] {strides = array<i32>} : memref<128x64xi32, #tpu.memory_space<vmem>>, vector<16xi32>,
          %bitcast3A = vector.bitcast %get3A_246 : vector<16xi32> to vector<32xbf16>
          %get3A_247 = arith.index_cast %add3A_243 : i32 to index
          %get3A_248 = arith.constant 0 : index
          %get3A_249 = tpu.vector_load %arg15[%get3A_247, %get3A_248] {strides = array<i32>} : memref<128x64xi32, #tpu.memory_space<vmem>>, vector<16xi32>,
          %bitcast3A_250 = vector.bitcast %get3A_249 : vector<16xi32> to vector<32xbf16>
          %mul3A_251 = arith.mulf %bitcast3A, %bitcast3A_250 : vector<32xbf16>
          %unpack3A = tpu.unpack_subelements %mul3A_251, 0 {pack_format = #tpu.pack_format<interleaved>} : vector<32xbf16> -> vector<16xf32>
          %unpack3A_252 = tpu.unpack_subelements %mul3A_251, 1 {pack_format = #tpu.pack_format<interleaved>} : vector<32xbf16> -> vector<16xf32>
          %mul3A_253 = arith.mulf %unpack3A, %get3A_8 : vector<16xf32>
          %mul3A_254 = arith.mulf %unpack3A_252, %get3A_16 : vector<16xf32>
          %get3A_255 = arith.index_cast %add3A_243 : i32 to index
          %get3A_256 = arith.constant 16 : index
          %get3A_257 = tpu.vector_load %arg11[%get3A_255, %get3A_256] {strides = array<i32>} : memref<128x64xi32, #tpu.memory_space<vmem>>, vector<16xi32>,
          %bitcast3A_258 = vector.bitcast %get3A_257 : vector<16xi32> to vector<32xbf16>
          %get3A_259 = arith.index_cast %add3A_243 : i32 to index
          %get3A_260 = arith.constant 16 : index
          %get3A_261 = tpu.vector_load %arg15[%get3A_259, %get3A_260] {strides = array<i32>} : memref<128x64xi32, #tpu.memory_space<vmem>>, vector<16xi32>,
          %bitcast3A_262 = vector.bitcast %get3A_261 : vector<16xi32> to vector<32xbf16>
          %mul3A_263 = arith.mulf %bitcast3A_258, %bitcast3A_262 : vector<32xbf16>
          %unpack3A_264 = tpu.unpack_subelements %mul3A_263, 0 {pack_format = #tpu.pack_format<interleaved>} : vector<32xbf16> -> vector<16xf32>
          %unpack3A_265 = tpu.unpack_subelements %mul3A_263, 1 {pack_format = #tpu.pack_format<interleaved>} : vector<32xbf16> -> vector<16xf32>
          %mul3A_266 = arith.mulf %unpack3A_264, %get3A_10 : vector<16xf32>
          %add3A_267 = arith.addf %mul3A_253, %mul3A_266 : vector<16xf32>
          %mul3A_268 = arith.mulf %unpack3A_265, %get3A_18 : vector<16xf32>
          %add3A_269 = arith.addf %mul3A_254, %mul3A_268 : vector<16xf32>
          %get3A_270 = arith.index_cast %add3A_243 : i32 to index
          %get3A_271 = arith.constant 32 : index
          %get3A_272 = tpu.vector_load %arg11[%get3A_270, %get3A_271] {strides = array<i32>} : memref<128x64xi32, #tpu.memory_space<vmem>>, vector<16xi32>,
          %bitcast3A_273 = vector.bitcast %get3A_272 : vector<16xi32> to vector<32xbf16>
          %get3A_274 = arith.index_cast %add3A_243 : i32 to index
          %get3A_275 = arith.constant 32 : index
          %get3A_276 = tpu.vector_load %arg15[%get3A_274, %get3A_275] {strides = array<i32>} : memref<128x64xi32, #tpu.memory_space<vmem>>, vector<16xi32>,
          %bitcast3A_277 = vector.bitcast %get3A_276 : vector<16xi32> to vector<32xbf16>
          %mul3A_278 = arith.mulf %bitcast3A_273, %bitcast3A_277 : vector<32xbf16>
          %unpack3A_279 = tpu.unpack_subelements %mul3A_278, 0 {pack_format = #tpu.pack_format<interleaved>} : vector<32xbf16> -> vector<16xf32>
          %unpack3A_280 = tpu.unpack_subelements %mul3A_278, 1 {pack_format = #tpu.pack_format<interleaved>} : vector<32xbf16> -> vector<16xf32>
          %mul3A_281 = arith.mulf %unpack3A_279, %get3A_12 : vector<16xf32>
          %add3A_282 = arith.addf %add3A_267, %mul3A_281 : vector<16xf32>
          %mul3A_283 = arith.mulf %unpack3A_280, %get3A_20 : vector<16xf32>
          %add3A_284 = arith.addf %add3A_269, %mul3A_283 : vector<16xf32>
          %get3A_285 = arith.index_cast %add3A_243 : i32 to index
          %get3A_286 = arith.constant 48 : index
          %get3A_287 = tpu.vector_load %arg11[%get3A_285, %get3A_286] {strides = array<i32>} : memref<128x64xi32, #tpu.memory_space<vmem>>, vector<16xi32>,
          %bitcast3A_288 = vector.bitcast %get3A_287 : vector<16xi32> to vector<32xbf16>
          %get3A_289 = arith.index_cast %add3A_243 : i32 to index
          %get3A_290 = arith.constant 48 : index
          %get3A_291 = tpu.vector_load %arg15[%get3A_289, %get3A_290] {strides = array<i32>} : memref<128x64xi32, #tpu.memory_space<vmem>>, vector<16xi32>,
          %bitcast3A_292 = vector.bitcast %get3A_291 : vector<16xi32> to vector<32xbf16>
          %mul3A_293 = arith.mulf %bitcast3A_288, %bitcast3A_292 : vector<32xbf16>
          %unpack3A_294 = tpu.unpack_subelements %mul3A_293, 0 {pack_format = #tpu.pack_format<interleaved>} : vector<32xbf16> -> vector<16xf32>
          %unpack3A_295 = tpu.unpack_subelements %mul3A_293, 1 {pack_format = #tpu.pack_format<interleaved>} : vector<32xbf16> -> vector<16xf32>
          %mul3A_296 = arith.mulf %unpack3A_294, %get3A_14 : vector<16xf32>
          %add3A_297 = arith.addf %add3A_282, %mul3A_296 : vector<16xf32>
          %mul3A_298 = arith.mulf %unpack3A_295, %get3A_22 : vector<16xf32>
          %add3A_299 = arith.addf %add3A_284, %mul3A_298 : vector<16xf32>
          %add3A_300 = arith.addf %add3A_297, %add3A_299 : vector<16xf32>
          %reduce_sum3A = arith.constant true
          %reduce_sum3A_301 = vector.broadcast %reduce_sum3A : i1 to vector<16xi1>
          %reduce_sum3A_302 = tpu.scan <sum>, %add3A_300 masked %reduce_sum3A_301 : vector<16xf32>, vector<16xi1> -> vector<16xf32>
          %reduce_sum3A_303 = vector.extract %reduce_sum3A_302[15] : f32 from vector<16xf32>
          %eq3A_304 = vector.broadcast %add3A_240 : i32 to vector<16xi32>
          %eq3A_305 = arith.cmpi eq, %iota3A, %eq3A_304 : vector<16xi32>
          %broadcast_in_dim3A_306 = vector.broadcast %reduce_sum3A_303 : f32 to vector<16xf32>
          %select_n3A_307 = arith.select %eq3A_305, %broadcast_in_dim3A_306, %scan3A_236 : vector<16xi1>, vector<16xf32>
          %mul3A_308 = arith.constant 4 : i32
          %mul3A_309 = arith.muli %scan3A_235, %mul3A_308 : i32
          %add3A_310 = arith.constant 1 : i32
          %add3A_311 = arith.addi %mul3A_309, %add3A_310 : i32
          %mul3A_312 = arith.constant 16 : i32
          %mul3A_313 = arith.muli %scan3A_214, %mul3A_312 : i32
          %add3A_314 = arith.addi %mul3A_313, %add3A_311 : i32
          %get3A_315 = arith.index_cast %add3A_314 : i32 to index
          %get3A_316 = arith.constant 0 : index
          %get3A_317 = tpu.vector_load %arg11[%get3A_315, %get3A_316] {strides = array<i32>} : memref<128x64xi32, #tpu.memory_space<vmem>>, vector<16xi32>,
          %bitcast3A_318 = vector.bitcast %get3A_317 : vector<16xi32> to vector<32xbf16>
          %get3A_319 = arith.index_cast %add3A_314 : i32 to index
          %get3A_320 = arith.constant 0 : index
          %get3A_321 = tpu.vector_load %arg15[%get3A_319, %get3A_320] {strides = array<i32>} : memref<128x64xi32, #tpu.memory_space<vmem>>, vector<16xi32>,
          %bitcast3A_322 = vector.bitcast %get3A_321 : vector<16xi32> to vector<32xbf16>
          %mul3A_323 = arith.mulf %bitcast3A_318, %bitcast3A_322 : vector<32xbf16>
          %unpack3A_324 = tpu.unpack_subelements %mul3A_323, 0 {pack_format = #tpu.pack_format<interleaved>} : vector<32xbf16> -> vector<16xf32>
          %unpack3A_325 = tpu.unpack_subelements %mul3A_323, 1 {pack_format = #tpu.pack_format<interleaved>} : vector<32xbf16> -> vector<16xf32>
          %mul3A_326 = arith.mulf %unpack3A_324, %get3A_8 : vector<16xf32>
          %mul3A_327 = arith.mulf %unpack3A_325, %get3A_16 : vector<16xf32>
          %get3A_328 = arith.index_cast %add3A_314 : i32 to index
          %get3A_329 = arith.constant 16 : index
          %get3A_330 = tpu.vector_load %arg11[%get3A_328, %get3A_329] {strides = array<i32>} : memref<128x64xi32, #tpu.memory_space<vmem>>, vector<16xi32>,
          %bitcast3A_331 = vector.bitcast %get3A_330 : vector<16xi32> to vector<32xbf16>
          %get3A_332 = arith.index_cast %add3A_314 : i32 to index
          %get3A_333 = arith.constant 16 : index
          %get3A_334 = tpu.vector_load %arg15[%get3A_332, %get3A_333] {strides = array<i32>} : memref<128x64xi32, #tpu.memory_space<vmem>>, vector<16xi32>,
          %bitcast3A_335 = vector.bitcast %get3A_334 : vector<16xi32> to vector<32xbf16>
          %mul3A_336 = arith.mulf %bitcast3A_331, %bitcast3A_335 : vector<32xbf16>
          %unpack3A_337 = tpu.unpack_subelements %mul3A_336, 0 {pack_format = #tpu.pack_format<interleaved>} : vector<32xbf16> -> vector<16xf32>
          %unpack3A_338 = tpu.unpack_subelements %mul3A_336, 1 {pack_format = #tpu.pack_format<interleaved>} : vector<32xbf16> -> vector<16xf32>
          %mul3A_339 = arith.mulf %unpack3A_337, %get3A_10 : vector<16xf32>
          %add3A_340 = arith.addf %mul3A_326, %mul3A_339 : vector<16xf32>
          %mul3A_341 = arith.mulf %unpack3A_338, %get3A_18 : vector<16xf32>
          %add3A_342 = arith.addf %mul3A_327, %mul3A_341 : vector<16xf32>
          %get3A_343 = arith.index_cast %add3A_314 : i32 to index
          %get3A_344 = arith.constant 32 : index
          %get3A_345 = tpu.vector_load %arg11[%get3A_343, %get3A_344] {strides = array<i32>} : memref<128x64xi32, #tpu.memory_space<vmem>>, vector<16xi32>,
          %bitcast3A_346 = vector.bitcast %get3A_345 : vector<16xi32> to vector<32xbf16>
          %get3A_347 = arith.index_cast %add3A_314 : i32 to index
          %get3A_348 = arith.constant 32 : index
          %get3A_349 = tpu.vector_load %arg15[%get3A_347, %get3A_348] {strides = array<i32>} : memref<128x64xi32, #tpu.memory_space<vmem>>, vector<16xi32>,
          %bitcast3A_350 = vector.bitcast %get3A_349 : vector<16xi32> to vector<32xbf16>
          %mul3A_351 = arith.mulf %bitcast3A_346, %bitcast3A_350 : vector<32xbf16>
          %unpack3A_352 = tpu.unpack_subelements %mul3A_351, 0 {pack_format = #tpu.pack_format<interleaved>} : vector<32xbf16> -> vector<16xf32>
          %unpack3A_353 = tpu.unpack_subelements %mul3A_351, 1 {pack_format = #tpu.pack_format<interleaved>} : vector<32xbf16> -> vector<16xf32>
          %mul3A_354 = arith.mulf %unpack3A_352, %get3A_12 : vector<16xf32>
          %add3A_355 = arith.addf %add3A_340, %mul3A_354 : vector<16xf32>
          %mul3A_356 = arith.mulf %unpack3A_353, %get3A_20 : vector<16xf32>
          %add3A_357 = arith.addf %add3A_342, %mul3A_356 : vector<16xf32>
          %get3A_358 = arith.index_cast %add3A_314 : i32 to index
          %get3A_359 = arith.constant 48 : index
          %get3A_360 = tpu.vector_load %arg11[%get3A_358, %get3A_359] {strides = array<i32>} : memref<128x64xi32, #tpu.memory_space<vmem>>, vector<16xi32>,
          %bitcast3A_361 = vector.bitcast %get3A_360 : vector<16xi32> to vector<32xbf16>
          %get3A_362 = arith.index_cast %add3A_314 : i32 to index
          %get3A_363 = arith.constant 48 : index
          %get3A_364 = tpu.vector_load %arg15[%get3A_362, %get3A_363] {strides = array<i32>} : memref<128x64xi32, #tpu.memory_space<vmem>>, vector<16xi32>,
          %bitcast3A_365 = vector.bitcast %get3A_364 : vector<16xi32> to vector<32xbf16>
          %mul3A_366 = arith.mulf %bitcast3A_361, %bitcast3A_365 : vector<32xbf16>
          %unpack3A_367 = tpu.unpack_subelements %mul3A_366, 0 {pack_format = #tpu.pack_format<interleaved>} : vector<32xbf16> -> vector<16xf32>
          %unpack3A_368 = tpu.unpack_subelements %mul3A_366, 1 {pack_format = #tpu.pack_format<interleaved>} : vector<32xbf16> -> vector<16xf32>
          %mul3A_369 = arith.mulf %unpack3A_367, %get3A_14 : vector<16xf32>
          %add3A_370 = arith.addf %add3A_355, %mul3A_369 : vector<16xf32>
          %mul3A_371 = arith.mulf %unpack3A_368, %get3A_22 : vector<16xf32>
          %add3A_372 = arith.addf %add3A_357, %mul3A_371 : vector<16xf32>
          %add3A_373 = arith.addf %add3A_370, %add3A_372 : vector<16xf32>
          %reduce_sum3A_374 = arith.constant true
          %reduce_sum3A_375 = vector.broadcast %reduce_sum3A_374 : i1 to vector<16xi1>
          %reduce_sum3A_376 = tpu.scan <sum>, %add3A_373 masked %reduce_sum3A_375 : vector<16xf32>, vector<16xi1> -> vector<16xf32>
          %reduce_sum3A_377 = vector.extract %reduce_sum3A_376[15] : f32 from vector<16xf32>
          %eq3A_378 = vector.broadcast %add3A_311 : i32 to vector<16xi32>
          %eq3A_379 = arith.cmpi eq, %iota3A, %eq3A_378 : vector<16xi32>
          %broadcast_in_dim3A_380 = vector.broadcast %reduce_sum3A_377 : f32 to vector<16xf32>
          %select_n3A_381 = arith.select %eq3A_379, %broadcast_in_dim3A_380, %select_n3A_307 : vector<16xi1>, vector<16xf32>
          %mul3A_382 = arith.constant 4 : i32
          %mul3A_383 = arith.muli %scan3A_235, %mul3A_382 : i32
          %add3A_384 = arith.constant 2 : i32
          %add3A_385 = arith.addi %mul3A_383, %add3A_384 : i32
          %mul3A_386 = arith.constant 16 : i32
          %mul3A_387 = arith.muli %scan3A_214, %mul3A_386 : i32
          %add3A_388 = arith.addi %mul3A_387, %add3A_385 : i32
          %get3A_389 = arith.index_cast %add3A_388 : i32 to index
          %get3A_390 = arith.constant 0 : index
          %get3A_391 = tpu.vector_load %arg11[%get3A_389, %get3A_390] {strides = array<i32>} : memref<128x64xi32, #tpu.memory_space<vmem>>, vector<16xi32>,
          %bitcast3A_392 = vector.bitcast %get3A_391 : vector<16xi32> to vector<32xbf16>
          %get3A_393 = arith.index_cast %add3A_388 : i32 to index
          %get3A_394 = arith.constant 0 : index
          %get3A_395 = tpu.vector_load %arg15[%get3A_393, %get3A_394] {strides = array<i32>} : memref<128x64xi32, #tpu.memory_space<vmem>>, vector<16xi32>,
          %bitcast3A_396 = vector.bitcast %get3A_395 : vector<16xi32> to vector<32xbf16>
          %mul3A_397 = arith.mulf %bitcast3A_392, %bitcast3A_396 : vector<32xbf16>
          %unpack3A_398 = tpu.unpack_subelements %mul3A_397, 0 {pack_format = #tpu.pack_format<interleaved>} : vector<32xbf16> -> vector<16xf32>
          %unpack3A_399 = tpu.unpack_subelements %mul3A_397, 1 {pack_format = #tpu.pack_format<interleaved>} : vector<32xbf16> -> vector<16xf32>
          %mul3A_400 = arith.mulf %unpack3A_398, %get3A_8 : vector<16xf32>
          %mul3A_401 = arith.mulf %unpack3A_399, %get3A_16 : vector<16xf32>
          %get3A_402 = arith.index_cast %add3A_388 : i32 to index
          %get3A_403 = arith.constant 16 : index
          %get3A_404 = tpu.vector_load %arg11[%get3A_402, %get3A_403] {strides = array<i32>} : memref<128x64xi32, #tpu.memory_space<vmem>>, vector<16xi32>,
          %bitcast3A_405 = vector.bitcast %get3A_404 : vector<16xi32> to vector<32xbf16>
          %get3A_406 = arith.index_cast %add3A_388 : i32 to index
          %get3A_407 = arith.constant 16 : index
          %get3A_408 = tpu.vector_load %arg15[%get3A_406, %get3A_407] {strides = array<i32>} : memref<128x64xi32, #tpu.memory_space<vmem>>, vector<16xi32>,
          %bitcast3A_409 = vector.bitcast %get3A_408 : vector<16xi32> to vector<32xbf16>
          %mul3A_410 = arith.mulf %bitcast3A_405, %bitcast3A_409 : vector<32xbf16>
          %unpack3A_411 = tpu.unpack_subelements %mul3A_410, 0 {pack_format = #tpu.pack_format<interleaved>} : vector<32xbf16> -> vector<16xf32>
          %unpack3A_412 = tpu.unpack_subelements %mul3A_410, 1 {pack_format = #tpu.pack_format<interleaved>} : vector<32xbf16> -> vector<16xf32>
          %mul3A_413 = arith.mulf %unpack3A_411, %get3A_10 : vector<16xf32>
          %add3A_414 = arith.addf %mul3A_400, %mul3A_413 : vector<16xf32>
          %mul3A_415 = arith.mulf %unpack3A_412, %get3A_18 : vector<16xf32>
          %add3A_416 = arith.addf %mul3A_401, %mul3A_415 : vector<16xf32>
          %get3A_417 = arith.index_cast %add3A_388 : i32 to index
          %get3A_418 = arith.constant 32 : index
          %get3A_419 = tpu.vector_load %arg11[%get3A_417, %get3A_418] {strides = array<i32>} : memref<128x64xi32, #tpu.memory_space<vmem>>, vector<16xi32>,
          %bitcast3A_420 = vector.bitcast %get3A_419 : vector<16xi32> to vector<32xbf16>
          %get3A_421 = arith.index_cast %add3A_388 : i32 to index
          %get3A_422 = arith.constant 32 : index
          %get3A_423 = tpu.vector_load %arg15[%get3A_421, %get3A_422] {strides = array<i32>} : memref<128x64xi32, #tpu.memory_space<vmem>>, vector<16xi32>,
          %bitcast3A_424 = vector.bitcast %get3A_423 : vector<16xi32> to vector<32xbf16>
          %mul3A_425 = arith.mulf %bitcast3A_420, %bitcast3A_424 : vector<32xbf16>
          %unpack3A_426 = tpu.unpack_subelements %mul3A_425, 0 {pack_format = #tpu.pack_format<interleaved>} : vector<32xbf16> -> vector<16xf32>
          %unpack3A_427 = tpu.unpack_subelements %mul3A_425, 1 {pack_format = #tpu.pack_format<interleaved>} : vector<32xbf16> -> vector<16xf32>
          %mul3A_428 = arith.mulf %unpack3A_426, %get3A_12 : vector<16xf32>
          %add3A_429 = arith.addf %add3A_414, %mul3A_428 : vector<16xf32>
          %mul3A_430 = arith.mulf %unpack3A_427, %get3A_20 : vector<16xf32>
          %add3A_431 = arith.addf %add3A_416, %mul3A_430 : vector<16xf32>
          %get3A_432 = arith.index_cast %add3A_388 : i32 to index
          %get3A_433 = arith.constant 48 : index
          %get3A_434 = tpu.vector_load %arg11[%get3A_432, %get3A_433] {strides = array<i32>} : memref<128x64xi32, #tpu.memory_space<vmem>>, vector<16xi32>,
          %bitcast3A_435 = vector.bitcast %get3A_434 : vector<16xi32> to vector<32xbf16>
          %get3A_436 = arith.index_cast %add3A_388 : i32 to index
          %get3A_437 = arith.constant 48 : index
          %get3A_438 = tpu.vector_load %arg15[%get3A_436, %get3A_437] {strides = array<i32>} : memref<128x64xi32, #tpu.memory_space<vmem>>, vector<16xi32>,
          %bitcast3A_439 = vector.bitcast %get3A_438 : vector<16xi32> to vector<32xbf16>
          %mul3A_440 = arith.mulf %bitcast3A_435, %bitcast3A_439 : vector<32xbf16>
          %unpack3A_441 = tpu.unpack_subelements %mul3A_440, 0 {pack_format = #tpu.pack_format<interleaved>} : vector<32xbf16> -> vector<16xf32>
          %unpack3A_442 = tpu.unpack_subelements %mul3A_440, 1 {pack_format = #tpu.pack_format<interleaved>} : vector<32xbf16> -> vector<16xf32>
          %mul3A_443 = arith.mulf %unpack3A_441, %get3A_14 : vector<16xf32>
          %add3A_444 = arith.addf %add3A_429, %mul3A_443 : vector<16xf32>
          %mul3A_445 = arith.mulf %unpack3A_442, %get3A_22 : vector<16xf32>
          %add3A_446 = arith.addf %add3A_431, %mul3A_445 : vector<16xf32>
          %add3A_447 = arith.addf %add3A_444, %add3A_446 : vector<16xf32>
          %reduce_sum3A_448 = arith.constant true
          %reduce_sum3A_449 = vector.broadcast %reduce_sum3A_448 : i1 to vector<16xi1>
          %reduce_sum3A_450 = tpu.scan <sum>, %add3A_447 masked %reduce_sum3A_449 : vector<16xf32>, vector<16xi1> -> vector<16xf32>
          %reduce_sum3A_451 = vector.extract %reduce_sum3A_450[15] : f32 from vector<16xf32>
          %eq3A_452 = vector.broadcast %add3A_385 : i32 to vector<16xi32>
          %eq3A_453 = arith.cmpi eq, %iota3A, %eq3A_452 : vector<16xi32>
          %broadcast_in_dim3A_454 = vector.broadcast %reduce_sum3A_451 : f32 to vector<16xf32>
          %select_n3A_455 = arith.select %eq3A_453, %broadcast_in_dim3A_454, %select_n3A_381 : vector<16xi1>, vector<16xf32>
          %mul3A_456 = arith.constant 4 : i32
          %mul3A_457 = arith.muli %scan3A_235, %mul3A_456 : i32
          %add3A_458 = arith.constant 3 : i32
          %add3A_459 = arith.addi %mul3A_457, %add3A_458 : i32
          %mul3A_460 = arith.constant 16 : i32
          %mul3A_461 = arith.muli %scan3A_214, %mul3A_460 : i32
          %add3A_462 = arith.addi %mul3A_461, %add3A_459 : i32
          %get3A_463 = arith.index_cast %add3A_462 : i32 to index
          %get3A_464 = arith.constant 0 : index
          %get3A_465 = tpu.vector_load %arg11[%get3A_463, %get3A_464] {strides = array<i32>} : memref<128x64xi32, #tpu.memory_space<vmem>>, vector<16xi32>,
          %bitcast3A_466 = vector.bitcast %get3A_465 : vector<16xi32> to vector<32xbf16>
          %get3A_467 = arith.index_cast %add3A_462 : i32 to index
          %get3A_468 = arith.constant 0 : index
          %get3A_469 = tpu.vector_load %arg15[%get3A_467, %get3A_468] {strides = array<i32>} : memref<128x64xi32, #tpu.memory_space<vmem>>, vector<16xi32>,
          %bitcast3A_470 = vector.bitcast %get3A_469 : vector<16xi32> to vector<32xbf16>
          %mul3A_471 = arith.mulf %bitcast3A_466, %bitcast3A_470 : vector<32xbf16>
          %unpack3A_472 = tpu.unpack_subelements %mul3A_471, 0 {pack_format = #tpu.pack_format<interleaved>} : vector<32xbf16> -> vector<16xf32>
          %unpack3A_473 = tpu.unpack_subelements %mul3A_471, 1 {pack_format = #tpu.pack_format<interleaved>} : vector<32xbf16> -> vector<16xf32>
          %mul3A_474 = arith.mulf %unpack3A_472, %get3A_8 : vector<16xf32>
          %mul3A_475 = arith.mulf %unpack3A_473, %get3A_16 : vector<16xf32>
          %get3A_476 = arith.index_cast %add3A_462 : i32 to index
          %get3A_477 = arith.constant 16 : index
          %get3A_478 = tpu.vector_load %arg11[%get3A_476, %get3A_477] {strides = array<i32>} : memref<128x64xi32, #tpu.memory_space<vmem>>, vector<16xi32>,
          %bitcast3A_479 = vector.bitcast %get3A_478 : vector<16xi32> to vector<32xbf16>
          %get3A_480 = arith.index_cast %add3A_462 : i32 to index
          %get3A_481 = arith.constant 16 : index
          %get3A_482 = tpu.vector_load %arg15[%get3A_480, %get3A_481] {strides = array<i32>} : memref<128x64xi32, #tpu.memory_space<vmem>>, vector<16xi32>,
          %bitcast3A_483 = vector.bitcast %get3A_482 : vector<16xi32> to vector<32xbf16>
          %mul3A_484 = arith.mulf %bitcast3A_479, %bitcast3A_483 : vector<32xbf16>
          %unpack3A_485 = tpu.unpack_subelements %mul3A_484, 0 {pack_format = #tpu.pack_format<interleaved>} : vector<32xbf16> -> vector<16xf32>
          %unpack3A_486 = tpu.unpack_subelements %mul3A_484, 1 {pack_format = #tpu.pack_format<interleaved>} : vector<32xbf16> -> vector<16xf32>
          %mul3A_487 = arith.mulf %unpack3A_485, %get3A_10 : vector<16xf32>
          %add3A_488 = arith.addf %mul3A_474, %mul3A_487 : vector<16xf32>
          %mul3A_489 = arith.mulf %unpack3A_486, %get3A_18 : vector<16xf32>
          %add3A_490 = arith.addf %mul3A_475, %mul3A_489 : vector<16xf32>
          %get3A_491 = arith.index_cast %add3A_462 : i32 to index
          %get3A_492 = arith.constant 32 : index
          %get3A_493 = tpu.vector_load %arg11[%get3A_491, %get3A_492] {strides = array<i32>} : memref<128x64xi32, #tpu.memory_space<vmem>>, vector<16xi32>,
          %bitcast3A_494 = vector.bitcast %get3A_493 : vector<16xi32> to vector<32xbf16>
          %get3A_495 = arith.index_cast %add3A_462 : i32 to index
          %get3A_496 = arith.constant 32 : index
          %get3A_497 = tpu.vector_load %arg15[%get3A_495, %get3A_496] {strides = array<i32>} : memref<128x64xi32, #tpu.memory_space<vmem>>, vector<16xi32>,
          %bitcast3A_498 = vector.bitcast %get3A_497 : vector<16xi32> to vector<32xbf16>
          %mul3A_499 = arith.mulf %bitcast3A_494, %bitcast3A_498 : vector<32xbf16>
          %unpack3A_500 = tpu.unpack_subelements %mul3A_499, 0 {pack_format = #tpu.pack_format<interleaved>} : vector<32xbf16> -> vector<16xf32>
          %unpack3A_501 = tpu.unpack_subelements %mul3A_499, 1 {pack_format = #tpu.pack_format<interleaved>} : vector<32xbf16> -> vector<16xf32>
          %mul3A_502 = arith.mulf %unpack3A_500, %get3A_12 : vector<16xf32>
          %add3A_503 = arith.addf %add3A_488, %mul3A_502 : vector<16xf32>
          %mul3A_504 = arith.mulf %unpack3A_501, %get3A_20 : vector<16xf32>
          %add3A_505 = arith.addf %add3A_490, %mul3A_504 : vector<16xf32>
          %get3A_506 = arith.index_cast %add3A_462 : i32 to index
          %get3A_507 = arith.constant 48 : index
          %get3A_508 = tpu.vector_load %arg11[%get3A_506, %get3A_507] {strides = array<i32>} : memref<128x64xi32, #tpu.memory_space<vmem>>, vector<16xi32>,
          %bitcast3A_509 = vector.bitcast %get3A_508 : vector<16xi32> to vector<32xbf16>
          %get3A_510 = arith.index_cast %add3A_462 : i32 to index
          %get3A_511 = arith.constant 48 : index
          %get3A_512 = tpu.vector_load %arg15[%get3A_510, %get3A_511] {strides = array<i32>} : memref<128x64xi32, #tpu.memory_space<vmem>>, vector<16xi32>,
          %bitcast3A_513 = vector.bitcast %get3A_512 : vector<16xi32> to vector<32xbf16>
          %mul3A_514 = arith.mulf %bitcast3A_509, %bitcast3A_513 : vector<32xbf16>
          %unpack3A_515 = tpu.unpack_subelements %mul3A_514, 0 {pack_format = #tpu.pack_format<interleaved>} : vector<32xbf16> -> vector<16xf32>
          %unpack3A_516 = tpu.unpack_subelements %mul3A_514, 1 {pack_format = #tpu.pack_format<interleaved>} : vector<32xbf16> -> vector<16xf32>
          %mul3A_517 = arith.mulf %unpack3A_515, %get3A_14 : vector<16xf32>
          %add3A_518 = arith.addf %add3A_503, %mul3A_517 : vector<16xf32>
          %mul3A_519 = arith.mulf %unpack3A_516, %get3A_22 : vector<16xf32>
          %add3A_520 = arith.addf %add3A_505, %mul3A_519 : vector<16xf32>
          %add3A_521 = arith.addf %add3A_518, %add3A_520 : vector<16xf32>
          %reduce_sum3A_522 = arith.constant true
          %reduce_sum3A_523 = vector.broadcast %reduce_sum3A_522 : i1 to vector<16xi1>
          %reduce_sum3A_524 = tpu.scan <sum>, %add3A_521 masked %reduce_sum3A_523 : vector<16xf32>, vector<16xi1> -> vector<16xf32>
          %reduce_sum3A_525 = vector.extract %reduce_sum3A_524[15] : f32 from vector<16xf32>
          %eq3A_526 = vector.broadcast %add3A_459 : i32 to vector<16xi32>
          %eq3A_527 = arith.cmpi eq, %iota3A, %eq3A_526 : vector<16xi32>
          %broadcast_in_dim3A_528 = vector.broadcast %reduce_sum3A_525 : f32 to vector<16xf32>
          %select_n3A_529 = arith.select %eq3A_527, %broadcast_in_dim3A_528, %select_n3A_455 : vector<16xi1>, vector<16xf32>
          scf.yield %select_n3A_529 : vector<16xf32>
        }
        %scan3A_221 = arith.constant 4 : i32
        %add3A_222 = arith.addf %scan3A_220, %get3A_6 : vector<16xf32>
        %neg3A = arith.constant 0.000000e+00 : f32
        %neg3A_223 = vector.broadcast %neg3A : f32 to vector<16xf32>
        %neg3A_224 = arith.subf %neg3A_223, %add3A_222 : vector<16xf32>
        %exp3A = math.exp %neg3A_224 : vector<16xf32>
        %add3A_225 = arith.constant 1.000000e+00 : f32
        %add3A_226 = vector.broadcast %add3A_225 : f32 to vector<16xf32>
        %add3A_227 = arith.addf %add3A_226, %exp3A : vector<16xf32>
        %div3A_228 = arith.constant 1.000000e+00 : f32
        %div3A_229 = vector.broadcast %div3A_228 : f32 to vector<16xf32>
        %div3A_230 = arith.divf %div3A_229, %add3A_227 : vector<16xf32>
        %mul3A_231 = arith.constant 16 : i32
        %mul3A_232 = arith.muli %scan3A_214, %mul3A_231 : i32
        %swap3A = arith.index_cast %add3A_108 : i32 to index
        %swap3A_233 = arith.index_cast %mul3A_232 : i32 to index
        %swap3A_234 = tpu.vector_load %arg19[%swap3A, %swap3A_233] {strides = array<i32>} : memref<120x128xf32, #tpu.memory_space<vmem>>, vector<16xf32>,
        tpu.vector_store %arg19[%swap3A, %swap3A_233], %div3A_230 {strides = array<i32>} : memref<120x128xf32, #tpu.memory_space<vmem>>, vector<16xf32>,
      }
      %scan3A_129 = arith.constant 8 : i32
      %mul3A_130 = arith.constant 4 : i32
      %mul3A_131 = arith.muli %while3A_104, %mul3A_130 : i32
      %add3A_132 = arith.constant 1 : i32
      %add3A_133 = arith.addi %mul3A_131, %add3A_132 : i32
      %add3A_134 = arith.constant 3 : i32
      %add3A_135 = arith.addi %add3A_133, %add3A_134 : i32
      %lt3A_136 = arith.cmpi slt, %add3A_135, %select_n3A : i32
      %convert_element_type3A_137 = arith.extui %lt3A_136 : i1 to i32
      %cond3A_138 = arith.constant 0 : i32
      %cond3A_139 = arith.cmpi ne, %convert_element_type3A_137, %cond3A_138 : i32
      scf.if %cond3A_139 {
        %add3A_214 = arith.constant 3 : i32
        %add3A_215 = arith.addi %add3A_133, %add3A_214 : i32
        %dma_start3A_216 = arith.constant 0 : i32
        %dma_start3A_217 = tpu.memref_slice %arg9[%add3A_215, %dma_start3A_216] : memref<120x128xi32, #tpu.memory_space<vmem>> -> memref<1x128xi32, #tpu.memory_space<vmem>>
        %dma_start3A_218 = tpu.memref_squeeze %dma_start3A_217 : memref<1x128xi32, #tpu.memory_space<vmem>> -> memref<128xi32, #tpu.memory_space<vmem>>
        %dma_start3A_219 = arith.constant 0 : i32
        %dma_start3A_220 = arith.constant 0 : i32
        %dma_start3A_221 = tpu.memref_slice %arg2[%dma_start3A_219, %dma_start3A_220] : memref<10000x64xi32, #tpu.memory_space<hbm>> -> memref<10000x64xi32, #tpu.memory_space<hbm>>
        tpu.enqueue_indirect_dma source(%dma_start3A_221 : memref<10000x64xi32, #tpu.memory_space<hbm>>) target(%arg11 : memref<128x64xi32, #tpu.memory_space<vmem>>) offsets(%dma_start3A_218 : memref<128xi32, #tpu.memory_space<vmem>>) semaphore(%arg22 : memref<!tpu.dma_semaphore, #tpu.memory_space<semaphore_mem>>)
        %dma_start3A_222 = arith.constant 0 : i32
        %dma_start3A_223 = tpu.memref_slice %arg10[%add3A_215, %dma_start3A_222] : memref<120x128xi32, #tpu.memory_space<vmem>> -> memref<1x128xi32, #tpu.memory_space<vmem>>
        %dma_start3A_224 = tpu.memref_squeeze %dma_start3A_223 : memref<1x128xi32, #tpu.memory_space<vmem>> -> memref<128xi32, #tpu.memory_space<vmem>>
        %dma_start3A_225 = arith.constant 0 : i32
        %dma_start3A_226 = arith.constant 0 : i32
        %dma_start3A_227 = tpu.memref_slice %arg3[%dma_start3A_225, %dma_start3A_226] : memref<10000x64xi32, #tpu.memory_space<hbm>> -> memref<10000x64xi32, #tpu.memory_space<hbm>>
        tpu.enqueue_indirect_dma source(%dma_start3A_227 : memref<10000x64xi32, #tpu.memory_space<hbm>>) target(%arg15 : memref<128x64xi32, #tpu.memory_space<vmem>>) offsets(%dma_start3A_224 : memref<128xi32, #tpu.memory_space<vmem>>) semaphore(%arg22 : memref<!tpu.dma_semaphore, #tpu.memory_space<semaphore_mem>>)
      } else {
      }
      %dma_wait3A_140 = arith.constant 0 : i32
      %dma_wait3A_141 = tpu.memref_slice %arg9[%add3A_133, %dma_wait3A_140] : memref<120x128xi32, #tpu.memory_space<vmem>> -> memref<1x128xi32, #tpu.memory_space<vmem>>
      %dma_wait3A_142 = tpu.memref_squeeze %dma_wait3A_141 : memref<1x128xi32, #tpu.memory_space<vmem>> -> memref<128xi32, #tpu.memory_space<vmem>>
      %dma_wait3A_143 = arith.constant 0 : i32
      %dma_wait3A_144 = arith.constant 0 : i32
      %dma_wait3A_145 = tpu.memref_slice %arg2[%dma_wait3A_143, %dma_wait3A_144] : memref<10000x64xi32, #tpu.memory_space<hbm>> -> memref<10000x64xi32, #tpu.memory_space<hbm>>
      tpu.wait_indirect_dma semaphore(%arg23 : memref<!tpu.dma_semaphore, #tpu.memory_space<semaphore_mem>>) src(%dma_wait3A_145 : memref<10000x64xi32, #tpu.memory_space<hbm>>) dst(%arg12 : memref<128x64xi32, #tpu.memory_space<vmem>>)
      %dma_wait3A_146 = arith.constant 0 : i32
      %dma_wait3A_147 = tpu.memref_slice %arg10[%add3A_133, %dma_wait3A_146] : memref<120x128xi32, #tpu.memory_space<vmem>> -> memref<1x128xi32, #tpu.memory_space<vmem>>
      %dma_wait3A_148 = tpu.memref_squeeze %dma_wait3A_147 : memref<1x128xi32, #tpu.memory_space<vmem>> -> memref<128xi32, #tpu.memory_space<vmem>>
      %dma_wait3A_149 = arith.constant 0 : i32
      %dma_wait3A_150 = arith.constant 0 : i32
      %dma_wait3A_151 = tpu.memref_slice %arg3[%dma_wait3A_149, %dma_wait3A_150] : memref<10000x64xi32, #tpu.memory_space<hbm>> -> memref<10000x64xi32, #tpu.memory_space<hbm>>
      tpu.wait_indirect_dma semaphore(%arg23 : memref<!tpu.dma_semaphore, #tpu.memory_space<semaphore_mem>>) src(%dma_wait3A_151 : memref<10000x64xi32, #tpu.memory_space<hbm>>) dst(%arg16 : memref<128x64xi32, #tpu.memory_space<vmem>>)
      %scan3A_152 = arith.constant 0 : i32
      %scan3A_153 = arith.constant 0 : i32
      %scan3A_154 = arith.constant 8 : i32
      %scan3A_155 = arith.addi %scan3A_153, %scan3A_154 : i32
      %scan3A_156 = arith.constant 1 : i32
      scf.for %scan3A_214 = %scan3A_153 to %scan3A_155 step %scan3A_156  : i32 {
        %broadcast_in_dim3A = arith.constant 0.000000e+00 : f32
        %broadcast_in_dim3A_215 = vector.broadcast %broadcast_in_dim3A : f32 to vector<16xf32>
        %scan3A_216 = arith.constant 0 : i32
        %scan3A_217 = arith.constant 4 : i32
        %scan3A_218 = arith.addi %scan3A_216, %scan3A_217 : i32
        %scan3A_219 = arith.constant 1 : i32
        %scan3A_220 = scf.for %scan3A_235 = %scan3A_216 to %scan3A_218 step %scan3A_219 iter_args(%scan3A_236 = %broadcast_in_dim3A_215) -> (vector<16xf32>)  : i32 {
          %mul3A_237 = arith.constant 4 : i32
          %mul3A_238 = arith.muli %scan3A_235, %mul3A_237 : i32
          %add3A_239 = arith.constant 0 : i32
          %add3A_240 = arith.addi %mul3A_238, %add3A_239 : i32
          %mul3A_241 = arith.constant 16 : i32
          %mul3A_242 = arith.muli %scan3A_214, %mul3A_241 : i32
          %add3A_243 = arith.addi %mul3A_242, %add3A_240 : i32
          %get3A_244 = arith.index_cast %add3A_243 : i32 to index
          %get3A_245 = arith.constant 0 : index
          %get3A_246 = tpu.vector_load %arg12[%get3A_244, %get3A_245] {strides = array<i32>} : memref<128x64xi32, #tpu.memory_space<vmem>>, vector<16xi32>,
          %bitcast3A = vector.bitcast %get3A_246 : vector<16xi32> to vector<32xbf16>
          %get3A_247 = arith.index_cast %add3A_243 : i32 to index
          %get3A_248 = arith.constant 0 : index
          %get3A_249 = tpu.vector_load %arg16[%get3A_247, %get3A_248] {strides = array<i32>} : memref<128x64xi32, #tpu.memory_space<vmem>>, vector<16xi32>,
          %bitcast3A_250 = vector.bitcast %get3A_249 : vector<16xi32> to vector<32xbf16>
          %mul3A_251 = arith.mulf %bitcast3A, %bitcast3A_250 : vector<32xbf16>
          %unpack3A = tpu.unpack_subelements %mul3A_251, 0 {pack_format = #tpu.pack_format<interleaved>} : vector<32xbf16> -> vector<16xf32>
          %unpack3A_252 = tpu.unpack_subelements %mul3A_251, 1 {pack_format = #tpu.pack_format<interleaved>} : vector<32xbf16> -> vector<16xf32>
          %mul3A_253 = arith.mulf %unpack3A, %get3A_8 : vector<16xf32>
          %mul3A_254 = arith.mulf %unpack3A_252, %get3A_16 : vector<16xf32>
          %get3A_255 = arith.index_cast %add3A_243 : i32 to index
          %get3A_256 = arith.constant 16 : index
          %get3A_257 = tpu.vector_load %arg12[%get3A_255, %get3A_256] {strides = array<i32>} : memref<128x64xi32, #tpu.memory_space<vmem>>, vector<16xi32>,
          %bitcast3A_258 = vector.bitcast %get3A_257 : vector<16xi32> to vector<32xbf16>
          %get3A_259 = arith.index_cast %add3A_243 : i32 to index
          %get3A_260 = arith.constant 16 : index
          %get3A_261 = tpu.vector_load %arg16[%get3A_259, %get3A_260] {strides = array<i32>} : memref<128x64xi32, #tpu.memory_space<vmem>>, vector<16xi32>,
          %bitcast3A_262 = vector.bitcast %get3A_261 : vector<16xi32> to vector<32xbf16>
          %mul3A_263 = arith.mulf %bitcast3A_258, %bitcast3A_262 : vector<32xbf16>
          %unpack3A_264 = tpu.unpack_subelements %mul3A_263, 0 {pack_format = #tpu.pack_format<interleaved>} : vector<32xbf16> -> vector<16xf32>
          %unpack3A_265 = tpu.unpack_subelements %mul3A_263, 1 {pack_format = #tpu.pack_format<interleaved>} : vector<32xbf16> -> vector<16xf32>
          %mul3A_266 = arith.mulf %unpack3A_264, %get3A_10 : vector<16xf32>
          %add3A_267 = arith.addf %mul3A_253, %mul3A_266 : vector<16xf32>
          %mul3A_268 = arith.mulf %unpack3A_265, %get3A_18 : vector<16xf32>
          %add3A_269 = arith.addf %mul3A_254, %mul3A_268 : vector<16xf32>
          %get3A_270 = arith.index_cast %add3A_243 : i32 to index
          %get3A_271 = arith.constant 32 : index
          %get3A_272 = tpu.vector_load %arg12[%get3A_270, %get3A_271] {strides = array<i32>} : memref<128x64xi32, #tpu.memory_space<vmem>>, vector<16xi32>,
          %bitcast3A_273 = vector.bitcast %get3A_272 : vector<16xi32> to vector<32xbf16>
          %get3A_274 = arith.index_cast %add3A_243 : i32 to index
          %get3A_275 = arith.constant 32 : index
          %get3A_276 = tpu.vector_load %arg16[%get3A_274, %get3A_275] {strides = array<i32>} : memref<128x64xi32, #tpu.memory_space<vmem>>, vector<16xi32>,
          %bitcast3A_277 = vector.bitcast %get3A_276 : vector<16xi32> to vector<32xbf16>
          %mul3A_278 = arith.mulf %bitcast3A_273, %bitcast3A_277 : vector<32xbf16>
          %unpack3A_279 = tpu.unpack_subelements %mul3A_278, 0 {pack_format = #tpu.pack_format<interleaved>} : vector<32xbf16> -> vector<16xf32>
          %unpack3A_280 = tpu.unpack_subelements %mul3A_278, 1 {pack_format = #tpu.pack_format<interleaved>} : vector<32xbf16> -> vector<16xf32>
          %mul3A_281 = arith.mulf %unpack3A_279, %get3A_12 : vector<16xf32>
          %add3A_282 = arith.addf %add3A_267, %mul3A_281 : vector<16xf32>
          %mul3A_283 = arith.mulf %unpack3A_280, %get3A_20 : vector<16xf32>
          %add3A_284 = arith.addf %add3A_269, %mul3A_283 : vector<16xf32>
          %get3A_285 = arith.index_cast %add3A_243 : i32 to index
          %get3A_286 = arith.constant 48 : index
          %get3A_287 = tpu.vector_load %arg12[%get3A_285, %get3A_286] {strides = array<i32>} : memref<128x64xi32, #tpu.memory_space<vmem>>, vector<16xi32>,
          %bitcast3A_288 = vector.bitcast %get3A_287 : vector<16xi32> to vector<32xbf16>
          %get3A_289 = arith.index_cast %add3A_243 : i32 to index
          %get3A_290 = arith.constant 48 : index
          %get3A_291 = tpu.vector_load %arg16[%get3A_289, %get3A_290] {strides = array<i32>} : memref<128x64xi32, #tpu.memory_space<vmem>>, vector<16xi32>,
          %bitcast3A_292 = vector.bitcast %get3A_291 : vector<16xi32> to vector<32xbf16>
          %mul3A_293 = arith.mulf %bitcast3A_288, %bitcast3A_292 : vector<32xbf16>
          %unpack3A_294 = tpu.unpack_subelements %mul3A_293, 0 {pack_format = #tpu.pack_format<interleaved>} : vector<32xbf16> -> vector<16xf32>
          %unpack3A_295 = tpu.unpack_subelements %mul3A_293, 1 {pack_format = #tpu.pack_format<interleaved>} : vector<32xbf16> -> vector<16xf32>
          %mul3A_296 = arith.mulf %unpack3A_294, %get3A_14 : vector<16xf32>
          %add3A_297 = arith.addf %add3A_282, %mul3A_296 : vector<16xf32>
          %mul3A_298 = arith.mulf %unpack3A_295, %get3A_22 : vector<16xf32>
          %add3A_299 = arith.addf %add3A_284, %mul3A_298 : vector<16xf32>
          %add3A_300 = arith.addf %add3A_297, %add3A_299 : vector<16xf32>
          %reduce_sum3A = arith.constant true
          %reduce_sum3A_301 = vector.broadcast %reduce_sum3A : i1 to vector<16xi1>
          %reduce_sum3A_302 = tpu.scan <sum>, %add3A_300 masked %reduce_sum3A_301 : vector<16xf32>, vector<16xi1> -> vector<16xf32>
          %reduce_sum3A_303 = vector.extract %reduce_sum3A_302[15] : f32 from vector<16xf32>
          %eq3A_304 = vector.broadcast %add3A_240 : i32 to vector<16xi32>
          %eq3A_305 = arith.cmpi eq, %iota3A, %eq3A_304 : vector<16xi32>
          %broadcast_in_dim3A_306 = vector.broadcast %reduce_sum3A_303 : f32 to vector<16xf32>
          %select_n3A_307 = arith.select %eq3A_305, %broadcast_in_dim3A_306, %scan3A_236 : vector<16xi1>, vector<16xf32>
          %mul3A_308 = arith.constant 4 : i32
          %mul3A_309 = arith.muli %scan3A_235, %mul3A_308 : i32
          %add3A_310 = arith.constant 1 : i32
          %add3A_311 = arith.addi %mul3A_309, %add3A_310 : i32
          %mul3A_312 = arith.constant 16 : i32
          %mul3A_313 = arith.muli %scan3A_214, %mul3A_312 : i32
          %add3A_314 = arith.addi %mul3A_313, %add3A_311 : i32
          %get3A_315 = arith.index_cast %add3A_314 : i32 to index
          %get3A_316 = arith.constant 0 : index
          %get3A_317 = tpu.vector_load %arg12[%get3A_315, %get3A_316] {strides = array<i32>} : memref<128x64xi32, #tpu.memory_space<vmem>>, vector<16xi32>,
          %bitcast3A_318 = vector.bitcast %get3A_317 : vector<16xi32> to vector<32xbf16>
          %get3A_319 = arith.index_cast %add3A_314 : i32 to index
          %get3A_320 = arith.constant 0 : index
          %get3A_321 = tpu.vector_load %arg16[%get3A_319, %get3A_320] {strides = array<i32>} : memref<128x64xi32, #tpu.memory_space<vmem>>, vector<16xi32>,
          %bitcast3A_322 = vector.bitcast %get3A_321 : vector<16xi32> to vector<32xbf16>
          %mul3A_323 = arith.mulf %bitcast3A_318, %bitcast3A_322 : vector<32xbf16>
          %unpack3A_324 = tpu.unpack_subelements %mul3A_323, 0 {pack_format = #tpu.pack_format<interleaved>} : vector<32xbf16> -> vector<16xf32>
          %unpack3A_325 = tpu.unpack_subelements %mul3A_323, 1 {pack_format = #tpu.pack_format<interleaved>} : vector<32xbf16> -> vector<16xf32>
          %mul3A_326 = arith.mulf %unpack3A_324, %get3A_8 : vector<16xf32>
          %mul3A_327 = arith.mulf %unpack3A_325, %get3A_16 : vector<16xf32>
          %get3A_328 = arith.index_cast %add3A_314 : i32 to index
          %get3A_329 = arith.constant 16 : index
          %get3A_330 = tpu.vector_load %arg12[%get3A_328, %get3A_329] {strides = array<i32>} : memref<128x64xi32, #tpu.memory_space<vmem>>, vector<16xi32>,
          %bitcast3A_331 = vector.bitcast %get3A_330 : vector<16xi32> to vector<32xbf16>
          %get3A_332 = arith.index_cast %add3A_314 : i32 to index
          %get3A_333 = arith.constant 16 : index
          %get3A_334 = tpu.vector_load %arg16[%get3A_332, %get3A_333] {strides = array<i32>} : memref<128x64xi32, #tpu.memory_space<vmem>>, vector<16xi32>,
          %bitcast3A_335 = vector.bitcast %get3A_334 : vector<16xi32> to vector<32xbf16>
          %mul3A_336 = arith.mulf %bitcast3A_331, %bitcast3A_335 : vector<32xbf16>
          %unpack3A_337 = tpu.unpack_subelements %mul3A_336, 0 {pack_format = #tpu.pack_format<interleaved>} : vector<32xbf16> -> vector<16xf32>
          %unpack3A_338 = tpu.unpack_subelements %mul3A_336, 1 {pack_format = #tpu.pack_format<interleaved>} : vector<32xbf16> -> vector<16xf32>
          %mul3A_339 = arith.mulf %unpack3A_337, %get3A_10 : vector<16xf32>
          %add3A_340 = arith.addf %mul3A_326, %mul3A_339 : vector<16xf32>
          %mul3A_341 = arith.mulf %unpack3A_338, %get3A_18 : vector<16xf32>
          %add3A_342 = arith.addf %mul3A_327, %mul3A_341 : vector<16xf32>
          %get3A_343 = arith.index_cast %add3A_314 : i32 to index
          %get3A_344 = arith.constant 32 : index
          %get3A_345 = tpu.vector_load %arg12[%get3A_343, %get3A_344] {strides = array<i32>} : memref<128x64xi32, #tpu.memory_space<vmem>>, vector<16xi32>,
          %bitcast3A_346 = vector.bitcast %get3A_345 : vector<16xi32> to vector<32xbf16>
          %get3A_347 = arith.index_cast %add3A_314 : i32 to index
          %get3A_348 = arith.constant 32 : index
          %get3A_349 = tpu.vector_load %arg16[%get3A_347, %get3A_348] {strides = array<i32>} : memref<128x64xi32, #tpu.memory_space<vmem>>, vector<16xi32>,
          %bitcast3A_350 = vector.bitcast %get3A_349 : vector<16xi32> to vector<32xbf16>
          %mul3A_351 = arith.mulf %bitcast3A_346, %bitcast3A_350 : vector<32xbf16>
          %unpack3A_352 = tpu.unpack_subelements %mul3A_351, 0 {pack_format = #tpu.pack_format<interleaved>} : vector<32xbf16> -> vector<16xf32>
          %unpack3A_353 = tpu.unpack_subelements %mul3A_351, 1 {pack_format = #tpu.pack_format<interleaved>} : vector<32xbf16> -> vector<16xf32>
          %mul3A_354 = arith.mulf %unpack3A_352, %get3A_12 : vector<16xf32>
          %add3A_355 = arith.addf %add3A_340, %mul3A_354 : vector<16xf32>
          %mul3A_356 = arith.mulf %unpack3A_353, %get3A_20 : vector<16xf32>
          %add3A_357 = arith.addf %add3A_342, %mul3A_356 : vector<16xf32>
          %get3A_358 = arith.index_cast %add3A_314 : i32 to index
          %get3A_359 = arith.constant 48 : index
          %get3A_360 = tpu.vector_load %arg12[%get3A_358, %get3A_359] {strides = array<i32>} : memref<128x64xi32, #tpu.memory_space<vmem>>, vector<16xi32>,
          %bitcast3A_361 = vector.bitcast %get3A_360 : vector<16xi32> to vector<32xbf16>
          %get3A_362 = arith.index_cast %add3A_314 : i32 to index
          %get3A_363 = arith.constant 48 : index
          %get3A_364 = tpu.vector_load %arg16[%get3A_362, %get3A_363] {strides = array<i32>} : memref<128x64xi32, #tpu.memory_space<vmem>>, vector<16xi32>,
          %bitcast3A_365 = vector.bitcast %get3A_364 : vector<16xi32> to vector<32xbf16>
          %mul3A_366 = arith.mulf %bitcast3A_361, %bitcast3A_365 : vector<32xbf16>
          %unpack3A_367 = tpu.unpack_subelements %mul3A_366, 0 {pack_format = #tpu.pack_format<interleaved>} : vector<32xbf16> -> vector<16xf32>
          %unpack3A_368 = tpu.unpack_subelements %mul3A_366, 1 {pack_format = #tpu.pack_format<interleaved>} : vector<32xbf16> -> vector<16xf32>
          %mul3A_369 = arith.mulf %unpack3A_367, %get3A_14 : vector<16xf32>
          %add3A_370 = arith.addf %add3A_355, %mul3A_369 : vector<16xf32>
          %mul3A_371 = arith.mulf %unpack3A_368, %get3A_22 : vector<16xf32>
          %add3A_372 = arith.addf %add3A_357, %mul3A_371 : vector<16xf32>
          %add3A_373 = arith.addf %add3A_370, %add3A_372 : vector<16xf32>
          %reduce_sum3A_374 = arith.constant true
          %reduce_sum3A_375 = vector.broadcast %reduce_sum3A_374 : i1 to vector<16xi1>
          %reduce_sum3A_376 = tpu.scan <sum>, %add3A_373 masked %reduce_sum3A_375 : vector<16xf32>, vector<16xi1> -> vector<16xf32>
          %reduce_sum3A_377 = vector.extract %reduce_sum3A_376[15] : f32 from vector<16xf32>
          %eq3A_378 = vector.broadcast %add3A_311 : i32 to vector<16xi32>
          %eq3A_379 = arith.cmpi eq, %iota3A, %eq3A_378 : vector<16xi32>
          %broadcast_in_dim3A_380 = vector.broadcast %reduce_sum3A_377 : f32 to vector<16xf32>
          %select_n3A_381 = arith.select %eq3A_379, %broadcast_in_dim3A_380, %select_n3A_307 : vector<16xi1>, vector<16xf32>
          %mul3A_382 = arith.constant 4 : i32
          %mul3A_383 = arith.muli %scan3A_235, %mul3A_382 : i32
          %add3A_384 = arith.constant 2 : i32
          %add3A_385 = arith.addi %mul3A_383, %add3A_384 : i32
          %mul3A_386 = arith.constant 16 : i32
          %mul3A_387 = arith.muli %scan3A_214, %mul3A_386 : i32
          %add3A_388 = arith.addi %mul3A_387, %add3A_385 : i32
          %get3A_389 = arith.index_cast %add3A_388 : i32 to index
          %get3A_390 = arith.constant 0 : index
          %get3A_391 = tpu.vector_load %arg12[%get3A_389, %get3A_390] {strides = array<i32>} : memref<128x64xi32, #tpu.memory_space<vmem>>, vector<16xi32>,
          %bitcast3A_392 = vector.bitcast %get3A_391 : vector<16xi32> to vector<32xbf16>
          %get3A_393 = arith.index_cast %add3A_388 : i32 to index
          %get3A_394 = arith.constant 0 : index
          %get3A_395 = tpu.vector_load %arg16[%get3A_393, %get3A_394] {strides = array<i32>} : memref<128x64xi32, #tpu.memory_space<vmem>>, vector<16xi32>,
          %bitcast3A_396 = vector.bitcast %get3A_395 : vector<16xi32> to vector<32xbf16>
          %mul3A_397 = arith.mulf %bitcast3A_392, %bitcast3A_396 : vector<32xbf16>
          %unpack3A_398 = tpu.unpack_subelements %mul3A_397, 0 {pack_format = #tpu.pack_format<interleaved>} : vector<32xbf16> -> vector<16xf32>
          %unpack3A_399 = tpu.unpack_subelements %mul3A_397, 1 {pack_format = #tpu.pack_format<interleaved>} : vector<32xbf16> -> vector<16xf32>
          %mul3A_400 = arith.mulf %unpack3A_398, %get3A_8 : vector<16xf32>
          %mul3A_401 = arith.mulf %unpack3A_399, %get3A_16 : vector<16xf32>
          %get3A_402 = arith.index_cast %add3A_388 : i32 to index
          %get3A_403 = arith.constant 16 : index
          %get3A_404 = tpu.vector_load %arg12[%get3A_402, %get3A_403] {strides = array<i32>} : memref<128x64xi32, #tpu.memory_space<vmem>>, vector<16xi32>,
          %bitcast3A_405 = vector.bitcast %get3A_404 : vector<16xi32> to vector<32xbf16>
          %get3A_406 = arith.index_cast %add3A_388 : i32 to index
          %get3A_407 = arith.constant 16 : index
          %get3A_408 = tpu.vector_load %arg16[%get3A_406, %get3A_407] {strides = array<i32>} : memref<128x64xi32, #tpu.memory_space<vmem>>, vector<16xi32>,
          %bitcast3A_409 = vector.bitcast %get3A_408 : vector<16xi32> to vector<32xbf16>
          %mul3A_410 = arith.mulf %bitcast3A_405, %bitcast3A_409 : vector<32xbf16>
          %unpack3A_411 = tpu.unpack_subelements %mul3A_410, 0 {pack_format = #tpu.pack_format<interleaved>} : vector<32xbf16> -> vector<16xf32>
          %unpack3A_412 = tpu.unpack_subelements %mul3A_410, 1 {pack_format = #tpu.pack_format<interleaved>} : vector<32xbf16> -> vector<16xf32>
          %mul3A_413 = arith.mulf %unpack3A_411, %get3A_10 : vector<16xf32>
          %add3A_414 = arith.addf %mul3A_400, %mul3A_413 : vector<16xf32>
          %mul3A_415 = arith.mulf %unpack3A_412, %get3A_18 : vector<16xf32>
          %add3A_416 = arith.addf %mul3A_401, %mul3A_415 : vector<16xf32>
          %get3A_417 = arith.index_cast %add3A_388 : i32 to index
          %get3A_418 = arith.constant 32 : index
          %get3A_419 = tpu.vector_load %arg12[%get3A_417, %get3A_418] {strides = array<i32>} : memref<128x64xi32, #tpu.memory_space<vmem>>, vector<16xi32>,
          %bitcast3A_420 = vector.bitcast %get3A_419 : vector<16xi32> to vector<32xbf16>
          %get3A_421 = arith.index_cast %add3A_388 : i32 to index
          %get3A_422 = arith.constant 32 : index
          %get3A_423 = tpu.vector_load %arg16[%get3A_421, %get3A_422] {strides = array<i32>} : memref<128x64xi32, #tpu.memory_space<vmem>>, vector<16xi32>,
          %bitcast3A_424 = vector.bitcast %get3A_423 : vector<16xi32> to vector<32xbf16>
          %mul3A_425 = arith.mulf %bitcast3A_420, %bitcast3A_424 : vector<32xbf16>
          %unpack3A_426 = tpu.unpack_subelements %mul3A_425, 0 {pack_format = #tpu.pack_format<interleaved>} : vector<32xbf16> -> vector<16xf32>
          %unpack3A_427 = tpu.unpack_subelements %mul3A_425, 1 {pack_format = #tpu.pack_format<interleaved>} : vector<32xbf16> -> vector<16xf32>
          %mul3A_428 = arith.mulf %unpack3A_426, %get3A_12 : vector<16xf32>
          %add3A_429 = arith.addf %add3A_414, %mul3A_428 : vector<16xf32>
          %mul3A_430 = arith.mulf %unpack3A_427, %get3A_20 : vector<16xf32>
          %add3A_431 = arith.addf %add3A_416, %mul3A_430 : vector<16xf32>
          %get3A_432 = arith.index_cast %add3A_388 : i32 to index
          %get3A_433 = arith.constant 48 : index
          %get3A_434 = tpu.vector_load %arg12[%get3A_432, %get3A_433] {strides = array<i32>} : memref<128x64xi32, #tpu.memory_space<vmem>>, vector<16xi32>,
          %bitcast3A_435 = vector.bitcast %get3A_434 : vector<16xi32> to vector<32xbf16>
          %get3A_436 = arith.index_cast %add3A_388 : i32 to index
          %get3A_437 = arith.constant 48 : index
          %get3A_438 = tpu.vector_load %arg16[%get3A_436, %get3A_437] {strides = array<i32>} : memref<128x64xi32, #tpu.memory_space<vmem>>, vector<16xi32>,
          %bitcast3A_439 = vector.bitcast %get3A_438 : vector<16xi32> to vector<32xbf16>
          %mul3A_440 = arith.mulf %bitcast3A_435, %bitcast3A_439 : vector<32xbf16>
          %unpack3A_441 = tpu.unpack_subelements %mul3A_440, 0 {pack_format = #tpu.pack_format<interleaved>} : vector<32xbf16> -> vector<16xf32>
          %unpack3A_442 = tpu.unpack_subelements %mul3A_440, 1 {pack_format = #tpu.pack_format<interleaved>} : vector<32xbf16> -> vector<16xf32>
          %mul3A_443 = arith.mulf %unpack3A_441, %get3A_14 : vector<16xf32>
          %add3A_444 = arith.addf %add3A_429, %mul3A_443 : vector<16xf32>
          %mul3A_445 = arith.mulf %unpack3A_442, %get3A_22 : vector<16xf32>
          %add3A_446 = arith.addf %add3A_431, %mul3A_445 : vector<16xf32>
          %add3A_447 = arith.addf %add3A_444, %add3A_446 : vector<16xf32>
          %reduce_sum3A_448 = arith.constant true
          %reduce_sum3A_449 = vector.broadcast %reduce_sum3A_448 : i1 to vector<16xi1>
          %reduce_sum3A_450 = tpu.scan <sum>, %add3A_447 masked %reduce_sum3A_449 : vector<16xf32>, vector<16xi1> -> vector<16xf32>
          %reduce_sum3A_451 = vector.extract %reduce_sum3A_450[15] : f32 from vector<16xf32>
          %eq3A_452 = vector.broadcast %add3A_385 : i32 to vector<16xi32>
          %eq3A_453 = arith.cmpi eq, %iota3A, %eq3A_452 : vector<16xi32>
          %broadcast_in_dim3A_454 = vector.broadcast %reduce_sum3A_451 : f32 to vector<16xf32>
          %select_n3A_455 = arith.select %eq3A_453, %broadcast_in_dim3A_454, %select_n3A_381 : vector<16xi1>, vector<16xf32>
          %mul3A_456 = arith.constant 4 : i32
          %mul3A_457 = arith.muli %scan3A_235, %mul3A_456 : i32
          %add3A_458 = arith.constant 3 : i32
          %add3A_459 = arith.addi %mul3A_457, %add3A_458 : i32
          %mul3A_460 = arith.constant 16 : i32
          %mul3A_461 = arith.muli %scan3A_214, %mul3A_460 : i32
          %add3A_462 = arith.addi %mul3A_461, %add3A_459 : i32
          %get3A_463 = arith.index_cast %add3A_462 : i32 to index
          %get3A_464 = arith.constant 0 : index
          %get3A_465 = tpu.vector_load %arg12[%get3A_463, %get3A_464] {strides = array<i32>} : memref<128x64xi32, #tpu.memory_space<vmem>>, vector<16xi32>,
          %bitcast3A_466 = vector.bitcast %get3A_465 : vector<16xi32> to vector<32xbf16>
          %get3A_467 = arith.index_cast %add3A_462 : i32 to index
          %get3A_468 = arith.constant 0 : index
          %get3A_469 = tpu.vector_load %arg16[%get3A_467, %get3A_468] {strides = array<i32>} : memref<128x64xi32, #tpu.memory_space<vmem>>, vector<16xi32>,
          %bitcast3A_470 = vector.bitcast %get3A_469 : vector<16xi32> to vector<32xbf16>
          %mul3A_471 = arith.mulf %bitcast3A_466, %bitcast3A_470 : vector<32xbf16>
          %unpack3A_472 = tpu.unpack_subelements %mul3A_471, 0 {pack_format = #tpu.pack_format<interleaved>} : vector<32xbf16> -> vector<16xf32>
          %unpack3A_473 = tpu.unpack_subelements %mul3A_471, 1 {pack_format = #tpu.pack_format<interleaved>} : vector<32xbf16> -> vector<16xf32>
          %mul3A_474 = arith.mulf %unpack3A_472, %get3A_8 : vector<16xf32>
          %mul3A_475 = arith.mulf %unpack3A_473, %get3A_16 : vector<16xf32>
          %get3A_476 = arith.index_cast %add3A_462 : i32 to index
          %get3A_477 = arith.constant 16 : index
          %get3A_478 = tpu.vector_load %arg12[%get3A_476, %get3A_477] {strides = array<i32>} : memref<128x64xi32, #tpu.memory_space<vmem>>, vector<16xi32>,
          %bitcast3A_479 = vector.bitcast %get3A_478 : vector<16xi32> to vector<32xbf16>
          %get3A_480 = arith.index_cast %add3A_462 : i32 to index
          %get3A_481 = arith.constant 16 : index
          %get3A_482 = tpu.vector_load %arg16[%get3A_480, %get3A_481] {strides = array<i32>} : memref<128x64xi32, #tpu.memory_space<vmem>>, vector<16xi32>,
          %bitcast3A_483 = vector.bitcast %get3A_482 : vector<16xi32> to vector<32xbf16>
          %mul3A_484 = arith.mulf %bitcast3A_479, %bitcast3A_483 : vector<32xbf16>
          %unpack3A_485 = tpu.unpack_subelements %mul3A_484, 0 {pack_format = #tpu.pack_format<interleaved>} : vector<32xbf16> -> vector<16xf32>
          %unpack3A_486 = tpu.unpack_subelements %mul3A_484, 1 {pack_format = #tpu.pack_format<interleaved>} : vector<32xbf16> -> vector<16xf32>
          %mul3A_487 = arith.mulf %unpack3A_485, %get3A_10 : vector<16xf32>
          %add3A_488 = arith.addf %mul3A_474, %mul3A_487 : vector<16xf32>
          %mul3A_489 = arith.mulf %unpack3A_486, %get3A_18 : vector<16xf32>
          %add3A_490 = arith.addf %mul3A_475, %mul3A_489 : vector<16xf32>
          %get3A_491 = arith.index_cast %add3A_462 : i32 to index
          %get3A_492 = arith.constant 32 : index
          %get3A_493 = tpu.vector_load %arg12[%get3A_491, %get3A_492] {strides = array<i32>} : memref<128x64xi32, #tpu.memory_space<vmem>>, vector<16xi32>,
          %bitcast3A_494 = vector.bitcast %get3A_493 : vector<16xi32> to vector<32xbf16>
          %get3A_495 = arith.index_cast %add3A_462 : i32 to index
          %get3A_496 = arith.constant 32 : index
          %get3A_497 = tpu.vector_load %arg16[%get3A_495, %get3A_496] {strides = array<i32>} : memref<128x64xi32, #tpu.memory_space<vmem>>, vector<16xi32>,
          %bitcast3A_498 = vector.bitcast %get3A_497 : vector<16xi32> to vector<32xbf16>
          %mul3A_499 = arith.mulf %bitcast3A_494, %bitcast3A_498 : vector<32xbf16>
          %unpack3A_500 = tpu.unpack_subelements %mul3A_499, 0 {pack_format = #tpu.pack_format<interleaved>} : vector<32xbf16> -> vector<16xf32>
          %unpack3A_501 = tpu.unpack_subelements %mul3A_499, 1 {pack_format = #tpu.pack_format<interleaved>} : vector<32xbf16> -> vector<16xf32>
          %mul3A_502 = arith.mulf %unpack3A_500, %get3A_12 : vector<16xf32>
          %add3A_503 = arith.addf %add3A_488, %mul3A_502 : vector<16xf32>
          %mul3A_504 = arith.mulf %unpack3A_501, %get3A_20 : vector<16xf32>
          %add3A_505 = arith.addf %add3A_490, %mul3A_504 : vector<16xf32>
          %get3A_506 = arith.index_cast %add3A_462 : i32 to index
          %get3A_507 = arith.constant 48 : index
          %get3A_508 = tpu.vector_load %arg12[%get3A_506, %get3A_507] {strides = array<i32>} : memref<128x64xi32, #tpu.memory_space<vmem>>, vector<16xi32>,
          %bitcast3A_509 = vector.bitcast %get3A_508 : vector<16xi32> to vector<32xbf16>
          %get3A_510 = arith.index_cast %add3A_462 : i32 to index
          %get3A_511 = arith.constant 48 : index
          %get3A_512 = tpu.vector_load %arg16[%get3A_510, %get3A_511] {strides = array<i32>} : memref<128x64xi32, #tpu.memory_space<vmem>>, vector<16xi32>,
          %bitcast3A_513 = vector.bitcast %get3A_512 : vector<16xi32> to vector<32xbf16>
          %mul3A_514 = arith.mulf %bitcast3A_509, %bitcast3A_513 : vector<32xbf16>
          %unpack3A_515 = tpu.unpack_subelements %mul3A_514, 0 {pack_format = #tpu.pack_format<interleaved>} : vector<32xbf16> -> vector<16xf32>
          %unpack3A_516 = tpu.unpack_subelements %mul3A_514, 1 {pack_format = #tpu.pack_format<interleaved>} : vector<32xbf16> -> vector<16xf32>
          %mul3A_517 = arith.mulf %unpack3A_515, %get3A_14 : vector<16xf32>
          %add3A_518 = arith.addf %add3A_503, %mul3A_517 : vector<16xf32>
          %mul3A_519 = arith.mulf %unpack3A_516, %get3A_22 : vector<16xf32>
          %add3A_520 = arith.addf %add3A_505, %mul3A_519 : vector<16xf32>
          %add3A_521 = arith.addf %add3A_518, %add3A_520 : vector<16xf32>
          %reduce_sum3A_522 = arith.constant true
          %reduce_sum3A_523 = vector.broadcast %reduce_sum3A_522 : i1 to vector<16xi1>
          %reduce_sum3A_524 = tpu.scan <sum>, %add3A_521 masked %reduce_sum3A_523 : vector<16xf32>, vector<16xi1> -> vector<16xf32>
          %reduce_sum3A_525 = vector.extract %reduce_sum3A_524[15] : f32 from vector<16xf32>
          %eq3A_526 = vector.broadcast %add3A_459 : i32 to vector<16xi32>
          %eq3A_527 = arith.cmpi eq, %iota3A, %eq3A_526 : vector<16xi32>
          %broadcast_in_dim3A_528 = vector.broadcast %reduce_sum3A_525 : f32 to vector<16xf32>
          %select_n3A_529 = arith.select %eq3A_527, %broadcast_in_dim3A_528, %select_n3A_455 : vector<16xi1>, vector<16xf32>
          scf.yield %select_n3A_529 : vector<16xf32>
        }
        %scan3A_221 = arith.constant 4 : i32
        %add3A_222 = arith.addf %scan3A_220, %get3A_6 : vector<16xf32>
        %neg3A = arith.constant 0.000000e+00 : f32
        %neg3A_223 = vector.broadcast %neg3A : f32 to vector<16xf32>
        %neg3A_224 = arith.subf %neg3A_223, %add3A_222 : vector<16xf32>
        %exp3A = math.exp %neg3A_224 : vector<16xf32>
        %add3A_225 = arith.constant 1.000000e+00 : f32
        %add3A_226 = vector.broadcast %add3A_225 : f32 to vector<16xf32>
        %add3A_227 = arith.addf %add3A_226, %exp3A : vector<16xf32>
        %div3A_228 = arith.constant 1.000000e+00 : f32
        %div3A_229 = vector.broadcast %div3A_228 : f32 to vector<16xf32>
        %div3A_230 = arith.divf %div3A_229, %add3A_227 : vector<16xf32>
        %mul3A_231 = arith.constant 16 : i32
        %mul3A_232 = arith.muli %scan3A_214, %mul3A_231 : i32
        %swap3A = arith.index_cast %add3A_133 : i32 to index
        %swap3A_233 = arith.index_cast %mul3A_232 : i32 to index
        %swap3A_234 = tpu.vector_load %arg19[%swap3A, %swap3A_233] {strides = array<i32>} : memref<120x128xf32, #tpu.memory_space<vmem>>, vector<16xf32>,
        tpu.vector_store %arg19[%swap3A, %swap3A_233], %div3A_230 {strides = array<i32>} : memref<120x128xf32, #tpu.memory_space<vmem>>, vector<16xf32>,
      }
      %scan3A_157 = arith.constant 8 : i32
      %mul3A_158 = arith.constant 4 : i32
      %mul3A_159 = arith.muli %while3A_104, %mul3A_158 : i32
      %add3A_160 = arith.constant 2 : i32
      %add3A_161 = arith.addi %mul3A_159, %add3A_160 : i32
      %add3A_162 = arith.constant 3 : i32
      %add3A_163 = arith.addi %add3A_161, %add3A_162 : i32
      %lt3A_164 = arith.cmpi slt, %add3A_163, %select_n3A : i32
      %convert_element_type3A_165 = arith.extui %lt3A_164 : i1 to i32
      %cond3A_166 = arith.constant 0 : i32
      %cond3A_167 = arith.cmpi ne, %convert_element_type3A_165, %cond3A_166 : i32
      scf.if %cond3A_167 {
        %add3A_214 = arith.constant 3 : i32
        %add3A_215 = arith.addi %add3A_161, %add3A_214 : i32
        %dma_start3A_216 = arith.constant 0 : i32
        %dma_start3A_217 = tpu.memref_slice %arg9[%add3A_215, %dma_start3A_216] : memref<120x128xi32, #tpu.memory_space<vmem>> -> memref<1x128xi32, #tpu.memory_space<vmem>>
        %dma_start3A_218 = tpu.memref_squeeze %dma_start3A_217 : memref<1x128xi32, #tpu.memory_space<vmem>> -> memref<128xi32, #tpu.memory_space<vmem>>
        %dma_start3A_219 = arith.constant 0 : i32
        %dma_start3A_220 = arith.constant 0 : i32
        %dma_start3A_221 = tpu.memref_slice %arg2[%dma_start3A_219, %dma_start3A_220] : memref<10000x64xi32, #tpu.memory_space<hbm>> -> memref<10000x64xi32, #tpu.memory_space<hbm>>
        tpu.enqueue_indirect_dma source(%dma_start3A_221 : memref<10000x64xi32, #tpu.memory_space<hbm>>) target(%arg12 : memref<128x64xi32, #tpu.memory_space<vmem>>) offsets(%dma_start3A_218 : memref<128xi32, #tpu.memory_space<vmem>>) semaphore(%arg23 : memref<!tpu.dma_semaphore, #tpu.memory_space<semaphore_mem>>)
        %dma_start3A_222 = arith.constant 0 : i32
        %dma_start3A_223 = tpu.memref_slice %arg10[%add3A_215, %dma_start3A_222] : memref<120x128xi32, #tpu.memory_space<vmem>> -> memref<1x128xi32, #tpu.memory_space<vmem>>
        %dma_start3A_224 = tpu.memref_squeeze %dma_start3A_223 : memref<1x128xi32, #tpu.memory_space<vmem>> -> memref<128xi32, #tpu.memory_space<vmem>>
        %dma_start3A_225 = arith.constant 0 : i32
        %dma_start3A_226 = arith.constant 0 : i32
        %dma_start3A_227 = tpu.memref_slice %arg3[%dma_start3A_225, %dma_start3A_226] : memref<10000x64xi32, #tpu.memory_space<hbm>> -> memref<10000x64xi32, #tpu.memory_space<hbm>>
        tpu.enqueue_indirect_dma source(%dma_start3A_227 : memref<10000x64xi32, #tpu.memory_space<hbm>>) target(%arg16 : memref<128x64xi32, #tpu.memory_space<vmem>>) offsets(%dma_start3A_224 : memref<128xi32, #tpu.memory_space<vmem>>) semaphore(%arg23 : memref<!tpu.dma_semaphore, #tpu.memory_space<semaphore_mem>>)
      } else {
      }
      %dma_wait3A_168 = arith.constant 0 : i32
      %dma_wait3A_169 = tpu.memref_slice %arg9[%add3A_161, %dma_wait3A_168] : memref<120x128xi32, #tpu.memory_space<vmem>> -> memref<1x128xi32, #tpu.memory_space<vmem>>
      %dma_wait3A_170 = tpu.memref_squeeze %dma_wait3A_169 : memref<1x128xi32, #tpu.memory_space<vmem>> -> memref<128xi32, #tpu.memory_space<vmem>>
      %dma_wait3A_171 = arith.constant 0 : i32
      %dma_wait3A_172 = arith.constant 0 : i32
      %dma_wait3A_173 = tpu.memref_slice %arg2[%dma_wait3A_171, %dma_wait3A_172] : memref<10000x64xi32, #tpu.memory_space<hbm>> -> memref<10000x64xi32, #tpu.memory_space<hbm>>
      tpu.wait_indirect_dma semaphore(%arg24 : memref<!tpu.dma_semaphore, #tpu.memory_space<semaphore_mem>>) src(%dma_wait3A_173 : memref<10000x64xi32, #tpu.memory_space<hbm>>) dst(%arg13 : memref<128x64xi32, #tpu.memory_space<vmem>>)
      %dma_wait3A_174 = arith.constant 0 : i32
      %dma_wait3A_175 = tpu.memref_slice %arg10[%add3A_161, %dma_wait3A_174] : memref<120x128xi32, #tpu.memory_space<vmem>> -> memref<1x128xi32, #tpu.memory_space<vmem>>
      %dma_wait3A_176 = tpu.memref_squeeze %dma_wait3A_175 : memref<1x128xi32, #tpu.memory_space<vmem>> -> memref<128xi32, #tpu.memory_space<vmem>>
      %dma_wait3A_177 = arith.constant 0 : i32
      %dma_wait3A_178 = arith.constant 0 : i32
      %dma_wait3A_179 = tpu.memref_slice %arg3[%dma_wait3A_177, %dma_wait3A_178] : memref<10000x64xi32, #tpu.memory_space<hbm>> -> memref<10000x64xi32, #tpu.memory_space<hbm>>
      tpu.wait_indirect_dma semaphore(%arg24 : memref<!tpu.dma_semaphore, #tpu.memory_space<semaphore_mem>>) src(%dma_wait3A_179 : memref<10000x64xi32, #tpu.memory_space<hbm>>) dst(%arg17 : memref<128x64xi32, #tpu.memory_space<vmem>>)
      %scan3A_180 = arith.constant 0 : i32
      %scan3A_181 = arith.constant 0 : i32
      %scan3A_182 = arith.constant 8 : i32
      %scan3A_183 = arith.addi %scan3A_181, %scan3A_182 : i32
      %scan3A_184 = arith.constant 1 : i32
      scf.for %scan3A_214 = %scan3A_181 to %scan3A_183 step %scan3A_184  : i32 {
        %broadcast_in_dim3A = arith.constant 0.000000e+00 : f32
        %broadcast_in_dim3A_215 = vector.broadcast %broadcast_in_dim3A : f32 to vector<16xf32>
        %scan3A_216 = arith.constant 0 : i32
        %scan3A_217 = arith.constant 4 : i32
        %scan3A_218 = arith.addi %scan3A_216, %scan3A_217 : i32
        %scan3A_219 = arith.constant 1 : i32
        %scan3A_220 = scf.for %scan3A_235 = %scan3A_216 to %scan3A_218 step %scan3A_219 iter_args(%scan3A_236 = %broadcast_in_dim3A_215) -> (vector<16xf32>)  : i32 {
          %mul3A_237 = arith.constant 4 : i32
          %mul3A_238 = arith.muli %scan3A_235, %mul3A_237 : i32
          %add3A_239 = arith.constant 0 : i32
          %add3A_240 = arith.addi %mul3A_238, %add3A_239 : i32
          %mul3A_241 = arith.constant 16 : i32
          %mul3A_242 = arith.muli %scan3A_214, %mul3A_241 : i32
          %add3A_243 = arith.addi %mul3A_242, %add3A_240 : i32
          %get3A_244 = arith.index_cast %add3A_243 : i32 to index
          %get3A_245 = arith.constant 0 : index
          %get3A_246 = tpu.vector_load %arg13[%get3A_244, %get3A_245] {strides = array<i32>} : memref<128x64xi32, #tpu.memory_space<vmem>>, vector<16xi32>,
          %bitcast3A = vector.bitcast %get3A_246 : vector<16xi32> to vector<32xbf16>
          %get3A_247 = arith.index_cast %add3A_243 : i32 to index
          %get3A_248 = arith.constant 0 : index
          %get3A_249 = tpu.vector_load %arg17[%get3A_247, %get3A_248] {strides = array<i32>} : memref<128x64xi32, #tpu.memory_space<vmem>>, vector<16xi32>,
          %bitcast3A_250 = vector.bitcast %get3A_249 : vector<16xi32> to vector<32xbf16>
          %mul3A_251 = arith.mulf %bitcast3A, %bitcast3A_250 : vector<32xbf16>
          %unpack3A = tpu.unpack_subelements %mul3A_251, 0 {pack_format = #tpu.pack_format<interleaved>} : vector<32xbf16> -> vector<16xf32>
          %unpack3A_252 = tpu.unpack_subelements %mul3A_251, 1 {pack_format = #tpu.pack_format<interleaved>} : vector<32xbf16> -> vector<16xf32>
          %mul3A_253 = arith.mulf %unpack3A, %get3A_8 : vector<16xf32>
          %mul3A_254 = arith.mulf %unpack3A_252, %get3A_16 : vector<16xf32>
          %get3A_255 = arith.index_cast %add3A_243 : i32 to index
          %get3A_256 = arith.constant 16 : index
          %get3A_257 = tpu.vector_load %arg13[%get3A_255, %get3A_256] {strides = array<i32>} : memref<128x64xi32, #tpu.memory_space<vmem>>, vector<16xi32>,
          %bitcast3A_258 = vector.bitcast %get3A_257 : vector<16xi32> to vector<32xbf16>
          %get3A_259 = arith.index_cast %add3A_243 : i32 to index
          %get3A_260 = arith.constant 16 : index
          %get3A_261 = tpu.vector_load %arg17[%get3A_259, %get3A_260] {strides = array<i32>} : memref<128x64xi32, #tpu.memory_space<vmem>>, vector<16xi32>,
          %bitcast3A_262 = vector.bitcast %get3A_261 : vector<16xi32> to vector<32xbf16>
          %mul3A_263 = arith.mulf %bitcast3A_258, %bitcast3A_262 : vector<32xbf16>
          %unpack3A_264 = tpu.unpack_subelements %mul3A_263, 0 {pack_format = #tpu.pack_format<interleaved>} : vector<32xbf16> -> vector<16xf32>
          %unpack3A_265 = tpu.unpack_subelements %mul3A_263, 1 {pack_format = #tpu.pack_format<interleaved>} : vector<32xbf16> -> vector<16xf32>
          %mul3A_266 = arith.mulf %unpack3A_264, %get3A_10 : vector<16xf32>
          %add3A_267 = arith.addf %mul3A_253, %mul3A_266 : vector<16xf32>
          %mul3A_268 = arith.mulf %unpack3A_265, %get3A_18 : vector<16xf32>
          %add3A_269 = arith.addf %mul3A_254, %mul3A_268 : vector<16xf32>
          %get3A_270 = arith.index_cast %add3A_243 : i32 to index
          %get3A_271 = arith.constant 32 : index
          %get3A_272 = tpu.vector_load %arg13[%get3A_270, %get3A_271] {strides = array<i32>} : memref<128x64xi32, #tpu.memory_space<vmem>>, vector<16xi32>,
          %bitcast3A_273 = vector.bitcast %get3A_272 : vector<16xi32> to vector<32xbf16>
          %get3A_274 = arith.index_cast %add3A_243 : i32 to index
          %get3A_275 = arith.constant 32 : index
          %get3A_276 = tpu.vector_load %arg17[%get3A_274, %get3A_275] {strides = array<i32>} : memref<128x64xi32, #tpu.memory_space<vmem>>, vector<16xi32>,
          %bitcast3A_277 = vector.bitcast %get3A_276 : vector<16xi32> to vector<32xbf16>
          %mul3A_278 = arith.mulf %bitcast3A_273, %bitcast3A_277 : vector<32xbf16>
          %unpack3A_279 = tpu.unpack_subelements %mul3A_278, 0 {pack_format = #tpu.pack_format<interleaved>} : vector<32xbf16> -> vector<16xf32>
          %unpack3A_280 = tpu.unpack_subelements %mul3A_278, 1 {pack_format = #tpu.pack_format<interleaved>} : vector<32xbf16> -> vector<16xf32>
          %mul3A_281 = arith.mulf %unpack3A_279, %get3A_12 : vector<16xf32>
          %add3A_282 = arith.addf %add3A_267, %mul3A_281 : vector<16xf32>
          %mul3A_283 = arith.mulf %unpack3A_280, %get3A_20 : vector<16xf32>
          %add3A_284 = arith.addf %add3A_269, %mul3A_283 : vector<16xf32>
          %get3A_285 = arith.index_cast %add3A_243 : i32 to index
          %get3A_286 = arith.constant 48 : index
          %get3A_287 = tpu.vector_load %arg13[%get3A_285, %get3A_286] {strides = array<i32>} : memref<128x64xi32, #tpu.memory_space<vmem>>, vector<16xi32>,
          %bitcast3A_288 = vector.bitcast %get3A_287 : vector<16xi32> to vector<32xbf16>
          %get3A_289 = arith.index_cast %add3A_243 : i32 to index
          %get3A_290 = arith.constant 48 : index
          %get3A_291 = tpu.vector_load %arg17[%get3A_289, %get3A_290] {strides = array<i32>} : memref<128x64xi32, #tpu.memory_space<vmem>>, vector<16xi32>,
          %bitcast3A_292 = vector.bitcast %get3A_291 : vector<16xi32> to vector<32xbf16>
          %mul3A_293 = arith.mulf %bitcast3A_288, %bitcast3A_292 : vector<32xbf16>
          %unpack3A_294 = tpu.unpack_subelements %mul3A_293, 0 {pack_format = #tpu.pack_format<interleaved>} : vector<32xbf16> -> vector<16xf32>
          %unpack3A_295 = tpu.unpack_subelements %mul3A_293, 1 {pack_format = #tpu.pack_format<interleaved>} : vector<32xbf16> -> vector<16xf32>
          %mul3A_296 = arith.mulf %unpack3A_294, %get3A_14 : vector<16xf32>
          %add3A_297 = arith.addf %add3A_282, %mul3A_296 : vector<16xf32>
          %mul3A_298 = arith.mulf %unpack3A_295, %get3A_22 : vector<16xf32>
          %add3A_299 = arith.addf %add3A_284, %mul3A_298 : vector<16xf32>
          %add3A_300 = arith.addf %add3A_297, %add3A_299 : vector<16xf32>
          %reduce_sum3A = arith.constant true
          %reduce_sum3A_301 = vector.broadcast %reduce_sum3A : i1 to vector<16xi1>
          %reduce_sum3A_302 = tpu.scan <sum>, %add3A_300 masked %reduce_sum3A_301 : vector<16xf32>, vector<16xi1> -> vector<16xf32>
          %reduce_sum3A_303 = vector.extract %reduce_sum3A_302[15] : f32 from vector<16xf32>
          %eq3A_304 = vector.broadcast %add3A_240 : i32 to vector<16xi32>
          %eq3A_305 = arith.cmpi eq, %iota3A, %eq3A_304 : vector<16xi32>
          %broadcast_in_dim3A_306 = vector.broadcast %reduce_sum3A_303 : f32 to vector<16xf32>
          %select_n3A_307 = arith.select %eq3A_305, %broadcast_in_dim3A_306, %scan3A_236 : vector<16xi1>, vector<16xf32>
          %mul3A_308 = arith.constant 4 : i32
          %mul3A_309 = arith.muli %scan3A_235, %mul3A_308 : i32
          %add3A_310 = arith.constant 1 : i32
          %add3A_311 = arith.addi %mul3A_309, %add3A_310 : i32
          %mul3A_312 = arith.constant 16 : i32
          %mul3A_313 = arith.muli %scan3A_214, %mul3A_312 : i32
          %add3A_314 = arith.addi %mul3A_313, %add3A_311 : i32
          %get3A_315 = arith.index_cast %add3A_314 : i32 to index
          %get3A_316 = arith.constant 0 : index
          %get3A_317 = tpu.vector_load %arg13[%get3A_315, %get3A_316] {strides = array<i32>} : memref<128x64xi32, #tpu.memory_space<vmem>>, vector<16xi32>,
          %bitcast3A_318 = vector.bitcast %get3A_317 : vector<16xi32> to vector<32xbf16>
          %get3A_319 = arith.index_cast %add3A_314 : i32 to index
          %get3A_320 = arith.constant 0 : index
          %get3A_321 = tpu.vector_load %arg17[%get3A_319, %get3A_320] {strides = array<i32>} : memref<128x64xi32, #tpu.memory_space<vmem>>, vector<16xi32>,
          %bitcast3A_322 = vector.bitcast %get3A_321 : vector<16xi32> to vector<32xbf16>
          %mul3A_323 = arith.mulf %bitcast3A_318, %bitcast3A_322 : vector<32xbf16>
          %unpack3A_324 = tpu.unpack_subelements %mul3A_323, 0 {pack_format = #tpu.pack_format<interleaved>} : vector<32xbf16> -> vector<16xf32>
          %unpack3A_325 = tpu.unpack_subelements %mul3A_323, 1 {pack_format = #tpu.pack_format<interleaved>} : vector<32xbf16> -> vector<16xf32>
          %mul3A_326 = arith.mulf %unpack3A_324, %get3A_8 : vector<16xf32>
          %mul3A_327 = arith.mulf %unpack3A_325, %get3A_16 : vector<16xf32>
          %get3A_328 = arith.index_cast %add3A_314 : i32 to index
          %get3A_329 = arith.constant 16 : index
          %get3A_330 = tpu.vector_load %arg13[%get3A_328, %get3A_329] {strides = array<i32>} : memref<128x64xi32, #tpu.memory_space<vmem>>, vector<16xi32>,
          %bitcast3A_331 = vector.bitcast %get3A_330 : vector<16xi32> to vector<32xbf16>
          %get3A_332 = arith.index_cast %add3A_314 : i32 to index
          %get3A_333 = arith.constant 16 : index
          %get3A_334 = tpu.vector_load %arg17[%get3A_332, %get3A_333] {strides = array<i32>} : memref<128x64xi32, #tpu.memory_space<vmem>>, vector<16xi32>,
          %bitcast3A_335 = vector.bitcast %get3A_334 : vector<16xi32> to vector<32xbf16>
          %mul3A_336 = arith.mulf %bitcast3A_331, %bitcast3A_335 : vector<32xbf16>
          %unpack3A_337 = tpu.unpack_subelements %mul3A_336, 0 {pack_format = #tpu.pack_format<interleaved>} : vector<32xbf16> -> vector<16xf32>
          %unpack3A_338 = tpu.unpack_subelements %mul3A_336, 1 {pack_format = #tpu.pack_format<interleaved>} : vector<32xbf16> -> vector<16xf32>
          %mul3A_339 = arith.mulf %unpack3A_337, %get3A_10 : vector<16xf32>
          %add3A_340 = arith.addf %mul3A_326, %mul3A_339 : vector<16xf32>
          %mul3A_341 = arith.mulf %unpack3A_338, %get3A_18 : vector<16xf32>
          %add3A_342 = arith.addf %mul3A_327, %mul3A_341 : vector<16xf32>
          %get3A_343 = arith.index_cast %add3A_314 : i32 to index
          %get3A_344 = arith.constant 32 : index
          %get3A_345 = tpu.vector_load %arg13[%get3A_343, %get3A_344] {strides = array<i32>} : memref<128x64xi32, #tpu.memory_space<vmem>>, vector<16xi32>,
          %bitcast3A_346 = vector.bitcast %get3A_345 : vector<16xi32> to vector<32xbf16>
          %get3A_347 = arith.index_cast %add3A_314 : i32 to index
          %get3A_348 = arith.constant 32 : index
          %get3A_349 = tpu.vector_load %arg17[%get3A_347, %get3A_348] {strides = array<i32>} : memref<128x64xi32, #tpu.memory_space<vmem>>, vector<16xi32>,
          %bitcast3A_350 = vector.bitcast %get3A_349 : vector<16xi32> to vector<32xbf16>
          %mul3A_351 = arith.mulf %bitcast3A_346, %bitcast3A_350 : vector<32xbf16>
          %unpack3A_352 = tpu.unpack_subelements %mul3A_351, 0 {pack_format = #tpu.pack_format<interleaved>} : vector<32xbf16> -> vector<16xf32>
          %unpack3A_353 = tpu.unpack_subelements %mul3A_351, 1 {pack_format = #tpu.pack_format<interleaved>} : vector<32xbf16> -> vector<16xf32>
          %mul3A_354 = arith.mulf %unpack3A_352, %get3A_12 : vector<16xf32>
          %add3A_355 = arith.addf %add3A_340, %mul3A_354 : vector<16xf32>
          %mul3A_356 = arith.mulf %unpack3A_353, %get3A_20 : vector<16xf32>
          %add3A_357 = arith.addf %add3A_342, %mul3A_356 : vector<16xf32>
          %get3A_358 = arith.index_cast %add3A_314 : i32 to index
          %get3A_359 = arith.constant 48 : index
          %get3A_360 = tpu.vector_load %arg13[%get3A_358, %get3A_359] {strides = array<i32>} : memref<128x64xi32, #tpu.memory_space<vmem>>, vector<16xi32>,
          %bitcast3A_361 = vector.bitcast %get3A_360 : vector<16xi32> to vector<32xbf16>
          %get3A_362 = arith.index_cast %add3A_314 : i32 to index
          %get3A_363 = arith.constant 48 : index
          %get3A_364 = tpu.vector_load %arg17[%get3A_362, %get3A_363] {strides = array<i32>} : memref<128x64xi32, #tpu.memory_space<vmem>>, vector<16xi32>,
          %bitcast3A_365 = vector.bitcast %get3A_364 : vector<16xi32> to vector<32xbf16>
          %mul3A_366 = arith.mulf %bitcast3A_361, %bitcast3A_365 : vector<32xbf16>
          %unpack3A_367 = tpu.unpack_subelements %mul3A_366, 0 {pack_format = #tpu.pack_format<interleaved>} : vector<32xbf16> -> vector<16xf32>
          %unpack3A_368 = tpu.unpack_subelements %mul3A_366, 1 {pack_format = #tpu.pack_format<interleaved>} : vector<32xbf16> -> vector<16xf32>
          %mul3A_369 = arith.mulf %unpack3A_367, %get3A_14 : vector<16xf32>
          %add3A_370 = arith.addf %add3A_355, %mul3A_369 : vector<16xf32>
          %mul3A_371 = arith.mulf %unpack3A_368, %get3A_22 : vector<16xf32>
          %add3A_372 = arith.addf %add3A_357, %mul3A_371 : vector<16xf32>
          %add3A_373 = arith.addf %add3A_370, %add3A_372 : vector<16xf32>
          %reduce_sum3A_374 = arith.constant true
          %reduce_sum3A_375 = vector.broadcast %reduce_sum3A_374 : i1 to vector<16xi1>
          %reduce_sum3A_376 = tpu.scan <sum>, %add3A_373 masked %reduce_sum3A_375 : vector<16xf32>, vector<16xi1> -> vector<16xf32>
          %reduce_sum3A_377 = vector.extract %reduce_sum3A_376[15] : f32 from vector<16xf32>
          %eq3A_378 = vector.broadcast %add3A_311 : i32 to vector<16xi32>
          %eq3A_379 = arith.cmpi eq, %iota3A, %eq3A_378 : vector<16xi32>
          %broadcast_in_dim3A_380 = vector.broadcast %reduce_sum3A_377 : f32 to vector<16xf32>
          %select_n3A_381 = arith.select %eq3A_379, %broadcast_in_dim3A_380, %select_n3A_307 : vector<16xi1>, vector<16xf32>
          %mul3A_382 = arith.constant 4 : i32
          %mul3A_383 = arith.muli %scan3A_235, %mul3A_382 : i32
          %add3A_384 = arith.constant 2 : i32
          %add3A_385 = arith.addi %mul3A_383, %add3A_384 : i32
          %mul3A_386 = arith.constant 16 : i32
          %mul3A_387 = arith.muli %scan3A_214, %mul3A_386 : i32
          %add3A_388 = arith.addi %mul3A_387, %add3A_385 : i32
          %get3A_389 = arith.index_cast %add3A_388 : i32 to index
          %get3A_390 = arith.constant 0 : index
          %get3A_391 = tpu.vector_load %arg13[%get3A_389, %get3A_390] {strides = array<i32>} : memref<128x64xi32, #tpu.memory_space<vmem>>, vector<16xi32>,
          %bitcast3A_392 = vector.bitcast %get3A_391 : vector<16xi32> to vector<32xbf16>
          %get3A_393 = arith.index_cast %add3A_388 : i32 to index
          %get3A_394 = arith.constant 0 : index
          %get3A_395 = tpu.vector_load %arg17[%get3A_393, %get3A_394] {strides = array<i32>} : memref<128x64xi32, #tpu.memory_space<vmem>>, vector<16xi32>,
          %bitcast3A_396 = vector.bitcast %get3A_395 : vector<16xi32> to vector<32xbf16>
          %mul3A_397 = arith.mulf %bitcast3A_392, %bitcast3A_396 : vector<32xbf16>
          %unpack3A_398 = tpu.unpack_subelements %mul3A_397, 0 {pack_format = #tpu.pack_format<interleaved>} : vector<32xbf16> -> vector<16xf32>
          %unpack3A_399 = tpu.unpack_subelements %mul3A_397, 1 {pack_format = #tpu.pack_format<interleaved>} : vector<32xbf16> -> vector<16xf32>
          %mul3A_400 = arith.mulf %unpack3A_398, %get3A_8 : vector<16xf32>
          %mul3A_401 = arith.mulf %unpack3A_399, %get3A_16 : vector<16xf32>
          %get3A_402 = arith.index_cast %add3A_388 : i32 to index
          %get3A_403 = arith.constant 16 : index
          %get3A_404 = tpu.vector_load %arg13[%get3A_402, %get3A_403] {strides = array<i32>} : memref<128x64xi32, #tpu.memory_space<vmem>>, vector<16xi32>,
          %bitcast3A_405 = vector.bitcast %get3A_404 : vector<16xi32> to vector<32xbf16>
          %get3A_406 = arith.index_cast %add3A_388 : i32 to index
          %get3A_407 = arith.constant 16 : index
          %get3A_408 = tpu.vector_load %arg17[%get3A_406, %get3A_407] {strides = array<i32>} : memref<128x64xi32, #tpu.memory_space<vmem>>, vector<16xi32>,
          %bitcast3A_409 = vector.bitcast %get3A_408 : vector<16xi32> to vector<32xbf16>
          %mul3A_410 = arith.mulf %bitcast3A_405, %bitcast3A_409 : vector<32xbf16>
          %unpack3A_411 = tpu.unpack_subelements %mul3A_410, 0 {pack_format = #tpu.pack_format<interleaved>} : vector<32xbf16> -> vector<16xf32>
          %unpack3A_412 = tpu.unpack_subelements %mul3A_410, 1 {pack_format = #tpu.pack_format<interleaved>} : vector<32xbf16> -> vector<16xf32>
          %mul3A_413 = arith.mulf %unpack3A_411, %get3A_10 : vector<16xf32>
          %add3A_414 = arith.addf %mul3A_400, %mul3A_413 : vector<16xf32>
          %mul3A_415 = arith.mulf %unpack3A_412, %get3A_18 : vector<16xf32>
          %add3A_416 = arith.addf %mul3A_401, %mul3A_415 : vector<16xf32>
          %get3A_417 = arith.index_cast %add3A_388 : i32 to index
          %get3A_418 = arith.constant 32 : index
          %get3A_419 = tpu.vector_load %arg13[%get3A_417, %get3A_418] {strides = array<i32>} : memref<128x64xi32, #tpu.memory_space<vmem>>, vector<16xi32>,
          %bitcast3A_420 = vector.bitcast %get3A_419 : vector<16xi32> to vector<32xbf16>
          %get3A_421 = arith.index_cast %add3A_388 : i32 to index
          %get3A_422 = arith.constant 32 : index
          %get3A_423 = tpu.vector_load %arg17[%get3A_421, %get3A_422] {strides = array<i32>} : memref<128x64xi32, #tpu.memory_space<vmem>>, vector<16xi32>,
          %bitcast3A_424 = vector.bitcast %get3A_423 : vector<16xi32> to vector<32xbf16>
          %mul3A_425 = arith.mulf %bitcast3A_420, %bitcast3A_424 : vector<32xbf16>
          %unpack3A_426 = tpu.unpack_subelements %mul3A_425, 0 {pack_format = #tpu.pack_format<interleaved>} : vector<32xbf16> -> vector<16xf32>
          %unpack3A_427 = tpu.unpack_subelements %mul3A_425, 1 {pack_format = #tpu.pack_format<interleaved>} : vector<32xbf16> -> vector<16xf32>
          %mul3A_428 = arith.mulf %unpack3A_426, %get3A_12 : vector<16xf32>
          %add3A_429 = arith.addf %add3A_414, %mul3A_428 : vector<16xf32>
          %mul3A_430 = arith.mulf %unpack3A_427, %get3A_20 : vector<16xf32>
          %add3A_431 = arith.addf %add3A_416, %mul3A_430 : vector<16xf32>
          %get3A_432 = arith.index_cast %add3A_388 : i32 to index
          %get3A_433 = arith.constant 48 : index
          %get3A_434 = tpu.vector_load %arg13[%get3A_432, %get3A_433] {strides = array<i32>} : memref<128x64xi32, #tpu.memory_space<vmem>>, vector<16xi32>,
          %bitcast3A_435 = vector.bitcast %get3A_434 : vector<16xi32> to vector<32xbf16>
          %get3A_436 = arith.index_cast %add3A_388 : i32 to index
          %get3A_437 = arith.constant 48 : index
          %get3A_438 = tpu.vector_load %arg17[%get3A_436, %get3A_437] {strides = array<i32>} : memref<128x64xi32, #tpu.memory_space<vmem>>, vector<16xi32>,
          %bitcast3A_439 = vector.bitcast %get3A_438 : vector<16xi32> to vector<32xbf16>
          %mul3A_440 = arith.mulf %bitcast3A_435, %bitcast3A_439 : vector<32xbf16>
          %unpack3A_441 = tpu.unpack_subelements %mul3A_440, 0 {pack_format = #tpu.pack_format<interleaved>} : vector<32xbf16> -> vector<16xf32>
          %unpack3A_442 = tpu.unpack_subelements %mul3A_440, 1 {pack_format = #tpu.pack_format<interleaved>} : vector<32xbf16> -> vector<16xf32>
          %mul3A_443 = arith.mulf %unpack3A_441, %get3A_14 : vector<16xf32>
          %add3A_444 = arith.addf %add3A_429, %mul3A_443 : vector<16xf32>
          %mul3A_445 = arith.mulf %unpack3A_442, %get3A_22 : vector<16xf32>
          %add3A_446 = arith.addf %add3A_431, %mul3A_445 : vector<16xf32>
          %add3A_447 = arith.addf %add3A_444, %add3A_446 : vector<16xf32>
          %reduce_sum3A_448 = arith.constant true
          %reduce_sum3A_449 = vector.broadcast %reduce_sum3A_448 : i1 to vector<16xi1>
          %reduce_sum3A_450 = tpu.scan <sum>, %add3A_447 masked %reduce_sum3A_449 : vector<16xf32>, vector<16xi1> -> vector<16xf32>
          %reduce_sum3A_451 = vector.extract %reduce_sum3A_450[15] : f32 from vector<16xf32>
          %eq3A_452 = vector.broadcast %add3A_385 : i32 to vector<16xi32>
          %eq3A_453 = arith.cmpi eq, %iota3A, %eq3A_452 : vector<16xi32>
          %broadcast_in_dim3A_454 = vector.broadcast %reduce_sum3A_451 : f32 to vector<16xf32>
          %select_n3A_455 = arith.select %eq3A_453, %broadcast_in_dim3A_454, %select_n3A_381 : vector<16xi1>, vector<16xf32>
          %mul3A_456 = arith.constant 4 : i32
          %mul3A_457 = arith.muli %scan3A_235, %mul3A_456 : i32
          %add3A_458 = arith.constant 3 : i32
          %add3A_459 = arith.addi %mul3A_457, %add3A_458 : i32
          %mul3A_460 = arith.constant 16 : i32
          %mul3A_461 = arith.muli %scan3A_214, %mul3A_460 : i32
          %add3A_462 = arith.addi %mul3A_461, %add3A_459 : i32
          %get3A_463 = arith.index_cast %add3A_462 : i32 to index
          %get3A_464 = arith.constant 0 : index
          %get3A_465 = tpu.vector_load %arg13[%get3A_463, %get3A_464] {strides = array<i32>} : memref<128x64xi32, #tpu.memory_space<vmem>>, vector<16xi32>,
          %bitcast3A_466 = vector.bitcast %get3A_465 : vector<16xi32> to vector<32xbf16>
          %get3A_467 = arith.index_cast %add3A_462 : i32 to index
          %get3A_468 = arith.constant 0 : index
          %get3A_469 = tpu.vector_load %arg17[%get3A_467, %get3A_468] {strides = array<i32>} : memref<128x64xi32, #tpu.memory_space<vmem>>, vector<16xi32>,
          %bitcast3A_470 = vector.bitcast %get3A_469 : vector<16xi32> to vector<32xbf16>
          %mul3A_471 = arith.mulf %bitcast3A_466, %bitcast3A_470 : vector<32xbf16>
          %unpack3A_472 = tpu.unpack_subelements %mul3A_471, 0 {pack_format = #tpu.pack_format<interleaved>} : vector<32xbf16> -> vector<16xf32>
          %unpack3A_473 = tpu.unpack_subelements %mul3A_471, 1 {pack_format = #tpu.pack_format<interleaved>} : vector<32xbf16> -> vector<16xf32>
          %mul3A_474 = arith.mulf %unpack3A_472, %get3A_8 : vector<16xf32>
          %mul3A_475 = arith.mulf %unpack3A_473, %get3A_16 : vector<16xf32>
          %get3A_476 = arith.index_cast %add3A_462 : i32 to index
          %get3A_477 = arith.constant 16 : index
          %get3A_478 = tpu.vector_load %arg13[%get3A_476, %get3A_477] {strides = array<i32>} : memref<128x64xi32, #tpu.memory_space<vmem>>, vector<16xi32>,
          %bitcast3A_479 = vector.bitcast %get3A_478 : vector<16xi32> to vector<32xbf16>
          %get3A_480 = arith.index_cast %add3A_462 : i32 to index
          %get3A_481 = arith.constant 16 : index
          %get3A_482 = tpu.vector_load %arg17[%get3A_480, %get3A_481] {strides = array<i32>} : memref<128x64xi32, #tpu.memory_space<vmem>>, vector<16xi32>,
          %bitcast3A_483 = vector.bitcast %get3A_482 : vector<16xi32> to vector<32xbf16>
          %mul3A_484 = arith.mulf %bitcast3A_479, %bitcast3A_483 : vector<32xbf16>
          %unpack3A_485 = tpu.unpack_subelements %mul3A_484, 0 {pack_format = #tpu.pack_format<interleaved>} : vector<32xbf16> -> vector<16xf32>
          %unpack3A_486 = tpu.unpack_subelements %mul3A_484, 1 {pack_format = #tpu.pack_format<interleaved>} : vector<32xbf16> -> vector<16xf32>
          %mul3A_487 = arith.mulf %unpack3A_485, %get3A_10 : vector<16xf32>
          %add3A_488 = arith.addf %mul3A_474, %mul3A_487 : vector<16xf32>
          %mul3A_489 = arith.mulf %unpack3A_486, %get3A_18 : vector<16xf32>
          %add3A_490 = arith.addf %mul3A_475, %mul3A_489 : vector<16xf32>
          %get3A_491 = arith.index_cast %add3A_462 : i32 to index
          %get3A_492 = arith.constant 32 : index
          %get3A_493 = tpu.vector_load %arg13[%get3A_491, %get3A_492] {strides = array<i32>} : memref<128x64xi32, #tpu.memory_space<vmem>>, vector<16xi32>,
          %bitcast3A_494 = vector.bitcast %get3A_493 : vector<16xi32> to vector<32xbf16>
          %get3A_495 = arith.index_cast %add3A_462 : i32 to index
          %get3A_496 = arith.constant 32 : index
          %get3A_497 = tpu.vector_load %arg17[%get3A_495, %get3A_496] {strides = array<i32>} : memref<128x64xi32, #tpu.memory_space<vmem>>, vector<16xi32>,
          %bitcast3A_498 = vector.bitcast %get3A_497 : vector<16xi32> to vector<32xbf16>
          %mul3A_499 = arith.mulf %bitcast3A_494, %bitcast3A_498 : vector<32xbf16>
          %unpack3A_500 = tpu.unpack_subelements %mul3A_499, 0 {pack_format = #tpu.pack_format<interleaved>} : vector<32xbf16> -> vector<16xf32>
          %unpack3A_501 = tpu.unpack_subelements %mul3A_499, 1 {pack_format = #tpu.pack_format<interleaved>} : vector<32xbf16> -> vector<16xf32>
          %mul3A_502 = arith.mulf %unpack3A_500, %get3A_12 : vector<16xf32>
          %add3A_503 = arith.addf %add3A_488, %mul3A_502 : vector<16xf32>
          %mul3A_504 = arith.mulf %unpack3A_501, %get3A_20 : vector<16xf32>
          %add3A_505 = arith.addf %add3A_490, %mul3A_504 : vector<16xf32>
          %get3A_506 = arith.index_cast %add3A_462 : i32 to index
          %get3A_507 = arith.constant 48 : index
          %get3A_508 = tpu.vector_load %arg13[%get3A_506, %get3A_507] {strides = array<i32>} : memref<128x64xi32, #tpu.memory_space<vmem>>, vector<16xi32>,
          %bitcast3A_509 = vector.bitcast %get3A_508 : vector<16xi32> to vector<32xbf16>
          %get3A_510 = arith.index_cast %add3A_462 : i32 to index
          %get3A_511 = arith.constant 48 : index
          %get3A_512 = tpu.vector_load %arg17[%get3A_510, %get3A_511] {strides = array<i32>} : memref<128x64xi32, #tpu.memory_space<vmem>>, vector<16xi32>,
          %bitcast3A_513 = vector.bitcast %get3A_512 : vector<16xi32> to vector<32xbf16>
          %mul3A_514 = arith.mulf %bitcast3A_509, %bitcast3A_513 : vector<32xbf16>
          %unpack3A_515 = tpu.unpack_subelements %mul3A_514, 0 {pack_format = #tpu.pack_format<interleaved>} : vector<32xbf16> -> vector<16xf32>
          %unpack3A_516 = tpu.unpack_subelements %mul3A_514, 1 {pack_format = #tpu.pack_format<interleaved>} : vector<32xbf16> -> vector<16xf32>
          %mul3A_517 = arith.mulf %unpack3A_515, %get3A_14 : vector<16xf32>
          %add3A_518 = arith.addf %add3A_503, %mul3A_517 : vector<16xf32>
          %mul3A_519 = arith.mulf %unpack3A_516, %get3A_22 : vector<16xf32>
          %add3A_520 = arith.addf %add3A_505, %mul3A_519 : vector<16xf32>
          %add3A_521 = arith.addf %add3A_518, %add3A_520 : vector<16xf32>
          %reduce_sum3A_522 = arith.constant true
          %reduce_sum3A_523 = vector.broadcast %reduce_sum3A_522 : i1 to vector<16xi1>
          %reduce_sum3A_524 = tpu.scan <sum>, %add3A_521 masked %reduce_sum3A_523 : vector<16xf32>, vector<16xi1> -> vector<16xf32>
          %reduce_sum3A_525 = vector.extract %reduce_sum3A_524[15] : f32 from vector<16xf32>
          %eq3A_526 = vector.broadcast %add3A_459 : i32 to vector<16xi32>
          %eq3A_527 = arith.cmpi eq, %iota3A, %eq3A_526 : vector<16xi32>
          %broadcast_in_dim3A_528 = vector.broadcast %reduce_sum3A_525 : f32 to vector<16xf32>
          %select_n3A_529 = arith.select %eq3A_527, %broadcast_in_dim3A_528, %select_n3A_455 : vector<16xi1>, vector<16xf32>
          scf.yield %select_n3A_529 : vector<16xf32>
        }
        %scan3A_221 = arith.constant 4 : i32
        %add3A_222 = arith.addf %scan3A_220, %get3A_6 : vector<16xf32>
        %neg3A = arith.constant 0.000000e+00 : f32
        %neg3A_223 = vector.broadcast %neg3A : f32 to vector<16xf32>
        %neg3A_224 = arith.subf %neg3A_223, %add3A_222 : vector<16xf32>
        %exp3A = math.exp %neg3A_224 : vector<16xf32>
        %add3A_225 = arith.constant 1.000000e+00 : f32
        %add3A_226 = vector.broadcast %add3A_225 : f32 to vector<16xf32>
        %add3A_227 = arith.addf %add3A_226, %exp3A : vector<16xf32>
        %div3A_228 = arith.constant 1.000000e+00 : f32
        %div3A_229 = vector.broadcast %div3A_228 : f32 to vector<16xf32>
        %div3A_230 = arith.divf %div3A_229, %add3A_227 : vector<16xf32>
        %mul3A_231 = arith.constant 16 : i32
        %mul3A_232 = arith.muli %scan3A_214, %mul3A_231 : i32
        %swap3A = arith.index_cast %add3A_161 : i32 to index
        %swap3A_233 = arith.index_cast %mul3A_232 : i32 to index
        %swap3A_234 = tpu.vector_load %arg19[%swap3A, %swap3A_233] {strides = array<i32>} : memref<120x128xf32, #tpu.memory_space<vmem>>, vector<16xf32>,
        tpu.vector_store %arg19[%swap3A, %swap3A_233], %div3A_230 {strides = array<i32>} : memref<120x128xf32, #tpu.memory_space<vmem>>, vector<16xf32>,
      }
      %scan3A_185 = arith.constant 8 : i32
      %mul3A_186 = arith.constant 4 : i32
      %mul3A_187 = arith.muli %while3A_104, %mul3A_186 : i32
      %add3A_188 = arith.constant 3 : i32
      %add3A_189 = arith.addi %mul3A_187, %add3A_188 : i32
      %add3A_190 = arith.constant 3 : i32
      %add3A_191 = arith.addi %add3A_189, %add3A_190 : i32
      %lt3A_192 = arith.cmpi slt, %add3A_191, %select_n3A : i32
      %convert_element_type3A_193 = arith.extui %lt3A_192 : i1 to i32
      %cond3A_194 = arith.constant 0 : i32
      %cond3A_195 = arith.cmpi ne, %convert_element_type3A_193, %cond3A_194 : i32
      scf.if %cond3A_195 {
        %add3A_214 = arith.constant 3 : i32
        %add3A_215 = arith.addi %add3A_189, %add3A_214 : i32
        %dma_start3A_216 = arith.constant 0 : i32
        %dma_start3A_217 = tpu.memref_slice %arg9[%add3A_215, %dma_start3A_216] : memref<120x128xi32, #tpu.memory_space<vmem>> -> memref<1x128xi32, #tpu.memory_space<vmem>>
        %dma_start3A_218 = tpu.memref_squeeze %dma_start3A_217 : memref<1x128xi32, #tpu.memory_space<vmem>> -> memref<128xi32, #tpu.memory_space<vmem>>
        %dma_start3A_219 = arith.constant 0 : i32
        %dma_start3A_220 = arith.constant 0 : i32
        %dma_start3A_221 = tpu.memref_slice %arg2[%dma_start3A_219, %dma_start3A_220] : memref<10000x64xi32, #tpu.memory_space<hbm>> -> memref<10000x64xi32, #tpu.memory_space<hbm>>
        tpu.enqueue_indirect_dma source(%dma_start3A_221 : memref<10000x64xi32, #tpu.memory_space<hbm>>) target(%arg13 : memref<128x64xi32, #tpu.memory_space<vmem>>) offsets(%dma_start3A_218 : memref<128xi32, #tpu.memory_space<vmem>>) semaphore(%arg24 : memref<!tpu.dma_semaphore, #tpu.memory_space<semaphore_mem>>)
        %dma_start3A_222 = arith.constant 0 : i32
        %dma_start3A_223 = tpu.memref_slice %arg10[%add3A_215, %dma_start3A_222] : memref<120x128xi32, #tpu.memory_space<vmem>> -> memref<1x128xi32, #tpu.memory_space<vmem>>
        %dma_start3A_224 = tpu.memref_squeeze %dma_start3A_223 : memref<1x128xi32, #tpu.memory_space<vmem>> -> memref<128xi32, #tpu.memory_space<vmem>>
        %dma_start3A_225 = arith.constant 0 : i32
        %dma_start3A_226 = arith.constant 0 : i32
        %dma_start3A_227 = tpu.memref_slice %arg3[%dma_start3A_225, %dma_start3A_226] : memref<10000x64xi32, #tpu.memory_space<hbm>> -> memref<10000x64xi32, #tpu.memory_space<hbm>>
        tpu.enqueue_indirect_dma source(%dma_start3A_227 : memref<10000x64xi32, #tpu.memory_space<hbm>>) target(%arg17 : memref<128x64xi32, #tpu.memory_space<vmem>>) offsets(%dma_start3A_224 : memref<128xi32, #tpu.memory_space<vmem>>) semaphore(%arg24 : memref<!tpu.dma_semaphore, #tpu.memory_space<semaphore_mem>>)
      } else {
      }
      %dma_wait3A_196 = arith.constant 0 : i32
      %dma_wait3A_197 = tpu.memref_slice %arg9[%add3A_189, %dma_wait3A_196] : memref<120x128xi32, #tpu.memory_space<vmem>> -> memref<1x128xi32, #tpu.memory_space<vmem>>
      %dma_wait3A_198 = tpu.memref_squeeze %dma_wait3A_197 : memref<1x128xi32, #tpu.memory_space<vmem>> -> memref<128xi32, #tpu.memory_space<vmem>>
      %dma_wait3A_199 = arith.constant 0 : i32
      %dma_wait3A_200 = arith.constant 0 : i32
      %dma_wait3A_201 = tpu.memref_slice %arg2[%dma_wait3A_199, %dma_wait3A_200] : memref<10000x64xi32, #tpu.memory_space<hbm>> -> memref<10000x64xi32, #tpu.memory_space<hbm>>
      tpu.wait_indirect_dma semaphore(%arg25 : memref<!tpu.dma_semaphore, #tpu.memory_space<semaphore_mem>>) src(%dma_wait3A_201 : memref<10000x64xi32, #tpu.memory_space<hbm>>) dst(%arg14 : memref<128x64xi32, #tpu.memory_space<vmem>>)
      %dma_wait3A_202 = arith.constant 0 : i32
      %dma_wait3A_203 = tpu.memref_slice %arg10[%add3A_189, %dma_wait3A_202] : memref<120x128xi32, #tpu.memory_space<vmem>> -> memref<1x128xi32, #tpu.memory_space<vmem>>
      %dma_wait3A_204 = tpu.memref_squeeze %dma_wait3A_203 : memref<1x128xi32, #tpu.memory_space<vmem>> -> memref<128xi32, #tpu.memory_space<vmem>>
      %dma_wait3A_205 = arith.constant 0 : i32
      %dma_wait3A_206 = arith.constant 0 : i32
      %dma_wait3A_207 = tpu.memref_slice %arg3[%dma_wait3A_205, %dma_wait3A_206] : memref<10000x64xi32, #tpu.memory_space<hbm>> -> memref<10000x64xi32, #tpu.memory_space<hbm>>
      tpu.wait_indirect_dma semaphore(%arg25 : memref<!tpu.dma_semaphore, #tpu.memory_space<semaphore_mem>>) src(%dma_wait3A_207 : memref<10000x64xi32, #tpu.memory_space<hbm>>) dst(%arg18 : memref<128x64xi32, #tpu.memory_space<vmem>>)
      %scan3A_208 = arith.constant 0 : i32
      %scan3A_209 = arith.constant 0 : i32
      %scan3A_210 = arith.constant 8 : i32
      %scan3A_211 = arith.addi %scan3A_209, %scan3A_210 : i32
      %scan3A_212 = arith.constant 1 : i32
      scf.for %scan3A_214 = %scan3A_209 to %scan3A_211 step %scan3A_212  : i32 {
        %broadcast_in_dim3A = arith.constant 0.000000e+00 : f32
        %broadcast_in_dim3A_215 = vector.broadcast %broadcast_in_dim3A : f32 to vector<16xf32>
        %scan3A_216 = arith.constant 0 : i32
        %scan3A_217 = arith.constant 4 : i32
        %scan3A_218 = arith.addi %scan3A_216, %scan3A_217 : i32
        %scan3A_219 = arith.constant 1 : i32
        %scan3A_220 = scf.for %scan3A_235 = %scan3A_216 to %scan3A_218 step %scan3A_219 iter_args(%scan3A_236 = %broadcast_in_dim3A_215) -> (vector<16xf32>)  : i32 {
          %mul3A_237 = arith.constant 4 : i32
          %mul3A_238 = arith.muli %scan3A_235, %mul3A_237 : i32
          %add3A_239 = arith.constant 0 : i32
          %add3A_240 = arith.addi %mul3A_238, %add3A_239 : i32
          %mul3A_241 = arith.constant 16 : i32
          %mul3A_242 = arith.muli %scan3A_214, %mul3A_241 : i32
          %add3A_243 = arith.addi %mul3A_242, %add3A_240 : i32
          %get3A_244 = arith.index_cast %add3A_243 : i32 to index
          %get3A_245 = arith.constant 0 : index
          %get3A_246 = tpu.vector_load %arg14[%get3A_244, %get3A_245] {strides = array<i32>} : memref<128x64xi32, #tpu.memory_space<vmem>>, vector<16xi32>,
          %bitcast3A = vector.bitcast %get3A_246 : vector<16xi32> to vector<32xbf16>
          %get3A_247 = arith.index_cast %add3A_243 : i32 to index
          %get3A_248 = arith.constant 0 : index
          %get3A_249 = tpu.vector_load %arg18[%get3A_247, %get3A_248] {strides = array<i32>} : memref<128x64xi32, #tpu.memory_space<vmem>>, vector<16xi32>,
          %bitcast3A_250 = vector.bitcast %get3A_249 : vector<16xi32> to vector<32xbf16>
          %mul3A_251 = arith.mulf %bitcast3A, %bitcast3A_250 : vector<32xbf16>
          %unpack3A = tpu.unpack_subelements %mul3A_251, 0 {pack_format = #tpu.pack_format<interleaved>} : vector<32xbf16> -> vector<16xf32>
          %unpack3A_252 = tpu.unpack_subelements %mul3A_251, 1 {pack_format = #tpu.pack_format<interleaved>} : vector<32xbf16> -> vector<16xf32>
          %mul3A_253 = arith.mulf %unpack3A, %get3A_8 : vector<16xf32>
          %mul3A_254 = arith.mulf %unpack3A_252, %get3A_16 : vector<16xf32>
          %get3A_255 = arith.index_cast %add3A_243 : i32 to index
          %get3A_256 = arith.constant 16 : index
          %get3A_257 = tpu.vector_load %arg14[%get3A_255, %get3A_256] {strides = array<i32>} : memref<128x64xi32, #tpu.memory_space<vmem>>, vector<16xi32>,
          %bitcast3A_258 = vector.bitcast %get3A_257 : vector<16xi32> to vector<32xbf16>
          %get3A_259 = arith.index_cast %add3A_243 : i32 to index
          %get3A_260 = arith.constant 16 : index
          %get3A_261 = tpu.vector_load %arg18[%get3A_259, %get3A_260] {strides = array<i32>} : memref<128x64xi32, #tpu.memory_space<vmem>>, vector<16xi32>,
          %bitcast3A_262 = vector.bitcast %get3A_261 : vector<16xi32> to vector<32xbf16>
          %mul3A_263 = arith.mulf %bitcast3A_258, %bitcast3A_262 : vector<32xbf16>
          %unpack3A_264 = tpu.unpack_subelements %mul3A_263, 0 {pack_format = #tpu.pack_format<interleaved>} : vector<32xbf16> -> vector<16xf32>
          %unpack3A_265 = tpu.unpack_subelements %mul3A_263, 1 {pack_format = #tpu.pack_format<interleaved>} : vector<32xbf16> -> vector<16xf32>
          %mul3A_266 = arith.mulf %unpack3A_264, %get3A_10 : vector<16xf32>
          %add3A_267 = arith.addf %mul3A_253, %mul3A_266 : vector<16xf32>
          %mul3A_268 = arith.mulf %unpack3A_265, %get3A_18 : vector<16xf32>
          %add3A_269 = arith.addf %mul3A_254, %mul3A_268 : vector<16xf32>
          %get3A_270 = arith.index_cast %add3A_243 : i32 to index
          %get3A_271 = arith.constant 32 : index
          %get3A_272 = tpu.vector_load %arg14[%get3A_270, %get3A_271] {strides = array<i32>} : memref<128x64xi32, #tpu.memory_space<vmem>>, vector<16xi32>,
          %bitcast3A_273 = vector.bitcast %get3A_272 : vector<16xi32> to vector<32xbf16>
          %get3A_274 = arith.index_cast %add3A_243 : i32 to index
          %get3A_275 = arith.constant 32 : index
          %get3A_276 = tpu.vector_load %arg18[%get3A_274, %get3A_275] {strides = array<i32>} : memref<128x64xi32, #tpu.memory_space<vmem>>, vector<16xi32>,
          %bitcast3A_277 = vector.bitcast %get3A_276 : vector<16xi32> to vector<32xbf16>
          %mul3A_278 = arith.mulf %bitcast3A_273, %bitcast3A_277 : vector<32xbf16>
          %unpack3A_279 = tpu.unpack_subelements %mul3A_278, 0 {pack_format = #tpu.pack_format<interleaved>} : vector<32xbf16> -> vector<16xf32>
          %unpack3A_280 = tpu.unpack_subelements %mul3A_278, 1 {pack_format = #tpu.pack_format<interleaved>} : vector<32xbf16> -> vector<16xf32>
          %mul3A_281 = arith.mulf %unpack3A_279, %get3A_12 : vector<16xf32>
          %add3A_282 = arith.addf %add3A_267, %mul3A_281 : vector<16xf32>
          %mul3A_283 = arith.mulf %unpack3A_280, %get3A_20 : vector<16xf32>
          %add3A_284 = arith.addf %add3A_269, %mul3A_283 : vector<16xf32>
          %get3A_285 = arith.index_cast %add3A_243 : i32 to index
          %get3A_286 = arith.constant 48 : index
          %get3A_287 = tpu.vector_load %arg14[%get3A_285, %get3A_286] {strides = array<i32>} : memref<128x64xi32, #tpu.memory_space<vmem>>, vector<16xi32>,
          %bitcast3A_288 = vector.bitcast %get3A_287 : vector<16xi32> to vector<32xbf16>
          %get3A_289 = arith.index_cast %add3A_243 : i32 to index
          %get3A_290 = arith.constant 48 : index
          %get3A_291 = tpu.vector_load %arg18[%get3A_289, %get3A_290] {strides = array<i32>} : memref<128x64xi32, #tpu.memory_space<vmem>>, vector<16xi32>,
          %bitcast3A_292 = vector.bitcast %get3A_291 : vector<16xi32> to vector<32xbf16>
          %mul3A_293 = arith.mulf %bitcast3A_288, %bitcast3A_292 : vector<32xbf16>
          %unpack3A_294 = tpu.unpack_subelements %mul3A_293, 0 {pack_format = #tpu.pack_format<interleaved>} : vector<32xbf16> -> vector<16xf32>
          %unpack3A_295 = tpu.unpack_subelements %mul3A_293, 1 {pack_format = #tpu.pack_format<interleaved>} : vector<32xbf16> -> vector<16xf32>
          %mul3A_296 = arith.mulf %unpack3A_294, %get3A_14 : vector<16xf32>
          %add3A_297 = arith.addf %add3A_282, %mul3A_296 : vector<16xf32>
          %mul3A_298 = arith.mulf %unpack3A_295, %get3A_22 : vector<16xf32>
          %add3A_299 = arith.addf %add3A_284, %mul3A_298 : vector<16xf32>
          %add3A_300 = arith.addf %add3A_297, %add3A_299 : vector<16xf32>
          %reduce_sum3A = arith.constant true
          %reduce_sum3A_301 = vector.broadcast %reduce_sum3A : i1 to vector<16xi1>
          %reduce_sum3A_302 = tpu.scan <sum>, %add3A_300 masked %reduce_sum3A_301 : vector<16xf32>, vector<16xi1> -> vector<16xf32>
          %reduce_sum3A_303 = vector.extract %reduce_sum3A_302[15] : f32 from vector<16xf32>
          %eq3A_304 = vector.broadcast %add3A_240 : i32 to vector<16xi32>
          %eq3A_305 = arith.cmpi eq, %iota3A, %eq3A_304 : vector<16xi32>
          %broadcast_in_dim3A_306 = vector.broadcast %reduce_sum3A_303 : f32 to vector<16xf32>
          %select_n3A_307 = arith.select %eq3A_305, %broadcast_in_dim3A_306, %scan3A_236 : vector<16xi1>, vector<16xf32>
          %mul3A_308 = arith.constant 4 : i32
          %mul3A_309 = arith.muli %scan3A_235, %mul3A_308 : i32
          %add3A_310 = arith.constant 1 : i32
          %add3A_311 = arith.addi %mul3A_309, %add3A_310 : i32
          %mul3A_312 = arith.constant 16 : i32
          %mul3A_313 = arith.muli %scan3A_214, %mul3A_312 : i32
          %add3A_314 = arith.addi %mul3A_313, %add3A_311 : i32
          %get3A_315 = arith.index_cast %add3A_314 : i32 to index
          %get3A_316 = arith.constant 0 : index
          %get3A_317 = tpu.vector_load %arg14[%get3A_315, %get3A_316] {strides = array<i32>} : memref<128x64xi32, #tpu.memory_space<vmem>>, vector<16xi32>,
          %bitcast3A_318 = vector.bitcast %get3A_317 : vector<16xi32> to vector<32xbf16>
          %get3A_319 = arith.index_cast %add3A_314 : i32 to index
          %get3A_320 = arith.constant 0 : index
          %get3A_321 = tpu.vector_load %arg18[%get3A_319, %get3A_320] {strides = array<i32>} : memref<128x64xi32, #tpu.memory_space<vmem>>, vector<16xi32>,
          %bitcast3A_322 = vector.bitcast %get3A_321 : vector<16xi32> to vector<32xbf16>
          %mul3A_323 = arith.mulf %bitcast3A_318, %bitcast3A_322 : vector<32xbf16>
          %unpack3A_324 = tpu.unpack_subelements %mul3A_323, 0 {pack_format = #tpu.pack_format<interleaved>} : vector<32xbf16> -> vector<16xf32>
          %unpack3A_325 = tpu.unpack_subelements %mul3A_323, 1 {pack_format = #tpu.pack_format<interleaved>} : vector<32xbf16> -> vector<16xf32>
          %mul3A_326 = arith.mulf %unpack3A_324, %get3A_8 : vector<16xf32>
          %mul3A_327 = arith.mulf %unpack3A_325, %get3A_16 : vector<16xf32>
          %get3A_328 = arith.index_cast %add3A_314 : i32 to index
          %get3A_329 = arith.constant 16 : index
          %get3A_330 = tpu.vector_load %arg14[%get3A_328, %get3A_329] {strides = array<i32>} : memref<128x64xi32, #tpu.memory_space<vmem>>, vector<16xi32>,
          %bitcast3A_331 = vector.bitcast %get3A_330 : vector<16xi32> to vector<32xbf16>
          %get3A_332 = arith.index_cast %add3A_314 : i32 to index
          %get3A_333 = arith.constant 16 : index
          %get3A_334 = tpu.vector_load %arg18[%get3A_332, %get3A_333] {strides = array<i32>} : memref<128x64xi32, #tpu.memory_space<vmem>>, vector<16xi32>,
          %bitcast3A_335 = vector.bitcast %get3A_334 : vector<16xi32> to vector<32xbf16>
          %mul3A_336 = arith.mulf %bitcast3A_331, %bitcast3A_335 : vector<32xbf16>
          %unpack3A_337 = tpu.unpack_subelements %mul3A_336, 0 {pack_format = #tpu.pack_format<interleaved>} : vector<32xbf16> -> vector<16xf32>
          %unpack3A_338 = tpu.unpack_subelements %mul3A_336, 1 {pack_format = #tpu.pack_format<interleaved>} : vector<32xbf16> -> vector<16xf32>
          %mul3A_339 = arith.mulf %unpack3A_337, %get3A_10 : vector<16xf32>
          %add3A_340 = arith.addf %mul3A_326, %mul3A_339 : vector<16xf32>
          %mul3A_341 = arith.mulf %unpack3A_338, %get3A_18 : vector<16xf32>
          %add3A_342 = arith.addf %mul3A_327, %mul3A_341 : vector<16xf32>
          %get3A_343 = arith.index_cast %add3A_314 : i32 to index
          %get3A_344 = arith.constant 32 : index
          %get3A_345 = tpu.vector_load %arg14[%get3A_343, %get3A_344] {strides = array<i32>} : memref<128x64xi32, #tpu.memory_space<vmem>>, vector<16xi32>,
          %bitcast3A_346 = vector.bitcast %get3A_345 : vector<16xi32> to vector<32xbf16>
          %get3A_347 = arith.index_cast %add3A_314 : i32 to index
          %get3A_348 = arith.constant 32 : index
          %get3A_349 = tpu.vector_load %arg18[%get3A_347, %get3A_348] {strides = array<i32>} : memref<128x64xi32, #tpu.memory_space<vmem>>, vector<16xi32>,
          %bitcast3A_350 = vector.bitcast %get3A_349 : vector<16xi32> to vector<32xbf16>
          %mul3A_351 = arith.mulf %bitcast3A_346, %bitcast3A_350 : vector<32xbf16>
          %unpack3A_352 = tpu.unpack_subelements %mul3A_351, 0 {pack_format = #tpu.pack_format<interleaved>} : vector<32xbf16> -> vector<16xf32>
          %unpack3A_353 = tpu.unpack_subelements %mul3A_351, 1 {pack_format = #tpu.pack_format<interleaved>} : vector<32xbf16> -> vector<16xf32>
          %mul3A_354 = arith.mulf %unpack3A_352, %get3A_12 : vector<16xf32>
          %add3A_355 = arith.addf %add3A_340, %mul3A_354 : vector<16xf32>
          %mul3A_356 = arith.mulf %unpack3A_353, %get3A_20 : vector<16xf32>
          %add3A_357 = arith.addf %add3A_342, %mul3A_356 : vector<16xf32>
          %get3A_358 = arith.index_cast %add3A_314 : i32 to index
          %get3A_359 = arith.constant 48 : index
          %get3A_360 = tpu.vector_load %arg14[%get3A_358, %get3A_359] {strides = array<i32>} : memref<128x64xi32, #tpu.memory_space<vmem>>, vector<16xi32>,
          %bitcast3A_361 = vector.bitcast %get3A_360 : vector<16xi32> to vector<32xbf16>
          %get3A_362 = arith.index_cast %add3A_314 : i32 to index
          %get3A_363 = arith.constant 48 : index
          %get3A_364 = tpu.vector_load %arg18[%get3A_362, %get3A_363] {strides = array<i32>} : memref<128x64xi32, #tpu.memory_space<vmem>>, vector<16xi32>,
          %bitcast3A_365 = vector.bitcast %get3A_364 : vector<16xi32> to vector<32xbf16>
          %mul3A_366 = arith.mulf %bitcast3A_361, %bitcast3A_365 : vector<32xbf16>
          %unpack3A_367 = tpu.unpack_subelements %mul3A_366, 0 {pack_format = #tpu.pack_format<interleaved>} : vector<32xbf16> -> vector<16xf32>
          %unpack3A_368 = tpu.unpack_subelements %mul3A_366, 1 {pack_format = #tpu.pack_format<interleaved>} : vector<32xbf16> -> vector<16xf32>
          %mul3A_369 = arith.mulf %unpack3A_367, %get3A_14 : vector<16xf32>
          %add3A_370 = arith.addf %add3A_355, %mul3A_369 : vector<16xf32>
          %mul3A_371 = arith.mulf %unpack3A_368, %get3A_22 : vector<16xf32>
          %add3A_372 = arith.addf %add3A_357, %mul3A_371 : vector<16xf32>
          %add3A_373 = arith.addf %add3A_370, %add3A_372 : vector<16xf32>
          %reduce_sum3A_374 = arith.constant true
          %reduce_sum3A_375 = vector.broadcast %reduce_sum3A_374 : i1 to vector<16xi1>
          %reduce_sum3A_376 = tpu.scan <sum>, %add3A_373 masked %reduce_sum3A_375 : vector<16xf32>, vector<16xi1> -> vector<16xf32>
          %reduce_sum3A_377 = vector.extract %reduce_sum3A_376[15] : f32 from vector<16xf32>
          %eq3A_378 = vector.broadcast %add3A_311 : i32 to vector<16xi32>
          %eq3A_379 = arith.cmpi eq, %iota3A, %eq3A_378 : vector<16xi32>
          %broadcast_in_dim3A_380 = vector.broadcast %reduce_sum3A_377 : f32 to vector<16xf32>
          %select_n3A_381 = arith.select %eq3A_379, %broadcast_in_dim3A_380, %select_n3A_307 : vector<16xi1>, vector<16xf32>
          %mul3A_382 = arith.constant 4 : i32
          %mul3A_383 = arith.muli %scan3A_235, %mul3A_382 : i32
          %add3A_384 = arith.constant 2 : i32
          %add3A_385 = arith.addi %mul3A_383, %add3A_384 : i32
          %mul3A_386 = arith.constant 16 : i32
          %mul3A_387 = arith.muli %scan3A_214, %mul3A_386 : i32
          %add3A_388 = arith.addi %mul3A_387, %add3A_385 : i32
          %get3A_389 = arith.index_cast %add3A_388 : i32 to index
          %get3A_390 = arith.constant 0 : index
          %get3A_391 = tpu.vector_load %arg14[%get3A_389, %get3A_390] {strides = array<i32>} : memref<128x64xi32, #tpu.memory_space<vmem>>, vector<16xi32>,
          %bitcast3A_392 = vector.bitcast %get3A_391 : vector<16xi32> to vector<32xbf16>
          %get3A_393 = arith.index_cast %add3A_388 : i32 to index
          %get3A_394 = arith.constant 0 : index
          %get3A_395 = tpu.vector_load %arg18[%get3A_393, %get3A_394] {strides = array<i32>} : memref<128x64xi32, #tpu.memory_space<vmem>>, vector<16xi32>,
          %bitcast3A_396 = vector.bitcast %get3A_395 : vector<16xi32> to vector<32xbf16>
          %mul3A_397 = arith.mulf %bitcast3A_392, %bitcast3A_396 : vector<32xbf16>
          %unpack3A_398 = tpu.unpack_subelements %mul3A_397, 0 {pack_format = #tpu.pack_format<interleaved>} : vector<32xbf16> -> vector<16xf32>
          %unpack3A_399 = tpu.unpack_subelements %mul3A_397, 1 {pack_format = #tpu.pack_format<interleaved>} : vector<32xbf16> -> vector<16xf32>
          %mul3A_400 = arith.mulf %unpack3A_398, %get3A_8 : vector<16xf32>
          %mul3A_401 = arith.mulf %unpack3A_399, %get3A_16 : vector<16xf32>
          %get3A_402 = arith.index_cast %add3A_388 : i32 to index
          %get3A_403 = arith.constant 16 : index
          %get3A_404 = tpu.vector_load %arg14[%get3A_402, %get3A_403] {strides = array<i32>} : memref<128x64xi32, #tpu.memory_space<vmem>>, vector<16xi32>,
          %bitcast3A_405 = vector.bitcast %get3A_404 : vector<16xi32> to vector<32xbf16>
          %get3A_406 = arith.index_cast %add3A_388 : i32 to index
          %get3A_407 = arith.constant 16 : index
          %get3A_408 = tpu.vector_load %arg18[%get3A_406, %get3A_407] {strides = array<i32>} : memref<128x64xi32, #tpu.memory_space<vmem>>, vector<16xi32>,
          %bitcast3A_409 = vector.bitcast %get3A_408 : vector<16xi32> to vector<32xbf16>
          %mul3A_410 = arith.mulf %bitcast3A_405, %bitcast3A_409 : vector<32xbf16>
          %unpack3A_411 = tpu.unpack_subelements %mul3A_410, 0 {pack_format = #tpu.pack_format<interleaved>} : vector<32xbf16> -> vector<16xf32>
          %unpack3A_412 = tpu.unpack_subelements %mul3A_410, 1 {pack_format = #tpu.pack_format<interleaved>} : vector<32xbf16> -> vector<16xf32>
          %mul3A_413 = arith.mulf %unpack3A_411, %get3A_10 : vector<16xf32>
          %add3A_414 = arith.addf %mul3A_400, %mul3A_413 : vector<16xf32>
          %mul3A_415 = arith.mulf %unpack3A_412, %get3A_18 : vector<16xf32>
          %add3A_416 = arith.addf %mul3A_401, %mul3A_415 : vector<16xf32>
          %get3A_417 = arith.index_cast %add3A_388 : i32 to index
          %get3A_418 = arith.constant 32 : index
          %get3A_419 = tpu.vector_load %arg14[%get3A_417, %get3A_418] {strides = array<i32>} : memref<128x64xi32, #tpu.memory_space<vmem>>, vector<16xi32>,
          %bitcast3A_420 = vector.bitcast %get3A_419 : vector<16xi32> to vector<32xbf16>
          %get3A_421 = arith.index_cast %add3A_388 : i32 to index
          %get3A_422 = arith.constant 32 : index
          %get3A_423 = tpu.vector_load %arg18[%get3A_421, %get3A_422] {strides = array<i32>} : memref<128x64xi32, #tpu.memory_space<vmem>>, vector<16xi32>,
          %bitcast3A_424 = vector.bitcast %get3A_423 : vector<16xi32> to vector<32xbf16>
          %mul3A_425 = arith.mulf %bitcast3A_420, %bitcast3A_424 : vector<32xbf16>
          %unpack3A_426 = tpu.unpack_subelements %mul3A_425, 0 {pack_format = #tpu.pack_format<interleaved>} : vector<32xbf16> -> vector<16xf32>
          %unpack3A_427 = tpu.unpack_subelements %mul3A_425, 1 {pack_format = #tpu.pack_format<interleaved>} : vector<32xbf16> -> vector<16xf32>
          %mul3A_428 = arith.mulf %unpack3A_426, %get3A_12 : vector<16xf32>
          %add3A_429 = arith.addf %add3A_414, %mul3A_428 : vector<16xf32>
          %mul3A_430 = arith.mulf %unpack3A_427, %get3A_20 : vector<16xf32>
          %add3A_431 = arith.addf %add3A_416, %mul3A_430 : vector<16xf32>
          %get3A_432 = arith.index_cast %add3A_388 : i32 to index
          %get3A_433 = arith.constant 48 : index
          %get3A_434 = tpu.vector_load %arg14[%get3A_432, %get3A_433] {strides = array<i32>} : memref<128x64xi32, #tpu.memory_space<vmem>>, vector<16xi32>,
          %bitcast3A_435 = vector.bitcast %get3A_434 : vector<16xi32> to vector<32xbf16>
          %get3A_436 = arith.index_cast %add3A_388 : i32 to index
          %get3A_437 = arith.constant 48 : index
          %get3A_438 = tpu.vector_load %arg18[%get3A_436, %get3A_437] {strides = array<i32>} : memref<128x64xi32, #tpu.memory_space<vmem>>, vector<16xi32>,
          %bitcast3A_439 = vector.bitcast %get3A_438 : vector<16xi32> to vector<32xbf16>
          %mul3A_440 = arith.mulf %bitcast3A_435, %bitcast3A_439 : vector<32xbf16>
          %unpack3A_441 = tpu.unpack_subelements %mul3A_440, 0 {pack_format = #tpu.pack_format<interleaved>} : vector<32xbf16> -> vector<16xf32>
          %unpack3A_442 = tpu.unpack_subelements %mul3A_440, 1 {pack_format = #tpu.pack_format<interleaved>} : vector<32xbf16> -> vector<16xf32>
          %mul3A_443 = arith.mulf %unpack3A_441, %get3A_14 : vector<16xf32>
          %add3A_444 = arith.addf %add3A_429, %mul3A_443 : vector<16xf32>
          %mul3A_445 = arith.mulf %unpack3A_442, %get3A_22 : vector<16xf32>
          %add3A_446 = arith.addf %add3A_431, %mul3A_445 : vector<16xf32>
          %add3A_447 = arith.addf %add3A_444, %add3A_446 : vector<16xf32>
          %reduce_sum3A_448 = arith.constant true
          %reduce_sum3A_449 = vector.broadcast %reduce_sum3A_448 : i1 to vector<16xi1>
          %reduce_sum3A_450 = tpu.scan <sum>, %add3A_447 masked %reduce_sum3A_449 : vector<16xf32>, vector<16xi1> -> vector<16xf32>
          %reduce_sum3A_451 = vector.extract %reduce_sum3A_450[15] : f32 from vector<16xf32>
          %eq3A_452 = vector.broadcast %add3A_385 : i32 to vector<16xi32>
          %eq3A_453 = arith.cmpi eq, %iota3A, %eq3A_452 : vector<16xi32>
          %broadcast_in_dim3A_454 = vector.broadcast %reduce_sum3A_451 : f32 to vector<16xf32>
          %select_n3A_455 = arith.select %eq3A_453, %broadcast_in_dim3A_454, %select_n3A_381 : vector<16xi1>, vector<16xf32>
          %mul3A_456 = arith.constant 4 : i32
          %mul3A_457 = arith.muli %scan3A_235, %mul3A_456 : i32
          %add3A_458 = arith.constant 3 : i32
          %add3A_459 = arith.addi %mul3A_457, %add3A_458 : i32
          %mul3A_460 = arith.constant 16 : i32
          %mul3A_461 = arith.muli %scan3A_214, %mul3A_460 : i32
          %add3A_462 = arith.addi %mul3A_461, %add3A_459 : i32
          %get3A_463 = arith.index_cast %add3A_462 : i32 to index
          %get3A_464 = arith.constant 0 : index
          %get3A_465 = tpu.vector_load %arg14[%get3A_463, %get3A_464] {strides = array<i32>} : memref<128x64xi32, #tpu.memory_space<vmem>>, vector<16xi32>,
          %bitcast3A_466 = vector.bitcast %get3A_465 : vector<16xi32> to vector<32xbf16>
          %get3A_467 = arith.index_cast %add3A_462 : i32 to index
          %get3A_468 = arith.constant 0 : index
          %get3A_469 = tpu.vector_load %arg18[%get3A_467, %get3A_468] {strides = array<i32>} : memref<128x64xi32, #tpu.memory_space<vmem>>, vector<16xi32>,
          %bitcast3A_470 = vector.bitcast %get3A_469 : vector<16xi32> to vector<32xbf16>
          %mul3A_471 = arith.mulf %bitcast3A_466, %bitcast3A_470 : vector<32xbf16>
          %unpack3A_472 = tpu.unpack_subelements %mul3A_471, 0 {pack_format = #tpu.pack_format<interleaved>} : vector<32xbf16> -> vector<16xf32>
          %unpack3A_473 = tpu.unpack_subelements %mul3A_471, 1 {pack_format = #tpu.pack_format<interleaved>} : vector<32xbf16> -> vector<16xf32>
          %mul3A_474 = arith.mulf %unpack3A_472, %get3A_8 : vector<16xf32>
          %mul3A_475 = arith.mulf %unpack3A_473, %get3A_16 : vector<16xf32>
          %get3A_476 = arith.index_cast %add3A_462 : i32 to index
          %get3A_477 = arith.constant 16 : index
          %get3A_478 = tpu.vector_load %arg14[%get3A_476, %get3A_477] {strides = array<i32>} : memref<128x64xi32, #tpu.memory_space<vmem>>, vector<16xi32>,
          %bitcast3A_479 = vector.bitcast %get3A_478 : vector<16xi32> to vector<32xbf16>
          %get3A_480 = arith.index_cast %add3A_462 : i32 to index
          %get3A_481 = arith.constant 16 : index
          %get3A_482 = tpu.vector_load %arg18[%get3A_480, %get3A_481] {strides = array<i32>} : memref<128x64xi32, #tpu.memory_space<vmem>>, vector<16xi32>,
          %bitcast3A_483 = vector.bitcast %get3A_482 : vector<16xi32> to vector<32xbf16>
          %mul3A_484 = arith.mulf %bitcast3A_479, %bitcast3A_483 : vector<32xbf16>
          %unpack3A_485 = tpu.unpack_subelements %mul3A_484, 0 {pack_format = #tpu.pack_format<interleaved>} : vector<32xbf16> -> vector<16xf32>
          %unpack3A_486 = tpu.unpack_subelements %mul3A_484, 1 {pack_format = #tpu.pack_format<interleaved>} : vector<32xbf16> -> vector<16xf32>
          %mul3A_487 = arith.mulf %unpack3A_485, %get3A_10 : vector<16xf32>
          %add3A_488 = arith.addf %mul3A_474, %mul3A_487 : vector<16xf32>
          %mul3A_489 = arith.mulf %unpack3A_486, %get3A_18 : vector<16xf32>
          %add3A_490 = arith.addf %mul3A_475, %mul3A_489 : vector<16xf32>
          %get3A_491 = arith.index_cast %add3A_462 : i32 to index
          %get3A_492 = arith.constant 32 : index
          %get3A_493 = tpu.vector_load %arg14[%get3A_491, %get3A_492] {strides = array<i32>} : memref<128x64xi32, #tpu.memory_space<vmem>>, vector<16xi32>,
          %bitcast3A_494 = vector.bitcast %get3A_493 : vector<16xi32> to vector<32xbf16>
          %get3A_495 = arith.index_cast %add3A_462 : i32 to index
          %get3A_496 = arith.constant 32 : index
          %get3A_497 = tpu.vector_load %arg18[%get3A_495, %get3A_496] {strides = array<i32>} : memref<128x64xi32, #tpu.memory_space<vmem>>, vector<16xi32>,
          %bitcast3A_498 = vector.bitcast %get3A_497 : vector<16xi32> to vector<32xbf16>
          %mul3A_499 = arith.mulf %bitcast3A_494, %bitcast3A_498 : vector<32xbf16>
          %unpack3A_500 = tpu.unpack_subelements %mul3A_499, 0 {pack_format = #tpu.pack_format<interleaved>} : vector<32xbf16> -> vector<16xf32>
          %unpack3A_501 = tpu.unpack_subelements %mul3A_499, 1 {pack_format = #tpu.pack_format<interleaved>} : vector<32xbf16> -> vector<16xf32>
          %mul3A_502 = arith.mulf %unpack3A_500, %get3A_12 : vector<16xf32>
          %add3A_503 = arith.addf %add3A_488, %mul3A_502 : vector<16xf32>
          %mul3A_504 = arith.mulf %unpack3A_501, %get3A_20 : vector<16xf32>
          %add3A_505 = arith.addf %add3A_490, %mul3A_504 : vector<16xf32>
          %get3A_506 = arith.index_cast %add3A_462 : i32 to index
          %get3A_507 = arith.constant 48 : index
          %get3A_508 = tpu.vector_load %arg14[%get3A_506, %get3A_507] {strides = array<i32>} : memref<128x64xi32, #tpu.memory_space<vmem>>, vector<16xi32>,
          %bitcast3A_509 = vector.bitcast %get3A_508 : vector<16xi32> to vector<32xbf16>
          %get3A_510 = arith.index_cast %add3A_462 : i32 to index
          %get3A_511 = arith.constant 48 : index
          %get3A_512 = tpu.vector_load %arg18[%get3A_510, %get3A_511] {strides = array<i32>} : memref<128x64xi32, #tpu.memory_space<vmem>>, vector<16xi32>,
          %bitcast3A_513 = vector.bitcast %get3A_512 : vector<16xi32> to vector<32xbf16>
          %mul3A_514 = arith.mulf %bitcast3A_509, %bitcast3A_513 : vector<32xbf16>
          %unpack3A_515 = tpu.unpack_subelements %mul3A_514, 0 {pack_format = #tpu.pack_format<interleaved>} : vector<32xbf16> -> vector<16xf32>
          %unpack3A_516 = tpu.unpack_subelements %mul3A_514, 1 {pack_format = #tpu.pack_format<interleaved>} : vector<32xbf16> -> vector<16xf32>
          %mul3A_517 = arith.mulf %unpack3A_515, %get3A_14 : vector<16xf32>
          %add3A_518 = arith.addf %add3A_503, %mul3A_517 : vector<16xf32>
          %mul3A_519 = arith.mulf %unpack3A_516, %get3A_22 : vector<16xf32>
          %add3A_520 = arith.addf %add3A_505, %mul3A_519 : vector<16xf32>
          %add3A_521 = arith.addf %add3A_518, %add3A_520 : vector<16xf32>
          %reduce_sum3A_522 = arith.constant true
          %reduce_sum3A_523 = vector.broadcast %reduce_sum3A_522 : i1 to vector<16xi1>
          %reduce_sum3A_524 = tpu.scan <sum>, %add3A_521 masked %reduce_sum3A_523 : vector<16xf32>, vector<16xi1> -> vector<16xf32>
          %reduce_sum3A_525 = vector.extract %reduce_sum3A_524[15] : f32 from vector<16xf32>
          %eq3A_526 = vector.broadcast %add3A_459 : i32 to vector<16xi32>
          %eq3A_527 = arith.cmpi eq, %iota3A, %eq3A_526 : vector<16xi32>
          %broadcast_in_dim3A_528 = vector.broadcast %reduce_sum3A_525 : f32 to vector<16xf32>
          %select_n3A_529 = arith.select %eq3A_527, %broadcast_in_dim3A_528, %select_n3A_455 : vector<16xi1>, vector<16xf32>
          scf.yield %select_n3A_529 : vector<16xf32>
        }
        %scan3A_221 = arith.constant 4 : i32
        %add3A_222 = arith.addf %scan3A_220, %get3A_6 : vector<16xf32>
        %neg3A = arith.constant 0.000000e+00 : f32
        %neg3A_223 = vector.broadcast %neg3A : f32 to vector<16xf32>
        %neg3A_224 = arith.subf %neg3A_223, %add3A_222 : vector<16xf32>
        %exp3A = math.exp %neg3A_224 : vector<16xf32>
        %add3A_225 = arith.constant 1.000000e+00 : f32
        %add3A_226 = vector.broadcast %add3A_225 : f32 to vector<16xf32>
        %add3A_227 = arith.addf %add3A_226, %exp3A : vector<16xf32>
        %div3A_228 = arith.constant 1.000000e+00 : f32
        %div3A_229 = vector.broadcast %div3A_228 : f32 to vector<16xf32>
        %div3A_230 = arith.divf %div3A_229, %add3A_227 : vector<16xf32>
        %mul3A_231 = arith.constant 16 : i32
        %mul3A_232 = arith.muli %scan3A_214, %mul3A_231 : i32
        %swap3A = arith.index_cast %add3A_189 : i32 to index
        %swap3A_233 = arith.index_cast %mul3A_232 : i32 to index
        %swap3A_234 = tpu.vector_load %arg19[%swap3A, %swap3A_233] {strides = array<i32>} : memref<120x128xf32, #tpu.memory_space<vmem>>, vector<16xf32>,
        tpu.vector_store %arg19[%swap3A, %swap3A_233], %div3A_230 {strides = array<i32>} : memref<120x128xf32, #tpu.memory_space<vmem>>, vector<16xf32>,
      }
      %scan3A_213 = arith.constant 8 : i32
    }
    %convert_element_type3A_96 = arith.extui %eq3A_0 : i1 to i32
    %cond3A_97 = arith.constant 0 : i32
    %cond3A_98 = arith.cmpi ne, %convert_element_type3A_96, %cond3A_97 : i32
    scf.if %cond3A_98 {
      "tpu.region"() ({
        %run_scoped3A = tpu.sem_alloc : memref<!tpu.dma_semaphore, #tpu.memory_space<semaphore_mem>>
        %dma_start3A_104 = arith.constant 0 : i32
        %dma_start3A_105 = tpu.memref_slice %arg8[%multiple_of3A, %dma_start3A_104] : memref<2560x128xf32, #tpu.memory_space<hbm>> -> memref<120x128xf32, #tpu.memory_space<hbm>>
        %dma_start3A_106 = arith.constant 0 : i32
        %dma_start3A_107 = tpu.memref_slice %arg8[%multiple_of3A, %dma_start3A_106] : memref<2560x128xf32, #tpu.memory_space<hbm>> -> memref<120x128xf32, #tpu.memory_space<hbm>>
        tpu.enqueue_dma source(%arg19 : memref<120x128xf32, #tpu.memory_space<vmem>>) target(%dma_start3A_107 : memref<120x128xf32, #tpu.memory_space<hbm>>) target_semaphore(%run_scoped3A : memref<!tpu.dma_semaphore, #tpu.memory_space<semaphore_mem>>)
        %dma_wait3A = arith.constant 0 : i32
        %dma_wait3A_108 = tpu.memref_slice %arg8[%multiple_of3A, %dma_wait3A] : memref<2560x128xf32, #tpu.memory_space<hbm>> -> memref<120x128xf32, #tpu.memory_space<hbm>>
        %dma_wait3A_109 = arith.constant 0 : i32
        %dma_wait3A_110 = tpu.memref_slice %arg8[%multiple_of3A, %dma_wait3A_109] : memref<2560x128xf32, #tpu.memory_space<hbm>> -> memref<120x128xf32, #tpu.memory_space<hbm>>
        tpu.wait_dma2 semaphore(%run_scoped3A : memref<!tpu.dma_semaphore, #tpu.memory_space<semaphore_mem>>) src(%arg19 : memref<120x128xf32, #tpu.memory_space<vmem>>) dst(%dma_wait3A_110 : memref<120x128xf32, #tpu.memory_space<hbm>>)
        tpu.yield
      }) : () -> ()
    } else {
    }
    %not3A_99 = arith.constant true
    %not3A_100 = arith.xori %eq3A_0, %not3A_99 : i1
    %convert_element_type3A_101 = arith.extui %not3A_100 : i1 to i32
    %cond3A_102 = arith.constant 0 : i32
    %cond3A_103 = arith.cmpi ne, %convert_element_type3A_101, %cond3A_102 : i32
    scf.if %cond3A_103 {
      "tpu.region"() ({
        %run_scoped3A = tpu.sem_alloc : memref<!tpu.dma_semaphore, #tpu.memory_space<semaphore_mem>>
        %dma_start3A_104 = arith.constant 0 : i32
        %dma_start3A_105 = arith.constant 0 : i32
        %dma_start3A_106 = tpu.memref_slice %arg19[%dma_start3A_104, %dma_start3A_105] : memref<120x128xf32, #tpu.memory_space<vmem>> -> memref<40x128xf32, #tpu.memory_space<vmem>>
        %dma_start3A_107 = arith.constant 0 : i32
        %dma_start3A_108 = tpu.memref_slice %arg8[%multiple_of3A, %dma_start3A_107] : memref<2560x128xf32, #tpu.memory_space<hbm>> -> memref<40x128xf32, #tpu.memory_space<hbm>>
        %dma_start3A_109 = arith.constant 0 : i32
        %dma_start3A_110 = tpu.memref_slice %arg8[%multiple_of3A, %dma_start3A_109] : memref<2560x128xf32, #tpu.memory_space<hbm>> -> memref<40x128xf32, #tpu.memory_space<hbm>>
        %dma_start3A_111 = arith.constant 0 : i32
        %dma_start3A_112 = arith.constant 0 : i32
        %dma_start3A_113 = tpu.memref_slice %arg19[%dma_start3A_111, %dma_start3A_112] : memref<120x128xf32, #tpu.memory_space<vmem>> -> memref<40x128xf32, #tpu.memory_space<vmem>>
        tpu.enqueue_dma source(%dma_start3A_113 : memref<40x128xf32, #tpu.memory_space<vmem>>) target(%dma_start3A_110 : memref<40x128xf32, #tpu.memory_space<hbm>>) target_semaphore(%run_scoped3A : memref<!tpu.dma_semaphore, #tpu.memory_space<semaphore_mem>>)
        %dma_wait3A = arith.constant 0 : i32
        %dma_wait3A_114 = arith.constant 0 : i32
        %dma_wait3A_115 = tpu.memref_slice %arg19[%dma_wait3A, %dma_wait3A_114] : memref<120x128xf32, #tpu.memory_space<vmem>> -> memref<40x128xf32, #tpu.memory_space<vmem>>
        %dma_wait3A_116 = arith.constant 0 : i32
        %dma_wait3A_117 = tpu.memref_slice %arg8[%multiple_of3A, %dma_wait3A_116] : memref<2560x128xf32, #tpu.memory_space<hbm>> -> memref<40x128xf32, #tpu.memory_space<hbm>>
        %dma_wait3A_118 = arith.constant 0 : i32
        %dma_wait3A_119 = tpu.memref_slice %arg8[%multiple_of3A, %dma_wait3A_118] : memref<2560x128xf32, #tpu.memory_space<hbm>> -> memref<40x128xf32, #tpu.memory_space<hbm>>
        %dma_wait3A_120 = arith.constant 0 : i32
        %dma_wait3A_121 = arith.constant 0 : i32
        %dma_wait3A_122 = tpu.memref_slice %arg19[%dma_wait3A_120, %dma_wait3A_121] : memref<120x128xf32, #tpu.memory_space<vmem>> -> memref<40x128xf32, #tpu.memory_space<vmem>>
        tpu.wait_dma2 semaphore(%run_scoped3A : memref<!tpu.dma_semaphore, #tpu.memory_space<semaphore_mem>>) src(%dma_wait3A_122 : memref<40x128xf32, #tpu.memory_space<vmem>>) dst(%dma_wait3A_119 : memref<40x128xf32, #tpu.memory_space<hbm>>)
        tpu.yield
      }) : () -> ()
    } else {
    }
    return
  }
}

</mosaic_0001>

<sc_bundles>
// kernel: kernel.3.cloned.1.call-start
scs
__scs_entry_jumppad:
0x0: {  	(pc) =	sbr.rel $0x88, $3  }
0x1: {  	(tag) =	ssettag $0x0;
	lr =	simm.s32 $0x1  }
0x2: {  	[smem:$0x3F9C] =	sst lr;
	_ =	strace $0xD0000000  }
0x3: {  	_ = 	snop  }
0x4: {  	_ = 	snop  }
0x5: {  	_ = 	snop  }
0x6: {  	_ = 	snop  }
0x7: {  	_ = 	snop  }
__scs_overlays_trampoline_lowered:
0x8: {  	[smem:$0x3FAB] =	sst s0  }
0x9: {  	[smem:$0x3FAC] =	sst s1  }
0xa: {  	[smem:$0x3FAD] =	sst s2  }
0xb: {  	[smem:$0x3FAE] =	sst s3  }
0xc: {  	[smem:$0x3FAF] =	sst s4  }
0xd: {  	[smem:$0x3FB0] =	sst s5  }
0xe: {  	[smem:$0x3FB1] =	sst s6  }
0xf: {  	[smem:$0x3FB2] =	sst s7  }
0x10: {  	[smem:$0x3FB3] =	sst s8  }
0x11: {  	[smem:$0x3FB4] =	sst s9;
	s0 =	simm.s32 @!p0 $0x0  }
0x12: {  	s1 =	sld [smem:$0x3F9A];
	s0 =	simm.s32 @p0 $0x1  }
0x13: {  	[smem:$0x3FB5] =	sst s0;
	s0 =	simm.s32 @!p1 $0x0  }
0x14: {  	s2 =	sld [smem:$0x3F99];
	s0 =	simm.s32 @p1 $0x1  }
0x15: {  	[smem:$0x3FB6] =	sst s0;
	s0 =	simm.s32 @!p2 $0x0  }
0x16: {  	s3 =	sld [smem:$0x3FDB];
	s0 =	simm.s32 @p2 $0x1  }
0x17: {  	s4 =	simm.s32 $0x1BF5;
	[smem:$0x3FB8] =	sst s0  }
0x18: {  	s0 =	sld [smem:$0x3F9B];
	_ =	swait.ge [sflag:s4], $0x0  }
0x19: {  	s7 =	sld [smem:$0x3F9C]  }
0x1a: {  	s8 =	sadd.s32 $0xFFFFE003, lr  }
0x1b: {  	s9 =	sadd.s32 $0xFFFFFEF7, lr;
	s5 =	simm.s32 $0xFFFFFFFF;
	p2 =	slt.u32 s8, $0xFFFFF086  }
0x1c: {  	p1 =	slt.u32 s9, $0xF7A;
	s5 =	simm.s32 @!p2 $0x0  }
0x1d: {  	s5 =	simm.s32 @p1 $0x1;
	p0 =	seq.s32 s7, s2  }
0x1e: {  	s7 =	smul.u32 @!p0 $0xF7A, s2;
	p2 =	seq.s32 @!p0 s5, $0x0  }
0x1f: {  	s9 =	smul.u32 $0xF7A, s1;
	s8 =	simm.s32 @!p0 $0x1BF5;
	p2 =	por !p2, p0  }
0x20: {  	[sflag:s8] =	ssyncset.s32 @!p0 $0xFFFFF086;
	s6 =	sadd.s32 @!p0 s3, s7;
	s7 =	simm.s32 @!p0 $0x108  }
0x21: {  	s3 =	sadd.s32 s3, s9;
	s6 =	sadd.s32 @!p0 $0x88, s6;
	s7 =	simm.s32 @p2 $0x1082  }
0x22: {  	[simem:s7], [sflag:s8] =	dma.local @!p0 [hbm:s6], $0xF7A  }
0x23: {  	s9 =	sor.u32 $0xD0000000, s2;
	s6 =	simm.s32 $0x108;
	_ =	swait.ge @!p0 [sflag:s8], $0x0  }
0x24: {  	s3 =	sadd.s32 $0x88, s3;
	s6 =	simm.s32 @!p1 $0x1082;
	[sflag:s4] =	ssyncset.s32 $0xFFFFF086  }
0x25: {  	[simem:s6], [sflag:s4] =	dma.local [hbm:s3], $0xF7A  }
0x26: {  	[smem:$0x3F9C] =	sst s1;
	(tag) =	ssettag s2;
	_ =	strace s9  }
0x27: {  	s1 =	sld [smem:$0x3FAC]  }
0x28: {  	s2 =	sld [smem:$0x3FAD]  }
0x29: {  	s4 =	sld [smem:$0x3FAF]  }
0x2a: {  	p0 =	seq.s32 s5, $0x0;
	s5 =	sld [smem:$0x3FB0]  }
0x2b: {  	s6 =	sld [smem:$0x3FB1]  }
0x2c: {  	s7 =	sld [smem:$0x3FB2]  }
0x2d: {  	s3 =	simm.s32 $0x108;
	s8 =	sld [smem:$0x3FB3]  }
0x2e: {  	s3 =	simm.s32 @!p0 $0x1082;
	s9 =	sld [smem:$0x3FB4]  }
0x2f: {  	lr =	sadd.s32 s0, s3;
	s0 =	sld [smem:$0x3FAB]  }
0x30: {  	s3 =	sld [smem:$0x3FAE]  }
0x31: {  	[smem:$0x3FB7] =	sst s10  }
0x32: {  	s10 =	sld [smem:$0x3FB5];
	_ =	sdelay $0x3  }
0x33: {  	p0 =	seq.s32 s10, $0x1;
	s10 =	sld [smem:$0x3FB7];
	_ =	sdelay $0x3  }
0x34: {  	[smem:$0x3FB7] =	sst s10  }
0x35: {  	s10 =	sld [smem:$0x3FB6];
	_ =	sdelay $0x3  }
0x36: {  	p1 =	seq.s32 s10, $0x1;
	s10 =	sld [smem:$0x3FB7];
	_ =	sdelay $0x3  }
0x37: {  	[smem:$0x3FB7] =	sst s10  }
0x38: {  	s10 =	sld [smem:$0x3FB8]  }
0x39: {  	_ = 	snop;
	(pc) =	sbr.ind lr, $3  }
0x3a: {  	_ = 	snop  }
0x3b: {  	_ = 	snop  }
0x3c: {  	p2 =	seq.s32 s10, $0x1;
	s10 =	sld [smem:$0x3FB7]  }
0x3d: {  	_ =	shalt  }
0x3e: {  	_ =	shalt  }
0x3f: {  	_ =	shalt  }
0x40: {  	_ =	shalt  }
0x41: {  	_ =	shalt  }
0x42: {  	_ =	shalt  }
0x43: {  	_ =	shalt  }
0x44: {  	_ =	shalt  }
0x45: {  	_ =	shalt  }
0x46: {  	_ =	shalt  }
0x47: {  	_ =	shalt  }
0x48: {  	_ =	shalt  }
0x49: {  	_ =	shalt  }
0x4a: {  	_ =	shalt  }
0x4b: {  	_ =	shalt  }
0x4c: {  	_ =	shalt  }
0x4d: {  	_ =	shalt  }
0x4e: {  	_ =	shalt  }
0x4f: {  	_ =	shalt  }
0x50: {  	_ =	shalt  }
0x51: {  	_ =	shalt  }
0x52: {  	_ =	shalt  }
0x53: {  	_ =	shalt  }
0x54: {  	_ =	shalt  }
0x55: {  	_ =	shalt  }
0x56: {  	_ =	shalt  }
0x57: {  	_ =	shalt  }
0x58: {  	_ =	shalt  }
0x59: {  	_ =	shalt  }
0x5a: {  	_ =	shalt  }
0x5b: {  	_ =	shalt  }
0x5c: {  	_ =	shalt  }
0x5d: {  	_ =	shalt  }
0x5e: {  	_ =	shalt  }
0x5f: {  	_ =	shalt  }
0x60: {  	_ =	shalt  }
0x61: {  	_ =	shalt  }
0x62: {  	_ =	shalt  }
0x63: {  	_ =	shalt  }
0x64: {  	_ =	shalt  }
0x65: {  	_ =	shalt  }
0x66: {  	_ =	shalt  }
0x67: {  	_ =	shalt  }
0x68: {  	_ =	shalt  }
0x69: {  	_ =	shalt  }
0x6a: {  	_ =	shalt  }
0x6b: {  	_ =	shalt  }
0x6c: {  	_ =	shalt  }
0x6d: {  	_ =	shalt  }
0x6e: {  	_ =	shalt  }
0x6f: {  	_ =	shalt  }
0x70: {  	_ =	shalt  }
0x71: {  	_ =	shalt  }
0x72: {  	_ =	shalt  }
0x73: {  	_ =	shalt  }
0x74: {  	_ =	shalt  }
0x75: {  	_ =	shalt  }
0x76: {  	_ =	shalt  }
0x77: {  	_ =	shalt  }
0x78: {  	_ =	shalt  }
0x79: {  	_ =	shalt  }
0x7a: {  	_ =	shalt  }
0x7b: {  	_ =	shalt  }
0x7c: {  	_ =	shalt  }
0x7d: {  	_ =	shalt  }
0x7e: {  	_ =	shalt  }
0x7f: {  	_ =	shalt  }
0x80: {  	_ =	shalt  }
0x81: {  	_ =	shalt  }
0x82: {  	_ =	shalt  }
0x83: {  	_ =	shalt  }
0x84: {  	_ =	shalt  }
0x85: {  	_ =	shalt  }
0x86: {  	_ =	shalt  }
0x87: {  	_ =	shalt  }
.Lfunc_end0:
.L_simem_size_0:
called_computation_lowered:
.L_overlay_start_0:
0x88: {  	s2 =	sld [smem:$0x3FD9]  }
0x89: {  	s3 =	sld [smem:$0x3FFE];
	_ =	sdelay $0x1  }
0x8a: {  	s1 =	srdreg.scid  }
0x8b: {  	s0 =	sand.u32 $0x1, s1  }
0x8c: {  	s17 =	sshll.u32 s0, $0xA;
	s2 =	sadd.s32 s3, s2  }
0x8d: {  	s2 =	sadd.s32 s2, s17  }
0x8e: {  	[smem:$0x3FC3] =	sst s2  }
0x8f: {  	_ = 	snop  }
0x90: {  	s2 =	sld [smem:$0x3FD0];
	(tm) =	ssettm $0x1  }
0x91: {  	s18 =	sld [smem:$0x3FFB];
	_ =	sdelay $0x3  }
0x92: {  	_ =	strace s18  }
0x93: {  	s3 =	sld [smem:$0x3FFC];
	_ =	sdelay $0x3  }
0x94: {  	_ =	strace s3  }
0x95: {  	s3 =	sld [smem:$0x3FFD];
	_ =	sdelay $0x3  }
0x96: {  	_ =	strace s3  }
0x97: {  	_ =	strace $0x8FFFFFFF  }
0x98: {  	s19 =	sld [smem:$0x3FDB];
	_ =	sdelay $0x1  }
0x99: {  	s4 =	simm.s32 $_scs_section_size  }
0x9a: {  	s5 =	simm.s32 $_size__tile_overlayer_lowered;
	s6 =	simm.s32 $_tile_overlayer_lowered  }
0x9b: {  	s22 =	simm.s32 $0x1BFF;
	s21 =	sshll.u32 s6, $0x1;
	s3 =	sadd.s32 s4, s19  }
0x9c: {  	s7 =	simm.s32 $0x0;
	s20 =	sshll.u32 s5, $0x1;
	s5 =	sadd.s32 s21, s3  }
0x9d: {  	[timem:s7], [sflag:s22] =	dma.local [hbm:s5], s20  }
0x9e: {  	_ =	swait.ge [sflag:s22], s20  }
0x9f: {  	s4 =	ssub.s32 $0x0, s20;
	[sflag:s22] =	ssyncset.done $0x0  }
0xa0: {  	[sflag:s22] =	ssyncadd.s32 s4;
	_ =	sdelay $0x1  }
0xa1: {  	s23 =	simm.s32 $0x1B8B  }
0xa2: {  	_ =	swait.ge [sflag:s23], $0x1  }
0xa3: {  	[sflag:s23] =	ssyncset.done $0x0  }
0xa4: {  	s25 =	simm.s32 $0x1B8E;
	s24 =	sld [smem:$0x3FFE];
	[sflag:s23] =	ssyncadd.s32 $0xFFFFFFFF  }
0xa5: {  	s26 =	simm.s32 $execute0_lowered;
	[smem:$0x3FD2] =	sst s25  }
0xa6: {  	s5 =	sshll.u32 s26, $0x1;
	_ =	strace $0x80000046;
	[dreg:$0x1] =	wrdreg $0xFFFFFFFF  }
0xa7: {  	s28 =	simm.s32 $_size_execute0_lowered;
	s3 =	sadd.s32 s3, s5;
	[dreg:$0x0] =	wrdreg $0x0  }
0xa8: {  	s5 =	sshll.u32 s28, $0x1;
	[dreg:$0x2] =	wrdreg s3  }
0xa9: {  	[dreg:$0x3] =	wrdreg s5  }
0xaa: {  	[dreg:$0x4] =	wrdreg $0xC0  }
0xab: {  	_ =	task [dreg:s7], $0x5FFFF  }
0xac: {  	[dreg:$0x1] =	wrdreg $0xFFFFFFFF  }
0xad: {  	[dreg:$0x0] =	wrdreg $0x60  }
0xae: {  	[dreg:$0x2] =	wrdreg s24  }
0xaf: {  	[dreg:$0x3] =	wrdreg s2  }
0xb0: {  	[dreg:$0x4] =	wrdreg $0x9  }
0xb1: {  	_ =	task.clear_ibuf [dreg:s7], $0x5FFFF;
	_ =	strace $0x90000046  }
0xb2: {  	s29 =	simm.s32 $0x9;
	_ =	strace $0x80000048  }
0xb3: {  	_ =	swait.ge [sflag:s29], $0x1  }
0xb4: {  	[sflag:s29] =	ssyncadd.s32 $0xFFFFFFFF  }
0xb5: {  	_ =	strace $0x90000048  }
0xb6: {  	_ =	sfence  }
0xb7: {  	s30 =	sld [smem:$0x0];
	_ =	sdelay $0x2  }
0xb8: {  	s31 =	sshll.u32 s1, $0xD;
	s1 =	sshrl.u32 s1, $0x2  }
0xb9: {  	s3 =	sand.u32 $0x4000, s31;
	s1 =	sadd.s32 s1, s30  }
0xba: {  	s0 =	sor.u32 s3, s0;
	s1 =	sshll.u32 s1, $0x11  }
0xbb: {  	s0 =	sor.u32 s1, s0  }
0xbc: {  	s0 =	sadd.s32 $0x8F2B, s0  }
0xbd: {  	[sflag:s0] =	ssyncadd.remote.s32 $0x1  }
0xbe: {  	_ =	sfence.sel $0xFFFF  }
0xbf: {  	[dreg:$0x0] =	wrdreg $0xFFFFFFFF;
	(pc) =	sbr.abs _section_cstart, $3  }
0xc0: {  	[dreg:$0x1] =	wrdreg $0xFFFFFFFF  }
0xc1: {  	_ =	task.clear_ibuf [dreg:s7], $0x2FFFF;
	_ =	strace $0x9FFFFFFF  }
0xc2: {  	(tm) =	ssettm $0x7FFFFFFF  }
0xc3: {  	_ =	shalt  }
tec
execute0_lowered:
.L_overlay_start_1:
0x0: {  	(tag) =	ssettag $0x1  }
0x1: {  	s0 =	srdreg.scid;
	s2 =	rddreg [dreg:$0x0]  }
0x2: {  	s3 =	stileid.u32;
	s4 =	simm.s32 $0x0;
	s7 =	simm.s32 $0x78  }
0x3: {  	s14 =	simm.s32 $0x5;
	s16 =	simm.s32 $0x80;
	s28 =	simm.s32 $0x1  }
0x4: {  	s29 =	simm.s32 $0x2;
	s30 =	simm.s32 $0x3;
	s31 =	simm.s32 $0x4  }
0x5: {  	s0 =	sand.u32 $0x1, s0;
	s3 =	smul.u32 $0xA0, s3;
	[smem:$0x7FF] =	sst s4  }
0x6: {  	s5 =	sadd.s32 $0x13A00, s2;
	s6 =	sadd.s32 $0x3B600, s2;
	s1 =	ssub.s32 $0x0, s0  }
0x7: {  	_ =	strace $0x80000047;
	s26 =	ssub.s32 $0x2, s0;
	s1 =	sand.u32 $0x78, s1  }
0x8: {  	p0 =	seq.s32 s0, $0x0;
	s8 =	sshrl.u32 s26, $0x1;
	s1 =	sadd.s32 s3, s1  }
0x9: {  	s7 =	simm.s32 @!p0 $0x28;
	p0 =	sne.s32 s0, $0x0;
	s1 =	sshll.u32 s1, $0x4  }
0xa: {  	s3 =	ssub.s32 s26, s8;
	s10 =	sshrl.u32 s7, $0x2;
	s1 =	sadd.s32 s1, s2  }
0xb: {  	s26 =	simm.s32 $0x13800;
	s12 =	smax.u32 s3, $0x1;
	s8 =	sadd.s32 $0x27400, s1  }
0xc: {  	v0 =	vlaneseq.u32;
	s9 =	sadd.s32 $0x31400, s1;
	s11 =	sadd.s32 $0x3B800, s1;
	s1 =	simm.s32 $0x0  }
.LBB2_1:
0xd: {  	s0 =	rddreg [dreg:$0x1];
	s3 =	simm.s32 $0x1B400  }
0xe: {  	[tilespmem:s3], [sflag:$0x5] =	stream.linear.gather [hbm4b:s0+s4], $0x80, $0x38;
	[tilespmem:$0x1B490] =	vst v63  }
0xf: {  	_ =	swait.ge [sflag:s14], $0x80  }
0x10: {  	[sflag:s14] =	ssyncset.done $0x0  }
0x11: {  	s15 =	simm.s32 $0x1B480;
	[sflag:s14] =	ssyncadd.s32 $0xFFFFFF80  }
0x12: {  	[tilespmem:s15], [sflag:$0x5] =	stream.linear.gather [hbm4b:s6+s4], $0x10, $0x38;
	[tilespmem:$0x1B490] =	vst v63  }
0x13: {  	_ =	swait.ge [sflag:s14], $0x10  }
0x14: {  	[sflag:s14] =	ssyncset.done $0x0  }
0x15: {  	[sflag:s14] =	ssyncadd.s32 $0xFFFFFFF0  }
0x16: {  	v1 =	vld [tilespmem:$0x1B480]  }
0x17: {  	v2 =	vld [tilespmem:$0x1B400]  }
0x18: {  	v3 =	vld [tilespmem:$0x1B410]  }
0x19: {  	v4 =	vld [tilespmem:$0x1B420]  }
0x1a: {  	v5 =	vld [tilespmem:$0x1B430]  }
0x1b: {  	v6 =	vld [tilespmem:$0x1B440]  }
0x1c: {  	v7 =	vld [tilespmem:$0x1B450]  }
0x1d: {  	s0 =	simm.s32 @p0 $0x0;
	s3 =	simm.s32 @p0 $0x5;
	v8 =	vld [tilespmem:$0x1B460]  }
0x1e: {  	v9 =	vld [tilespmem:$0x1B470];
	[tilespmem:s0], [sflag:$0x5] =	stream.linear.gather @p0 [hbm4b:s8+s0], $0x1400, $0x38  }
0x1f: {  	_ =	swait.ge @p0 [sflag:s3], $0x1400  }
0x20: {  	[sflag:s3] =	ssyncset.done @p0 $0x0  }
0x21: {  	s13 =	simm.s32 @p0 $0x3C00;
	[sflag:s3] =	ssyncadd.s32 @p0 $0xFFFFEC00  }
0x22: {  	[tilespmem:s13], [sflag:$0x5] =	stream.linear.gather @p0 [hbm4b:s9+s0], $0x1400, $0x38;
	[tilespmem:$0x1B490] =	vst v63  }
0x23: {  	_ =	swait.ge @p0 [sflag:s3], $0x1400  }
0x24: {  	[sflag:s3] =	ssyncset.done @p0 $0x0  }
0x25: {  	s0 =	simm.s32 @!p0 $0x0;
	[sflag:s3] =	ssyncadd.s32 @p0 $0xFFFFEC00;
	s3 =	simm.s32 @!p0 $0x5  }
0x26: {  	[tilespmem:s0], [sflag:$0x5] =	stream.linear.gather @!p0 [hbm4b:s8+s0], $0x3C00, $0x38;
	[tilespmem:$0x1B490] =	vst v63  }
0x27: {  	_ =	swait.ge @!p0 [sflag:s3], $0x3C00  }
0x28: {  	[sflag:s3] =	ssyncset.done @!p0 $0x0  }
0x29: {  	s13 =	simm.s32 @!p0 $0x3C00;
	[sflag:s3] =	ssyncadd.s32 @!p0 $0xFFFFC400  }
0x2a: {  	[tilespmem:s13], [sflag:$0x5] =	stream.linear.gather @!p0 [hbm4b:s9+s0], $0x3C00, $0x38;
	[tilespmem:$0x1B490] =	vst v63  }
0x2b: {  	_ =	swait.ge @!p0 [sflag:s3], $0x3C00  }
0x2c: {  	[sflag:s3] =	ssyncset.done @!p0 $0x0  }
0x2d: {  	s17 =	simm.s32 $0x7800;
	[sflag:s3] =	ssyncadd.s32 @!p0 $0xFFFFC400  }
0x2e: {  	[tilespmem:s17], [sflag:$0x1] =	stream.indirect.gather [hbm4b:s2+s16], $0x40, s4, s16, $0xb8;
	[tilespmem:$0x1B490] =	vst v63  }
0x2f: {  	s18 =	simm.s32 $0x3C00;
	s19 =	simm.s32 $0xF800  }
0x30: {  	[tilespmem:s19], [sflag:$0x1] =	stream.indirect.gather [hbm4b:s5+s16], $0x40, s18, s16, $0xb8;
	[tilespmem:$0x1B490] =	vst v63  }
0x31: {  	s20 =	simm.s32 $0x9800  }
0x32: {  	[tilespmem:s20], [sflag:$0x2] =	stream.indirect.gather [hbm4b:s2+s16], $0x40, s16, s16, $0xb8;
	[tilespmem:$0x1B490] =	vst v63  }
0x33: {  	s21 =	simm.s32 $0x3C80;
	s22 =	simm.s32 $0x11800  }
0x34: {  	[tilespmem:s22], [sflag:$0x2] =	stream.indirect.gather [hbm4b:s5+s16], $0x40, s21, s16, $0xb8;
	[tilespmem:$0x1B490] =	vst v63  }
0x35: {  	s23 =	simm.s32 $0x100;
	s24 =	simm.s32 $0xB800  }
0x36: {  	[tilespmem:s24], [sflag:$0x3] =	stream.indirect.gather [hbm4b:s2+s16], $0x40, s23, s16, $0xb8;
	[tilespmem:$0x1B490] =	vst v63  }
0x37: {  	s25 =	simm.s32 $0x3D00;
	s0 =	simm.s32 $0x0  }
0x38: {  	[tilespmem:s26], [sflag:$0x3] =	stream.indirect.gather [hbm4b:s5+s16], $0x40, s25, s16, $0xb8;
	[tilespmem:$0x1B490] =	vst v63  }
.LBB2_2:
0x39: {  	s3 =	sshllo.u32 s0, $0x2  }
0x3a: {  	p1 =	sge.u32 s3, s7  }
0x3b: {  	s13 =	sshll.u32 @!p1 s3, $0x7;
	s15 =	simm.s32 @!p1 $0x80;
	s17 =	simm.s32 @!p1 $0xD800  }
0x3c: {  	[tilespmem:s17], [sflag:$0x4] =	stream.indirect.gather @!p1 [hbm4b:s2+s15], $0x40, s13, s15, $0xb8;
	[tilespmem:$0x1B490] =	vst v63  }
0x3d: {  	s13 =	sadd.s32 @!p1 $0x3C00, s13;
	s17 =	simm.s32 @!p1 $0x15800  }
0x3e: {  	[tilespmem:s17], [sflag:$0x4] =	stream.indirect.gather @!p1 [hbm4b:s5+s15], $0x40, s13, s15, $0xb8;
	[tilespmem:$0x1B490] =	vst v63  }
0x3f: {  	_ =	swait.ge [sflag:s28], $0x2000  }
0x40: {  	[sflag:s28] =	ssyncset.done $0x0  }
0x41: {  	s25 =	sshll.u32 s0, $0xB;
	[sflag:s28] =	ssyncadd.s32 $0xFFFFE000  }
0x42: {  	s18 =	simm.s32 $0xF880;
	s15 =	sshra.s32 s25, $0x2;
	_ =	swait.ge [sflag:s28], $0x2000  }
0x43: {  	s19 =	simm.s32 $0x7880;
	s20 =	sadd.s32 $0x17800, s15;
	[sflag:s28] =	ssyncset.done $0x0  }
0x44: {  	s13 =	sshll.u32 s0, $0x2;
	s17 =	simm.s32 $0x0;
	v10 =	vmov s20;
	[sflag:s28] =	ssyncadd.s32 $0xFFFFE000  }
.LBB2_3:
0x45: {  	v11 =	vld [tilespmem:s19+$0x20]  }
0x46: {  	v12 =	vld [tilespmem:s18+$0x20]  }
0x47: {  	v14 =	vld [tilespmem:s18+$0xFFFFFFF0]  }
0x48: {  	v15 =	vld [tilespmem:s18+$0xFFFFFFE0]  }
0x49: {  	v13 =	vld [tilespmem:s18+$0xFFFFFFD0]  }
0x4a: {  	v16 =	vld [tilespmem:s19+$0xFFFFFFD0]  }
0x4b: {  	v17 =	vld [tilespmem:s18+$0xFFFFFFC0]  }
0x4c: {  	v18 =	vld [tilespmem:s19+$0xFFFFFF80]  }
0x4d: {  	v19 =	vld [tilespmem:s18+$0xFFFFFF90]  }
0x4e: {  	v20 =	vld [tilespmem:s19+$0xFFFFFF90]  }
0x4f: {  	v21 =	vld [tilespmem:s18+$0xFFFFFF80]  }
0x50: {  	v22 =	vld [tilespmem:s19+$0xFFFFFFC0]  }
0x51: {  	v24 =	vld [tilespmem:s19+$0xFFFFFFA0]  }
0x52: {  	v28 =	vld [tilespmem:s19+$0xFFFFFFB0]  }
0x53: {  	v30 =	vld [tilespmem:s18+$0x10];
	v23 =	vmul.bf16 v12, v11  }
0x54: {  	v32 =	vld [tilespmem:s19+$0x10];
	v13 =	vmul.bf16 v13, v16;
	v19 =	vmul.bf16 v19, v20  }
0x55: {  	v33 =	vld [tilespmem:s18+$0x40];
	v18 =	vmul.bf16 v21, v18;
	v22 =	vmul.bf16 v17, v22;
	v12 =	vunpack.i.u.bf16.f32 v23  }
0x56: {  	v16 =	vld [tilespmem:s18+$0xFFFFFFA0];
	v23 =	vunpack.i.l.bf16.f32 v23;
	v25 =	vunpack.i.l.bf16.f32 v13;
	v26 =	vunpack.i.u.bf16.f32 v13  }
0x57: {  	v20 =	vld [tilespmem:s19+$0xFFFFFFE0];
	v27 =	vunpack.i.l.bf16.f32 v19;
	v29 =	vunpack.i.l.bf16.f32 v18;
	v25 =	vmul.f32 v25, v3  }
0x58: {  	v21 =	vld [tilespmem:s18+$0xFFFFFFB0];
	v19 =	vunpack.i.u.bf16.f32 v19;
	v13 =	vmul.f32 v23, v4;
	v23 =	vmul.f32 v27, v3  }
0x59: {  	v61 =	vld [tilespmem:s18+$0x60];
	v17 =	vunpack.i.u.bf16.f32 v18;
	v29 =	vmul.f32 v29, v2;
	v26 =	vmul.f32 v26, v7  }
0x5a: {  	v18 =	vunpack.i.l.bf16.f32 v22;
	v27 =	vld [tilespmem:s19+$0xFFFFFFF0];
	v17 =	vmul.f32 v17, v6;
	v19 =	vmul.f32 v19, v7  }
0x5b: {  	v18 =	vmul.f32 v18, v2;
	v16 =	vmul.bf16 v16, v24;
	v24 =	vld [tilespmem:s18+$0x0]  }
0x5c: {  	v23 =	vadd.f32 v23, v29;
	v29 =	vld [tilespmem:s19+$0x0];
	v20 =	vmul.bf16 v15, v20;
	v17 =	vadd.f32 v19, v17  }
0x5d: {  	v34 =	vld [tilespmem:s19+$0x60];
	v28 =	vmul.bf16 v21, v28;
	v21 =	vunpack.i.u.bf16.f32 v22;
	v31 =	vunpack.i.u.bf16.f32 v16  }
0x5e: {  	v19 =	vld [tilespmem:s19+$0x40];
	v21 =	vmul.f32 v21, v6;
	v16 =	vunpack.i.l.bf16.f32 v16;
	v31 =	vmul.f32 v31, v8  }
0x5f: {  	v27 =	vmul.bf16 v14, v27;
	v16 =	vmul.f32 v16, v4;
	v14 =	vadd.f32 v25, v18;
	v25 =	vld [tilespmem:s18+$0x50]  }
0x60: {  	v18 =	vunpack.i.u.bf16.f32 v20;
	v21 =	vadd.f32 v26, v21;
	v17 =	vadd.f32 v31, v17;
	v31 =	vld [tilespmem:s19+$0x50]  }
0x61: {  	v18 =	vmul.f32 v18, v8;
	v15 =	vunpack.i.l.bf16.f32 v27;
	v24 =	vmul.bf16 v24, v29  }
0x62: {  	v22 =	vunpack.i.u.bf16.f32 v27;
	v27 =	vmul.bf16 v30, v32;
	v23 =	vadd.f32 v16, v23  }
0x63: {  	v19 =	vmul.bf16 v33, v19;
	v29 =	vunpack.i.u.bf16.f32 v28;
	v32 =	vmul.bf16 v61, v34  }
0x64: {  	v30 =	vunpack.i.u.bf16.f32 v24;
	v62 =	vunpack.i.l.bf16.f32 v27;
	v16 =	vunpack.i.l.bf16.f32 v24  }
0x65: {  	v26 =	vld [tilespmem:s18+$0x70];
	v27 =	vunpack.i.u.bf16.f32 v27;
	v24 =	vmul.bf16 v25, v31;
	v25 =	vunpack.i.l.bf16.f32 v28  }
0x66: {  	v31 =	vmul.f32 v16, v2;
	v28 =	vld [tilespmem:s19+$0x70];
	v16 =	vmul.f32 v22, v9;
	v22 =	vunpack.i.u.bf16.f32 v19  }
0x67: {  	v19 =	vunpack.i.l.bf16.f32 v19;
	v35 =	vmul.f32 v25, v5;
	v37 =	vunpack.i.l.bf16.f32 v24  }
0x68: {  	v36 =	vmul.f32 v19, v2;
	v25 =	vunpack.i.u.bf16.f32 v24;
	v24 =	vmul.f32 v37, v3  }
0x69: {  	v20 =	vunpack.i.l.bf16.f32 v20;
	v63 =	vmul.f32 v30, v6;
	v27 =	vmul.f32 v27, v7  }
0x6a: {  	v19 =	vmul.f32 v20, v4;
	v20 =	vadd.f32 v35, v23;
	v23 =	vadd.f32 v24, v36;
	v24 =	vld [tilespmem:s18+$0x30]  }
0x6b: {  	v11 =	vimm.f32 $0.0e+00;
	v33 =	vmul.f32 v62, v3;
	v26 =	vmul.bf16 v26, v28;
	v28 =	vld [tilespmem:s19+$0x30]  }
0x6c: {  	s21 =	simm.s32 $0x4;
	v30 =	vmul.f32 v29, v9;
	v29 =	vadd.f32 v27, v63;
	v22 =	vmul.f32 v22, v6  }
0x6d: {  	s22 =	sadd.s32 $0x100, s18;
	s23 =	sadd.s32 $0x100, s19;
	s20 =	simm.s32 $0x0;
	v31 =	vadd.f32 v33, v31;
	v27 =	vunpack.i.u.bf16.f32 v26;
	v26 =	vunpack.i.l.bf16.f32 v26  }
.LBB2_4:
0x6e: {  	v33 =	vld [tilespmem:s23+$0x20];
	p1 =	sne.s32 s21, $0xC;
	v18 =	vadd.f32 v18, v21;
	v21 =	vmul.f32 v25, v7;
	v25 =	vunpack.i.u.bf16.f32 v32;
	s24 =	smov.u32 s21;
	s21 =	sadd.s32 $0x4, s21  }
0x6f: {  	v12 =	vmul.f32 v12, v8;
	v32 =	vunpack.i.l.bf16.f32 v32;
	v34 =	vld [tilespmem:s22+$0x20];
	v25 =	vmul.f32 v25, v8  }
0x70: {  	v17 =	vadd.f32 v30, v17;
	v24 =	vmul.bf16 v24, v28;
	v21 =	vadd.f32 v21, v22  }
0x71: {  	v13 =	vadd.f32 v13, v31;
	v22 =	vadd.f32 v12, v29;
	v12 =	vmul.f32 v32, v4  }
0x72: {  	v21 =	vadd.f32 v25, v21;
	v25 =	vmul.f32 v26, v5;
	v26 =	vmul.f32 v27, v9  }
0x73: {  	v28 =	vunpack.i.u.bf16.f32 v24;
	v24 =	vunpack.i.l.bf16.f32 v24;
	v12 =	vadd.f32 v12, v23;
	v27 =	vld [tilespmem:s22+$0xFFFFFFF0]  }
0x74: {  	v24 =	vmul.f32 v24, v5;
	v23 =	vld [tilespmem:s22+$0xFFFFFFE0];
	v29 =	vmul.bf16 v34, v33;
	v21 =	vadd.f32 v26, v21  }
0x75: {  	v17 =	vadd.f32 v20, v17;
	v20 =	vmul.f32 v28, v9;
	v25 =	vadd.f32 v25, v12;
	v26 =	vld [tilespmem:s22+$0xFFFFFFD0]  }
0x76: {  	v13 =	vadd.f32 v24, v13;
	v28 =	vld [tilespmem:s23+$0xFFFFFFD0];
	v12 =	vunpack.i.u.bf16.f32 v29;
	v29 =	vunpack.i.l.bf16.f32 v29  }
0x77: {  	v20 =	vadd.f32 v20, v22;
	v21 =	vadd.f32 v25, v21;
	v24 =	vld [tilespmem:s22+$0xFFFFFFC0];
	(xrf2) =	vadd.scan.msk.f32 $0xffff, v17  }
0x78: {  	v14 =	vadd.f32 v19, v14;
	v17 =	vld [tilespmem:s23+$0xFFFFFF80]  }
0x79: {  	v15 =	vmul.f32 v15, v5;
	v16 =	vadd.f32 v16, v18;
	v13 =	vadd.f32 v13, v20;
	v19 =	vld [tilespmem:s22+$0xFFFFFF90]  }
0x7a: {  	v18 =	vld [tilespmem:s23+$0xFFFFFF90]  }
0x7b: {  	v14 =	vadd.f32 v15, v14;
	v20 =	vld [tilespmem:s22+$0xFFFFFF80];
	v22 =	vmul.bf16 v26, v28  }
0x7c: {  	v15 =	vld [tilespmem:s23+$0xFFFFFFC0];
	(xrf2) =	vadd.scan.msk.f32 $0xffff, v13  }
0x7d: {  	v14 =	vadd.f32 v14, v16;
	v25 =	vld [tilespmem:s23+$0xFFFFFFA0];
	v13 =	vunpack.i.l.bf16.f32 v22  }
0x7e: {  	v16 =	vld [tilespmem:s22+$0xFFFFFFA0];
	v26 =	vmul.f32 v13, v3  }
0x7f: {  	v13 =	vmul.f32 v29, v4;
	v18 =	vmul.bf16 v19, v18;
	v19 =	vunpack.i.u.bf16.f32 v22;
	v22 =	vld [tilespmem:s23+$0xFFFFFFE0];
	(xrf2) =	vadd.scan.msk.f32 $0xffff, v14  }
0x80: {  	v14 =	vmul.bf16 v20, v17;
	v20 =	vld [tilespmem:s22+$0xFFFFFFB0];
	v17 =	vmov s20  }
0x81: {  	v19 =	vmul.f32 v19, v7;
	v28 =	vunpack.i.u.bf16.f32 v18;
	v18 =	vunpack.i.l.bf16.f32 v18;
	v29 =	vld [tilespmem:s23+$0xFFFFFFB0];
	v30, _, _ =	vpop (xrf2)  }
0x82: {  	v31 =	vunpack.i.u.bf16.f32 v14;
	v18 =	vmul.f32 v18, v3;
	v32 =	vld [tilespmem:s23+$0xFFFFFFF0];
	(xrf2) =	vadd.scan.msk.f32 $0xffff, v21  }
0x83: {  	vm1 =	veq.s32 v17, v0;
	v14 =	vunpack.i.l.bf16.f32 v14;
	v21 =	vmul.f32 v31, v6  }
0x84: {  	s25 =	sadd.s32 $0x1, s20;
	v24 =	vmul.bf16 v24, v15;
	v14 =	vmul.f32 v14, v2  }
0x85: {  	v15 =	vmul.bf16 v16, v25;
	v16 =	vbroadcast v30, $0xF;
	v31 =	vmov s25  }
0x86: {  	s25 =	sadd.s32 $0x2, s20;
	vm0 =	veq.s32 v31, v0;
	v25 =	vadd.f32 v18, v14;
	v14 =	vunpack.i.l.bf16.f32 v24;
	v30 =	vld [tilespmem:s22+$0x10];
	v17, _, _ =	vpop (xrf2)  }
0x87: {  	v33 =	vmov s25;
	v18 =	vunpack.i.u.bf16.f32 v15;
	v14 =	vmul.f32 v14, v2;
	v31 =	vld [tilespmem:s22+$0x0]  }
0x88: {  	v22 =	vmul.bf16 v23, v22;
	v36 =	vunpack.i.l.bf16.f32 v15;
	v18 =	vmul.f32 v18, v8;
	v23 =	vld [tilespmem:s23+$0x0]  }
0x89: {  	v28 =	vmul.f32 v28, v7;
	v11 =	vsel vm1, v16, v11;
	v34 =	vmul.f32 v36, v4;
	v35 =	vld [tilespmem:s23+$0x10];
	v15, _, _ =	vpop (xrf2)  }
0x8a: {  	vm1 =	veq.s32 v33, v0;
	v16 =	vmul.bf16 v27, v32;
	v36 =	vbroadcast v15, $0xF  }
0x8b: {  	s25 =	sadd.s32 $0x3, s20;
	s20 =	smov.u32 s24;
	v33 =	vbroadcast v17, $0xF;
	v14 =	vadd.f32 v26, v14;
	v26 =	vunpack.i.u.bf16.f32 v22;
	v32 =	vld [tilespmem:s22+$0x40]  }
0x8c: {  	v17 =	vadd.f32 v28, v21;
	v15 =	vunpack.i.l.bf16.f32 v16;
	v21 =	vld [tilespmem:s23+$0x40];
	v11 =	vsel vm0, v36, v11;
	v27, _, _ =	vpop (xrf2)  }
0x8d: {  	v28 =	vunpack.i.l.bf16.f32 v22;
	v36 =	vmov s25;
	v22 =	vld [tilespmem:s22+$0x50];
	v27 =	vbroadcast v27, $0xF  }
0x8e: {  	v17 =	vadd.f32 v18, v17;
	v18 =	vmul.f32 v26, v8;
	v16 =	vunpack.i.u.bf16.f32 v16;
	v26 =	vld [tilespmem:s23+$0x50]  }
0x8f: {  	v20 =	vmul.bf16 v20, v29;
	v23 =	vmul.bf16 v31, v23;
	v11 =	vsel vm1, v33, v11  }
0x90: {  	v24 =	vunpack.i.u.bf16.f32 v24;
	vm0 =	veq.s32 v36, v0;
	v29 =	vmul.bf16 v30, v35  }
0x91: {  	v24 =	vmul.f32 v24, v6;
	v30 =	vadd.f32 v34, v25;
	v25 =	vmul.bf16 v32, v21;
	v31 =	vld [tilespmem:s22+$0x60]  }
0x92: {  	v33 =	vunpack.i.u.bf16.f32 v23;
	v34 =	vunpack.i.l.bf16.f32 v29;
	v32 =	vunpack.i.u.bf16.f32 v20;
	v35 =	vld [tilespmem:s23+$0x60]  }
0x93: {  	v21 =	vadd.f32 v19, v24;
	v19 =	vunpack.i.l.bf16.f32 v23;
	v23 =	vmul.bf16 v22, v26;
	v26 =	vld [tilespmem:s22+$0x70]  }
0x94: {  	v29 =	vunpack.i.u.bf16.f32 v29;
	v20 =	vunpack.i.l.bf16.f32 v20;
	v36 =	vmul.f32 v19, v2;
	v37 =	vld [tilespmem:s23+$0x70]  }
0x95: {  	v16 =	vmul.f32 v16, v9;
	v19 =	vunpack.i.u.bf16.f32 v25;
	v38 =	vunpack.i.l.bf16.f32 v25  }
0x96: {  	v20 =	vmul.f32 v20, v5;
	v22 =	vmul.f32 v19, v6;
	v25 =	vunpack.i.u.bf16.f32 v23  }
0x97: {  	v11 =	vsel vm0, v27, v11;
	v38 =	vmul.f32 v38, v2;
	v23 =	vunpack.i.l.bf16.f32 v23;
	v24 =	vld [tilespmem:s22+$0x30]  }
.Ltmp0:
0x98: {  	v20 =	vadd.f32 v20, v30;
	v19 =	vmul.f32 v28, v4;
	v23 =	vmul.f32 v23, v3;
	v28 =	vld [tilespmem:s23+$0x30];
	(pc) =	sbr.rel @p1 .LBB2_4-.Ltmp0, $4  }
0x99: {  	v27 =	vmul.f32 v33, v6;
	v29 =	vmul.f32 v29, v7  }
0x9a: {  	v33 =	vmul.f32 v34, v3;
	v23 =	vadd.f32 v23, v38;
	v26 =	vmul.bf16 v26, v37  }
0x9b: {  	v29 =	vadd.f32 v29, v27;
	v30 =	vmul.f32 v32, v9;
	v32 =	vmul.bf16 v31, v35  }
0x9c: {  	v31 =	vadd.f32 v33, v36;
	s22 =	sadd.s32 $0x100, s22;
	s23 =	sadd.s32 $0x100, s23;
	v27 =	vunpack.i.u.bf16.f32 v26;
	v26 =	vunpack.i.l.bf16.f32 v26  }
0x9d: {  	v18 =	vadd.f32 v18, v21;
	v43 =	vmul.f32 v25, v7;
	v44 =	vunpack.i.u.bf16.f32 v32  }
0x9e: {  	v12 =	vmul.f32 v12, v8;
	v45 =	vunpack.i.l.bf16.f32 v32;
	v17 =	vadd.f32 v30, v17  }
0x9f: {  	v24 =	vmul.bf16 v24, v28;
	v14 =	vadd.f32 v19, v14;
	v15 =	vmul.f32 v15, v5  }
0xa0: {  	v25 =	vmul.f32 v44, v8;
	v13 =	vadd.f32 v13, v31;
	v21 =	vadd.f32 v43, v22  }
0xa1: {  	v12 =	vadd.f32 v12, v29;
	v47 =	vunpack.i.u.bf16.f32 v24;
	v24 =	vunpack.i.l.bf16.f32 v24  }
0xa2: {  	v17 =	vadd.f32 v20, v17;
	v48 =	vmul.f32 v24, v5;
	v49 =	vmul.f32 v47, v9  }
0xa3: {  	v46 =	vmul.f32 v45, v4;
	v16 =	vadd.f32 v16, v18;
	v14 =	vadd.f32 v15, v14  }
0xa4: {  	v50 =	vmul.f32 v27, v9;
	v13 =	vadd.f32 v48, v13;
	v12 =	vadd.f32 v49, v12  }
0xa5: {  	v51 =	vmul.f32 v26, v5;
	v22 =	vadd.f32 v46, v23;
	v21 =	vadd.f32 v25, v21  }
0xa6: {  	v14 =	vadd.f32 v14, v16;
	v12 =	vadd.f32 v13, v12  }
0xa7: {  	(xrf2) =	vadd.scan.msk.f32 $0xffff, v17;
	v53 =	vadd.f32 v51, v22;
	v52 =	vadd.f32 v50, v21  }
0xa8: {  	(xrf2) =	vadd.scan.msk.f32 $0xffff, v12  }
0xa9: {  	v54 =	vadd.f32 v53, v52;
	(xrf2) =	vadd.scan.msk.f32 $0xffff, v14;
	_ =	sdelay $0x1  }
0xaa: {  	(xrf2) =	vadd.scan.msk.f32 $0xffff, v54;
	_ =	sdelay $0x5  }
0xab: {  	v55, _, _ =	vpop (xrf2)  }
0xac: {  	v56 =	vmov s20;
	s21 =	sadd.s32 $0x1, s20;
	v57, _, _ =	vpop (xrf2)  }
0xad: {  	s23 =	sadd.s32 $0x2, s20;
	s24 =	sadd.s32 $0x3, s20;
	vm0 =	veq.s32 v56, v0;
	v58 =	vmov s21;
	v12 =	vbroadcast v55, $0xF;
	v59, _, _ =	vpop (xrf2)  }
0xae: {  	v60 =	vmov s23;
	v63 =	vmov s24;
	v15 =	vbroadcast v59, $0xF  }
0xaf: {  	vm1 =	veq.s32 v58, v0;
	v11 =	vsel vm0, v12, v11;
	v61 =	vbroadcast v57, $0xF;
	v62, _, _ =	vpop (xrf2)  }
0xb0: {  	vm14 =	veq.s32 v60, v0;
	v13 =	vbroadcast v62, $0xF;
	v11 =	vsel vm1, v15, v11  }
0xb1: {  	vm15 =	veq.s32 v63, v0;
	v11 =	vsel vm14, v61, v11  }
0xb2: {  	v11 =	vsel vm15, v13, v11  }
0xb3: {  	v11 =	vadd.f32 v11, v1;
	_ =	sdelay $0x1  }
0xb4: {  	v11 =	vsub.f32 $0.0e+00, v11;
	_ =	sdelay $0x1  }
0xb5: {  	v11 =	vmul.f32 $1.442695020e+00, v11;
	_ =	sdelay $0x1  }
0xb6: {  	(erf) = vpow2.f32 v11;
	_ =	sdelay $0x8  }
0xb7: {  	v11 =	vpop (erf)  }
0xb8: {  	v11 =	vadd.f32 $1.000000000e+00, v11;
	_ =	sdelay $0x1  }
0xb9: {  	(erf) = vrcp.f32 v11;
	_ =	sdelay $0x3  }
0xba: {  	s25 =	sshll.u32 s17, $0x4;
	s17 =	sadd.s32 $0x1, s17  }
0xbb: {  	p1 =	sne.s32 s17, $0x8  }
.Ltmp1:
0xbc: {  	_ = 	snop;
	(pc) =	sbr.rel @p1 .LBB2_3-.Ltmp1, $3  }
0xbd: {  	_ =	sdelay $0x1  }
0xbe: {  	s20 =	sand.u32 $0x3FFFFFF0, s25;
	v11 =	vpop (erf)  }
0xbf: {  	s18 =	sadd.s32 $0x400, s18;
	s19 =	sadd.s32 $0x400, s19;
	[tilespmem:v10+s20+$0x0 ss:$0x1] =	vst.idx.msk $0xffff, v11  }
0xc0: {  	s17 =	sadd.s32 $0x4, s13  }
0xc1: {  	p1 =	sge.u32 s17, s7  }
0xc2: {  	s17 =	sshll.u32 @!p1 s17, $0x7;
	s18 =	simm.s32 @!p1 $0x80;
	s19 =	simm.s32 @!p1 $0x7800  }
0xc3: {  	[tilespmem:s19], [sflag:$0x1] =	stream.indirect.gather @!p1 [hbm4b:s2+s18], $0x40, s17, s18, $0xb8;
	[tilespmem:$0x1B490] =	vst v63  }
0xc4: {  	s17 =	sadd.s32 @!p1 $0x3C00, s17;
	s19 =	simm.s32 @!p1 $0xF800  }
0xc5: {  	[tilespmem:s19], [sflag:$0x1] =	stream.indirect.gather @!p1 [hbm4b:s5+s18], $0x40, s17, s18, $0xb8;
	[tilespmem:$0x1B490] =	vst v63  }
0xc6: {  	_ =	swait.ge [sflag:s29], $0x2000  }
0xc7: {  	[sflag:s29] =	ssyncset.done $0x0  }
0xc8: {  	[sflag:s29] =	ssyncadd.s32 $0xFFFFE000  }
0xc9: {  	_ =	swait.ge [sflag:s29], $0x2000  }
0xca: {  	s20 =	sadd.s32 $0x17880, s15;
	s17 =	simm.s32 $0x0;
	[sflag:s29] =	ssyncset.done $0x0  }
0xcb: {  	v10 =	vmov s20;
	s18 =	simm.s32 $0x11880;
	s19 =	simm.s32 $0x9880;
	[sflag:s29] =	ssyncadd.s32 $0xFFFFE000  }
.LBB2_7:
0xcc: {  	v11 =	vld [tilespmem:s19+$0x20]  }
0xcd: {  	v12 =	vld [tilespmem:s18+$0x20]  }
0xce: {  	v14 =	vld [tilespmem:s18+$0xFFFFFFF0]  }
0xcf: {  	v15 =	vld [tilespmem:s18+$0xFFFFFFE0]  }
0xd0: {  	v13 =	vld [tilespmem:s18+$0xFFFFFFD0]  }
0xd1: {  	v16 =	vld [tilespmem:s19+$0xFFFFFFD0]  }
0xd2: {  	v17 =	vld [tilespmem:s18+$0xFFFFFFC0]  }
0xd3: {  	v18 =	vld [tilespmem:s19+$0xFFFFFF80]  }
0xd4: {  	v19 =	vld [tilespmem:s18+$0xFFFFFF90]  }
0xd5: {  	v20 =	vld [tilespmem:s19+$0xFFFFFF90]  }
0xd6: {  	v21 =	vld [tilespmem:s18+$0xFFFFFF80]  }
0xd7: {  	v22 =	vld [tilespmem:s19+$0xFFFFFFC0]  }
0xd8: {  	v24 =	vld [tilespmem:s19+$0xFFFFFFA0]  }
0xd9: {  	v28 =	vld [tilespmem:s19+$0xFFFFFFB0]  }
0xda: {  	v30 =	vld [tilespmem:s18+$0x10];
	v23 =	vmul.bf16 v12, v11  }
0xdb: {  	v32 =	vld [tilespmem:s19+$0x10];
	v13 =	vmul.bf16 v13, v16;
	v19 =	vmul.bf16 v19, v20  }
0xdc: {  	v33 =	vld [tilespmem:s18+$0x40];
	v18 =	vmul.bf16 v21, v18;
	v22 =	vmul.bf16 v17, v22;
	v12 =	vunpack.i.u.bf16.f32 v23  }
0xdd: {  	v16 =	vld [tilespmem:s18+$0xFFFFFFA0];
	v23 =	vunpack.i.l.bf16.f32 v23;
	v25 =	vunpack.i.l.bf16.f32 v13;
	v26 =	vunpack.i.u.bf16.f32 v13  }
0xde: {  	v20 =	vld [tilespmem:s19+$0xFFFFFFE0];
	v27 =	vunpack.i.l.bf16.f32 v19;
	v29 =	vunpack.i.l.bf16.f32 v18;
	v25 =	vmul.f32 v25, v3  }
0xdf: {  	v21 =	vld [tilespmem:s18+$0xFFFFFFB0];
	v19 =	vunpack.i.u.bf16.f32 v19;
	v13 =	vmul.f32 v23, v4;
	v23 =	vmul.f32 v27, v3  }
0xe0: {  	v61 =	vld [tilespmem:s18+$0x60];
	v17 =	vunpack.i.u.bf16.f32 v18;
	v29 =	vmul.f32 v29, v2;
	v26 =	vmul.f32 v26, v7  }
0xe1: {  	v18 =	vunpack.i.l.bf16.f32 v22;
	v27 =	vld [tilespmem:s19+$0xFFFFFFF0];
	v17 =	vmul.f32 v17, v6;
	v19 =	vmul.f32 v19, v7  }
0xe2: {  	v18 =	vmul.f32 v18, v2;
	v16 =	vmul.bf16 v16, v24;
	v24 =	vld [tilespmem:s18+$0x0]  }
0xe3: {  	v23 =	vadd.f32 v23, v29;
	v29 =	vld [tilespmem:s19+$0x0];
	v20 =	vmul.bf16 v15, v20;
	v17 =	vadd.f32 v19, v17  }
0xe4: {  	v34 =	vld [tilespmem:s19+$0x60];
	v28 =	vmul.bf16 v21, v28;
	v21 =	vunpack.i.u.bf16.f32 v22;
	v31 =	vunpack.i.u.bf16.f32 v16  }
0xe5: {  	v19 =	vld [tilespmem:s19+$0x40];
	v21 =	vmul.f32 v21, v6;
	v16 =	vunpack.i.l.bf16.f32 v16;
	v31 =	vmul.f32 v31, v8  }
0xe6: {  	v27 =	vmul.bf16 v14, v27;
	v16 =	vmul.f32 v16, v4;
	v14 =	vadd.f32 v25, v18;
	v25 =	vld [tilespmem:s18+$0x50]  }
0xe7: {  	v18 =	vunpack.i.u.bf16.f32 v20;
	v21 =	vadd.f32 v26, v21;
	v17 =	vadd.f32 v31, v17;
	v31 =	vld [tilespmem:s19+$0x50]  }
0xe8: {  	v18 =	vmul.f32 v18, v8;
	v15 =	vunpack.i.l.bf16.f32 v27;
	v24 =	vmul.bf16 v24, v29  }
0xe9: {  	v22 =	vunpack.i.u.bf16.f32 v27;
	v27 =	vmul.bf16 v30, v32;
	v23 =	vadd.f32 v16, v23  }
0xea: {  	v19 =	vmul.bf16 v33, v19;
	v29 =	vunpack.i.u.bf16.f32 v28;
	v32 =	vmul.bf16 v61, v34  }
0xeb: {  	v30 =	vunpack.i.u.bf16.f32 v24;
	v62 =	vunpack.i.l.bf16.f32 v27;
	v16 =	vunpack.i.l.bf16.f32 v24  }
0xec: {  	v26 =	vld [tilespmem:s18+$0x70];
	v27 =	vunpack.i.u.bf16.f32 v27;
	v24 =	vmul.bf16 v25, v31;
	v25 =	vunpack.i.l.bf16.f32 v28  }
0xed: {  	v31 =	vmul.f32 v16, v2;
	v28 =	vld [tilespmem:s19+$0x70];
	v16 =	vmul.f32 v22, v9;
	v22 =	vunpack.i.u.bf16.f32 v19  }
0xee: {  	v19 =	vunpack.i.l.bf16.f32 v19;
	v35 =	vmul.f32 v25, v5;
	v37 =	vunpack.i.l.bf16.f32 v24  }
0xef: {  	v36 =	vmul.f32 v19, v2;
	v25 =	vunpack.i.u.bf16.f32 v24;
	v24 =	vmul.f32 v37, v3  }
0xf0: {  	v20 =	vunpack.i.l.bf16.f32 v20;
	v63 =	vmul.f32 v30, v6;
	v27 =	vmul.f32 v27, v7  }
0xf1: {  	v19 =	vmul.f32 v20, v4;
	v20 =	vadd.f32 v35, v23;
	v23 =	vadd.f32 v24, v36;
	v24 =	vld [tilespmem:s18+$0x30]  }
0xf2: {  	v11 =	vimm.f32 $0.0e+00;
	v33 =	vmul.f32 v62, v3;
	v26 =	vmul.bf16 v26, v28;
	v28 =	vld [tilespmem:s19+$0x30]  }
0xf3: {  	s21 =	simm.s32 $0x4;
	v30 =	vmul.f32 v29, v9;
	v29 =	vadd.f32 v27, v63;
	v22 =	vmul.f32 v22, v6  }
0xf4: {  	s22 =	sadd.s32 $0x100, s18;
	s23 =	sadd.s32 $0x100, s19;
	s20 =	simm.s32 $0x0;
	v31 =	vadd.f32 v33, v31;
	v27 =	vunpack.i.u.bf16.f32 v26;
	v26 =	vunpack.i.l.bf16.f32 v26  }
.LBB2_8:
0xf5: {  	v33 =	vld [tilespmem:s23+$0x20];
	p1 =	sne.s32 s21, $0xC;
	v18 =	vadd.f32 v18, v21;
	v21 =	vmul.f32 v25, v7;
	v25 =	vunpack.i.u.bf16.f32 v32;
	s24 =	smov.u32 s21;
	s21 =	sadd.s32 $0x4, s21  }
0xf6: {  	v12 =	vmul.f32 v12, v8;
	v32 =	vunpack.i.l.bf16.f32 v32;
	v34 =	vld [tilespmem:s22+$0x20];
	v25 =	vmul.f32 v25, v8  }
0xf7: {  	v17 =	vadd.f32 v30, v17;
	v24 =	vmul.bf16 v24, v28;
	v21 =	vadd.f32 v21, v22  }
0xf8: {  	v13 =	vadd.f32 v13, v31;
	v22 =	vadd.f32 v12, v29;
	v12 =	vmul.f32 v32, v4  }
0xf9: {  	v21 =	vadd.f32 v25, v21;
	v25 =	vmul.f32 v26, v5;
	v26 =	vmul.f32 v27, v9  }
0xfa: {  	v28 =	vunpack.i.u.bf16.f32 v24;
	v24 =	vunpack.i.l.bf16.f32 v24;
	v12 =	vadd.f32 v12, v23;
	v27 =	vld [tilespmem:s22+$0xFFFFFFF0]  }
0xfb: {  	v24 =	vmul.f32 v24, v5;
	v23 =	vld [tilespmem:s22+$0xFFFFFFE0];
	v29 =	vmul.bf16 v34, v33;
	v21 =	vadd.f32 v26, v21  }
0xfc: {  	v17 =	vadd.f32 v20, v17;
	v20 =	vmul.f32 v28, v9;
	v25 =	vadd.f32 v25, v12;
	v26 =	vld [tilespmem:s22+$0xFFFFFFD0]  }
0xfd: {  	v13 =	vadd.f32 v24, v13;
	v28 =	vld [tilespmem:s23+$0xFFFFFFD0];
	v12 =	vunpack.i.u.bf16.f32 v29;
	v29 =	vunpack.i.l.bf16.f32 v29  }
0xfe: {  	v20 =	vadd.f32 v20, v22;
	v21 =	vadd.f32 v25, v21;
	v24 =	vld [tilespmem:s22+$0xFFFFFFC0];
	(xrf2) =	vadd.scan.msk.f32 $0xffff, v17  }
0xff: {  	v14 =	vadd.f32 v19, v14;
	v17 =	vld [tilespmem:s23+$0xFFFFFF80]  }
0x100: {  	v15 =	vmul.f32 v15, v5;
	v16 =	vadd.f32 v16, v18;
	v13 =	vadd.f32 v13, v20;
	v19 =	vld [tilespmem:s22+$0xFFFFFF90]  }
0x101: {  	v18 =	vld [tilespmem:s23+$0xFFFFFF90]  }
0x102: {  	v14 =	vadd.f32 v15, v14;
	v20 =	vld [tilespmem:s22+$0xFFFFFF80];
	v22 =	vmul.bf16 v26, v28  }
0x103: {  	v15 =	vld [tilespmem:s23+$0xFFFFFFC0];
	(xrf2) =	vadd.scan.msk.f32 $0xffff, v13  }
0x104: {  	v14 =	vadd.f32 v14, v16;
	v25 =	vld [tilespmem:s23+$0xFFFFFFA0];
	v13 =	vunpack.i.l.bf16.f32 v22  }
0x105: {  	v16 =	vld [tilespmem:s22+$0xFFFFFFA0];
	v26 =	vmul.f32 v13, v3  }
0x106: {  	v13 =	vmul.f32 v29, v4;
	v18 =	vmul.bf16 v19, v18;
	v19 =	vunpack.i.u.bf16.f32 v22;
	v22 =	vld [tilespmem:s23+$0xFFFFFFE0];
	(xrf2) =	vadd.scan.msk.f32 $0xffff, v14  }
0x107: {  	v14 =	vmul.bf16 v20, v17;
	v20 =	vld [tilespmem:s22+$0xFFFFFFB0];
	v17 =	vmov s20  }
0x108: {  	v19 =	vmul.f32 v19, v7;
	v28 =	vunpack.i.u.bf16.f32 v18;
	v18 =	vunpack.i.l.bf16.f32 v18;
	v29 =	vld [tilespmem:s23+$0xFFFFFFB0];
	v30, _, _ =	vpop (xrf2)  }
0x109: {  	v31 =	vunpack.i.u.bf16.f32 v14;
	v18 =	vmul.f32 v18, v3;
	v32 =	vld [tilespmem:s23+$0xFFFFFFF0];
	(xrf2) =	vadd.scan.msk.f32 $0xffff, v21  }
0x10a: {  	vm1 =	veq.s32 v17, v0;
	v14 =	vunpack.i.l.bf16.f32 v14;
	v21 =	vmul.f32 v31, v6  }
0x10b: {  	s25 =	sadd.s32 $0x1, s20;
	v24 =	vmul.bf16 v24, v15;
	v14 =	vmul.f32 v14, v2  }
0x10c: {  	v15 =	vmul.bf16 v16, v25;
	v16 =	vbroadcast v30, $0xF;
	v31 =	vmov s25  }
0x10d: {  	s25 =	sadd.s32 $0x2, s20;
	vm0 =	veq.s32 v31, v0;
	v25 =	vadd.f32 v18, v14;
	v14 =	vunpack.i.l.bf16.f32 v24;
	v30 =	vld [tilespmem:s22+$0x10];
	v17, _, _ =	vpop (xrf2)  }
0x10e: {  	v33 =	vmov s25;
	v18 =	vunpack.i.u.bf16.f32 v15;
	v14 =	vmul.f32 v14, v2;
	v31 =	vld [tilespmem:s22+$0x0]  }
0x10f: {  	v22 =	vmul.bf16 v23, v22;
	v36 =	vunpack.i.l.bf16.f32 v15;
	v18 =	vmul.f32 v18, v8;
	v23 =	vld [tilespmem:s23+$0x0]  }
0x110: {  	v28 =	vmul.f32 v28, v7;
	v11 =	vsel vm1, v16, v11;
	v34 =	vmul.f32 v36, v4;
	v35 =	vld [tilespmem:s23+$0x10];
	v15, _, _ =	vpop (xrf2)  }
0x111: {  	vm1 =	veq.s32 v33, v0;
	v16 =	vmul.bf16 v27, v32;
	v36 =	vbroadcast v15, $0xF  }
0x112: {  	s25 =	sadd.s32 $0x3, s20;
	s20 =	smov.u32 s24;
	v33 =	vbroadcast v17, $0xF;
	v14 =	vadd.f32 v26, v14;
	v26 =	vunpack.i.u.bf16.f32 v22;
	v32 =	vld [tilespmem:s22+$0x40]  }
0x113: {  	v17 =	vadd.f32 v28, v21;
	v15 =	vunpack.i.l.bf16.f32 v16;
	v21 =	vld [tilespmem:s23+$0x40];
	v11 =	vsel vm0, v36, v11;
	v27, _, _ =	vpop (xrf2)  }
0x114: {  	v28 =	vunpack.i.l.bf16.f32 v22;
	v36 =	vmov s25;
	v22 =	vld [tilespmem:s22+$0x50];
	v27 =	vbroadcast v27, $0xF  }
0x115: {  	v17 =	vadd.f32 v18, v17;
	v18 =	vmul.f32 v26, v8;
	v16 =	vunpack.i.u.bf16.f32 v16;
	v26 =	vld [tilespmem:s23+$0x50]  }
0x116: {  	v20 =	vmul.bf16 v20, v29;
	v23 =	vmul.bf16 v31, v23;
	v11 =	vsel vm1, v33, v11  }
0x117: {  	v24 =	vunpack.i.u.bf16.f32 v24;
	vm0 =	veq.s32 v36, v0;
	v29 =	vmul.bf16 v30, v35  }
0x118: {  	v24 =	vmul.f32 v24, v6;
	v30 =	vadd.f32 v34, v25;
	v25 =	vmul.bf16 v32, v21;
	v31 =	vld [tilespmem:s22+$0x60]  }
0x119: {  	v33 =	vunpack.i.u.bf16.f32 v23;
	v34 =	vunpack.i.l.bf16.f32 v29;
	v32 =	vunpack.i.u.bf16.f32 v20;
	v35 =	vld [tilespmem:s23+$0x60]  }
0x11a: {  	v21 =	vadd.f32 v19, v24;
	v19 =	vunpack.i.l.bf16.f32 v23;
	v23 =	vmul.bf16 v22, v26;
	v26 =	vld [tilespmem:s22+$0x70]  }
0x11b: {  	v29 =	vunpack.i.u.bf16.f32 v29;
	v20 =	vunpack.i.l.bf16.f32 v20;
	v36 =	vmul.f32 v19, v2;
	v37 =	vld [tilespmem:s23+$0x70]  }
0x11c: {  	v16 =	vmul.f32 v16, v9;
	v19 =	vunpack.i.u.bf16.f32 v25;
	v38 =	vunpack.i.l.bf16.f32 v25  }
0x11d: {  	v20 =	vmul.f32 v20, v5;
	v22 =	vmul.f32 v19, v6;
	v25 =	vunpack.i.u.bf16.f32 v23  }
0x11e: {  	v11 =	vsel vm0, v27, v11;
	v38 =	vmul.f32 v38, v2;
	v23 =	vunpack.i.l.bf16.f32 v23;
	v24 =	vld [tilespmem:s22+$0x30]  }
.Ltmp2:
0x11f: {  	v20 =	vadd.f32 v20, v30;
	v19 =	vmul.f32 v28, v4;
	v23 =	vmul.f32 v23, v3;
	v28 =	vld [tilespmem:s23+$0x30];
	(pc) =	sbr.rel @p1 .LBB2_8-.Ltmp2, $4  }
0x120: {  	v27 =	vmul.f32 v33, v6;
	v29 =	vmul.f32 v29, v7  }
0x121: {  	v33 =	vmul.f32 v34, v3;
	v23 =	vadd.f32 v23, v38;
	v26 =	vmul.bf16 v26, v37  }
0x122: {  	v29 =	vadd.f32 v29, v27;
	v30 =	vmul.f32 v32, v9;
	v32 =	vmul.bf16 v31, v35  }
0x123: {  	v31 =	vadd.f32 v33, v36;
	s22 =	sadd.s32 $0x100, s22;
	s23 =	sadd.s32 $0x100, s23;
	v27 =	vunpack.i.u.bf16.f32 v26;
	v26 =	vunpack.i.l.bf16.f32 v26  }
0x124: {  	v18 =	vadd.f32 v18, v21;
	v43 =	vmul.f32 v25, v7;
	v44 =	vunpack.i.u.bf16.f32 v32  }
0x125: {  	v12 =	vmul.f32 v12, v8;
	v45 =	vunpack.i.l.bf16.f32 v32;
	v17 =	vadd.f32 v30, v17  }
0x126: {  	v24 =	vmul.bf16 v24, v28;
	v14 =	vadd.f32 v19, v14;
	v15 =	vmul.f32 v15, v5  }
0x127: {  	v25 =	vmul.f32 v44, v8;
	v13 =	vadd.f32 v13, v31;
	v21 =	vadd.f32 v43, v22  }
0x128: {  	v12 =	vadd.f32 v12, v29;
	v47 =	vunpack.i.u.bf16.f32 v24;
	v24 =	vunpack.i.l.bf16.f32 v24  }
0x129: {  	v17 =	vadd.f32 v20, v17;
	v48 =	vmul.f32 v24, v5;
	v49 =	vmul.f32 v47, v9  }
0x12a: {  	v46 =	vmul.f32 v45, v4;
	v16 =	vadd.f32 v16, v18;
	v14 =	vadd.f32 v15, v14  }
0x12b: {  	v50 =	vmul.f32 v27, v9;
	v13 =	vadd.f32 v48, v13;
	v12 =	vadd.f32 v49, v12  }
0x12c: {  	v51 =	vmul.f32 v26, v5;
	v22 =	vadd.f32 v46, v23;
	v21 =	vadd.f32 v25, v21  }
0x12d: {  	v14 =	vadd.f32 v14, v16;
	v12 =	vadd.f32 v13, v12  }
0x12e: {  	(xrf2) =	vadd.scan.msk.f32 $0xffff, v17;
	v53 =	vadd.f32 v51, v22;
	v52 =	vadd.f32 v50, v21  }
0x12f: {  	(xrf2) =	vadd.scan.msk.f32 $0xffff, v12  }
0x130: {  	v54 =	vadd.f32 v53, v52;
	(xrf2) =	vadd.scan.msk.f32 $0xffff, v14;
	_ =	sdelay $0x1  }
0x131: {  	(xrf2) =	vadd.scan.msk.f32 $0xffff, v54;
	_ =	sdelay $0x5  }
0x132: {  	v55, _, _ =	vpop (xrf2)  }
0x133: {  	v56 =	vmov s20;
	s21 =	sadd.s32 $0x1, s20;
	v57, _, _ =	vpop (xrf2)  }
0x134: {  	s23 =	sadd.s32 $0x2, s20;
	s24 =	sadd.s32 $0x3, s20;
	vm0 =	veq.s32 v56, v0;
	v58 =	vmov s21;
	v12 =	vbroadcast v55, $0xF;
	v59, _, _ =	vpop (xrf2)  }
0x135: {  	v60 =	vmov s23;
	v63 =	vmov s24;
	v15 =	vbroadcast v59, $0xF  }
0x136: {  	vm1 =	veq.s32 v58, v0;
	v11 =	vsel vm0, v12, v11;
	v61 =	vbroadcast v57, $0xF;
	v62, _, _ =	vpop (xrf2)  }
0x137: {  	vm14 =	veq.s32 v60, v0;
	v13 =	vbroadcast v62, $0xF;
	v11 =	vsel vm1, v15, v11  }
0x138: {  	vm15 =	veq.s32 v63, v0;
	v11 =	vsel vm14, v61, v11  }
0x139: {  	v11 =	vsel vm15, v13, v11  }
0x13a: {  	v11 =	vadd.f32 v11, v1;
	_ =	sdelay $0x1  }
0x13b: {  	v11 =	vsub.f32 $0.0e+00, v11;
	_ =	sdelay $0x1  }
0x13c: {  	v11 =	vmul.f32 $1.442695020e+00, v11;
	_ =	sdelay $0x1  }
0x13d: {  	(erf) = vpow2.f32 v11;
	_ =	sdelay $0x8  }
0x13e: {  	v11 =	vpop (erf)  }
0x13f: {  	v11 =	vadd.f32 $1.000000000e+00, v11;
	_ =	sdelay $0x1  }
0x140: {  	(erf) = vrcp.f32 v11;
	_ =	sdelay $0x3  }
0x141: {  	s25 =	sshll.u32 s17, $0x4;
	s17 =	sadd.s32 $0x1, s17  }
0x142: {  	p1 =	sne.s32 s17, $0x8  }
.Ltmp3:
0x143: {  	_ = 	snop;
	(pc) =	sbr.rel @p1 .LBB2_7-.Ltmp3, $3  }
0x144: {  	_ =	sdelay $0x1  }
0x145: {  	s20 =	sand.u32 $0x3FFFFFF0, s25;
	v11 =	vpop (erf)  }
0x146: {  	s18 =	sadd.s32 $0x400, s18;
	s19 =	sadd.s32 $0x400, s19;
	[tilespmem:v10+s20+$0x0 ss:$0x1] =	vst.idx.msk $0xffff, v11  }
0x147: {  	s17 =	sadd.s32 $0x5, s13  }
0x148: {  	p1 =	sge.u32 s17, s7  }
0x149: {  	s17 =	sshll.u32 @!p1 s17, $0x7;
	s18 =	simm.s32 @!p1 $0x80;
	s19 =	simm.s32 @!p1 $0x9800  }
0x14a: {  	[tilespmem:s19], [sflag:$0x2] =	stream.indirect.gather @!p1 [hbm4b:s2+s18], $0x40, s17, s18, $0xb8;
	[tilespmem:$0x1B490] =	vst v63  }
0x14b: {  	s17 =	sadd.s32 @!p1 $0x3C00, s17;
	s19 =	simm.s32 @!p1 $0x11800  }
0x14c: {  	[tilespmem:s19], [sflag:$0x2] =	stream.indirect.gather @!p1 [hbm4b:s5+s18], $0x40, s17, s18, $0xb8;
	[tilespmem:$0x1B490] =	vst v63  }
0x14d: {  	_ =	swait.ge [sflag:s30], $0x2000  }
0x14e: {  	[sflag:s30] =	ssyncset.done $0x0  }
0x14f: {  	[sflag:s30] =	ssyncadd.s32 $0xFFFFE000  }
0x150: {  	_ =	swait.ge [sflag:s30], $0x2000  }
0x151: {  	s25 =	sadd.s32 $0x17900, s15;
	s15 =	simm.s32 $0x0;
	[sflag:s30] =	ssyncset.done $0x0  }
0x152: {  	v10 =	vmov s25;
	s17 =	simm.s32 $0x13880;
	s18 =	simm.s32 $0xB880;
	[sflag:s30] =	ssyncadd.s32 $0xFFFFE000  }
.LBB2_11:
0x153: {  	v11 =	vld [tilespmem:s18+$0x20]  }
0x154: {  	v12 =	vld [tilespmem:s17+$0x20]  }
0x155: {  	v14 =	vld [tilespmem:s17+$0xFFFFFFF0]  }
0x156: {  	v15 =	vld [tilespmem:s17+$0xFFFFFFE0]  }
0x157: {  	v13 =	vld [tilespmem:s17+$0xFFFFFFD0]  }
0x158: {  	v16 =	vld [tilespmem:s18+$0xFFFFFFD0]  }
0x159: {  	v17 =	vld [tilespmem:s17+$0xFFFFFFC0]  }
0x15a: {  	v18 =	vld [tilespmem:s18+$0xFFFFFF80]  }
0x15b: {  	v19 =	vld [tilespmem:s17+$0xFFFFFF90]  }
0x15c: {  	v20 =	vld [tilespmem:s18+$0xFFFFFF90]  }
0x15d: {  	v21 =	vld [tilespmem:s17+$0xFFFFFF80]  }
0x15e: {  	v22 =	vld [tilespmem:s18+$0xFFFFFFC0]  }
0x15f: {  	v24 =	vld [tilespmem:s18+$0xFFFFFFA0]  }
0x160: {  	v28 =	vld [tilespmem:s18+$0xFFFFFFB0]  }
0x161: {  	v30 =	vld [tilespmem:s17+$0x10];
	v23 =	vmul.bf16 v12, v11  }
0x162: {  	v32 =	vld [tilespmem:s18+$0x10];
	v13 =	vmul.bf16 v13, v16;
	v19 =	vmul.bf16 v19, v20  }
0x163: {  	v33 =	vld [tilespmem:s17+$0x40];
	v18 =	vmul.bf16 v21, v18;
	v22 =	vmul.bf16 v17, v22;
	v12 =	vunpack.i.u.bf16.f32 v23  }
0x164: {  	v16 =	vld [tilespmem:s17+$0xFFFFFFA0];
	v23 =	vunpack.i.l.bf16.f32 v23;
	v25 =	vunpack.i.l.bf16.f32 v13;
	v26 =	vunpack.i.u.bf16.f32 v13  }
0x165: {  	v20 =	vld [tilespmem:s18+$0xFFFFFFE0];
	v27 =	vunpack.i.l.bf16.f32 v19;
	v29 =	vunpack.i.l.bf16.f32 v18;
	v25 =	vmul.f32 v25, v3  }
0x166: {  	v21 =	vld [tilespmem:s17+$0xFFFFFFB0];
	v19 =	vunpack.i.u.bf16.f32 v19;
	v13 =	vmul.f32 v23, v4;
	v23 =	vmul.f32 v27, v3  }
0x167: {  	v61 =	vld [tilespmem:s17+$0x60];
	v17 =	vunpack.i.u.bf16.f32 v18;
	v29 =	vmul.f32 v29, v2;
	v26 =	vmul.f32 v26, v7  }
0x168: {  	v18 =	vunpack.i.l.bf16.f32 v22;
	v27 =	vld [tilespmem:s18+$0xFFFFFFF0];
	v17 =	vmul.f32 v17, v6;
	v19 =	vmul.f32 v19, v7  }
0x169: {  	v18 =	vmul.f32 v18, v2;
	v16 =	vmul.bf16 v16, v24;
	v24 =	vld [tilespmem:s17+$0x0]  }
0x16a: {  	v23 =	vadd.f32 v23, v29;
	v29 =	vld [tilespmem:s18+$0x0];
	v20 =	vmul.bf16 v15, v20;
	v17 =	vadd.f32 v19, v17  }
0x16b: {  	v34 =	vld [tilespmem:s18+$0x60];
	v28 =	vmul.bf16 v21, v28;
	v21 =	vunpack.i.u.bf16.f32 v22;
	v31 =	vunpack.i.u.bf16.f32 v16  }
0x16c: {  	v19 =	vld [tilespmem:s18+$0x40];
	v21 =	vmul.f32 v21, v6;
	v16 =	vunpack.i.l.bf16.f32 v16;
	v31 =	vmul.f32 v31, v8  }
0x16d: {  	v27 =	vmul.bf16 v14, v27;
	v16 =	vmul.f32 v16, v4;
	v14 =	vadd.f32 v25, v18;
	v25 =	vld [tilespmem:s17+$0x50]  }
0x16e: {  	v18 =	vunpack.i.u.bf16.f32 v20;
	v21 =	vadd.f32 v26, v21;
	v17 =	vadd.f32 v31, v17;
	v31 =	vld [tilespmem:s18+$0x50]  }
0x16f: {  	v18 =	vmul.f32 v18, v8;
	v15 =	vunpack.i.l.bf16.f32 v27;
	v24 =	vmul.bf16 v24, v29  }
0x170: {  	v22 =	vunpack.i.u.bf16.f32 v27;
	v27 =	vmul.bf16 v30, v32;
	v23 =	vadd.f32 v16, v23  }
0x171: {  	v19 =	vmul.bf16 v33, v19;
	v29 =	vunpack.i.u.bf16.f32 v28;
	v32 =	vmul.bf16 v61, v34  }
0x172: {  	v30 =	vunpack.i.u.bf16.f32 v24;
	v62 =	vunpack.i.l.bf16.f32 v27;
	v16 =	vunpack.i.l.bf16.f32 v24  }
0x173: {  	v26 =	vld [tilespmem:s17+$0x70];
	v27 =	vunpack.i.u.bf16.f32 v27;
	v24 =	vmul.bf16 v25, v31;
	v25 =	vunpack.i.l.bf16.f32 v28  }
0x174: {  	v31 =	vmul.f32 v16, v2;
	v28 =	vld [tilespmem:s18+$0x70];
	v16 =	vmul.f32 v22, v9;
	v22 =	vunpack.i.u.bf16.f32 v19  }
0x175: {  	v19 =	vunpack.i.l.bf16.f32 v19;
	v35 =	vmul.f32 v25, v5;
	v37 =	vunpack.i.l.bf16.f32 v24  }
0x176: {  	v36 =	vmul.f32 v19, v2;
	v25 =	vunpack.i.u.bf16.f32 v24;
	v24 =	vmul.f32 v37, v3  }
0x177: {  	v20 =	vunpack.i.l.bf16.f32 v20;
	v63 =	vmul.f32 v30, v6;
	v27 =	vmul.f32 v27, v7  }
0x178: {  	v19 =	vmul.f32 v20, v4;
	v20 =	vadd.f32 v35, v23;
	v23 =	vadd.f32 v24, v36;
	v24 =	vld [tilespmem:s17+$0x30]  }
0x179: {  	v11 =	vimm.f32 $0.0e+00;
	v33 =	vmul.f32 v62, v3;
	v26 =	vmul.bf16 v26, v28;
	v28 =	vld [tilespmem:s18+$0x30]  }
0x17a: {  	s20 =	simm.s32 $0x4;
	v30 =	vmul.f32 v29, v9;
	v29 =	vadd.f32 v27, v63;
	v22 =	vmul.f32 v22, v6  }
0x17b: {  	s21 =	sadd.s32 $0x100, s17;
	s22 =	sadd.s32 $0x100, s18;
	s19 =	simm.s32 $0x0;
	v31 =	vadd.f32 v33, v31;
	v27 =	vunpack.i.u.bf16.f32 v26;
	v26 =	vunpack.i.l.bf16.f32 v26  }
.LBB2_12:
0x17c: {  	v33 =	vld [tilespmem:s22+$0x20];
	p1 =	sne.s32 s20, $0xC;
	v18 =	vadd.f32 v18, v21;
	v21 =	vmul.f32 v25, v7;
	v25 =	vunpack.i.u.bf16.f32 v32;
	s23 =	smov.u32 s20;
	s20 =	sadd.s32 $0x4, s20  }
0x17d: {  	v12 =	vmul.f32 v12, v8;
	v32 =	vunpack.i.l.bf16.f32 v32;
	v34 =	vld [tilespmem:s21+$0x20];
	v25 =	vmul.f32 v25, v8  }
0x17e: {  	v17 =	vadd.f32 v30, v17;
	v24 =	vmul.bf16 v24, v28;
	v21 =	vadd.f32 v21, v22  }
0x17f: {  	v13 =	vadd.f32 v13, v31;
	v22 =	vadd.f32 v12, v29;
	v12 =	vmul.f32 v32, v4  }
0x180: {  	v21 =	vadd.f32 v25, v21;
	v25 =	vmul.f32 v26, v5;
	v26 =	vmul.f32 v27, v9  }
0x181: {  	v28 =	vunpack.i.u.bf16.f32 v24;
	v24 =	vunpack.i.l.bf16.f32 v24;
	v12 =	vadd.f32 v12, v23;
	v27 =	vld [tilespmem:s21+$0xFFFFFFF0]  }
0x182: {  	v24 =	vmul.f32 v24, v5;
	v23 =	vld [tilespmem:s21+$0xFFFFFFE0];
	v29 =	vmul.bf16 v34, v33;
	v21 =	vadd.f32 v26, v21  }
0x183: {  	v17 =	vadd.f32 v20, v17;
	v20 =	vmul.f32 v28, v9;
	v25 =	vadd.f32 v25, v12;
	v26 =	vld [tilespmem:s21+$0xFFFFFFD0]  }
0x184: {  	v13 =	vadd.f32 v24, v13;
	v28 =	vld [tilespmem:s22+$0xFFFFFFD0];
	v12 =	vunpack.i.u.bf16.f32 v29;
	v29 =	vunpack.i.l.bf16.f32 v29  }
0x185: {  	v20 =	vadd.f32 v20, v22;
	v21 =	vadd.f32 v25, v21;
	v24 =	vld [tilespmem:s21+$0xFFFFFFC0];
	(xrf2) =	vadd.scan.msk.f32 $0xffff, v17  }
0x186: {  	v14 =	vadd.f32 v19, v14;
	v17 =	vld [tilespmem:s22+$0xFFFFFF80]  }
0x187: {  	v15 =	vmul.f32 v15, v5;
	v16 =	vadd.f32 v16, v18;
	v13 =	vadd.f32 v13, v20;
	v19 =	vld [tilespmem:s21+$0xFFFFFF90]  }
0x188: {  	v18 =	vld [tilespmem:s22+$0xFFFFFF90]  }
0x189: {  	v14 =	vadd.f32 v15, v14;
	v20 =	vld [tilespmem:s21+$0xFFFFFF80];
	v22 =	vmul.bf16 v26, v28  }
0x18a: {  	v15 =	vld [tilespmem:s22+$0xFFFFFFC0];
	(xrf2) =	vadd.scan.msk.f32 $0xffff, v13  }
0x18b: {  	v14 =	vadd.f32 v14, v16;
	v25 =	vld [tilespmem:s22+$0xFFFFFFA0];
	v13 =	vunpack.i.l.bf16.f32 v22  }
0x18c: {  	v16 =	vld [tilespmem:s21+$0xFFFFFFA0];
	v26 =	vmul.f32 v13, v3  }
0x18d: {  	v13 =	vmul.f32 v29, v4;
	v18 =	vmul.bf16 v19, v18;
	v19 =	vunpack.i.u.bf16.f32 v22;
	v22 =	vld [tilespmem:s22+$0xFFFFFFE0];
	(xrf2) =	vadd.scan.msk.f32 $0xffff, v14  }
0x18e: {  	v14 =	vmul.bf16 v20, v17;
	v20 =	vld [tilespmem:s21+$0xFFFFFFB0];
	v17 =	vmov s19  }
0x18f: {  	v19 =	vmul.f32 v19, v7;
	v28 =	vunpack.i.u.bf16.f32 v18;
	v18 =	vunpack.i.l.bf16.f32 v18;
	v29 =	vld [tilespmem:s22+$0xFFFFFFB0];
	v30, _, _ =	vpop (xrf2)  }
0x190: {  	v31 =	vunpack.i.u.bf16.f32 v14;
	v18 =	vmul.f32 v18, v3;
	v32 =	vld [tilespmem:s22+$0xFFFFFFF0];
	(xrf2) =	vadd.scan.msk.f32 $0xffff, v21  }
0x191: {  	vm1 =	veq.s32 v17, v0;
	v14 =	vunpack.i.l.bf16.f32 v14;
	v21 =	vmul.f32 v31, v6  }
0x192: {  	s24 =	sadd.s32 $0x1, s19;
	v24 =	vmul.bf16 v24, v15;
	v14 =	vmul.f32 v14, v2  }
0x193: {  	v15 =	vmul.bf16 v16, v25;
	v16 =	vbroadcast v30, $0xF;
	v31 =	vmov s24  }
0x194: {  	s24 =	sadd.s32 $0x2, s19;
	vm0 =	veq.s32 v31, v0;
	v25 =	vadd.f32 v18, v14;
	v14 =	vunpack.i.l.bf16.f32 v24;
	v30 =	vld [tilespmem:s21+$0x10];
	v17, _, _ =	vpop (xrf2)  }
0x195: {  	v33 =	vmov s24;
	v18 =	vunpack.i.u.bf16.f32 v15;
	v14 =	vmul.f32 v14, v2;
	v31 =	vld [tilespmem:s21+$0x0]  }
0x196: {  	v22 =	vmul.bf16 v23, v22;
	v36 =	vunpack.i.l.bf16.f32 v15;
	v18 =	vmul.f32 v18, v8;
	v23 =	vld [tilespmem:s22+$0x0]  }
0x197: {  	v28 =	vmul.f32 v28, v7;
	v11 =	vsel vm1, v16, v11;
	v34 =	vmul.f32 v36, v4;
	v35 =	vld [tilespmem:s22+$0x10];
	v15, _, _ =	vpop (xrf2)  }
0x198: {  	vm1 =	veq.s32 v33, v0;
	v16 =	vmul.bf16 v27, v32;
	v36 =	vbroadcast v15, $0xF  }
0x199: {  	s24 =	sadd.s32 $0x3, s19;
	s19 =	smov.u32 s23;
	v33 =	vbroadcast v17, $0xF;
	v14 =	vadd.f32 v26, v14;
	v26 =	vunpack.i.u.bf16.f32 v22;
	v32 =	vld [tilespmem:s21+$0x40]  }
0x19a: {  	v17 =	vadd.f32 v28, v21;
	v15 =	vunpack.i.l.bf16.f32 v16;
	v21 =	vld [tilespmem:s22+$0x40];
	v11 =	vsel vm0, v36, v11;
	v27, _, _ =	vpop (xrf2)  }
0x19b: {  	v28 =	vunpack.i.l.bf16.f32 v22;
	v36 =	vmov s24;
	v22 =	vld [tilespmem:s21+$0x50];
	v27 =	vbroadcast v27, $0xF  }
0x19c: {  	v17 =	vadd.f32 v18, v17;
	v18 =	vmul.f32 v26, v8;
	v16 =	vunpack.i.u.bf16.f32 v16;
	v26 =	vld [tilespmem:s22+$0x50]  }
0x19d: {  	v20 =	vmul.bf16 v20, v29;
	v23 =	vmul.bf16 v31, v23;
	v11 =	vsel vm1, v33, v11  }
0x19e: {  	v24 =	vunpack.i.u.bf16.f32 v24;
	vm0 =	veq.s32 v36, v0;
	v29 =	vmul.bf16 v30, v35  }
0x19f: {  	v24 =	vmul.f32 v24, v6;
	v30 =	vadd.f32 v34, v25;
	v25 =	vmul.bf16 v32, v21;
	v31 =	vld [tilespmem:s21+$0x60]  }
0x1a0: {  	v33 =	vunpack.i.u.bf16.f32 v23;
	v34 =	vunpack.i.l.bf16.f32 v29;
	v32 =	vunpack.i.u.bf16.f32 v20;
	v35 =	vld [tilespmem:s22+$0x60]  }
0x1a1: {  	v21 =	vadd.f32 v19, v24;
	v19 =	vunpack.i.l.bf16.f32 v23;
	v23 =	vmul.bf16 v22, v26;
	v26 =	vld [tilespmem:s21+$0x70]  }
0x1a2: {  	v29 =	vunpack.i.u.bf16.f32 v29;
	v20 =	vunpack.i.l.bf16.f32 v20;
	v36 =	vmul.f32 v19, v2;
	v37 =	vld [tilespmem:s22+$0x70]  }
0x1a3: {  	v16 =	vmul.f32 v16, v9;
	v19 =	vunpack.i.u.bf16.f32 v25;
	v38 =	vunpack.i.l.bf16.f32 v25  }
0x1a4: {  	v20 =	vmul.f32 v20, v5;
	v22 =	vmul.f32 v19, v6;
	v25 =	vunpack.i.u.bf16.f32 v23  }
0x1a5: {  	v11 =	vsel vm0, v27, v11;
	v38 =	vmul.f32 v38, v2;
	v23 =	vunpack.i.l.bf16.f32 v23;
	v24 =	vld [tilespmem:s21+$0x30]  }
.Ltmp4:
0x1a6: {  	v20 =	vadd.f32 v20, v30;
	v19 =	vmul.f32 v28, v4;
	v23 =	vmul.f32 v23, v3;
	v28 =	vld [tilespmem:s22+$0x30];
	(pc) =	sbr.rel @p1 .LBB2_12-.Ltmp4, $4  }
0x1a7: {  	v27 =	vmul.f32 v33, v6;
	v29 =	vmul.f32 v29, v7  }
0x1a8: {  	v33 =	vmul.f32 v34, v3;
	v23 =	vadd.f32 v23, v38;
	v26 =	vmul.bf16 v26, v37  }
0x1a9: {  	v29 =	vadd.f32 v29, v27;
	v30 =	vmul.f32 v32, v9;
	v32 =	vmul.bf16 v31, v35  }
0x1aa: {  	v31 =	vadd.f32 v33, v36;
	s21 =	sadd.s32 $0x100, s21;
	s22 =	sadd.s32 $0x100, s22;
	v27 =	vunpack.i.u.bf16.f32 v26;
	v26 =	vunpack.i.l.bf16.f32 v26  }
0x1ab: {  	v18 =	vadd.f32 v18, v21;
	v43 =	vmul.f32 v25, v7;
	v44 =	vunpack.i.u.bf16.f32 v32  }
0x1ac: {  	v12 =	vmul.f32 v12, v8;
	v45 =	vunpack.i.l.bf16.f32 v32;
	v17 =	vadd.f32 v30, v17  }
0x1ad: {  	v24 =	vmul.bf16 v24, v28;
	v14 =	vadd.f32 v19, v14;
	v15 =	vmul.f32 v15, v5  }
0x1ae: {  	v25 =	vmul.f32 v44, v8;
	v13 =	vadd.f32 v13, v31;
	v21 =	vadd.f32 v43, v22  }
0x1af: {  	v12 =	vadd.f32 v12, v29;
	v47 =	vunpack.i.u.bf16.f32 v24;
	v24 =	vunpack.i.l.bf16.f32 v24  }
0x1b0: {  	v17 =	vadd.f32 v20, v17;
	v48 =	vmul.f32 v24, v5;
	v49 =	vmul.f32 v47, v9  }
0x1b1: {  	v46 =	vmul.f32 v45, v4;
	v16 =	vadd.f32 v16, v18;
	v14 =	vadd.f32 v15, v14  }
0x1b2: {  	v50 =	vmul.f32 v27, v9;
	v13 =	vadd.f32 v48, v13;
	v12 =	vadd.f32 v49, v12  }
0x1b3: {  	v51 =	vmul.f32 v26, v5;
	v22 =	vadd.f32 v46, v23;
	v21 =	vadd.f32 v25, v21  }
0x1b4: {  	v14 =	vadd.f32 v14, v16;
	v12 =	vadd.f32 v13, v12  }
0x1b5: {  	(xrf2) =	vadd.scan.msk.f32 $0xffff, v17;
	v53 =	vadd.f32 v51, v22;
	v52 =	vadd.f32 v50, v21  }
0x1b6: {  	(xrf2) =	vadd.scan.msk.f32 $0xffff, v12  }
0x1b7: {  	v54 =	vadd.f32 v53, v52;
	(xrf2) =	vadd.scan.msk.f32 $0xffff, v14;
	_ =	sdelay $0x1  }
0x1b8: {  	(xrf2) =	vadd.scan.msk.f32 $0xffff, v54;
	_ =	sdelay $0x5  }
0x1b9: {  	v55, _, _ =	vpop (xrf2)  }
0x1ba: {  	v56 =	vmov s19;
	s20 =	sadd.s32 $0x1, s19;
	v57, _, _ =	vpop (xrf2)  }
0x1bb: {  	s23 =	sadd.s32 $0x2, s19;
	s24 =	sadd.s32 $0x3, s19;
	vm0 =	veq.s32 v56, v0;
	v58 =	vmov s20;
	v12 =	vbroadcast v55, $0xF;
	v59, _, _ =	vpop (xrf2)  }
0x1bc: {  	v60 =	vmov s23;
	v63 =	vmov s24;
	v15 =	vbroadcast v59, $0xF  }
0x1bd: {  	vm1 =	veq.s32 v58, v0;
	v11 =	vsel vm0, v12, v11;
	v61 =	vbroadcast v57, $0xF;
	v62, _, _ =	vpop (xrf2)  }
0x1be: {  	vm14 =	veq.s32 v60, v0;
	v13 =	vbroadcast v62, $0xF;
	v11 =	vsel vm1, v15, v11  }
0x1bf: {  	vm15 =	veq.s32 v63, v0;
	v11 =	vsel vm14, v61, v11  }
0x1c0: {  	v11 =	vsel vm15, v13, v11  }
0x1c1: {  	v11 =	vadd.f32 v11, v1;
	_ =	sdelay $0x1  }
0x1c2: {  	v11 =	vsub.f32 $0.0e+00, v11;
	_ =	sdelay $0x1  }
0x1c3: {  	v11 =	vmul.f32 $1.442695020e+00, v11;
	_ =	sdelay $0x1  }
0x1c4: {  	(erf) = vpow2.f32 v11;
	_ =	sdelay $0x8  }
0x1c5: {  	v11 =	vpop (erf)  }
0x1c6: {  	v11 =	vadd.f32 $1.000000000e+00, v11;
	_ =	sdelay $0x1  }
0x1c7: {  	(erf) = vrcp.f32 v11;
	_ =	sdelay $0x3  }
0x1c8: {  	s25 =	sshll.u32 s15, $0x4;
	s15 =	sadd.s32 $0x1, s15  }
0x1c9: {  	p1 =	sne.s32 s15, $0x8  }
.Ltmp5:
0x1ca: {  	_ = 	snop;
	(pc) =	sbr.rel @p1 .LBB2_11-.Ltmp5, $3  }
0x1cb: {  	_ =	sdelay $0x1  }
0x1cc: {  	s19 =	sand.u32 $0x3FFFFFF0, s25;
	v11 =	vpop (erf)  }
0x1cd: {  	s17 =	sadd.s32 $0x400, s17;
	s18 =	sadd.s32 $0x400, s18;
	[tilespmem:v10+s19+$0x0 ss:$0x1] =	vst.idx.msk $0xffff, v11  }
0x1ce: {  	s13 =	sadd.s32 $0x6, s13  }
0x1cf: {  	p1 =	sge.u32 s13, s7  }
0x1d0: {  	s13 =	sshll.u32 @!p1 s13, $0x7;
	s15 =	simm.s32 @!p1 $0x80;
	s17 =	simm.s32 @!p1 $0xB800  }
0x1d1: {  	[tilespmem:s17], [sflag:$0x3] =	stream.indirect.gather @!p1 [hbm4b:s2+s15], $0x40, s13, s15, $0xb8;
	[tilespmem:$0x1B490] =	vst v63  }
0x1d2: {  	s13 =	sadd.s32 @!p1 $0x3C00, s13;
	s17 =	simm.s32 @!p1 $0x13800  }
0x1d3: {  	[tilespmem:s17], [sflag:$0x3] =	stream.indirect.gather @!p1 [hbm4b:s5+s15], $0x40, s13, s15, $0xb8;
	[tilespmem:$0x1B490] =	vst v63  }
0x1d4: {  	_ =	swait.ge [sflag:s31], $0x2000  }
0x1d5: {  	[sflag:s31] =	ssyncset.done $0x0  }
0x1d6: {  	s3 =	sshll.u32 s3, $0x9;
	[sflag:s31] =	ssyncadd.s32 $0xFFFFE000  }
0x1d7: {  	s3 =	sshra.s32 s3, $0x2;
	_ =	swait.ge [sflag:s31], $0x2000  }
0x1d8: {  	s25 =	sadd.s32 $0x17800, s3;
	s3 =	simm.s32 $0x0;
	[sflag:s31] =	ssyncset.done $0x0  }
0x1d9: {  	v10 =	vmov s25;
	s13 =	simm.s32 $0x15880;
	s15 =	simm.s32 $0xD880;
	[sflag:s31] =	ssyncadd.s32 $0xFFFFE000  }
.LBB2_15:
0x1da: {  	v11 =	vld [tilespmem:s15+$0x20]  }
0x1db: {  	v12 =	vld [tilespmem:s13+$0x20]  }
0x1dc: {  	v14 =	vld [tilespmem:s13+$0xFFFFFFF0]  }
0x1dd: {  	v15 =	vld [tilespmem:s13+$0xFFFFFFE0]  }
0x1de: {  	v13 =	vld [tilespmem:s13+$0xFFFFFFD0]  }
0x1df: {  	v16 =	vld [tilespmem:s15+$0xFFFFFFD0]  }
0x1e0: {  	v17 =	vld [tilespmem:s13+$0xFFFFFFC0]  }
0x1e1: {  	v18 =	vld [tilespmem:s15+$0xFFFFFF80]  }
0x1e2: {  	v19 =	vld [tilespmem:s13+$0xFFFFFF90]  }
0x1e3: {  	v20 =	vld [tilespmem:s15+$0xFFFFFF90]  }
0x1e4: {  	v21 =	vld [tilespmem:s13+$0xFFFFFF80]  }
0x1e5: {  	v22 =	vld [tilespmem:s15+$0xFFFFFFC0]  }
0x1e6: {  	v24 =	vld [tilespmem:s15+$0xFFFFFFA0]  }
0x1e7: {  	v28 =	vld [tilespmem:s15+$0xFFFFFFB0]  }
0x1e8: {  	v30 =	vld [tilespmem:s13+$0x10];
	v23 =	vmul.bf16 v12, v11  }
0x1e9: {  	v32 =	vld [tilespmem:s15+$0x10];
	v13 =	vmul.bf16 v13, v16;
	v19 =	vmul.bf16 v19, v20  }
0x1ea: {  	v33 =	vld [tilespmem:s13+$0x40];
	v18 =	vmul.bf16 v21, v18;
	v22 =	vmul.bf16 v17, v22;
	v12 =	vunpack.i.u.bf16.f32 v23  }
0x1eb: {  	v16 =	vld [tilespmem:s13+$0xFFFFFFA0];
	v23 =	vunpack.i.l.bf16.f32 v23;
	v25 =	vunpack.i.l.bf16.f32 v13;
	v26 =	vunpack.i.u.bf16.f32 v13  }
0x1ec: {  	v20 =	vld [tilespmem:s15+$0xFFFFFFE0];
	v27 =	vunpack.i.l.bf16.f32 v19;
	v29 =	vunpack.i.l.bf16.f32 v18;
	v25 =	vmul.f32 v25, v3  }
0x1ed: {  	v21 =	vld [tilespmem:s13+$0xFFFFFFB0];
	v19 =	vunpack.i.u.bf16.f32 v19;
	v13 =	vmul.f32 v23, v4;
	v23 =	vmul.f32 v27, v3  }
0x1ee: {  	v61 =	vld [tilespmem:s13+$0x60];
	v17 =	vunpack.i.u.bf16.f32 v18;
	v29 =	vmul.f32 v29, v2;
	v26 =	vmul.f32 v26, v7  }
0x1ef: {  	v18 =	vunpack.i.l.bf16.f32 v22;
	v27 =	vld [tilespmem:s15+$0xFFFFFFF0];
	v17 =	vmul.f32 v17, v6;
	v19 =	vmul.f32 v19, v7  }
0x1f0: {  	v18 =	vmul.f32 v18, v2;
	v16 =	vmul.bf16 v16, v24;
	v24 =	vld [tilespmem:s13+$0x0]  }
0x1f1: {  	v23 =	vadd.f32 v23, v29;
	v29 =	vld [tilespmem:s15+$0x0];
	v20 =	vmul.bf16 v15, v20;
	v17 =	vadd.f32 v19, v17  }
0x1f2: {  	v34 =	vld [tilespmem:s15+$0x60];
	v28 =	vmul.bf16 v21, v28;
	v21 =	vunpack.i.u.bf16.f32 v22;
	v31 =	vunpack.i.u.bf16.f32 v16  }
0x1f3: {  	v19 =	vld [tilespmem:s15+$0x40];
	v21 =	vmul.f32 v21, v6;
	v16 =	vunpack.i.l.bf16.f32 v16;
	v31 =	vmul.f32 v31, v8  }
0x1f4: {  	v27 =	vmul.bf16 v14, v27;
	v16 =	vmul.f32 v16, v4;
	v14 =	vadd.f32 v25, v18;
	v25 =	vld [tilespmem:s13+$0x50]  }
0x1f5: {  	v18 =	vunpack.i.u.bf16.f32 v20;
	v21 =	vadd.f32 v26, v21;
	v17 =	vadd.f32 v31, v17;
	v31 =	vld [tilespmem:s15+$0x50]  }
0x1f6: {  	v18 =	vmul.f32 v18, v8;
	v15 =	vunpack.i.l.bf16.f32 v27;
	v24 =	vmul.bf16 v24, v29  }
0x1f7: {  	v22 =	vunpack.i.u.bf16.f32 v27;
	v27 =	vmul.bf16 v30, v32;
	v23 =	vadd.f32 v16, v23  }
0x1f8: {  	v19 =	vmul.bf16 v33, v19;
	v29 =	vunpack.i.u.bf16.f32 v28;
	v32 =	vmul.bf16 v61, v34  }
0x1f9: {  	v30 =	vunpack.i.u.bf16.f32 v24;
	v62 =	vunpack.i.l.bf16.f32 v27;
	v16 =	vunpack.i.l.bf16.f32 v24  }
0x1fa: {  	v26 =	vld [tilespmem:s13+$0x70];
	v27 =	vunpack.i.u.bf16.f32 v27;
	v24 =	vmul.bf16 v25, v31;
	v25 =	vunpack.i.l.bf16.f32 v28  }
0x1fb: {  	v31 =	vmul.f32 v16, v2;
	v28 =	vld [tilespmem:s15+$0x70];
	v16 =	vmul.f32 v22, v9;
	v22 =	vunpack.i.u.bf16.f32 v19  }
0x1fc: {  	v19 =	vunpack.i.l.bf16.f32 v19;
	v35 =	vmul.f32 v25, v5;
	v37 =	vunpack.i.l.bf16.f32 v24  }
0x1fd: {  	v36 =	vmul.f32 v19, v2;
	v25 =	vunpack.i.u.bf16.f32 v24;
	v24 =	vmul.f32 v37, v3  }
0x1fe: {  	v20 =	vunpack.i.l.bf16.f32 v20;
	v63 =	vmul.f32 v30, v6;
	v27 =	vmul.f32 v27, v7  }
0x1ff: {  	v19 =	vmul.f32 v20, v4;
	v20 =	vadd.f32 v35, v23;
	v23 =	vadd.f32 v24, v36;
	v24 =	vld [tilespmem:s13+$0x30]  }
0x200: {  	v11 =	vimm.f32 $0.0e+00;
	v33 =	vmul.f32 v62, v3;
	v26 =	vmul.bf16 v26, v28;
	v28 =	vld [tilespmem:s15+$0x30]  }
0x201: {  	s18 =	simm.s32 $0x4;
	v30 =	vmul.f32 v29, v9;
	v29 =	vadd.f32 v27, v63;
	v22 =	vmul.f32 v22, v6  }
0x202: {  	s19 =	sadd.s32 $0x100, s13;
	s20 =	sadd.s32 $0x100, s15;
	s17 =	simm.s32 $0x0;
	v31 =	vadd.f32 v33, v31;
	v27 =	vunpack.i.u.bf16.f32 v26;
	v26 =	vunpack.i.l.bf16.f32 v26  }
.LBB2_16:
0x203: {  	v33 =	vld [tilespmem:s20+$0x20];
	p1 =	sne.s32 s18, $0xC;
	v18 =	vadd.f32 v18, v21;
	v21 =	vmul.f32 v25, v7;
	v25 =	vunpack.i.u.bf16.f32 v32;
	s21 =	smov.u32 s18;
	s18 =	sadd.s32 $0x4, s18  }
0x204: {  	v12 =	vmul.f32 v12, v8;
	v32 =	vunpack.i.l.bf16.f32 v32;
	v34 =	vld [tilespmem:s19+$0x20];
	v25 =	vmul.f32 v25, v8  }
0x205: {  	v17 =	vadd.f32 v30, v17;
	v24 =	vmul.bf16 v24, v28;
	v21 =	vadd.f32 v21, v22  }
0x206: {  	v13 =	vadd.f32 v13, v31;
	v22 =	vadd.f32 v12, v29;
	v12 =	vmul.f32 v32, v4  }
0x207: {  	v21 =	vadd.f32 v25, v21;
	v25 =	vmul.f32 v26, v5;
	v26 =	vmul.f32 v27, v9  }
0x208: {  	v28 =	vunpack.i.u.bf16.f32 v24;
	v24 =	vunpack.i.l.bf16.f32 v24;
	v12 =	vadd.f32 v12, v23;
	v27 =	vld [tilespmem:s19+$0xFFFFFFF0]  }
0x209: {  	v24 =	vmul.f32 v24, v5;
	v23 =	vld [tilespmem:s19+$0xFFFFFFE0];
	v29 =	vmul.bf16 v34, v33;
	v21 =	vadd.f32 v26, v21  }
0x20a: {  	v17 =	vadd.f32 v20, v17;
	v20 =	vmul.f32 v28, v9;
	v25 =	vadd.f32 v25, v12;
	v26 =	vld [tilespmem:s19+$0xFFFFFFD0]  }
0x20b: {  	v13 =	vadd.f32 v24, v13;
	v28 =	vld [tilespmem:s20+$0xFFFFFFD0];
	v12 =	vunpack.i.u.bf16.f32 v29;
	v29 =	vunpack.i.l.bf16.f32 v29  }
0x20c: {  	v20 =	vadd.f32 v20, v22;
	v21 =	vadd.f32 v25, v21;
	v24 =	vld [tilespmem:s19+$0xFFFFFFC0];
	(xrf2) =	vadd.scan.msk.f32 $0xffff, v17  }
0x20d: {  	v14 =	vadd.f32 v19, v14;
	v17 =	vld [tilespmem:s20+$0xFFFFFF80]  }
0x20e: {  	v15 =	vmul.f32 v15, v5;
	v16 =	vadd.f32 v16, v18;
	v13 =	vadd.f32 v13, v20;
	v19 =	vld [tilespmem:s19+$0xFFFFFF90]  }
0x20f: {  	v18 =	vld [tilespmem:s20+$0xFFFFFF90]  }
0x210: {  	v14 =	vadd.f32 v15, v14;
	v20 =	vld [tilespmem:s19+$0xFFFFFF80];
	v22 =	vmul.bf16 v26, v28  }
0x211: {  	v15 =	vld [tilespmem:s20+$0xFFFFFFC0];
	(xrf2) =	vadd.scan.msk.f32 $0xffff, v13  }
0x212: {  	v14 =	vadd.f32 v14, v16;
	v25 =	vld [tilespmem:s20+$0xFFFFFFA0];
	v13 =	vunpack.i.l.bf16.f32 v22  }
0x213: {  	v16 =	vld [tilespmem:s19+$0xFFFFFFA0];
	v26 =	vmul.f32 v13, v3  }
0x214: {  	v13 =	vmul.f32 v29, v4;
	v18 =	vmul.bf16 v19, v18;
	v19 =	vunpack.i.u.bf16.f32 v22;
	v22 =	vld [tilespmem:s20+$0xFFFFFFE0];
	(xrf2) =	vadd.scan.msk.f32 $0xffff, v14  }
0x215: {  	v14 =	vmul.bf16 v20, v17;
	v20 =	vld [tilespmem:s19+$0xFFFFFFB0];
	v17 =	vmov s17  }
0x216: {  	v19 =	vmul.f32 v19, v7;
	v28 =	vunpack.i.u.bf16.f32 v18;
	v18 =	vunpack.i.l.bf16.f32 v18;
	v29 =	vld [tilespmem:s20+$0xFFFFFFB0];
	v30, _, _ =	vpop (xrf2)  }
0x217: {  	v31 =	vunpack.i.u.bf16.f32 v14;
	v18 =	vmul.f32 v18, v3;
	v32 =	vld [tilespmem:s20+$0xFFFFFFF0];
	(xrf2) =	vadd.scan.msk.f32 $0xffff, v21  }
0x218: {  	vm1 =	veq.s32 v17, v0;
	v14 =	vunpack.i.l.bf16.f32 v14;
	v21 =	vmul.f32 v31, v6  }
0x219: {  	s22 =	sadd.s32 $0x1, s17;
	v24 =	vmul.bf16 v24, v15;
	v14 =	vmul.f32 v14, v2  }
0x21a: {  	v15 =	vmul.bf16 v16, v25;
	v16 =	vbroadcast v30, $0xF;
	v31 =	vmov s22  }
0x21b: {  	s22 =	sadd.s32 $0x2, s17;
	vm0 =	veq.s32 v31, v0;
	v25 =	vadd.f32 v18, v14;
	v14 =	vunpack.i.l.bf16.f32 v24;
	v30 =	vld [tilespmem:s19+$0x10];
	v17, _, _ =	vpop (xrf2)  }
0x21c: {  	v33 =	vmov s22;
	v18 =	vunpack.i.u.bf16.f32 v15;
	v14 =	vmul.f32 v14, v2;
	v31 =	vld [tilespmem:s19+$0x0]  }
0x21d: {  	v22 =	vmul.bf16 v23, v22;
	v36 =	vunpack.i.l.bf16.f32 v15;
	v18 =	vmul.f32 v18, v8;
	v23 =	vld [tilespmem:s20+$0x0]  }
0x21e: {  	v28 =	vmul.f32 v28, v7;
	v11 =	vsel vm1, v16, v11;
	v34 =	vmul.f32 v36, v4;
	v35 =	vld [tilespmem:s20+$0x10];
	v15, _, _ =	vpop (xrf2)  }
0x21f: {  	vm1 =	veq.s32 v33, v0;
	v16 =	vmul.bf16 v27, v32;
	v36 =	vbroadcast v15, $0xF  }
0x220: {  	s22 =	sadd.s32 $0x3, s17;
	s17 =	smov.u32 s21;
	v33 =	vbroadcast v17, $0xF;
	v14 =	vadd.f32 v26, v14;
	v26 =	vunpack.i.u.bf16.f32 v22;
	v32 =	vld [tilespmem:s19+$0x40]  }
0x221: {  	v17 =	vadd.f32 v28, v21;
	v15 =	vunpack.i.l.bf16.f32 v16;
	v21 =	vld [tilespmem:s20+$0x40];
	v11 =	vsel vm0, v36, v11;
	v27, _, _ =	vpop (xrf2)  }
0x222: {  	v28 =	vunpack.i.l.bf16.f32 v22;
	v36 =	vmov s22;
	v22 =	vld [tilespmem:s19+$0x50];
	v27 =	vbroadcast v27, $0xF  }
0x223: {  	v17 =	vadd.f32 v18, v17;
	v18 =	vmul.f32 v26, v8;
	v16 =	vunpack.i.u.bf16.f32 v16;
	v26 =	vld [tilespmem:s20+$0x50]  }
0x224: {  	v20 =	vmul.bf16 v20, v29;
	v23 =	vmul.bf16 v31, v23;
	v11 =	vsel vm1, v33, v11  }
0x225: {  	v24 =	vunpack.i.u.bf16.f32 v24;
	vm0 =	veq.s32 v36, v0;
	v29 =	vmul.bf16 v30, v35  }
0x226: {  	v24 =	vmul.f32 v24, v6;
	v30 =	vadd.f32 v34, v25;
	v25 =	vmul.bf16 v32, v21;
	v31 =	vld [tilespmem:s19+$0x60]  }
0x227: {  	v33 =	vunpack.i.u.bf16.f32 v23;
	v34 =	vunpack.i.l.bf16.f32 v29;
	v32 =	vunpack.i.u.bf16.f32 v20;
	v35 =	vld [tilespmem:s20+$0x60]  }
0x228: {  	v21 =	vadd.f32 v19, v24;
	v19 =	vunpack.i.l.bf16.f32 v23;
	v23 =	vmul.bf16 v22, v26;
	v26 =	vld [tilespmem:s19+$0x70]  }
0x229: {  	v29 =	vunpack.i.u.bf16.f32 v29;
	v20 =	vunpack.i.l.bf16.f32 v20;
	v36 =	vmul.f32 v19, v2;
	v37 =	vld [tilespmem:s20+$0x70]  }
0x22a: {  	v16 =	vmul.f32 v16, v9;
	v19 =	vunpack.i.u.bf16.f32 v25;
	v38 =	vunpack.i.l.bf16.f32 v25  }
0x22b: {  	v20 =	vmul.f32 v20, v5;
	v22 =	vmul.f32 v19, v6;
	v25 =	vunpack.i.u.bf16.f32 v23  }
0x22c: {  	v11 =	vsel vm0, v27, v11;
	v38 =	vmul.f32 v38, v2;
	v23 =	vunpack.i.l.bf16.f32 v23;
	v24 =	vld [tilespmem:s19+$0x30]  }
.Ltmp6:
0x22d: {  	v20 =	vadd.f32 v20, v30;
	v19 =	vmul.f32 v28, v4;
	v23 =	vmul.f32 v23, v3;
	v28 =	vld [tilespmem:s20+$0x30];
	(pc) =	sbr.rel @p1 .LBB2_16-.Ltmp6, $4  }
0x22e: {  	v27 =	vmul.f32 v33, v6;
	v29 =	vmul.f32 v29, v7  }
0x22f: {  	v33 =	vmul.f32 v34, v3;
	v23 =	vadd.f32 v23, v38;
	v26 =	vmul.bf16 v26, v37  }
0x230: {  	v29 =	vadd.f32 v29, v27;
	v30 =	vmul.f32 v32, v9;
	v32 =	vmul.bf16 v31, v35  }
0x231: {  	v31 =	vadd.f32 v33, v36;
	s19 =	sadd.s32 $0x100, s19;
	s20 =	sadd.s32 $0x100, s20;
	v27 =	vunpack.i.u.bf16.f32 v26;
	v26 =	vunpack.i.l.bf16.f32 v26  }
0x232: {  	v18 =	vadd.f32 v18, v21;
	v43 =	vmul.f32 v25, v7;
	v44 =	vunpack.i.u.bf16.f32 v32  }
0x233: {  	v12 =	vmul.f32 v12, v8;
	v45 =	vunpack.i.l.bf16.f32 v32;
	v17 =	vadd.f32 v30, v17  }
0x234: {  	v24 =	vmul.bf16 v24, v28;
	v14 =	vadd.f32 v19, v14;
	v15 =	vmul.f32 v15, v5  }
0x235: {  	v25 =	vmul.f32 v44, v8;
	v13 =	vadd.f32 v13, v31;
	v21 =	vadd.f32 v43, v22  }
0x236: {  	v12 =	vadd.f32 v12, v29;
	v47 =	vunpack.i.u.bf16.f32 v24;
	v24 =	vunpack.i.l.bf16.f32 v24  }
0x237: {  	v17 =	vadd.f32 v20, v17;
	v48 =	vmul.f32 v24, v5;
	v49 =	vmul.f32 v47, v9  }
0x238: {  	v46 =	vmul.f32 v45, v4;
	v16 =	vadd.f32 v16, v18;
	v14 =	vadd.f32 v15, v14  }
0x239: {  	v50 =	vmul.f32 v27, v9;
	v13 =	vadd.f32 v48, v13;
	v12 =	vadd.f32 v49, v12  }
0x23a: {  	v51 =	vmul.f32 v26, v5;
	v22 =	vadd.f32 v46, v23;
	v21 =	vadd.f32 v25, v21  }
0x23b: {  	v14 =	vadd.f32 v14, v16;
	v12 =	vadd.f32 v13, v12  }
0x23c: {  	(xrf2) =	vadd.scan.msk.f32 $0xffff, v17;
	v53 =	vadd.f32 v51, v22;
	v52 =	vadd.f32 v50, v21  }
0x23d: {  	(xrf2) =	vadd.scan.msk.f32 $0xffff, v12  }
0x23e: {  	v54 =	vadd.f32 v53, v52;
	(xrf2) =	vadd.scan.msk.f32 $0xffff, v14;
	_ =	sdelay $0x1  }
0x23f: {  	(xrf2) =	vadd.scan.msk.f32 $0xffff, v54;
	_ =	sdelay $0x5  }
0x240: {  	v55, _, _ =	vpop (xrf2)  }
0x241: {  	v56 =	vmov s17;
	s18 =	sadd.s32 $0x1, s17;
	v57, _, _ =	vpop (xrf2)  }
0x242: {  	s23 =	sadd.s32 $0x2, s17;
	s24 =	sadd.s32 $0x3, s17;
	vm0 =	veq.s32 v56, v0;
	v58 =	vmov s18;
	v12 =	vbroadcast v55, $0xF;
	v59, _, _ =	vpop (xrf2)  }
0x243: {  	v60 =	vmov s23;
	v63 =	vmov s24;
	v15 =	vbroadcast v59, $0xF  }
0x244: {  	vm1 =	veq.s32 v58, v0;
	v11 =	vsel vm0, v12, v11;
	v61 =	vbroadcast v57, $0xF;
	v62, _, _ =	vpop (xrf2)  }
0x245: {  	vm14 =	veq.s32 v60, v0;
	v13 =	vbroadcast v62, $0xF;
	v11 =	vsel vm1, v15, v11  }
0x246: {  	vm15 =	veq.s32 v63, v0;
	v11 =	vsel vm14, v61, v11  }
0x247: {  	v11 =	vsel vm15, v13, v11  }
0x248: {  	v11 =	vadd.f32 v11, v1;
	_ =	sdelay $0x1  }
0x249: {  	v11 =	vsub.f32 $0.0e+00, v11;
	_ =	sdelay $0x1  }
0x24a: {  	v11 =	vmul.f32 $1.442695020e+00, v11;
	_ =	sdelay $0x1  }
0x24b: {  	(erf) = vpow2.f32 v11;
	_ =	sdelay $0x8  }
0x24c: {  	v11 =	vpop (erf)  }
0x24d: {  	v11 =	vadd.f32 $1.000000000e+00, v11;
	_ =	sdelay $0x1  }
0x24e: {  	(erf) = vrcp.f32 v11;
	_ =	sdelay $0x3  }
0x24f: {  	s25 =	sshll.u32 s3, $0x4;
	s3 =	sadd.s32 $0x1, s3  }
0x250: {  	p1 =	sne.s32 s3, $0x8  }
.Ltmp7:
0x251: {  	_ = 	snop;
	(pc) =	sbr.rel @p1 .LBB2_15-.Ltmp7, $3  }
0x252: {  	_ =	sdelay $0x1  }
0x253: {  	s17 =	sand.u32 $0x3FFFFFF0, s25;
	v11 =	vpop (erf)  }
0x254: {  	s13 =	sadd.s32 $0x400, s13;
	s15 =	sadd.s32 $0x400, s15;
	[tilespmem:v10+s17+$0x0 ss:$0x1] =	vst.idx.msk $0xffff, v11  }
0x255: {  	s0 =	sadd.s32 $0x1, s0  }
0x256: {  	p1 =	sne.s32 s0, s10  }
.Ltmp8:
0x257: {  	_ = 	snop;
	(pc) =	sbr.rel @p1 .LBB2_2-.Ltmp8, $1  }
0x258: {  	_ =	sdelay $0x3  }
0x259: {  	s0 =	simm.s32 @p0 $0x0;
	s3 =	simm.s32 @p0 $0x17800  }
0x25a: {  	[hbm4b:s11+s0] =	stream.linear.scatter @p0 [tilespmem:s3], [sflag:$0x5], $0x1400, $0x38;
	[tilespmem:$0x1B490] =	vst v63  }
0x25b: {  	s0 =	simm.s32 @p0 $0x5  }
0x25c: {  	_ =	swait.ge @p0 [sflag:s0], $0x1400  }
0x25d: {  	s1 =	sadd.s32 $0x1, s1;
	s3 =	simm.s32 @!p0 $0x17800;
	[sflag:s0] =	ssyncset.done @p0 $0x0  }
0x25e: {  	p1 =	sne.s32 s1, s12;
	[sflag:s0] =	ssyncadd.s32 @p0 $0xFFFFEC00;
	s0 =	simm.s32 @!p0 $0x0  }
0x25f: {  	[hbm4b:s11+s0] =	stream.linear.scatter @!p0 [tilespmem:s3], [sflag:$0x5], $0x3C00, $0x38;
	[tilespmem:$0x1B490] =	vst v63  }
.Ltmp9:
0x260: {  	_ = 	snop;
	(pc) =	sbr.rel @p1 .LBB2_1-.Ltmp9, $4  }
0x261: {  	s0 =	simm.s32 @!p0 $0x5  }
0x262: {  	_ =	swait.ge @!p0 [sflag:s0], $0x3C00  }
0x263: {  	[sflag:s0] =	ssyncset.done @!p0 $0x0  }
0x264: {  	[sflag:s0] =	ssyncadd.s32 @!p0 $0xFFFFC400  }
0x265: {  	_ =	sfence.sel $0x180000  }
0x266: {  	[bflag:$0x0] =	sbarrier.arrive $0xFFFF  }
0x267: {  	_ =	strace $0x90000047  }
0x268: {  	s0 =	stileid.u32;
	[bflag:$0x2] =	sbarrier.arrive $0xFFFF  }
0x269: {  	p0 =	sne.s32 s0, $0x0;
	s0 =	rddreg [dreg:$0x2]  }
0x26a: {  	s0 =	sadd.s32 @!p0 $0x100000, s0  }
0x26b: {  	[sflag:s0] =	ssyncadd.tile.s32 @!p0 $0x1;
	_ =	shalt  }
.Lfunc_end2:
_tile_overlayer_lowered:
.L_overlay_start_2:
0x26c: {  	(tag) =	ssettag $0x2  }
0x26d: {  	s0 =	rddreg [dreg:$0x0];
	s2 =	stileid.u32  }
0x26e: {  	s1 =	rddreg [dreg:$0x1];
	p0 =	sne.s32 s2, $0x0  }
0x26f: {  	s3 =	rddreg [dreg:$0x2];
	[bflag:$0x3] =	sbarrier.arrive $0xFFFF;
	s2 =	simm.s32 @!p0 $0x1C05  }
0x270: {  	[timem:s3], [sflag:s2] =	dma.local @!p0 [hbm:s0], s1  }
0x271: {  	s0 =	simm.s32 @!p0 $0x5  }
0x272: {  	_ =	swait.ge @!p0 [sflag:s0], s1  }
0x273: {  	s1 =	ssub.s32 @!p0 $0x0, s1;
	[sflag:s0] =	ssyncset.done @!p0 $0x0  }
0x274: {  	[sflag:s0] =	ssyncadd.s32 @!p0 s1  }
0x275: {  	[bflag:$0x3] =	sbarrier.arrive $0xFFFF  }
0x276: {  	_ =	shalt  }

</sc_bundles>
